<compile_context>
chip_gen: v7x
topology: tpu7x:2x2x1
jax: 0.10.2.dev20260603
libtpu: 0.0.44.dev20260713+nightly
codegen_flags: <defaults>
</compile_context>

<pallas_src>
import functools

import jax
import jax.numpy as jnp
from jax import lax
from jax.experimental import pallas as pl
from jax.experimental.pallas import tpu as pltpu
from jax.experimental.pallas import tpu_sc as plsc

E = 320000
D = 128
N = 10000
R = 1024
NC, NS, L = 2, 16, 16
NW = NC * NS
EPW = E // NW
B = 80
NCHUNK = EPW // B
S0 = 48
S1 = B - S0


def _body(tail_hbm, dst_hbm, typ_hbm, z_hbm, rel_hbm, out_hbm,
          z_sp, rel_sp, idx_t, idx_d, idx_r, rows_t, rows_r, rows_d, out_b,
          sem, isem0, isem1, osem0, osem1):
    wid = lax.axis_index("s") * NC + lax.axis_index("c")
    base = pl.multiple_of(wid * EPW, 8)
    isems = (isem0, isem1)
    osems = (osem0, osem1)
    lane = lax.iota(jnp.int32, L)

    @pl.when(lax.axis_index("s") == 0)
    def _():
        pltpu.sync_copy(z_hbm, z_sp)
        pltpu.sync_copy(rel_hbm, rel_sp)

    plsc.subcore_barrier()

    def idx_copy(c, s):
        hoff = pl.multiple_of(base + c * B, 8)
        pltpu.async_copy(tail_hbm.at[pl.ds(hoff, B)], idx_t.at[s], isems[s])
        pltpu.async_copy(dst_hbm.at[pl.ds(hoff, B)], idx_d.at[s], isems[s])
        pltpu.async_copy(typ_hbm.at[pl.ds(hoff, B)], idx_r.at[s], isems[s])

    def drain_idx(s):
        for _ in range(3):
            pltpu.make_async_copy(tail_hbm.at[pl.ds(0, B)], idx_t.at[s],
                                  isems[s]).wait()

    def issue_sub(s, off, n):
        pltpu.async_copy(z_sp.at[idx_t.at[s, pl.ds(off, n)]],
                         rows_t.at[pl.ds(off, n)], sem)
        pltpu.async_copy(z_sp.at[idx_d.at[s, pl.ds(off, n)]],
                         rows_d.at[pl.ds(off, n)], sem)
        pltpu.async_copy(rel_sp.at[idx_r.at[s, pl.ds(off, n)]],
                         rows_r.at[pl.ds(off, n)], sem)

    def drain_sub(n):
        for buf in (rows_t, rows_d, rows_r):
            pltpu.make_async_copy(z_hbm.at[pl.ds(0, n)],
                                  buf.at[pl.ds(0, n)], sem).wait()

    def wait_out(s):
        pltpu.make_async_copy(out_b.at[s], out_hbm.at[pl.ds(0, B)],
                              osems[s]).wait()

    def compute_groups(s, g_lo, g_hi):
        def g_step(g, carry2):
            def e_step(j, vec):
                e = g * L + j
                acc = jnp.zeros((L,), jnp.float32)
                for k in range(D // L):
                    sl = pl.ds(k * L, L)
                    acc = acc + rows_t[e, sl] * rows_r[e, sl] * rows_d[e, sl]
                return jnp.where(lane == j, jnp.sum(acc), vec)

            vec = lax.fori_loop(0, L, e_step, jnp.zeros((L,), jnp.float32))
            out_b[s, pl.ds(g * L, L)] = vec
            return carry2

        lax.fori_loop(g_lo, g_hi, g_step, 0)

    def out_copy(c, s):
        hoff = pl.multiple_of(base + c * B, 8)
        pltpu.async_copy(out_b.at[s], out_hbm.at[pl.ds(hoff, B)], osems[s])

    def step(c, s, first, last):
        drain_sub(S0)
        issue_sub(s, S0, S1)
        if not first:
            @pl.when(c >= 2)
            def _():
                wait_out(s)
        compute_groups(s, 0, S0 // L)
        drain_sub(S1)
        if not last:
            drain_idx(1 - s)
            issue_sub(1 - s, 0, S0)
            if s == 0:
                idx_copy(c + 2, 0)
            else:
                @pl.when(c + 2 < NCHUNK)
                def _():
                    idx_copy(c + 2, 1)
        compute_groups(s, S0 // L, B // L)
        out_copy(c, s)

    idx_copy(0, 0)
    idx_copy(1, 1)
    drain_idx(0)
    issue_sub(0, 0, S0)

    def pair_body(p, carry):
        step(p * 2, 0, False, False)
        step(p * 2 + 1, 1, False, False)
        return carry

    step(0, 0, True, False)
    step(1, 1, True, False)
    lax.fori_loop(1, (NCHUNK - 1) // 2, pair_body, 0)
    step(NCHUNK - 1, 0, False, True)
    wait_out(1)
    wait_out(0)


@jax.jit
def _score(tail, dst, typ, z, rel_emb):
    mesh = plsc.VectorSubcoreMesh(core_axis_name="c", subcore_axis_name="s")
    f = functools.partial(
        pl.kernel,
        mesh=mesh,
        compiler_params=pltpu.CompilerParams(needs_layout_passes=False),
        out_type=jax.ShapeDtypeStruct((E,), jnp.float32),
        scratch_types=[
            pltpu.VMEM_SHARED((N, D), jnp.float32),
            pltpu.VMEM_SHARED((R, D), jnp.float32),
            pltpu.VMEM((2, B), jnp.int32),
            pltpu.VMEM((2, B), jnp.int32),
            pltpu.VMEM((2, B), jnp.int32),
            pltpu.VMEM((B, D), jnp.float32),
            pltpu.VMEM((B, D), jnp.float32),
            pltpu.VMEM((B, D), jnp.float32),
            pltpu.VMEM((2, B), jnp.float32),
            pltpu.SemaphoreType.DMA,
            pltpu.SemaphoreType.DMA,
            pltpu.SemaphoreType.DMA,
            pltpu.SemaphoreType.DMA,
            pltpu.SemaphoreType.DMA,
        ],
    )(_body)
    return f(tail, dst, typ, z, rel_emb)


def kernel(z, edge_index, edge_type, rel_emb):
    tail = edge_index[0].astype(jnp.int32)
    dst = edge_index[1].astype(jnp.int32)
    typ = edge_type.astype(jnp.int32)
    return _score(tail, dst, typ, z, rel_emb)

# --- scband reference (transcript-rebuilt; emitter-appended) ---
"""Pipeline reference for scband-dist-mult-decoder-34110630265624 (READ-ONLY COPY).

The authoritative reference and input builder live on the scoring server;
editing this copy changes nothing except your own understanding.
"""

import jax, jax.numpy as jnp
import numpy as np


def setup_inputs(seed: int = 0) -> dict:
    key = jax.random.key(seed)
    k1, k2, k3, k4 = jax.random.split(key, 4)
    n_nodes = 10000
    n_edges = 320000
    d = 128
    n_relations = 1024
    z = jax.random.normal(k1, (n_nodes, d), dtype=jnp.float32)
    edge_index = jax.random.randint(k2, (2, n_edges), 0, n_nodes, dtype=jnp.int64)
    edge_type = jax.random.randint(k3, (n_edges,), 0, n_relations, dtype=jnp.int64)
    # learned parameter: relation embedding table (torch.rand -> uniform [0,1))
    rel_emb = jax.random.uniform(k4, (n_relations, d), dtype=jnp.float32)
    return {"z": z, "edge_index": edge_index, "edge_type": edge_type, "rel_emb": rel_emb}


def reference(z, edge_index, edge_type, rel_emb):
    # DistMult triplet scoring: sum(z[tail] * rel_emb[edge_type] * z[dst], dim=1)
    tail = edge_index[0]
    dst = edge_index[1]
    z_tail = jnp.take(z, tail, axis=0)
    z_dst = jnp.take(z, dst, axis=0)
    rel = jnp.take(rel_emb, edge_type, axis=0)
    return jnp.sum(z_tail * rel * z_dst, axis=1)

if __name__ == "__main__":
    import jax
    _d = setup_inputs()
    print(jax.jit(kernel)(*tuple(_d.values())))

</pallas_src>

<mosaic_0001>
#map = affine_map<(d0, d1) -> (0)>
#map1 = affine_map<(d0, d1) -> (0, 0)>
module attributes {stable_mosaic.version = 14 : i64} {
  func.func @_body(%arg0: i32, %arg1: i32, %arg2: memref<320000xi32, #tpu.memory_space<hbm>>, %arg3: memref<320000xi32, #tpu.memory_space<hbm>>, %arg4: memref<320000xi32, #tpu.memory_space<hbm>>, %arg5: memref<10000x128xf32, #tpu.memory_space<hbm>>, %arg6: memref<1024x128xf32, #tpu.memory_space<hbm>>, %arg7: memref<320000xf32, #tpu.memory_space<hbm>>, %arg8: memref<10000x128xf32, #tpu.memory_space<vmem_shared>>, %arg9: memref<1024x128xf32, #tpu.memory_space<vmem_shared>>, %arg10: memref<2x80xi32, #tpu.memory_space<vmem>>, %arg11: memref<2x80xi32, #tpu.memory_space<vmem>>, %arg12: memref<2x80xi32, #tpu.memory_space<vmem>>, %arg13: memref<80x128xf32, #tpu.memory_space<vmem>>, %arg14: memref<80x128xf32, #tpu.memory_space<vmem>>, %arg15: memref<80x128xf32, #tpu.memory_space<vmem>>, %arg16: memref<2x80xf32, #tpu.memory_space<vmem>>, %arg17: memref<!tpu.dma_semaphore, #tpu.memory_space<semaphore_mem>>, %arg18: memref<!tpu.dma_semaphore, #tpu.memory_space<semaphore_mem>>, %arg19: memref<!tpu.dma_semaphore, #tpu.memory_space<semaphore_mem>>, %arg20: memref<!tpu.dma_semaphore, #tpu.memory_space<semaphore_mem>>, %arg21: memref<!tpu.dma_semaphore, #tpu.memory_space<semaphore_mem>>) attributes {dimension_semantics = [#tpu.dimension_semantics<core_parallel>, #tpu.dimension_semantics<subcore_parallel>], iteration_bounds = array<i64: 2, 16>, scalar_prefetch = 0 : i64, scratch_operands = 14 : i64, tpu.core_type = #tpu.core_type<sc_vector_subcore>, window_params = [{transform_indices = #map}, {transform_indices = #map}, {transform_indices = #map}, {transform_indices = #map1}, {transform_indices = #map1}, {transform_indices = #map}]} {
    %mul3A = arith.constant 2 : i32
    %mul3A_0 = arith.muli %arg1, %mul3A : i32
    %add3A = arith.addi %mul3A_0, %arg0 : i32
    %mul3A_1 = arith.constant 10000 : i32
    %mul3A_2 = arith.muli %add3A, %mul3A_1 : i32
    %multiple_of3A = tpu.assume_multiple %mul3A_2, 8 : i32
    %iota3A = tpu.iota {dimensions = array<i32: 0>} : vector<16xi32>
    %eq3A = arith.constant 0 : i32
    %eq3A_3 = arith.cmpi eq, %arg1, %eq3A : i32
    %convert_element_type3A = arith.extui %eq3A_3 : i1 to i32
    %cond3A = arith.constant 0 : i32
    %cond3A_4 = arith.cmpi ne, %convert_element_type3A, %cond3A : i32
    scf.if %cond3A_4 {
      "tpu.region"() ({
        %run_scoped3A = tpu.sem_alloc : memref<!tpu.dma_semaphore, #tpu.memory_space<semaphore_mem>>
        tpu.enqueue_dma source(%arg5 : memref<10000x128xf32, #tpu.memory_space<hbm>>) target(%arg8 : memref<10000x128xf32, #tpu.memory_space<vmem_shared>>) target_semaphore(%run_scoped3A : memref<!tpu.dma_semaphore, #tpu.memory_space<semaphore_mem>>)
        tpu.wait_dma2 semaphore(%run_scoped3A : memref<!tpu.dma_semaphore, #tpu.memory_space<semaphore_mem>>) src(%arg5 : memref<10000x128xf32, #tpu.memory_space<hbm>>) dst(%arg8 : memref<10000x128xf32, #tpu.memory_space<vmem_shared>>)
        tpu.yield
      }) : () -> ()
      "tpu.region"() ({
        %run_scoped3A = tpu.sem_alloc : memref<!tpu.dma_semaphore, #tpu.memory_space<semaphore_mem>>
        tpu.enqueue_dma source(%arg6 : memref<1024x128xf32, #tpu.memory_space<hbm>>) target(%arg9 : memref<1024x128xf32, #tpu.memory_space<vmem_shared>>) target_semaphore(%run_scoped3A : memref<!tpu.dma_semaphore, #tpu.memory_space<semaphore_mem>>)
        tpu.wait_dma2 semaphore(%run_scoped3A : memref<!tpu.dma_semaphore, #tpu.memory_space<semaphore_mem>>) src(%arg6 : memref<1024x128xf32, #tpu.memory_space<hbm>>) dst(%arg9 : memref<1024x128xf32, #tpu.memory_space<vmem_shared>>)
        tpu.yield
      }) : () -> ()
    } else {
    }
    %barrier3A = arith.constant 0 : index
    tpu.barrier barrier_id(%barrier3A)
    %add3A_5 = arith.constant 0 : i32
    %add3A_6 = arith.addi %multiple_of3A, %add3A_5 : i32
    %multiple_of3A_7 = tpu.assume_multiple %add3A_6, 8 : i32
    %dma_start3A = arith.constant 0 : i32
    %dma_start3A_8 = arith.constant 0 : i32
    %dma_start3A_9 = tpu.memref_slice %arg10[%dma_start3A, %dma_start3A_8] : memref<2x80xi32, #tpu.memory_space<vmem>> -> memref<1x80xi32, #tpu.memory_space<vmem>>
    %dma_start3A_10 = tpu.memref_squeeze %dma_start3A_9 : memref<1x80xi32, #tpu.memory_space<vmem>> -> memref<80xi32, #tpu.memory_space<vmem>>
    %dma_start3A_11 = tpu.memref_slice %arg2[%multiple_of3A_7] : memref<320000xi32, #tpu.memory_space<hbm>> -> memref<80xi32, #tpu.memory_space<hbm>>
    %dma_start3A_12 = arith.constant 0 : i32
    %dma_start3A_13 = tpu.memref_slice %arg10[%dma_start3A, %dma_start3A_12] : memref<2x80xi32, #tpu.memory_space<vmem>> -> memref<1x80xi32, #tpu.memory_space<vmem>>
    %dma_start3A_14 = tpu.memref_squeeze %dma_start3A_13 : memref<1x80xi32, #tpu.memory_space<vmem>> -> memref<80xi32, #tpu.memory_space<vmem>>
    %dma_start3A_15 = tpu.memref_slice %arg2[%multiple_of3A_7] : memref<320000xi32, #tpu.memory_space<hbm>> -> memref<80xi32, #tpu.memory_space<hbm>>
    tpu.enqueue_dma source(%dma_start3A_15 : memref<80xi32, #tpu.memory_space<hbm>>) target(%dma_start3A_14 : memref<80xi32, #tpu.memory_space<vmem>>) target_semaphore(%arg18 : memref<!tpu.dma_semaphore, #tpu.memory_space<semaphore_mem>>)
    %dma_start3A_16 = arith.constant 0 : i32
    %dma_start3A_17 = arith.constant 0 : i32
    %dma_start3A_18 = tpu.memref_slice %arg11[%dma_start3A_16, %dma_start3A_17] : memref<2x80xi32, #tpu.memory_space<vmem>> -> memref<1x80xi32, #tpu.memory_space<vmem>>
    %dma_start3A_19 = tpu.memref_squeeze %dma_start3A_18 : memref<1x80xi32, #tpu.memory_space<vmem>> -> memref<80xi32, #tpu.memory_space<vmem>>
    %dma_start3A_20 = tpu.memref_slice %arg3[%multiple_of3A_7] : memref<320000xi32, #tpu.memory_space<hbm>> -> memref<80xi32, #tpu.memory_space<hbm>>
    %dma_start3A_21 = arith.constant 0 : i32
    %dma_start3A_22 = tpu.memref_slice %arg11[%dma_start3A_16, %dma_start3A_21] : memref<2x80xi32, #tpu.memory_space<vmem>> -> memref<1x80xi32, #tpu.memory_space<vmem>>
    %dma_start3A_23 = tpu.memref_squeeze %dma_start3A_22 : memref<1x80xi32, #tpu.memory_space<vmem>> -> memref<80xi32, #tpu.memory_space<vmem>>
    %dma_start3A_24 = tpu.memref_slice %arg3[%multiple_of3A_7] : memref<320000xi32, #tpu.memory_space<hbm>> -> memref<80xi32, #tpu.memory_space<hbm>>
    tpu.enqueue_dma source(%dma_start3A_24 : memref<80xi32, #tpu.memory_space<hbm>>) target(%dma_start3A_23 : memref<80xi32, #tpu.memory_space<vmem>>) target_semaphore(%arg18 : memref<!tpu.dma_semaphore, #tpu.memory_space<semaphore_mem>>)
    %dma_start3A_25 = arith.constant 0 : i32
    %dma_start3A_26 = arith.constant 0 : i32
    %dma_start3A_27 = tpu.memref_slice %arg12[%dma_start3A_25, %dma_start3A_26] : memref<2x80xi32, #tpu.memory_space<vmem>> -> memref<1x80xi32, #tpu.memory_space<vmem>>
    %dma_start3A_28 = tpu.memref_squeeze %dma_start3A_27 : memref<1x80xi32, #tpu.memory_space<vmem>> -> memref<80xi32, #tpu.memory_space<vmem>>
    %dma_start3A_29 = tpu.memref_slice %arg4[%multiple_of3A_7] : memref<320000xi32, #tpu.memory_space<hbm>> -> memref<80xi32, #tpu.memory_space<hbm>>
    %dma_start3A_30 = arith.constant 0 : i32
    %dma_start3A_31 = tpu.memref_slice %arg12[%dma_start3A_25, %dma_start3A_30] : memref<2x80xi32, #tpu.memory_space<vmem>> -> memref<1x80xi32, #tpu.memory_space<vmem>>
    %dma_start3A_32 = tpu.memref_squeeze %dma_start3A_31 : memref<1x80xi32, #tpu.memory_space<vmem>> -> memref<80xi32, #tpu.memory_space<vmem>>
    %dma_start3A_33 = tpu.memref_slice %arg4[%multiple_of3A_7] : memref<320000xi32, #tpu.memory_space<hbm>> -> memref<80xi32, #tpu.memory_space<hbm>>
    tpu.enqueue_dma source(%dma_start3A_33 : memref<80xi32, #tpu.memory_space<hbm>>) target(%dma_start3A_32 : memref<80xi32, #tpu.memory_space<vmem>>) target_semaphore(%arg18 : memref<!tpu.dma_semaphore, #tpu.memory_space<semaphore_mem>>)
    %add3A_34 = arith.constant 80 : i32
    %add3A_35 = arith.addi %multiple_of3A, %add3A_34 : i32
    %multiple_of3A_36 = tpu.assume_multiple %add3A_35, 8 : i32
    %dma_start3A_37 = arith.constant 1 : i32
    %dma_start3A_38 = arith.constant 0 : i32
    %dma_start3A_39 = tpu.memref_slice %arg10[%dma_start3A_37, %dma_start3A_38] : memref<2x80xi32, #tpu.memory_space<vmem>> -> memref<1x80xi32, #tpu.memory_space<vmem>>
    %dma_start3A_40 = tpu.memref_squeeze %dma_start3A_39 : memref<1x80xi32, #tpu.memory_space<vmem>> -> memref<80xi32, #tpu.memory_space<vmem>>
    %dma_start3A_41 = tpu.memref_slice %arg2[%multiple_of3A_36] : memref<320000xi32, #tpu.memory_space<hbm>> -> memref<80xi32, #tpu.memory_space<hbm>>
    %dma_start3A_42 = arith.constant 0 : i32
    %dma_start3A_43 = tpu.memref_slice %arg10[%dma_start3A_37, %dma_start3A_42] : memref<2x80xi32, #tpu.memory_space<vmem>> -> memref<1x80xi32, #tpu.memory_space<vmem>>
    %dma_start3A_44 = tpu.memref_squeeze %dma_start3A_43 : memref<1x80xi32, #tpu.memory_space<vmem>> -> memref<80xi32, #tpu.memory_space<vmem>>
    %dma_start3A_45 = tpu.memref_slice %arg2[%multiple_of3A_36] : memref<320000xi32, #tpu.memory_space<hbm>> -> memref<80xi32, #tpu.memory_space<hbm>>
    tpu.enqueue_dma source(%dma_start3A_45 : memref<80xi32, #tpu.memory_space<hbm>>) target(%dma_start3A_44 : memref<80xi32, #tpu.memory_space<vmem>>) target_semaphore(%arg19 : memref<!tpu.dma_semaphore, #tpu.memory_space<semaphore_mem>>)
    %dma_start3A_46 = arith.constant 1 : i32
    %dma_start3A_47 = arith.constant 0 : i32
    %dma_start3A_48 = tpu.memref_slice %arg11[%dma_start3A_46, %dma_start3A_47] : memref<2x80xi32, #tpu.memory_space<vmem>> -> memref<1x80xi32, #tpu.memory_space<vmem>>
    %dma_start3A_49 = tpu.memref_squeeze %dma_start3A_48 : memref<1x80xi32, #tpu.memory_space<vmem>> -> memref<80xi32, #tpu.memory_space<vmem>>
    %dma_start3A_50 = tpu.memref_slice %arg3[%multiple_of3A_36] : memref<320000xi32, #tpu.memory_space<hbm>> -> memref<80xi32, #tpu.memory_space<hbm>>
    %dma_start3A_51 = arith.constant 0 : i32
    %dma_start3A_52 = tpu.memref_slice %arg11[%dma_start3A_46, %dma_start3A_51] : memref<2x80xi32, #tpu.memory_space<vmem>> -> memref<1x80xi32, #tpu.memory_space<vmem>>
    %dma_start3A_53 = tpu.memref_squeeze %dma_start3A_52 : memref<1x80xi32, #tpu.memory_space<vmem>> -> memref<80xi32, #tpu.memory_space<vmem>>
    %dma_start3A_54 = tpu.memref_slice %arg3[%multiple_of3A_36] : memref<320000xi32, #tpu.memory_space<hbm>> -> memref<80xi32, #tpu.memory_space<hbm>>
    tpu.enqueue_dma source(%dma_start3A_54 : memref<80xi32, #tpu.memory_space<hbm>>) target(%dma_start3A_53 : memref<80xi32, #tpu.memory_space<vmem>>) target_semaphore(%arg19 : memref<!tpu.dma_semaphore, #tpu.memory_space<semaphore_mem>>)
    %dma_start3A_55 = arith.constant 1 : i32
    %dma_start3A_56 = arith.constant 0 : i32
    %dma_start3A_57 = tpu.memref_slice %arg12[%dma_start3A_55, %dma_start3A_56] : memref<2x80xi32, #tpu.memory_space<vmem>> -> memref<1x80xi32, #tpu.memory_space<vmem>>
    %dma_start3A_58 = tpu.memref_squeeze %dma_start3A_57 : memref<1x80xi32, #tpu.memory_space<vmem>> -> memref<80xi32, #tpu.memory_space<vmem>>
    %dma_start3A_59 = tpu.memref_slice %arg4[%multiple_of3A_36] : memref<320000xi32, #tpu.memory_space<hbm>> -> memref<80xi32, #tpu.memory_space<hbm>>
    %dma_start3A_60 = arith.constant 0 : i32
    %dma_start3A_61 = tpu.memref_slice %arg12[%dma_start3A_55, %dma_start3A_60] : memref<2x80xi32, #tpu.memory_space<vmem>> -> memref<1x80xi32, #tpu.memory_space<vmem>>
    %dma_start3A_62 = tpu.memref_squeeze %dma_start3A_61 : memref<1x80xi32, #tpu.memory_space<vmem>> -> memref<80xi32, #tpu.memory_space<vmem>>
    %dma_start3A_63 = tpu.memref_slice %arg4[%multiple_of3A_36] : memref<320000xi32, #tpu.memory_space<hbm>> -> memref<80xi32, #tpu.memory_space<hbm>>
    tpu.enqueue_dma source(%dma_start3A_63 : memref<80xi32, #tpu.memory_space<hbm>>) target(%dma_start3A_62 : memref<80xi32, #tpu.memory_space<vmem>>) target_semaphore(%arg19 : memref<!tpu.dma_semaphore, #tpu.memory_space<semaphore_mem>>)
    %dma_wait3A = arith.constant 0 : i32
    %dma_wait3A_64 = arith.constant 0 : i32
    %dma_wait3A_65 = tpu.memref_slice %arg10[%dma_wait3A, %dma_wait3A_64] : memref<2x80xi32, #tpu.memory_space<vmem>> -> memref<1x80xi32, #tpu.memory_space<vmem>>
    %dma_wait3A_66 = tpu.memref_squeeze %dma_wait3A_65 : memref<1x80xi32, #tpu.memory_space<vmem>> -> memref<80xi32, #tpu.memory_space<vmem>>
    %dma_wait3A_67 = arith.constant 0 : i32
    %dma_wait3A_68 = tpu.memref_slice %arg2[%dma_wait3A_67] : memref<320000xi32, #tpu.memory_space<hbm>> -> memref<80xi32, #tpu.memory_space<hbm>>
    %dma_wait3A_69 = arith.constant 0 : i32
    %dma_wait3A_70 = tpu.memref_slice %arg10[%dma_wait3A, %dma_wait3A_69] : memref<2x80xi32, #tpu.memory_space<vmem>> -> memref<1x80xi32, #tpu.memory_space<vmem>>
    %dma_wait3A_71 = tpu.memref_squeeze %dma_wait3A_70 : memref<1x80xi32, #tpu.memory_space<vmem>> -> memref<80xi32, #tpu.memory_space<vmem>>
    %dma_wait3A_72 = arith.constant 0 : i32
    %dma_wait3A_73 = tpu.memref_slice %arg2[%dma_wait3A_72] : memref<320000xi32, #tpu.memory_space<hbm>> -> memref<80xi32, #tpu.memory_space<hbm>>
    tpu.wait_dma2 semaphore(%arg18 : memref<!tpu.dma_semaphore, #tpu.memory_space<semaphore_mem>>) src(%dma_wait3A_73 : memref<80xi32, #tpu.memory_space<hbm>>) dst(%dma_wait3A_71 : memref<80xi32, #tpu.memory_space<vmem>>)
    %dma_wait3A_74 = arith.constant 0 : i32
    %dma_wait3A_75 = arith.constant 0 : i32
    %dma_wait3A_76 = tpu.memref_slice %arg10[%dma_wait3A_74, %dma_wait3A_75] : memref<2x80xi32, #tpu.memory_space<vmem>> -> memref<1x80xi32, #tpu.memory_space<vmem>>
    %dma_wait3A_77 = tpu.memref_squeeze %dma_wait3A_76 : memref<1x80xi32, #tpu.memory_space<vmem>> -> memref<80xi32, #tpu.memory_space<vmem>>
    %dma_wait3A_78 = arith.constant 0 : i32
    %dma_wait3A_79 = tpu.memref_slice %arg2[%dma_wait3A_78] : memref<320000xi32, #tpu.memory_space<hbm>> -> memref<80xi32, #tpu.memory_space<hbm>>
    %dma_wait3A_80 = arith.constant 0 : i32
    %dma_wait3A_81 = tpu.memref_slice %arg10[%dma_wait3A_74, %dma_wait3A_80] : memref<2x80xi32, #tpu.memory_space<vmem>> -> memref<1x80xi32, #tpu.memory_space<vmem>>
    %dma_wait3A_82 = tpu.memref_squeeze %dma_wait3A_81 : memref<1x80xi32, #tpu.memory_space<vmem>> -> memref<80xi32, #tpu.memory_space<vmem>>
    %dma_wait3A_83 = arith.constant 0 : i32
    %dma_wait3A_84 = tpu.memref_slice %arg2[%dma_wait3A_83] : memref<320000xi32, #tpu.memory_space<hbm>> -> memref<80xi32, #tpu.memory_space<hbm>>
    tpu.wait_dma2 semaphore(%arg18 : memref<!tpu.dma_semaphore, #tpu.memory_space<semaphore_mem>>) src(%dma_wait3A_84 : memref<80xi32, #tpu.memory_space<hbm>>) dst(%dma_wait3A_82 : memref<80xi32, #tpu.memory_space<vmem>>)
    %dma_wait3A_85 = arith.constant 0 : i32
    %dma_wait3A_86 = arith.constant 0 : i32
    %dma_wait3A_87 = tpu.memref_slice %arg10[%dma_wait3A_85, %dma_wait3A_86] : memref<2x80xi32, #tpu.memory_space<vmem>> -> memref<1x80xi32, #tpu.memory_space<vmem>>
    %dma_wait3A_88 = tpu.memref_squeeze %dma_wait3A_87 : memref<1x80xi32, #tpu.memory_space<vmem>> -> memref<80xi32, #tpu.memory_space<vmem>>
    %dma_wait3A_89 = arith.constant 0 : i32
    %dma_wait3A_90 = tpu.memref_slice %arg2[%dma_wait3A_89] : memref<320000xi32, #tpu.memory_space<hbm>> -> memref<80xi32, #tpu.memory_space<hbm>>
    %dma_wait3A_91 = arith.constant 0 : i32
    %dma_wait3A_92 = tpu.memref_slice %arg10[%dma_wait3A_85, %dma_wait3A_91] : memref<2x80xi32, #tpu.memory_space<vmem>> -> memref<1x80xi32, #tpu.memory_space<vmem>>
    %dma_wait3A_93 = tpu.memref_squeeze %dma_wait3A_92 : memref<1x80xi32, #tpu.memory_space<vmem>> -> memref<80xi32, #tpu.memory_space<vmem>>
    %dma_wait3A_94 = arith.constant 0 : i32
    %dma_wait3A_95 = tpu.memref_slice %arg2[%dma_wait3A_94] : memref<320000xi32, #tpu.memory_space<hbm>> -> memref<80xi32, #tpu.memory_space<hbm>>
    tpu.wait_dma2 semaphore(%arg18 : memref<!tpu.dma_semaphore, #tpu.memory_space<semaphore_mem>>) src(%dma_wait3A_95 : memref<80xi32, #tpu.memory_space<hbm>>) dst(%dma_wait3A_93 : memref<80xi32, #tpu.memory_space<vmem>>)
    %dma_start3A_96 = arith.constant 0 : i32
    %dma_start3A_97 = arith.constant 0 : i32
    %dma_start3A_98 = arith.constant 0 : i32
    %dma_start3A_99 = tpu.memref_slice %arg13[%dma_start3A_97, %dma_start3A_98] : memref<80x128xf32, #tpu.memory_space<vmem>> -> memref<48x128xf32, #tpu.memory_space<vmem>>
    %dma_start3A_100 = arith.constant 0 : i32
    %dma_start3A_101 = tpu.memref_slice %arg10[%dma_start3A_96, %dma_start3A_100] : memref<2x80xi32, #tpu.memory_space<vmem>> -> memref<1x48xi32, #tpu.memory_space<vmem>>
    %dma_start3A_102 = tpu.memref_squeeze %dma_start3A_101 : memref<1x48xi32, #tpu.memory_space<vmem>> -> memref<48xi32, #tpu.memory_space<vmem>>
    %dma_start3A_103 = arith.constant 0 : i32
    %dma_start3A_104 = arith.constant 0 : i32
    %dma_start3A_105 = tpu.memref_slice %arg8[%dma_start3A_103, %dma_start3A_104] : memref<10000x128xf32, #tpu.memory_space<vmem_shared>> -> memref<10000x128xf32, #tpu.memory_space<vmem_shared>>
    tpu.enqueue_indirect_dma source(%dma_start3A_105 : memref<10000x128xf32, #tpu.memory_space<vmem_shared>>) target(%dma_start3A_99 : memref<48x128xf32, #tpu.memory_space<vmem>>) offsets(%dma_start3A_102 : memref<48xi32, #tpu.memory_space<vmem>>) semaphore(%arg17 : memref<!tpu.dma_semaphore, #tpu.memory_space<semaphore_mem>>)
    %dma_start3A_106 = arith.constant 0 : i32
    %dma_start3A_107 = arith.constant 0 : i32
    %dma_start3A_108 = arith.constant 0 : i32
    %dma_start3A_109 = tpu.memref_slice %arg15[%dma_start3A_107, %dma_start3A_108] : memref<80x128xf32, #tpu.memory_space<vmem>> -> memref<48x128xf32, #tpu.memory_space<vmem>>
    %dma_start3A_110 = arith.constant 0 : i32
    %dma_start3A_111 = tpu.memref_slice %arg11[%dma_start3A_106, %dma_start3A_110] : memref<2x80xi32, #tpu.memory_space<vmem>> -> memref<1x48xi32, #tpu.memory_space<vmem>>
    %dma_start3A_112 = tpu.memref_squeeze %dma_start3A_111 : memref<1x48xi32, #tpu.memory_space<vmem>> -> memref<48xi32, #tpu.memory_space<vmem>>
    %dma_start3A_113 = arith.constant 0 : i32
    %dma_start3A_114 = arith.constant 0 : i32
    %dma_start3A_115 = tpu.memref_slice %arg8[%dma_start3A_113, %dma_start3A_114] : memref<10000x128xf32, #tpu.memory_space<vmem_shared>> -> memref<10000x128xf32, #tpu.memory_space<vmem_shared>>
    tpu.enqueue_indirect_dma source(%dma_start3A_115 : memref<10000x128xf32, #tpu.memory_space<vmem_shared>>) target(%dma_start3A_109 : memref<48x128xf32, #tpu.memory_space<vmem>>) offsets(%dma_start3A_112 : memref<48xi32, #tpu.memory_space<vmem>>) semaphore(%arg17 : memref<!tpu.dma_semaphore, #tpu.memory_space<semaphore_mem>>)
    %dma_start3A_116 = arith.constant 0 : i32
    %dma_start3A_117 = arith.constant 0 : i32
    %dma_start3A_118 = arith.constant 0 : i32
    %dma_start3A_119 = tpu.memref_slice %arg14[%dma_start3A_117, %dma_start3A_118] : memref<80x128xf32, #tpu.memory_space<vmem>> -> memref<48x128xf32, #tpu.memory_space<vmem>>
    %dma_start3A_120 = arith.constant 0 : i32
    %dma_start3A_121 = tpu.memref_slice %arg12[%dma_start3A_116, %dma_start3A_120] : memref<2x80xi32, #tpu.memory_space<vmem>> -> memref<1x48xi32, #tpu.memory_space<vmem>>
    %dma_start3A_122 = tpu.memref_squeeze %dma_start3A_121 : memref<1x48xi32, #tpu.memory_space<vmem>> -> memref<48xi32, #tpu.memory_space<vmem>>
    %dma_start3A_123 = arith.constant 0 : i32
    %dma_start3A_124 = arith.constant 0 : i32
    %dma_start3A_125 = tpu.memref_slice %arg9[%dma_start3A_123, %dma_start3A_124] : memref<1024x128xf32, #tpu.memory_space<vmem_shared>> -> memref<1024x128xf32, #tpu.memory_space<vmem_shared>>
    tpu.enqueue_indirect_dma source(%dma_start3A_125 : memref<1024x128xf32, #tpu.memory_space<vmem_shared>>) target(%dma_start3A_119 : memref<48x128xf32, #tpu.memory_space<vmem>>) offsets(%dma_start3A_122 : memref<48xi32, #tpu.memory_space<vmem>>) semaphore(%arg17 : memref<!tpu.dma_semaphore, #tpu.memory_space<semaphore_mem>>)
    %dma_wait3A_126 = arith.constant 0 : i32
    %dma_wait3A_127 = arith.constant 0 : i32
    %dma_wait3A_128 = tpu.memref_slice %arg13[%dma_wait3A_126, %dma_wait3A_127] : memref<80x128xf32, #tpu.memory_space<vmem>> -> memref<48x128xf32, #tpu.memory_space<vmem>>
    %dma_wait3A_129 = arith.constant 0 : i32
    %dma_wait3A_130 = arith.constant 0 : i32
    %dma_wait3A_131 = tpu.memref_slice %arg5[%dma_wait3A_129, %dma_wait3A_130] : memref<10000x128xf32, #tpu.memory_space<hbm>> -> memref<48x128xf32, #tpu.memory_space<hbm>>
    %dma_wait3A_132 = arith.constant 0 : i32
    %dma_wait3A_133 = arith.constant 0 : i32
    %dma_wait3A_134 = tpu.memref_slice %arg13[%dma_wait3A_132, %dma_wait3A_133] : memref<80x128xf32, #tpu.memory_space<vmem>> -> memref<48x128xf32, #tpu.memory_space<vmem>>
    %dma_wait3A_135 = arith.constant 0 : i32
    %dma_wait3A_136 = arith.constant 0 : i32
    %dma_wait3A_137 = tpu.memref_slice %arg5[%dma_wait3A_135, %dma_wait3A_136] : memref<10000x128xf32, #tpu.memory_space<hbm>> -> memref<48x128xf32, #tpu.memory_space<hbm>>
    tpu.wait_dma2 semaphore(%arg17 : memref<!tpu.dma_semaphore, #tpu.memory_space<semaphore_mem>>) src(%dma_wait3A_137 : memref<48x128xf32, #tpu.memory_space<hbm>>) dst(%dma_wait3A_134 : memref<48x128xf32, #tpu.memory_space<vmem>>)
    %dma_wait3A_138 = arith.constant 0 : i32
    %dma_wait3A_139 = arith.constant 0 : i32
    %dma_wait3A_140 = tpu.memref_slice %arg15[%dma_wait3A_138, %dma_wait3A_139] : memref<80x128xf32, #tpu.memory_space<vmem>> -> memref<48x128xf32, #tpu.memory_space<vmem>>
    %dma_wait3A_141 = arith.constant 0 : i32
    %dma_wait3A_142 = arith.constant 0 : i32
    %dma_wait3A_143 = tpu.memref_slice %arg5[%dma_wait3A_141, %dma_wait3A_142] : memref<10000x128xf32, #tpu.memory_space<hbm>> -> memref<48x128xf32, #tpu.memory_space<hbm>>
    %dma_wait3A_144 = arith.constant 0 : i32
    %dma_wait3A_145 = arith.constant 0 : i32
    %dma_wait3A_146 = tpu.memref_slice %arg15[%dma_wait3A_144, %dma_wait3A_145] : memref<80x128xf32, #tpu.memory_space<vmem>> -> memref<48x128xf32, #tpu.memory_space<vmem>>
    %dma_wait3A_147 = arith.constant 0 : i32
    %dma_wait3A_148 = arith.constant 0 : i32
    %dma_wait3A_149 = tpu.memref_slice %arg5[%dma_wait3A_147, %dma_wait3A_148] : memref<10000x128xf32, #tpu.memory_space<hbm>> -> memref<48x128xf32, #tpu.memory_space<hbm>>
    tpu.wait_dma2 semaphore(%arg17 : memref<!tpu.dma_semaphore, #tpu.memory_space<semaphore_mem>>) src(%dma_wait3A_149 : memref<48x128xf32, #tpu.memory_space<hbm>>) dst(%dma_wait3A_146 : memref<48x128xf32, #tpu.memory_space<vmem>>)
    %dma_wait3A_150 = arith.constant 0 : i32
    %dma_wait3A_151 = arith.constant 0 : i32
    %dma_wait3A_152 = tpu.memref_slice %arg14[%dma_wait3A_150, %dma_wait3A_151] : memref<80x128xf32, #tpu.memory_space<vmem>> -> memref<48x128xf32, #tpu.memory_space<vmem>>
    %dma_wait3A_153 = arith.constant 0 : i32
    %dma_wait3A_154 = arith.constant 0 : i32
    %dma_wait3A_155 = tpu.memref_slice %arg5[%dma_wait3A_153, %dma_wait3A_154] : memref<10000x128xf32, #tpu.memory_space<hbm>> -> memref<48x128xf32, #tpu.memory_space<hbm>>
    %dma_wait3A_156 = arith.constant 0 : i32
    %dma_wait3A_157 = arith.constant 0 : i32
    %dma_wait3A_158 = tpu.memref_slice %arg14[%dma_wait3A_156, %dma_wait3A_157] : memref<80x128xf32, #tpu.memory_space<vmem>> -> memref<48x128xf32, #tpu.memory_space<vmem>>
    %dma_wait3A_159 = arith.constant 0 : i32
    %dma_wait3A_160 = arith.constant 0 : i32
    %dma_wait3A_161 = tpu.memref_slice %arg5[%dma_wait3A_159, %dma_wait3A_160] : memref<10000x128xf32, #tpu.memory_space<hbm>> -> memref<48x128xf32, #tpu.memory_space<hbm>>
    tpu.wait_dma2 semaphore(%arg17 : memref<!tpu.dma_semaphore, #tpu.memory_space<semaphore_mem>>) src(%dma_wait3A_161 : memref<48x128xf32, #tpu.memory_space<hbm>>) dst(%dma_wait3A_158 : memref<48x128xf32, #tpu.memory_space<vmem>>)
    %dma_start3A_162 = arith.constant 0 : i32
    %dma_start3A_163 = arith.constant 48 : i32
    %dma_start3A_164 = arith.constant 0 : i32
    %dma_start3A_165 = tpu.memref_slice %arg13[%dma_start3A_163, %dma_start3A_164] : memref<80x128xf32, #tpu.memory_space<vmem>> -> memref<32x128xf32, #tpu.memory_space<vmem>>
    %dma_start3A_166 = arith.constant 48 : i32
    %dma_start3A_167 = tpu.memref_slice %arg10[%dma_start3A_162, %dma_start3A_166] : memref<2x80xi32, #tpu.memory_space<vmem>> -> memref<1x32xi32, #tpu.memory_space<vmem>>
    %dma_start3A_168 = tpu.memref_squeeze %dma_start3A_167 : memref<1x32xi32, #tpu.memory_space<vmem>> -> memref<32xi32, #tpu.memory_space<vmem>>
    %dma_start3A_169 = arith.constant 0 : i32
    %dma_start3A_170 = arith.constant 0 : i32
    %dma_start3A_171 = tpu.memref_slice %arg8[%dma_start3A_169, %dma_start3A_170] : memref<10000x128xf32, #tpu.memory_space<vmem_shared>> -> memref<10000x128xf32, #tpu.memory_space<vmem_shared>>
    tpu.enqueue_indirect_dma source(%dma_start3A_171 : memref<10000x128xf32, #tpu.memory_space<vmem_shared>>) target(%dma_start3A_165 : memref<32x128xf32, #tpu.memory_space<vmem>>) offsets(%dma_start3A_168 : memref<32xi32, #tpu.memory_space<vmem>>) semaphore(%arg17 : memref<!tpu.dma_semaphore, #tpu.memory_space<semaphore_mem>>)
    %dma_start3A_172 = arith.constant 0 : i32
    %dma_start3A_173 = arith.constant 48 : i32
    %dma_start3A_174 = arith.constant 0 : i32
    %dma_start3A_175 = tpu.memref_slice %arg15[%dma_start3A_173, %dma_start3A_174] : memref<80x128xf32, #tpu.memory_space<vmem>> -> memref<32x128xf32, #tpu.memory_space<vmem>>
    %dma_start3A_176 = arith.constant 48 : i32
    %dma_start3A_177 = tpu.memref_slice %arg11[%dma_start3A_172, %dma_start3A_176] : memref<2x80xi32, #tpu.memory_space<vmem>> -> memref<1x32xi32, #tpu.memory_space<vmem>>
    %dma_start3A_178 = tpu.memref_squeeze %dma_start3A_177 : memref<1x32xi32, #tpu.memory_space<vmem>> -> memref<32xi32, #tpu.memory_space<vmem>>
    %dma_start3A_179 = arith.constant 0 : i32
    %dma_start3A_180 = arith.constant 0 : i32
    %dma_start3A_181 = tpu.memref_slice %arg8[%dma_start3A_179, %dma_start3A_180] : memref<10000x128xf32, #tpu.memory_space<vmem_shared>> -> memref<10000x128xf32, #tpu.memory_space<vmem_shared>>
    tpu.enqueue_indirect_dma source(%dma_start3A_181 : memref<10000x128xf32, #tpu.memory_space<vmem_shared>>) target(%dma_start3A_175 : memref<32x128xf32, #tpu.memory_space<vmem>>) offsets(%dma_start3A_178 : memref<32xi32, #tpu.memory_space<vmem>>) semaphore(%arg17 : memref<!tpu.dma_semaphore, #tpu.memory_space<semaphore_mem>>)
    %dma_start3A_182 = arith.constant 0 : i32
    %dma_start3A_183 = arith.constant 48 : i32
    %dma_start3A_184 = arith.constant 0 : i32
    %dma_start3A_185 = tpu.memref_slice %arg14[%dma_start3A_183, %dma_start3A_184] : memref<80x128xf32, #tpu.memory_space<vmem>> -> memref<32x128xf32, #tpu.memory_space<vmem>>
    %dma_start3A_186 = arith.constant 48 : i32
    %dma_start3A_187 = tpu.memref_slice %arg12[%dma_start3A_182, %dma_start3A_186] : memref<2x80xi32, #tpu.memory_space<vmem>> -> memref<1x32xi32, #tpu.memory_space<vmem>>
    %dma_start3A_188 = tpu.memref_squeeze %dma_start3A_187 : memref<1x32xi32, #tpu.memory_space<vmem>> -> memref<32xi32, #tpu.memory_space<vmem>>
    %dma_start3A_189 = arith.constant 0 : i32
    %dma_start3A_190 = arith.constant 0 : i32
    %dma_start3A_191 = tpu.memref_slice %arg9[%dma_start3A_189, %dma_start3A_190] : memref<1024x128xf32, #tpu.memory_space<vmem_shared>> -> memref<1024x128xf32, #tpu.memory_space<vmem_shared>>
    tpu.enqueue_indirect_dma source(%dma_start3A_191 : memref<1024x128xf32, #tpu.memory_space<vmem_shared>>) target(%dma_start3A_185 : memref<32x128xf32, #tpu.memory_space<vmem>>) offsets(%dma_start3A_188 : memref<32xi32, #tpu.memory_space<vmem>>) semaphore(%arg17 : memref<!tpu.dma_semaphore, #tpu.memory_space<semaphore_mem>>)
    %scan3A = arith.constant 0 : i32
    %scan3A_192 = arith.constant 0 : i32
    %scan3A_193 = arith.constant 3 : i32
    %scan3A_194 = arith.addi %scan3A_192, %scan3A_193 : i32
    %scan3A_195 = arith.constant 1 : i32
    scf.for %scan3A_728 = %scan3A_192 to %scan3A_194 step %scan3A_195  : i32 {
      %broadcast_in_dim3A = arith.constant 0.000000e+00 : f32
      %broadcast_in_dim3A_729 = vector.broadcast %broadcast_in_dim3A : f32 to vector<16xf32>
      %scan3A_730 = arith.constant 0 : i32
      %scan3A_731 = arith.constant 16 : i32
      %scan3A_732 = arith.addi %scan3A_730, %scan3A_731 : i32
      %scan3A_733 = arith.constant 1 : i32
      %scan3A_734 = scf.for %scan3A_741 = %scan3A_730 to %scan3A_732 step %scan3A_733 iter_args(%scan3A_742 = %broadcast_in_dim3A_729) -> (vector<16xf32>)  : i32 {
        %mul3A_743 = arith.constant 16 : i32
        %mul3A_744 = arith.muli %scan3A_728, %mul3A_743 : i32
        %add3A_745 = arith.addi %mul3A_744, %scan3A_741 : i32
        %broadcast_in_dim3A_746 = arith.constant 0.000000e+00 : f32
        %broadcast_in_dim3A_747 = vector.broadcast %broadcast_in_dim3A_746 : f32 to vector<16xf32>
        %get3A = arith.index_cast %add3A_745 : i32 to index
        %get3A_748 = arith.constant 0 : index
        %get3A_749 = tpu.vector_load %arg13[%get3A, %get3A_748] {strides = array<i32>} : memref<80x128xf32, #tpu.memory_space<vmem>>, vector<16xf32>,
        %get3A_750 = arith.index_cast %add3A_745 : i32 to index
        %get3A_751 = arith.constant 0 : index
        %get3A_752 = tpu.vector_load %arg14[%get3A_750, %get3A_751] {strides = array<i32>} : memref<80x128xf32, #tpu.memory_space<vmem>>, vector<16xf32>,
        %mul3A_753 = arith.mulf %get3A_749, %get3A_752 : vector<16xf32>
        %get3A_754 = arith.index_cast %add3A_745 : i32 to index
        %get3A_755 = arith.constant 0 : index
        %get3A_756 = tpu.vector_load %arg15[%get3A_754, %get3A_755] {strides = array<i32>} : memref<80x128xf32, #tpu.memory_space<vmem>>, vector<16xf32>,
        %mul3A_757 = arith.mulf %mul3A_753, %get3A_756 : vector<16xf32>
        %add3A_758 = arith.addf %broadcast_in_dim3A_747, %mul3A_757 : vector<16xf32>
        %get3A_759 = arith.index_cast %add3A_745 : i32 to index
        %get3A_760 = arith.constant 16 : index
        %get3A_761 = tpu.vector_load %arg13[%get3A_759, %get3A_760] {strides = array<i32>} : memref<80x128xf32, #tpu.memory_space<vmem>>, vector<16xf32>,
        %get3A_762 = arith.index_cast %add3A_745 : i32 to index
        %get3A_763 = arith.constant 16 : index
        %get3A_764 = tpu.vector_load %arg14[%get3A_762, %get3A_763] {strides = array<i32>} : memref<80x128xf32, #tpu.memory_space<vmem>>, vector<16xf32>,
        %mul3A_765 = arith.mulf %get3A_761, %get3A_764 : vector<16xf32>
        %get3A_766 = arith.index_cast %add3A_745 : i32 to index
        %get3A_767 = arith.constant 16 : index
        %get3A_768 = tpu.vector_load %arg15[%get3A_766, %get3A_767] {strides = array<i32>} : memref<80x128xf32, #tpu.memory_space<vmem>>, vector<16xf32>,
        %mul3A_769 = arith.mulf %mul3A_765, %get3A_768 : vector<16xf32>
        %add3A_770 = arith.addf %add3A_758, %mul3A_769 : vector<16xf32>
        %get3A_771 = arith.index_cast %add3A_745 : i32 to index
        %get3A_772 = arith.constant 32 : index
        %get3A_773 = tpu.vector_load %arg13[%get3A_771, %get3A_772] {strides = array<i32>} : memref<80x128xf32, #tpu.memory_space<vmem>>, vector<16xf32>,
        %get3A_774 = arith.index_cast %add3A_745 : i32 to index
        %get3A_775 = arith.constant 32 : index
        %get3A_776 = tpu.vector_load %arg14[%get3A_774, %get3A_775] {strides = array<i32>} : memref<80x128xf32, #tpu.memory_space<vmem>>, vector<16xf32>,
        %mul3A_777 = arith.mulf %get3A_773, %get3A_776 : vector<16xf32>
        %get3A_778 = arith.index_cast %add3A_745 : i32 to index
        %get3A_779 = arith.constant 32 : index
        %get3A_780 = tpu.vector_load %arg15[%get3A_778, %get3A_779] {strides = array<i32>} : memref<80x128xf32, #tpu.memory_space<vmem>>, vector<16xf32>,
        %mul3A_781 = arith.mulf %mul3A_777, %get3A_780 : vector<16xf32>
        %add3A_782 = arith.addf %add3A_770, %mul3A_781 : vector<16xf32>
        %get3A_783 = arith.index_cast %add3A_745 : i32 to index
        %get3A_784 = arith.constant 48 : index
        %get3A_785 = tpu.vector_load %arg13[%get3A_783, %get3A_784] {strides = array<i32>} : memref<80x128xf32, #tpu.memory_space<vmem>>, vector<16xf32>,
        %get3A_786 = arith.index_cast %add3A_745 : i32 to index
        %get3A_787 = arith.constant 48 : index
        %get3A_788 = tpu.vector_load %arg14[%get3A_786, %get3A_787] {strides = array<i32>} : memref<80x128xf32, #tpu.memory_space<vmem>>, vector<16xf32>,
        %mul3A_789 = arith.mulf %get3A_785, %get3A_788 : vector<16xf32>
        %get3A_790 = arith.index_cast %add3A_745 : i32 to index
        %get3A_791 = arith.constant 48 : index
        %get3A_792 = tpu.vector_load %arg15[%get3A_790, %get3A_791] {strides = array<i32>} : memref<80x128xf32, #tpu.memory_space<vmem>>, vector<16xf32>,
        %mul3A_793 = arith.mulf %mul3A_789, %get3A_792 : vector<16xf32>
        %add3A_794 = arith.addf %add3A_782, %mul3A_793 : vector<16xf32>
        %get3A_795 = arith.index_cast %add3A_745 : i32 to index
        %get3A_796 = arith.constant 64 : index
        %get3A_797 = tpu.vector_load %arg13[%get3A_795, %get3A_796] {strides = array<i32>} : memref<80x128xf32, #tpu.memory_space<vmem>>, vector<16xf32>,
        %get3A_798 = arith.index_cast %add3A_745 : i32 to index
        %get3A_799 = arith.constant 64 : index
        %get3A_800 = tpu.vector_load %arg14[%get3A_798, %get3A_799] {strides = array<i32>} : memref<80x128xf32, #tpu.memory_space<vmem>>, vector<16xf32>,
        %mul3A_801 = arith.mulf %get3A_797, %get3A_800 : vector<16xf32>
        %get3A_802 = arith.index_cast %add3A_745 : i32 to index
        %get3A_803 = arith.constant 64 : index
        %get3A_804 = tpu.vector_load %arg15[%get3A_802, %get3A_803] {strides = array<i32>} : memref<80x128xf32, #tpu.memory_space<vmem>>, vector<16xf32>,
        %mul3A_805 = arith.mulf %mul3A_801, %get3A_804 : vector<16xf32>
        %add3A_806 = arith.addf %add3A_794, %mul3A_805 : vector<16xf32>
        %get3A_807 = arith.index_cast %add3A_745 : i32 to index
        %get3A_808 = arith.constant 80 : index
        %get3A_809 = tpu.vector_load %arg13[%get3A_807, %get3A_808] {strides = array<i32>} : memref<80x128xf32, #tpu.memory_space<vmem>>, vector<16xf32>,
        %get3A_810 = arith.index_cast %add3A_745 : i32 to index
        %get3A_811 = arith.constant 80 : index
        %get3A_812 = tpu.vector_load %arg14[%get3A_810, %get3A_811] {strides = array<i32>} : memref<80x128xf32, #tpu.memory_space<vmem>>, vector<16xf32>,
        %mul3A_813 = arith.mulf %get3A_809, %get3A_812 : vector<16xf32>
        %get3A_814 = arith.index_cast %add3A_745 : i32 to index
        %get3A_815 = arith.constant 80 : index
        %get3A_816 = tpu.vector_load %arg15[%get3A_814, %get3A_815] {strides = array<i32>} : memref<80x128xf32, #tpu.memory_space<vmem>>, vector<16xf32>,
        %mul3A_817 = arith.mulf %mul3A_813, %get3A_816 : vector<16xf32>
        %add3A_818 = arith.addf %add3A_806, %mul3A_817 : vector<16xf32>
        %get3A_819 = arith.index_cast %add3A_745 : i32 to index
        %get3A_820 = arith.constant 96 : index
        %get3A_821 = tpu.vector_load %arg13[%get3A_819, %get3A_820] {strides = array<i32>} : memref<80x128xf32, #tpu.memory_space<vmem>>, vector<16xf32>,
        %get3A_822 = arith.index_cast %add3A_745 : i32 to index
        %get3A_823 = arith.constant 96 : index
        %get3A_824 = tpu.vector_load %arg14[%get3A_822, %get3A_823] {strides = array<i32>} : memref<80x128xf32, #tpu.memory_space<vmem>>, vector<16xf32>,
        %mul3A_825 = arith.mulf %get3A_821, %get3A_824 : vector<16xf32>
        %get3A_826 = arith.index_cast %add3A_745 : i32 to index
        %get3A_827 = arith.constant 96 : index
        %get3A_828 = tpu.vector_load %arg15[%get3A_826, %get3A_827] {strides = array<i32>} : memref<80x128xf32, #tpu.memory_space<vmem>>, vector<16xf32>,
        %mul3A_829 = arith.mulf %mul3A_825, %get3A_828 : vector<16xf32>
        %add3A_830 = arith.addf %add3A_818, %mul3A_829 : vector<16xf32>
        %get3A_831 = arith.index_cast %add3A_745 : i32 to index
        %get3A_832 = arith.constant 112 : index
        %get3A_833 = tpu.vector_load %arg13[%get3A_831, %get3A_832] {strides = array<i32>} : memref<80x128xf32, #tpu.memory_space<vmem>>, vector<16xf32>,
        %get3A_834 = arith.index_cast %add3A_745 : i32 to index
        %get3A_835 = arith.constant 112 : index
        %get3A_836 = tpu.vector_load %arg14[%get3A_834, %get3A_835] {strides = array<i32>} : memref<80x128xf32, #tpu.memory_space<vmem>>, vector<16xf32>,
        %mul3A_837 = arith.mulf %get3A_833, %get3A_836 : vector<16xf32>
        %get3A_838 = arith.index_cast %add3A_745 : i32 to index
        %get3A_839 = arith.constant 112 : index
        %get3A_840 = tpu.vector_load %arg15[%get3A_838, %get3A_839] {strides = array<i32>} : memref<80x128xf32, #tpu.memory_space<vmem>>, vector<16xf32>,
        %mul3A_841 = arith.mulf %mul3A_837, %get3A_840 : vector<16xf32>
        %add3A_842 = arith.addf %add3A_830, %mul3A_841 : vector<16xf32>
        %eq3A_843 = vector.broadcast %scan3A_741 : i32 to vector<16xi32>
        %eq3A_844 = arith.cmpi eq, %iota3A, %eq3A_843 : vector<16xi32>
        %reduce_sum3A = arith.constant true
        %reduce_sum3A_845 = vector.broadcast %reduce_sum3A : i1 to vector<16xi1>
        %reduce_sum3A_846 = tpu.scan <sum>, %add3A_842 masked %reduce_sum3A_845 : vector<16xf32>, vector<16xi1> -> vector<16xf32>
        %reduce_sum3A_847 = vector.extract %reduce_sum3A_846[15] : f32 from vector<16xf32>
        %broadcast_in_dim3A_848 = vector.broadcast %reduce_sum3A_847 : f32 to vector<16xf32>
        %select_n3A = arith.select %eq3A_844, %broadcast_in_dim3A_848, %scan3A_742 : vector<16xi1>, vector<16xf32>
        scf.yield %select_n3A : vector<16xf32>
      }
      %scan3A_735 = arith.constant 16 : i32
      %mul3A_736 = arith.constant 16 : i32
      %mul3A_737 = arith.muli %scan3A_728, %mul3A_736 : i32
      %swap3A = arith.constant 0 : i32
      %swap3A_738 = arith.index_cast %swap3A : i32 to index
      %swap3A_739 = arith.index_cast %mul3A_737 : i32 to index
      %swap3A_740 = tpu.vector_load %arg16[%swap3A_738, %swap3A_739] {strides = array<i32>} : memref<2x80xf32, #tpu.memory_space<vmem>>, vector<16xf32>,
      tpu.vector_store %arg16[%swap3A_738, %swap3A_739], %scan3A_734 {strides = array<i32>} : memref<2x80xf32, #tpu.memory_space<vmem>>, vector<16xf32>,
    }
    %scan3A_196 = arith.constant 3 : i32
    %dma_wait3A_197 = arith.constant 0 : i32
    %dma_wait3A_198 = arith.constant 0 : i32
    %dma_wait3A_199 = tpu.memref_slice %arg13[%dma_wait3A_197, %dma_wait3A_198] : memref<80x128xf32, #tpu.memory_space<vmem>> -> memref<32x128xf32, #tpu.memory_space<vmem>>
    %dma_wait3A_200 = arith.constant 0 : i32
    %dma_wait3A_201 = arith.constant 0 : i32
    %dma_wait3A_202 = tpu.memref_slice %arg5[%dma_wait3A_200, %dma_wait3A_201] : memref<10000x128xf32, #tpu.memory_space<hbm>> -> memref<32x128xf32, #tpu.memory_space<hbm>>
    %dma_wait3A_203 = arith.constant 0 : i32
    %dma_wait3A_204 = arith.constant 0 : i32
    %dma_wait3A_205 = tpu.memref_slice %arg13[%dma_wait3A_203, %dma_wait3A_204] : memref<80x128xf32, #tpu.memory_space<vmem>> -> memref<32x128xf32, #tpu.memory_space<vmem>>
    %dma_wait3A_206 = arith.constant 0 : i32
    %dma_wait3A_207 = arith.constant 0 : i32
    %dma_wait3A_208 = tpu.memref_slice %arg5[%dma_wait3A_206, %dma_wait3A_207] : memref<10000x128xf32, #tpu.memory_space<hbm>> -> memref<32x128xf32, #tpu.memory_space<hbm>>
    tpu.wait_dma2 semaphore(%arg17 : memref<!tpu.dma_semaphore, #tpu.memory_space<semaphore_mem>>) src(%dma_wait3A_208 : memref<32x128xf32, #tpu.memory_space<hbm>>) dst(%dma_wait3A_205 : memref<32x128xf32, #tpu.memory_space<vmem>>)
    %dma_wait3A_209 = arith.constant 0 : i32
    %dma_wait3A_210 = arith.constant 0 : i32
    %dma_wait3A_211 = tpu.memref_slice %arg15[%dma_wait3A_209, %dma_wait3A_210] : memref<80x128xf32, #tpu.memory_space<vmem>> -> memref<32x128xf32, #tpu.memory_space<vmem>>
    %dma_wait3A_212 = arith.constant 0 : i32
    %dma_wait3A_213 = arith.constant 0 : i32
    %dma_wait3A_214 = tpu.memref_slice %arg5[%dma_wait3A_212, %dma_wait3A_213] : memref<10000x128xf32, #tpu.memory_space<hbm>> -> memref<32x128xf32, #tpu.memory_space<hbm>>
    %dma_wait3A_215 = arith.constant 0 : i32
    %dma_wait3A_216 = arith.constant 0 : i32
    %dma_wait3A_217 = tpu.memref_slice %arg15[%dma_wait3A_215, %dma_wait3A_216] : memref<80x128xf32, #tpu.memory_space<vmem>> -> memref<32x128xf32, #tpu.memory_space<vmem>>
    %dma_wait3A_218 = arith.constant 0 : i32
    %dma_wait3A_219 = arith.constant 0 : i32
    %dma_wait3A_220 = tpu.memref_slice %arg5[%dma_wait3A_218, %dma_wait3A_219] : memref<10000x128xf32, #tpu.memory_space<hbm>> -> memref<32x128xf32, #tpu.memory_space<hbm>>
    tpu.wait_dma2 semaphore(%arg17 : memref<!tpu.dma_semaphore, #tpu.memory_space<semaphore_mem>>) src(%dma_wait3A_220 : memref<32x128xf32, #tpu.memory_space<hbm>>) dst(%dma_wait3A_217 : memref<32x128xf32, #tpu.memory_space<vmem>>)
    %dma_wait3A_221 = arith.constant 0 : i32
    %dma_wait3A_222 = arith.constant 0 : i32
    %dma_wait3A_223 = tpu.memref_slice %arg14[%dma_wait3A_221, %dma_wait3A_222] : memref<80x128xf32, #tpu.memory_space<vmem>> -> memref<32x128xf32, #tpu.memory_space<vmem>>
    %dma_wait3A_224 = arith.constant 0 : i32
    %dma_wait3A_225 = arith.constant 0 : i32
    %dma_wait3A_226 = tpu.memref_slice %arg5[%dma_wait3A_224, %dma_wait3A_225] : memref<10000x128xf32, #tpu.memory_space<hbm>> -> memref<32x128xf32, #tpu.memory_space<hbm>>
    %dma_wait3A_227 = arith.constant 0 : i32
    %dma_wait3A_228 = arith.constant 0 : i32
    %dma_wait3A_229 = tpu.memref_slice %arg14[%dma_wait3A_227, %dma_wait3A_228] : memref<80x128xf32, #tpu.memory_space<vmem>> -> memref<32x128xf32, #tpu.memory_space<vmem>>
    %dma_wait3A_230 = arith.constant 0 : i32
    %dma_wait3A_231 = arith.constant 0 : i32
    %dma_wait3A_232 = tpu.memref_slice %arg5[%dma_wait3A_230, %dma_wait3A_231] : memref<10000x128xf32, #tpu.memory_space<hbm>> -> memref<32x128xf32, #tpu.memory_space<hbm>>
    tpu.wait_dma2 semaphore(%arg17 : memref<!tpu.dma_semaphore, #tpu.memory_space<semaphore_mem>>) src(%dma_wait3A_232 : memref<32x128xf32, #tpu.memory_space<hbm>>) dst(%dma_wait3A_229 : memref<32x128xf32, #tpu.memory_space<vmem>>)
    %dma_wait3A_233 = arith.constant 1 : i32
    %dma_wait3A_234 = arith.constant 0 : i32
    %dma_wait3A_235 = tpu.memref_slice %arg10[%dma_wait3A_233, %dma_wait3A_234] : memref<2x80xi32, #tpu.memory_space<vmem>> -> memref<1x80xi32, #tpu.memory_space<vmem>>
    %dma_wait3A_236 = tpu.memref_squeeze %dma_wait3A_235 : memref<1x80xi32, #tpu.memory_space<vmem>> -> memref<80xi32, #tpu.memory_space<vmem>>
    %dma_wait3A_237 = arith.constant 0 : i32
    %dma_wait3A_238 = tpu.memref_slice %arg2[%dma_wait3A_237] : memref<320000xi32, #tpu.memory_space<hbm>> -> memref<80xi32, #tpu.memory_space<hbm>>
    %dma_wait3A_239 = arith.constant 0 : i32
    %dma_wait3A_240 = tpu.memref_slice %arg10[%dma_wait3A_233, %dma_wait3A_239] : memref<2x80xi32, #tpu.memory_space<vmem>> -> memref<1x80xi32, #tpu.memory_space<vmem>>
    %dma_wait3A_241 = tpu.memref_squeeze %dma_wait3A_240 : memref<1x80xi32, #tpu.memory_space<vmem>> -> memref<80xi32, #tpu.memory_space<vmem>>
    %dma_wait3A_242 = arith.constant 0 : i32
    %dma_wait3A_243 = tpu.memref_slice %arg2[%dma_wait3A_242] : memref<320000xi32, #tpu.memory_space<hbm>> -> memref<80xi32, #tpu.memory_space<hbm>>
    tpu.wait_dma2 semaphore(%arg19 : memref<!tpu.dma_semaphore, #tpu.memory_space<semaphore_mem>>) src(%dma_wait3A_243 : memref<80xi32, #tpu.memory_space<hbm>>) dst(%dma_wait3A_241 : memref<80xi32, #tpu.memory_space<vmem>>)
    %dma_wait3A_244 = arith.constant 1 : i32
    %dma_wait3A_245 = arith.constant 0 : i32
    %dma_wait3A_246 = tpu.memref_slice %arg10[%dma_wait3A_244, %dma_wait3A_245] : memref<2x80xi32, #tpu.memory_space<vmem>> -> memref<1x80xi32, #tpu.memory_space<vmem>>
    %dma_wait3A_247 = tpu.memref_squeeze %dma_wait3A_246 : memref<1x80xi32, #tpu.memory_space<vmem>> -> memref<80xi32, #tpu.memory_space<vmem>>
    %dma_wait3A_248 = arith.constant 0 : i32
    %dma_wait3A_249 = tpu.memref_slice %arg2[%dma_wait3A_248] : memref<320000xi32, #tpu.memory_space<hbm>> -> memref<80xi32, #tpu.memory_space<hbm>>
    %dma_wait3A_250 = arith.constant 0 : i32
    %dma_wait3A_251 = tpu.memref_slice %arg10[%dma_wait3A_244, %dma_wait3A_250] : memref<2x80xi32, #tpu.memory_space<vmem>> -> memref<1x80xi32, #tpu.memory_space<vmem>>
    %dma_wait3A_252 = tpu.memref_squeeze %dma_wait3A_251 : memref<1x80xi32, #tpu.memory_space<vmem>> -> memref<80xi32, #tpu.memory_space<vmem>>
    %dma_wait3A_253 = arith.constant 0 : i32
    %dma_wait3A_254 = tpu.memref_slice %arg2[%dma_wait3A_253] : memref<320000xi32, #tpu.memory_space<hbm>> -> memref<80xi32, #tpu.memory_space<hbm>>
    tpu.wait_dma2 semaphore(%arg19 : memref<!tpu.dma_semaphore, #tpu.memory_space<semaphore_mem>>) src(%dma_wait3A_254 : memref<80xi32, #tpu.memory_space<hbm>>) dst(%dma_wait3A_252 : memref<80xi32, #tpu.memory_space<vmem>>)
    %dma_wait3A_255 = arith.constant 1 : i32
    %dma_wait3A_256 = arith.constant 0 : i32
    %dma_wait3A_257 = tpu.memref_slice %arg10[%dma_wait3A_255, %dma_wait3A_256] : memref<2x80xi32, #tpu.memory_space<vmem>> -> memref<1x80xi32, #tpu.memory_space<vmem>>
    %dma_wait3A_258 = tpu.memref_squeeze %dma_wait3A_257 : memref<1x80xi32, #tpu.memory_space<vmem>> -> memref<80xi32, #tpu.memory_space<vmem>>
    %dma_wait3A_259 = arith.constant 0 : i32
    %dma_wait3A_260 = tpu.memref_slice %arg2[%dma_wait3A_259] : memref<320000xi32, #tpu.memory_space<hbm>> -> memref<80xi32, #tpu.memory_space<hbm>>
    %dma_wait3A_261 = arith.constant 0 : i32
    %dma_wait3A_262 = tpu.memref_slice %arg10[%dma_wait3A_255, %dma_wait3A_261] : memref<2x80xi32, #tpu.memory_space<vmem>> -> memref<1x80xi32, #tpu.memory_space<vmem>>
    %dma_wait3A_263 = tpu.memref_squeeze %dma_wait3A_262 : memref<1x80xi32, #tpu.memory_space<vmem>> -> memref<80xi32, #tpu.memory_space<vmem>>
    %dma_wait3A_264 = arith.constant 0 : i32
    %dma_wait3A_265 = tpu.memref_slice %arg2[%dma_wait3A_264] : memref<320000xi32, #tpu.memory_space<hbm>> -> memref<80xi32, #tpu.memory_space<hbm>>
    tpu.wait_dma2 semaphore(%arg19 : memref<!tpu.dma_semaphore, #tpu.memory_space<semaphore_mem>>) src(%dma_wait3A_265 : memref<80xi32, #tpu.memory_space<hbm>>) dst(%dma_wait3A_263 : memref<80xi32, #tpu.memory_space<vmem>>)
    %dma_start3A_266 = arith.constant 1 : i32
    %dma_start3A_267 = arith.constant 0 : i32
    %dma_start3A_268 = arith.constant 0 : i32
    %dma_start3A_269 = tpu.memref_slice %arg13[%dma_start3A_267, %dma_start3A_268] : memref<80x128xf32, #tpu.memory_space<vmem>> -> memref<48x128xf32, #tpu.memory_space<vmem>>
    %dma_start3A_270 = arith.constant 0 : i32
    %dma_start3A_271 = tpu.memref_slice %arg10[%dma_start3A_266, %dma_start3A_270] : memref<2x80xi32, #tpu.memory_space<vmem>> -> memref<1x48xi32, #tpu.memory_space<vmem>>
    %dma_start3A_272 = tpu.memref_squeeze %dma_start3A_271 : memref<1x48xi32, #tpu.memory_space<vmem>> -> memref<48xi32, #tpu.memory_space<vmem>>
    %dma_start3A_273 = arith.constant 0 : i32
    %dma_start3A_274 = arith.constant 0 : i32
    %dma_start3A_275 = tpu.memref_slice %arg8[%dma_start3A_273, %dma_start3A_274] : memref<10000x128xf32, #tpu.memory_space<vmem_shared>> -> memref<10000x128xf32, #tpu.memory_space<vmem_shared>>
    tpu.enqueue_indirect_dma source(%dma_start3A_275 : memref<10000x128xf32, #tpu.memory_space<vmem_shared>>) target(%dma_start3A_269 : memref<48x128xf32, #tpu.memory_space<vmem>>) offsets(%dma_start3A_272 : memref<48xi32, #tpu.memory_space<vmem>>) semaphore(%arg17 : memref<!tpu.dma_semaphore, #tpu.memory_space<semaphore_mem>>)
    %dma_start3A_276 = arith.constant 1 : i32
    %dma_start3A_277 = arith.constant 0 : i32
    %dma_start3A_278 = arith.constant 0 : i32
    %dma_start3A_279 = tpu.memref_slice %arg15[%dma_start3A_277, %dma_start3A_278] : memref<80x128xf32, #tpu.memory_space<vmem>> -> memref<48x128xf32, #tpu.memory_space<vmem>>
    %dma_start3A_280 = arith.constant 0 : i32
    %dma_start3A_281 = tpu.memref_slice %arg11[%dma_start3A_276, %dma_start3A_280] : memref<2x80xi32, #tpu.memory_space<vmem>> -> memref<1x48xi32, #tpu.memory_space<vmem>>
    %dma_start3A_282 = tpu.memref_squeeze %dma_start3A_281 : memref<1x48xi32, #tpu.memory_space<vmem>> -> memref<48xi32, #tpu.memory_space<vmem>>
    %dma_start3A_283 = arith.constant 0 : i32
    %dma_start3A_284 = arith.constant 0 : i32
    %dma_start3A_285 = tpu.memref_slice %arg8[%dma_start3A_283, %dma_start3A_284] : memref<10000x128xf32, #tpu.memory_space<vmem_shared>> -> memref<10000x128xf32, #tpu.memory_space<vmem_shared>>
    tpu.enqueue_indirect_dma source(%dma_start3A_285 : memref<10000x128xf32, #tpu.memory_space<vmem_shared>>) target(%dma_start3A_279 : memref<48x128xf32, #tpu.memory_space<vmem>>) offsets(%dma_start3A_282 : memref<48xi32, #tpu.memory_space<vmem>>) semaphore(%arg17 : memref<!tpu.dma_semaphore, #tpu.memory_space<semaphore_mem>>)
    %dma_start3A_286 = arith.constant 1 : i32
    %dma_start3A_287 = arith.constant 0 : i32
    %dma_start3A_288 = arith.constant 0 : i32
    %dma_start3A_289 = tpu.memref_slice %arg14[%dma_start3A_287, %dma_start3A_288] : memref<80x128xf32, #tpu.memory_space<vmem>> -> memref<48x128xf32, #tpu.memory_space<vmem>>
    %dma_start3A_290 = arith.constant 0 : i32
    %dma_start3A_291 = tpu.memref_slice %arg12[%dma_start3A_286, %dma_start3A_290] : memref<2x80xi32, #tpu.memory_space<vmem>> -> memref<1x48xi32, #tpu.memory_space<vmem>>
    %dma_start3A_292 = tpu.memref_squeeze %dma_start3A_291 : memref<1x48xi32, #tpu.memory_space<vmem>> -> memref<48xi32, #tpu.memory_space<vmem>>
    %dma_start3A_293 = arith.constant 0 : i32
    %dma_start3A_294 = arith.constant 0 : i32
    %dma_start3A_295 = tpu.memref_slice %arg9[%dma_start3A_293, %dma_start3A_294] : memref<1024x128xf32, #tpu.memory_space<vmem_shared>> -> memref<1024x128xf32, #tpu.memory_space<vmem_shared>>
    tpu.enqueue_indirect_dma source(%dma_start3A_295 : memref<1024x128xf32, #tpu.memory_space<vmem_shared>>) target(%dma_start3A_289 : memref<48x128xf32, #tpu.memory_space<vmem>>) offsets(%dma_start3A_292 : memref<48xi32, #tpu.memory_space<vmem>>) semaphore(%arg17 : memref<!tpu.dma_semaphore, #tpu.memory_space<semaphore_mem>>)
    %add3A_296 = arith.constant 160 : i32
    %add3A_297 = arith.addi %multiple_of3A, %add3A_296 : i32
    %multiple_of3A_298 = tpu.assume_multiple %add3A_297, 8 : i32
    %dma_start3A_299 = arith.constant 0 : i32
    %dma_start3A_300 = arith.constant 0 : i32
    %dma_start3A_301 = tpu.memref_slice %arg10[%dma_start3A_299, %dma_start3A_300] : memref<2x80xi32, #tpu.memory_space<vmem>> -> memref<1x80xi32, #tpu.memory_space<vmem>>
    %dma_start3A_302 = tpu.memref_squeeze %dma_start3A_301 : memref<1x80xi32, #tpu.memory_space<vmem>> -> memref<80xi32, #tpu.memory_space<vmem>>
    %dma_start3A_303 = tpu.memref_slice %arg2[%multiple_of3A_298] : memref<320000xi32, #tpu.memory_space<hbm>> -> memref<80xi32, #tpu.memory_space<hbm>>
    %dma_start3A_304 = arith.constant 0 : i32
    %dma_start3A_305 = tpu.memref_slice %arg10[%dma_start3A_299, %dma_start3A_304] : memref<2x80xi32, #tpu.memory_space<vmem>> -> memref<1x80xi32, #tpu.memory_space<vmem>>
    %dma_start3A_306 = tpu.memref_squeeze %dma_start3A_305 : memref<1x80xi32, #tpu.memory_space<vmem>> -> memref<80xi32, #tpu.memory_space<vmem>>
    %dma_start3A_307 = tpu.memref_slice %arg2[%multiple_of3A_298] : memref<320000xi32, #tpu.memory_space<hbm>> -> memref<80xi32, #tpu.memory_space<hbm>>
    tpu.enqueue_dma source(%dma_start3A_307 : memref<80xi32, #tpu.memory_space<hbm>>) target(%dma_start3A_306 : memref<80xi32, #tpu.memory_space<vmem>>) target_semaphore(%arg18 : memref<!tpu.dma_semaphore, #tpu.memory_space<semaphore_mem>>)
    %dma_start3A_308 = arith.constant 0 : i32
    %dma_start3A_309 = arith.constant 0 : i32
    %dma_start3A_310 = tpu.memref_slice %arg11[%dma_start3A_308, %dma_start3A_309] : memref<2x80xi32, #tpu.memory_space<vmem>> -> memref<1x80xi32, #tpu.memory_space<vmem>>
    %dma_start3A_311 = tpu.memref_squeeze %dma_start3A_310 : memref<1x80xi32, #tpu.memory_space<vmem>> -> memref<80xi32, #tpu.memory_space<vmem>>
    %dma_start3A_312 = tpu.memref_slice %arg3[%multiple_of3A_298] : memref<320000xi32, #tpu.memory_space<hbm>> -> memref<80xi32, #tpu.memory_space<hbm>>
    %dma_start3A_313 = arith.constant 0 : i32
    %dma_start3A_314 = tpu.memref_slice %arg11[%dma_start3A_308, %dma_start3A_313] : memref<2x80xi32, #tpu.memory_space<vmem>> -> memref<1x80xi32, #tpu.memory_space<vmem>>
    %dma_start3A_315 = tpu.memref_squeeze %dma_start3A_314 : memref<1x80xi32, #tpu.memory_space<vmem>> -> memref<80xi32, #tpu.memory_space<vmem>>
    %dma_start3A_316 = tpu.memref_slice %arg3[%multiple_of3A_298] : memref<320000xi32, #tpu.memory_space<hbm>> -> memref<80xi32, #tpu.memory_space<hbm>>
    tpu.enqueue_dma source(%dma_start3A_316 : memref<80xi32, #tpu.memory_space<hbm>>) target(%dma_start3A_315 : memref<80xi32, #tpu.memory_space<vmem>>) target_semaphore(%arg18 : memref<!tpu.dma_semaphore, #tpu.memory_space<semaphore_mem>>)
    %dma_start3A_317 = arith.constant 0 : i32
    %dma_start3A_318 = arith.constant 0 : i32
    %dma_start3A_319 = tpu.memref_slice %arg12[%dma_start3A_317, %dma_start3A_318] : memref<2x80xi32, #tpu.memory_space<vmem>> -> memref<1x80xi32, #tpu.memory_space<vmem>>
    %dma_start3A_320 = tpu.memref_squeeze %dma_start3A_319 : memref<1x80xi32, #tpu.memory_space<vmem>> -> memref<80xi32, #tpu.memory_space<vmem>>
    %dma_start3A_321 = tpu.memref_slice %arg4[%multiple_of3A_298] : memref<320000xi32, #tpu.memory_space<hbm>> -> memref<80xi32, #tpu.memory_space<hbm>>
    %dma_start3A_322 = arith.constant 0 : i32
    %dma_start3A_323 = tpu.memref_slice %arg12[%dma_start3A_317, %dma_start3A_322] : memref<2x80xi32, #tpu.memory_space<vmem>> -> memref<1x80xi32, #tpu.memory_space<vmem>>
    %dma_start3A_324 = tpu.memref_squeeze %dma_start3A_323 : memref<1x80xi32, #tpu.memory_space<vmem>> -> memref<80xi32, #tpu.memory_space<vmem>>
    %dma_start3A_325 = tpu.memref_slice %arg4[%multiple_of3A_298] : memref<320000xi32, #tpu.memory_space<hbm>> -> memref<80xi32, #tpu.memory_space<hbm>>
    tpu.enqueue_dma source(%dma_start3A_325 : memref<80xi32, #tpu.memory_space<hbm>>) target(%dma_start3A_324 : memref<80xi32, #tpu.memory_space<vmem>>) target_semaphore(%arg18 : memref<!tpu.dma_semaphore, #tpu.memory_space<semaphore_mem>>)
    %scan3A_326 = arith.constant 0 : i32
    %scan3A_327 = arith.constant 3 : i32
    %scan3A_328 = arith.constant 2 : i32
    %scan3A_329 = arith.addi %scan3A_327, %scan3A_328 : i32
    %scan3A_330 = arith.constant 1 : i32
    scf.for %scan3A_728 = %scan3A_327 to %scan3A_329 step %scan3A_330  : i32 {
      %broadcast_in_dim3A = arith.constant 0.000000e+00 : f32
      %broadcast_in_dim3A_729 = vector.broadcast %broadcast_in_dim3A : f32 to vector<16xf32>
      %scan3A_730 = arith.constant 0 : i32
      %scan3A_731 = arith.constant 16 : i32
      %scan3A_732 = arith.addi %scan3A_730, %scan3A_731 : i32
      %scan3A_733 = arith.constant 1 : i32
      %scan3A_734 = scf.for %scan3A_741 = %scan3A_730 to %scan3A_732 step %scan3A_733 iter_args(%scan3A_742 = %broadcast_in_dim3A_729) -> (vector<16xf32>)  : i32 {
        %mul3A_743 = arith.constant 16 : i32
        %mul3A_744 = arith.muli %scan3A_728, %mul3A_743 : i32
        %add3A_745 = arith.addi %mul3A_744, %scan3A_741 : i32
        %broadcast_in_dim3A_746 = arith.constant 0.000000e+00 : f32
        %broadcast_in_dim3A_747 = vector.broadcast %broadcast_in_dim3A_746 : f32 to vector<16xf32>
        %get3A = arith.index_cast %add3A_745 : i32 to index
        %get3A_748 = arith.constant 0 : index
        %get3A_749 = tpu.vector_load %arg13[%get3A, %get3A_748] {strides = array<i32>} : memref<80x128xf32, #tpu.memory_space<vmem>>, vector<16xf32>,
        %get3A_750 = arith.index_cast %add3A_745 : i32 to index
        %get3A_751 = arith.constant 0 : index
        %get3A_752 = tpu.vector_load %arg14[%get3A_750, %get3A_751] {strides = array<i32>} : memref<80x128xf32, #tpu.memory_space<vmem>>, vector<16xf32>,
        %mul3A_753 = arith.mulf %get3A_749, %get3A_752 : vector<16xf32>
        %get3A_754 = arith.index_cast %add3A_745 : i32 to index
        %get3A_755 = arith.constant 0 : index
        %get3A_756 = tpu.vector_load %arg15[%get3A_754, %get3A_755] {strides = array<i32>} : memref<80x128xf32, #tpu.memory_space<vmem>>, vector<16xf32>,
        %mul3A_757 = arith.mulf %mul3A_753, %get3A_756 : vector<16xf32>
        %add3A_758 = arith.addf %broadcast_in_dim3A_747, %mul3A_757 : vector<16xf32>
        %get3A_759 = arith.index_cast %add3A_745 : i32 to index
        %get3A_760 = arith.constant 16 : index
        %get3A_761 = tpu.vector_load %arg13[%get3A_759, %get3A_760] {strides = array<i32>} : memref<80x128xf32, #tpu.memory_space<vmem>>, vector<16xf32>,
        %get3A_762 = arith.index_cast %add3A_745 : i32 to index
        %get3A_763 = arith.constant 16 : index
        %get3A_764 = tpu.vector_load %arg14[%get3A_762, %get3A_763] {strides = array<i32>} : memref<80x128xf32, #tpu.memory_space<vmem>>, vector<16xf32>,
        %mul3A_765 = arith.mulf %get3A_761, %get3A_764 : vector<16xf32>
        %get3A_766 = arith.index_cast %add3A_745 : i32 to index
        %get3A_767 = arith.constant 16 : index
        %get3A_768 = tpu.vector_load %arg15[%get3A_766, %get3A_767] {strides = array<i32>} : memref<80x128xf32, #tpu.memory_space<vmem>>, vector<16xf32>,
        %mul3A_769 = arith.mulf %mul3A_765, %get3A_768 : vector<16xf32>
        %add3A_770 = arith.addf %add3A_758, %mul3A_769 : vector<16xf32>
        %get3A_771 = arith.index_cast %add3A_745 : i32 to index
        %get3A_772 = arith.constant 32 : index
        %get3A_773 = tpu.vector_load %arg13[%get3A_771, %get3A_772] {strides = array<i32>} : memref<80x128xf32, #tpu.memory_space<vmem>>, vector<16xf32>,
        %get3A_774 = arith.index_cast %add3A_745 : i32 to index
        %get3A_775 = arith.constant 32 : index
        %get3A_776 = tpu.vector_load %arg14[%get3A_774, %get3A_775] {strides = array<i32>} : memref<80x128xf32, #tpu.memory_space<vmem>>, vector<16xf32>,
        %mul3A_777 = arith.mulf %get3A_773, %get3A_776 : vector<16xf32>
        %get3A_778 = arith.index_cast %add3A_745 : i32 to index
        %get3A_779 = arith.constant 32 : index
        %get3A_780 = tpu.vector_load %arg15[%get3A_778, %get3A_779] {strides = array<i32>} : memref<80x128xf32, #tpu.memory_space<vmem>>, vector<16xf32>,
        %mul3A_781 = arith.mulf %mul3A_777, %get3A_780 : vector<16xf32>
        %add3A_782 = arith.addf %add3A_770, %mul3A_781 : vector<16xf32>
        %get3A_783 = arith.index_cast %add3A_745 : i32 to index
        %get3A_784 = arith.constant 48 : index
        %get3A_785 = tpu.vector_load %arg13[%get3A_783, %get3A_784] {strides = array<i32>} : memref<80x128xf32, #tpu.memory_space<vmem>>, vector<16xf32>,
        %get3A_786 = arith.index_cast %add3A_745 : i32 to index
        %get3A_787 = arith.constant 48 : index
        %get3A_788 = tpu.vector_load %arg14[%get3A_786, %get3A_787] {strides = array<i32>} : memref<80x128xf32, #tpu.memory_space<vmem>>, vector<16xf32>,
        %mul3A_789 = arith.mulf %get3A_785, %get3A_788 : vector<16xf32>
        %get3A_790 = arith.index_cast %add3A_745 : i32 to index
        %get3A_791 = arith.constant 48 : index
        %get3A_792 = tpu.vector_load %arg15[%get3A_790, %get3A_791] {strides = array<i32>} : memref<80x128xf32, #tpu.memory_space<vmem>>, vector<16xf32>,
        %mul3A_793 = arith.mulf %mul3A_789, %get3A_792 : vector<16xf32>
        %add3A_794 = arith.addf %add3A_782, %mul3A_793 : vector<16xf32>
        %get3A_795 = arith.index_cast %add3A_745 : i32 to index
        %get3A_796 = arith.constant 64 : index
        %get3A_797 = tpu.vector_load %arg13[%get3A_795, %get3A_796] {strides = array<i32>} : memref<80x128xf32, #tpu.memory_space<vmem>>, vector<16xf32>,
        %get3A_798 = arith.index_cast %add3A_745 : i32 to index
        %get3A_799 = arith.constant 64 : index
        %get3A_800 = tpu.vector_load %arg14[%get3A_798, %get3A_799] {strides = array<i32>} : memref<80x128xf32, #tpu.memory_space<vmem>>, vector<16xf32>,
        %mul3A_801 = arith.mulf %get3A_797, %get3A_800 : vector<16xf32>
        %get3A_802 = arith.index_cast %add3A_745 : i32 to index
        %get3A_803 = arith.constant 64 : index
        %get3A_804 = tpu.vector_load %arg15[%get3A_802, %get3A_803] {strides = array<i32>} : memref<80x128xf32, #tpu.memory_space<vmem>>, vector<16xf32>,
        %mul3A_805 = arith.mulf %mul3A_801, %get3A_804 : vector<16xf32>
        %add3A_806 = arith.addf %add3A_794, %mul3A_805 : vector<16xf32>
        %get3A_807 = arith.index_cast %add3A_745 : i32 to index
        %get3A_808 = arith.constant 80 : index
        %get3A_809 = tpu.vector_load %arg13[%get3A_807, %get3A_808] {strides = array<i32>} : memref<80x128xf32, #tpu.memory_space<vmem>>, vector<16xf32>,
        %get3A_810 = arith.index_cast %add3A_745 : i32 to index
        %get3A_811 = arith.constant 80 : index
        %get3A_812 = tpu.vector_load %arg14[%get3A_810, %get3A_811] {strides = array<i32>} : memref<80x128xf32, #tpu.memory_space<vmem>>, vector<16xf32>,
        %mul3A_813 = arith.mulf %get3A_809, %get3A_812 : vector<16xf32>
        %get3A_814 = arith.index_cast %add3A_745 : i32 to index
        %get3A_815 = arith.constant 80 : index
        %get3A_816 = tpu.vector_load %arg15[%get3A_814, %get3A_815] {strides = array<i32>} : memref<80x128xf32, #tpu.memory_space<vmem>>, vector<16xf32>,
        %mul3A_817 = arith.mulf %mul3A_813, %get3A_816 : vector<16xf32>
        %add3A_818 = arith.addf %add3A_806, %mul3A_817 : vector<16xf32>
        %get3A_819 = arith.index_cast %add3A_745 : i32 to index
        %get3A_820 = arith.constant 96 : index
        %get3A_821 = tpu.vector_load %arg13[%get3A_819, %get3A_820] {strides = array<i32>} : memref<80x128xf32, #tpu.memory_space<vmem>>, vector<16xf32>,
        %get3A_822 = arith.index_cast %add3A_745 : i32 to index
        %get3A_823 = arith.constant 96 : index
        %get3A_824 = tpu.vector_load %arg14[%get3A_822, %get3A_823] {strides = array<i32>} : memref<80x128xf32, #tpu.memory_space<vmem>>, vector<16xf32>,
        %mul3A_825 = arith.mulf %get3A_821, %get3A_824 : vector<16xf32>
        %get3A_826 = arith.index_cast %add3A_745 : i32 to index
        %get3A_827 = arith.constant 96 : index
        %get3A_828 = tpu.vector_load %arg15[%get3A_826, %get3A_827] {strides = array<i32>} : memref<80x128xf32, #tpu.memory_space<vmem>>, vector<16xf32>,
        %mul3A_829 = arith.mulf %mul3A_825, %get3A_828 : vector<16xf32>
        %add3A_830 = arith.addf %add3A_818, %mul3A_829 : vector<16xf32>
        %get3A_831 = arith.index_cast %add3A_745 : i32 to index
        %get3A_832 = arith.constant 112 : index
        %get3A_833 = tpu.vector_load %arg13[%get3A_831, %get3A_832] {strides = array<i32>} : memref<80x128xf32, #tpu.memory_space<vmem>>, vector<16xf32>,
        %get3A_834 = arith.index_cast %add3A_745 : i32 to index
        %get3A_835 = arith.constant 112 : index
        %get3A_836 = tpu.vector_load %arg14[%get3A_834, %get3A_835] {strides = array<i32>} : memref<80x128xf32, #tpu.memory_space<vmem>>, vector<16xf32>,
        %mul3A_837 = arith.mulf %get3A_833, %get3A_836 : vector<16xf32>
        %get3A_838 = arith.index_cast %add3A_745 : i32 to index
        %get3A_839 = arith.constant 112 : index
        %get3A_840 = tpu.vector_load %arg15[%get3A_838, %get3A_839] {strides = array<i32>} : memref<80x128xf32, #tpu.memory_space<vmem>>, vector<16xf32>,
        %mul3A_841 = arith.mulf %mul3A_837, %get3A_840 : vector<16xf32>
        %add3A_842 = arith.addf %add3A_830, %mul3A_841 : vector<16xf32>
        %eq3A_843 = vector.broadcast %scan3A_741 : i32 to vector<16xi32>
        %eq3A_844 = arith.cmpi eq, %iota3A, %eq3A_843 : vector<16xi32>
        %reduce_sum3A = arith.constant true
        %reduce_sum3A_845 = vector.broadcast %reduce_sum3A : i1 to vector<16xi1>
        %reduce_sum3A_846 = tpu.scan <sum>, %add3A_842 masked %reduce_sum3A_845 : vector<16xf32>, vector<16xi1> -> vector<16xf32>
        %reduce_sum3A_847 = vector.extract %reduce_sum3A_846[15] : f32 from vector<16xf32>
        %broadcast_in_dim3A_848 = vector.broadcast %reduce_sum3A_847 : f32 to vector<16xf32>
        %select_n3A = arith.select %eq3A_844, %broadcast_in_dim3A_848, %scan3A_742 : vector<16xi1>, vector<16xf32>
        scf.yield %select_n3A : vector<16xf32>
      }
      %scan3A_735 = arith.constant 16 : i32
      %mul3A_736 = arith.constant 16 : i32
      %mul3A_737 = arith.muli %scan3A_728, %mul3A_736 : i32
      %swap3A = arith.constant 0 : i32
      %swap3A_738 = arith.index_cast %swap3A : i32 to index
      %swap3A_739 = arith.index_cast %mul3A_737 : i32 to index
      %swap3A_740 = tpu.vector_load %arg16[%swap3A_738, %swap3A_739] {strides = array<i32>} : memref<2x80xf32, #tpu.memory_space<vmem>>, vector<16xf32>,
      tpu.vector_store %arg16[%swap3A_738, %swap3A_739], %scan3A_734 {strides = array<i32>} : memref<2x80xf32, #tpu.memory_space<vmem>>, vector<16xf32>,
    }
    %scan3A_331 = arith.constant 2 : i32
    %add3A_332 = arith.constant 0 : i32
    %add3A_333 = arith.addi %multiple_of3A, %add3A_332 : i32
    %multiple_of3A_334 = tpu.assume_multiple %add3A_333, 8 : i32
    %dma_start3A_335 = arith.constant 0 : i32
    %dma_start3A_336 = arith.constant 0 : i32
    %dma_start3A_337 = tpu.memref_slice %arg16[%dma_start3A_335, %dma_start3A_336] : memref<2x80xf32, #tpu.memory_space<vmem>> -> memref<1x80xf32, #tpu.memory_space<vmem>>
    %dma_start3A_338 = tpu.memref_squeeze %dma_start3A_337 : memref<1x80xf32, #tpu.memory_space<vmem>> -> memref<80xf32, #tpu.memory_space<vmem>>
    %dma_start3A_339 = tpu.memref_slice %arg7[%multiple_of3A_334] : memref<320000xf32, #tpu.memory_space<hbm>> -> memref<80xf32, #tpu.memory_space<hbm>>
    %dma_start3A_340 = tpu.memref_slice %arg7[%multiple_of3A_334] : memref<320000xf32, #tpu.memory_space<hbm>> -> memref<80xf32, #tpu.memory_space<hbm>>
    %dma_start3A_341 = arith.constant 0 : i32
    %dma_start3A_342 = tpu.memref_slice %arg16[%dma_start3A_335, %dma_start3A_341] : memref<2x80xf32, #tpu.memory_space<vmem>> -> memref<1x80xf32, #tpu.memory_space<vmem>>
    %dma_start3A_343 = tpu.memref_squeeze %dma_start3A_342 : memref<1x80xf32, #tpu.memory_space<vmem>> -> memref<80xf32, #tpu.memory_space<vmem>>
    tpu.enqueue_dma source(%dma_start3A_343 : memref<80xf32, #tpu.memory_space<vmem>>) target(%dma_start3A_340 : memref<80xf32, #tpu.memory_space<hbm>>) target_semaphore(%arg20 : memref<!tpu.dma_semaphore, #tpu.memory_space<semaphore_mem>>)
    %dma_wait3A_344 = arith.constant 0 : i32
    %dma_wait3A_345 = arith.constant 0 : i32
    %dma_wait3A_346 = tpu.memref_slice %arg13[%dma_wait3A_344, %dma_wait3A_345] : memref<80x128xf32, #tpu.memory_space<vmem>> -> memref<48x128xf32, #tpu.memory_space<vmem>>
    %dma_wait3A_347 = arith.constant 0 : i32
    %dma_wait3A_348 = arith.constant 0 : i32
    %dma_wait3A_349 = tpu.memref_slice %arg5[%dma_wait3A_347, %dma_wait3A_348] : memref<10000x128xf32, #tpu.memory_space<hbm>> -> memref<48x128xf32, #tpu.memory_space<hbm>>
    %dma_wait3A_350 = arith.constant 0 : i32
    %dma_wait3A_351 = arith.constant 0 : i32
    %dma_wait3A_352 = tpu.memref_slice %arg13[%dma_wait3A_350, %dma_wait3A_351] : memref<80x128xf32, #tpu.memory_space<vmem>> -> memref<48x128xf32, #tpu.memory_space<vmem>>
    %dma_wait3A_353 = arith.constant 0 : i32
    %dma_wait3A_354 = arith.constant 0 : i32
    %dma_wait3A_355 = tpu.memref_slice %arg5[%dma_wait3A_353, %dma_wait3A_354] : memref<10000x128xf32, #tpu.memory_space<hbm>> -> memref<48x128xf32, #tpu.memory_space<hbm>>
    tpu.wait_dma2 semaphore(%arg17 : memref<!tpu.dma_semaphore, #tpu.memory_space<semaphore_mem>>) src(%dma_wait3A_355 : memref<48x128xf32, #tpu.memory_space<hbm>>) dst(%dma_wait3A_352 : memref<48x128xf32, #tpu.memory_space<vmem>>)
    %dma_wait3A_356 = arith.constant 0 : i32
    %dma_wait3A_357 = arith.constant 0 : i32
    %dma_wait3A_358 = tpu.memref_slice %arg15[%dma_wait3A_356, %dma_wait3A_357] : memref<80x128xf32, #tpu.memory_space<vmem>> -> memref<48x128xf32, #tpu.memory_space<vmem>>
    %dma_wait3A_359 = arith.constant 0 : i32
    %dma_wait3A_360 = arith.constant 0 : i32
    %dma_wait3A_361 = tpu.memref_slice %arg5[%dma_wait3A_359, %dma_wait3A_360] : memref<10000x128xf32, #tpu.memory_space<hbm>> -> memref<48x128xf32, #tpu.memory_space<hbm>>
    %dma_wait3A_362 = arith.constant 0 : i32
    %dma_wait3A_363 = arith.constant 0 : i32
    %dma_wait3A_364 = tpu.memref_slice %arg15[%dma_wait3A_362, %dma_wait3A_363] : memref<80x128xf32, #tpu.memory_space<vmem>> -> memref<48x128xf32, #tpu.memory_space<vmem>>
    %dma_wait3A_365 = arith.constant 0 : i32
    %dma_wait3A_366 = arith.constant 0 : i32
    %dma_wait3A_367 = tpu.memref_slice %arg5[%dma_wait3A_365, %dma_wait3A_366] : memref<10000x128xf32, #tpu.memory_space<hbm>> -> memref<48x128xf32, #tpu.memory_space<hbm>>
    tpu.wait_dma2 semaphore(%arg17 : memref<!tpu.dma_semaphore, #tpu.memory_space<semaphore_mem>>) src(%dma_wait3A_367 : memref<48x128xf32, #tpu.memory_space<hbm>>) dst(%dma_wait3A_364 : memref<48x128xf32, #tpu.memory_space<vmem>>)
    %dma_wait3A_368 = arith.constant 0 : i32
    %dma_wait3A_369 = arith.constant 0 : i32
    %dma_wait3A_370 = tpu.memref_slice %arg14[%dma_wait3A_368, %dma_wait3A_369] : memref<80x128xf32, #tpu.memory_space<vmem>> -> memref<48x128xf32, #tpu.memory_space<vmem>>
    %dma_wait3A_371 = arith.constant 0 : i32
    %dma_wait3A_372 = arith.constant 0 : i32
    %dma_wait3A_373 = tpu.memref_slice %arg5[%dma_wait3A_371, %dma_wait3A_372] : memref<10000x128xf32, #tpu.memory_space<hbm>> -> memref<48x128xf32, #tpu.memory_space<hbm>>
    %dma_wait3A_374 = arith.constant 0 : i32
    %dma_wait3A_375 = arith.constant 0 : i32
    %dma_wait3A_376 = tpu.memref_slice %arg14[%dma_wait3A_374, %dma_wait3A_375] : memref<80x128xf32, #tpu.memory_space<vmem>> -> memref<48x128xf32, #tpu.memory_space<vmem>>
    %dma_wait3A_377 = arith.constant 0 : i32
    %dma_wait3A_378 = arith.constant 0 : i32
    %dma_wait3A_379 = tpu.memref_slice %arg5[%dma_wait3A_377, %dma_wait3A_378] : memref<10000x128xf32, #tpu.memory_space<hbm>> -> memref<48x128xf32, #tpu.memory_space<hbm>>
    tpu.wait_dma2 semaphore(%arg17 : memref<!tpu.dma_semaphore, #tpu.memory_space<semaphore_mem>>) src(%dma_wait3A_379 : memref<48x128xf32, #tpu.memory_space<hbm>>) dst(%dma_wait3A_376 : memref<48x128xf32, #tpu.memory_space<vmem>>)
    %dma_start3A_380 = arith.constant 1 : i32
    %dma_start3A_381 = arith.constant 48 : i32
    %dma_start3A_382 = arith.constant 0 : i32
    %dma_start3A_383 = tpu.memref_slice %arg13[%dma_start3A_381, %dma_start3A_382] : memref<80x128xf32, #tpu.memory_space<vmem>> -> memref<32x128xf32, #tpu.memory_space<vmem>>
    %dma_start3A_384 = arith.constant 48 : i32
    %dma_start3A_385 = tpu.memref_slice %arg10[%dma_start3A_380, %dma_start3A_384] : memref<2x80xi32, #tpu.memory_space<vmem>> -> memref<1x32xi32, #tpu.memory_space<vmem>>
    %dma_start3A_386 = tpu.memref_squeeze %dma_start3A_385 : memref<1x32xi32, #tpu.memory_space<vmem>> -> memref<32xi32, #tpu.memory_space<vmem>>
    %dma_start3A_387 = arith.constant 0 : i32
    %dma_start3A_388 = arith.constant 0 : i32
    %dma_start3A_389 = tpu.memref_slice %arg8[%dma_start3A_387, %dma_start3A_388] : memref<10000x128xf32, #tpu.memory_space<vmem_shared>> -> memref<10000x128xf32, #tpu.memory_space<vmem_shared>>
    tpu.enqueue_indirect_dma source(%dma_start3A_389 : memref<10000x128xf32, #tpu.memory_space<vmem_shared>>) target(%dma_start3A_383 : memref<32x128xf32, #tpu.memory_space<vmem>>) offsets(%dma_start3A_386 : memref<32xi32, #tpu.memory_space<vmem>>) semaphore(%arg17 : memref<!tpu.dma_semaphore, #tpu.memory_space<semaphore_mem>>)
    %dma_start3A_390 = arith.constant 1 : i32
    %dma_start3A_391 = arith.constant 48 : i32
    %dma_start3A_392 = arith.constant 0 : i32
    %dma_start3A_393 = tpu.memref_slice %arg15[%dma_start3A_391, %dma_start3A_392] : memref<80x128xf32, #tpu.memory_space<vmem>> -> memref<32x128xf32, #tpu.memory_space<vmem>>
    %dma_start3A_394 = arith.constant 48 : i32
    %dma_start3A_395 = tpu.memref_slice %arg11[%dma_start3A_390, %dma_start3A_394] : memref<2x80xi32, #tpu.memory_space<vmem>> -> memref<1x32xi32, #tpu.memory_space<vmem>>
    %dma_start3A_396 = tpu.memref_squeeze %dma_start3A_395 : memref<1x32xi32, #tpu.memory_space<vmem>> -> memref<32xi32, #tpu.memory_space<vmem>>
    %dma_start3A_397 = arith.constant 0 : i32
    %dma_start3A_398 = arith.constant 0 : i32
    %dma_start3A_399 = tpu.memref_slice %arg8[%dma_start3A_397, %dma_start3A_398] : memref<10000x128xf32, #tpu.memory_space<vmem_shared>> -> memref<10000x128xf32, #tpu.memory_space<vmem_shared>>
    tpu.enqueue_indirect_dma source(%dma_start3A_399 : memref<10000x128xf32, #tpu.memory_space<vmem_shared>>) target(%dma_start3A_393 : memref<32x128xf32, #tpu.memory_space<vmem>>) offsets(%dma_start3A_396 : memref<32xi32, #tpu.memory_space<vmem>>) semaphore(%arg17 : memref<!tpu.dma_semaphore, #tpu.memory_space<semaphore_mem>>)
    %dma_start3A_400 = arith.constant 1 : i32
    %dma_start3A_401 = arith.constant 48 : i32
    %dma_start3A_402 = arith.constant 0 : i32
    %dma_start3A_403 = tpu.memref_slice %arg14[%dma_start3A_401, %dma_start3A_402] : memref<80x128xf32, #tpu.memory_space<vmem>> -> memref<32x128xf32, #tpu.memory_space<vmem>>
    %dma_start3A_404 = arith.constant 48 : i32
    %dma_start3A_405 = tpu.memref_slice %arg12[%dma_start3A_400, %dma_start3A_404] : memref<2x80xi32, #tpu.memory_space<vmem>> -> memref<1x32xi32, #tpu.memory_space<vmem>>
    %dma_start3A_406 = tpu.memref_squeeze %dma_start3A_405 : memref<1x32xi32, #tpu.memory_space<vmem>> -> memref<32xi32, #tpu.memory_space<vmem>>
    %dma_start3A_407 = arith.constant 0 : i32
    %dma_start3A_408 = arith.constant 0 : i32
    %dma_start3A_409 = tpu.memref_slice %arg9[%dma_start3A_407, %dma_start3A_408] : memref<1024x128xf32, #tpu.memory_space<vmem_shared>> -> memref<1024x128xf32, #tpu.memory_space<vmem_shared>>
    tpu.enqueue_indirect_dma source(%dma_start3A_409 : memref<1024x128xf32, #tpu.memory_space<vmem_shared>>) target(%dma_start3A_403 : memref<32x128xf32, #tpu.memory_space<vmem>>) offsets(%dma_start3A_406 : memref<32xi32, #tpu.memory_space<vmem>>) semaphore(%arg17 : memref<!tpu.dma_semaphore, #tpu.memory_space<semaphore_mem>>)
    %scan3A_410 = arith.constant 0 : i32
    %scan3A_411 = arith.constant 0 : i32
    %scan3A_412 = arith.constant 3 : i32
    %scan3A_413 = arith.addi %scan3A_411, %scan3A_412 : i32
    %scan3A_414 = arith.constant 1 : i32
    scf.for %scan3A_728 = %scan3A_411 to %scan3A_413 step %scan3A_414  : i32 {
      %broadcast_in_dim3A = arith.constant 0.000000e+00 : f32
      %broadcast_in_dim3A_729 = vector.broadcast %broadcast_in_dim3A : f32 to vector<16xf32>
      %scan3A_730 = arith.constant 0 : i32
      %scan3A_731 = arith.constant 16 : i32
      %scan3A_732 = arith.addi %scan3A_730, %scan3A_731 : i32
      %scan3A_733 = arith.constant 1 : i32
      %scan3A_734 = scf.for %scan3A_741 = %scan3A_730 to %scan3A_732 step %scan3A_733 iter_args(%scan3A_742 = %broadcast_in_dim3A_729) -> (vector<16xf32>)  : i32 {
        %mul3A_743 = arith.constant 16 : i32
        %mul3A_744 = arith.muli %scan3A_728, %mul3A_743 : i32
        %add3A_745 = arith.addi %mul3A_744, %scan3A_741 : i32
        %broadcast_in_dim3A_746 = arith.constant 0.000000e+00 : f32
        %broadcast_in_dim3A_747 = vector.broadcast %broadcast_in_dim3A_746 : f32 to vector<16xf32>
        %get3A = arith.index_cast %add3A_745 : i32 to index
        %get3A_748 = arith.constant 0 : index
        %get3A_749 = tpu.vector_load %arg13[%get3A, %get3A_748] {strides = array<i32>} : memref<80x128xf32, #tpu.memory_space<vmem>>, vector<16xf32>,
        %get3A_750 = arith.index_cast %add3A_745 : i32 to index
        %get3A_751 = arith.constant 0 : index
        %get3A_752 = tpu.vector_load %arg14[%get3A_750, %get3A_751] {strides = array<i32>} : memref<80x128xf32, #tpu.memory_space<vmem>>, vector<16xf32>,
        %mul3A_753 = arith.mulf %get3A_749, %get3A_752 : vector<16xf32>
        %get3A_754 = arith.index_cast %add3A_745 : i32 to index
        %get3A_755 = arith.constant 0 : index
        %get3A_756 = tpu.vector_load %arg15[%get3A_754, %get3A_755] {strides = array<i32>} : memref<80x128xf32, #tpu.memory_space<vmem>>, vector<16xf32>,
        %mul3A_757 = arith.mulf %mul3A_753, %get3A_756 : vector<16xf32>
        %add3A_758 = arith.addf %broadcast_in_dim3A_747, %mul3A_757 : vector<16xf32>
        %get3A_759 = arith.index_cast %add3A_745 : i32 to index
        %get3A_760 = arith.constant 16 : index
        %get3A_761 = tpu.vector_load %arg13[%get3A_759, %get3A_760] {strides = array<i32>} : memref<80x128xf32, #tpu.memory_space<vmem>>, vector<16xf32>,
        %get3A_762 = arith.index_cast %add3A_745 : i32 to index
        %get3A_763 = arith.constant 16 : index
        %get3A_764 = tpu.vector_load %arg14[%get3A_762, %get3A_763] {strides = array<i32>} : memref<80x128xf32, #tpu.memory_space<vmem>>, vector<16xf32>,
        %mul3A_765 = arith.mulf %get3A_761, %get3A_764 : vector<16xf32>
        %get3A_766 = arith.index_cast %add3A_745 : i32 to index
        %get3A_767 = arith.constant 16 : index
        %get3A_768 = tpu.vector_load %arg15[%get3A_766, %get3A_767] {strides = array<i32>} : memref<80x128xf32, #tpu.memory_space<vmem>>, vector<16xf32>,
        %mul3A_769 = arith.mulf %mul3A_765, %get3A_768 : vector<16xf32>
        %add3A_770 = arith.addf %add3A_758, %mul3A_769 : vector<16xf32>
        %get3A_771 = arith.index_cast %add3A_745 : i32 to index
        %get3A_772 = arith.constant 32 : index
        %get3A_773 = tpu.vector_load %arg13[%get3A_771, %get3A_772] {strides = array<i32>} : memref<80x128xf32, #tpu.memory_space<vmem>>, vector<16xf32>,
        %get3A_774 = arith.index_cast %add3A_745 : i32 to index
        %get3A_775 = arith.constant 32 : index
        %get3A_776 = tpu.vector_load %arg14[%get3A_774, %get3A_775] {strides = array<i32>} : memref<80x128xf32, #tpu.memory_space<vmem>>, vector<16xf32>,
        %mul3A_777 = arith.mulf %get3A_773, %get3A_776 : vector<16xf32>
        %get3A_778 = arith.index_cast %add3A_745 : i32 to index
        %get3A_779 = arith.constant 32 : index
        %get3A_780 = tpu.vector_load %arg15[%get3A_778, %get3A_779] {strides = array<i32>} : memref<80x128xf32, #tpu.memory_space<vmem>>, vector<16xf32>,
        %mul3A_781 = arith.mulf %mul3A_777, %get3A_780 : vector<16xf32>
        %add3A_782 = arith.addf %add3A_770, %mul3A_781 : vector<16xf32>
        %get3A_783 = arith.index_cast %add3A_745 : i32 to index
        %get3A_784 = arith.constant 48 : index
        %get3A_785 = tpu.vector_load %arg13[%get3A_783, %get3A_784] {strides = array<i32>} : memref<80x128xf32, #tpu.memory_space<vmem>>, vector<16xf32>,
        %get3A_786 = arith.index_cast %add3A_745 : i32 to index
        %get3A_787 = arith.constant 48 : index
        %get3A_788 = tpu.vector_load %arg14[%get3A_786, %get3A_787] {strides = array<i32>} : memref<80x128xf32, #tpu.memory_space<vmem>>, vector<16xf32>,
        %mul3A_789 = arith.mulf %get3A_785, %get3A_788 : vector<16xf32>
        %get3A_790 = arith.index_cast %add3A_745 : i32 to index
        %get3A_791 = arith.constant 48 : index
        %get3A_792 = tpu.vector_load %arg15[%get3A_790, %get3A_791] {strides = array<i32>} : memref<80x128xf32, #tpu.memory_space<vmem>>, vector<16xf32>,
        %mul3A_793 = arith.mulf %mul3A_789, %get3A_792 : vector<16xf32>
        %add3A_794 = arith.addf %add3A_782, %mul3A_793 : vector<16xf32>
        %get3A_795 = arith.index_cast %add3A_745 : i32 to index
        %get3A_796 = arith.constant 64 : index
        %get3A_797 = tpu.vector_load %arg13[%get3A_795, %get3A_796] {strides = array<i32>} : memref<80x128xf32, #tpu.memory_space<vmem>>, vector<16xf32>,
        %get3A_798 = arith.index_cast %add3A_745 : i32 to index
        %get3A_799 = arith.constant 64 : index
        %get3A_800 = tpu.vector_load %arg14[%get3A_798, %get3A_799] {strides = array<i32>} : memref<80x128xf32, #tpu.memory_space<vmem>>, vector<16xf32>,
        %mul3A_801 = arith.mulf %get3A_797, %get3A_800 : vector<16xf32>
        %get3A_802 = arith.index_cast %add3A_745 : i32 to index
        %get3A_803 = arith.constant 64 : index
        %get3A_804 = tpu.vector_load %arg15[%get3A_802, %get3A_803] {strides = array<i32>} : memref<80x128xf32, #tpu.memory_space<vmem>>, vector<16xf32>,
        %mul3A_805 = arith.mulf %mul3A_801, %get3A_804 : vector<16xf32>
        %add3A_806 = arith.addf %add3A_794, %mul3A_805 : vector<16xf32>
        %get3A_807 = arith.index_cast %add3A_745 : i32 to index
        %get3A_808 = arith.constant 80 : index
        %get3A_809 = tpu.vector_load %arg13[%get3A_807, %get3A_808] {strides = array<i32>} : memref<80x128xf32, #tpu.memory_space<vmem>>, vector<16xf32>,
        %get3A_810 = arith.index_cast %add3A_745 : i32 to index
        %get3A_811 = arith.constant 80 : index
        %get3A_812 = tpu.vector_load %arg14[%get3A_810, %get3A_811] {strides = array<i32>} : memref<80x128xf32, #tpu.memory_space<vmem>>, vector<16xf32>,
        %mul3A_813 = arith.mulf %get3A_809, %get3A_812 : vector<16xf32>
        %get3A_814 = arith.index_cast %add3A_745 : i32 to index
        %get3A_815 = arith.constant 80 : index
        %get3A_816 = tpu.vector_load %arg15[%get3A_814, %get3A_815] {strides = array<i32>} : memref<80x128xf32, #tpu.memory_space<vmem>>, vector<16xf32>,
        %mul3A_817 = arith.mulf %mul3A_813, %get3A_816 : vector<16xf32>
        %add3A_818 = arith.addf %add3A_806, %mul3A_817 : vector<16xf32>
        %get3A_819 = arith.index_cast %add3A_745 : i32 to index
        %get3A_820 = arith.constant 96 : index
        %get3A_821 = tpu.vector_load %arg13[%get3A_819, %get3A_820] {strides = array<i32>} : memref<80x128xf32, #tpu.memory_space<vmem>>, vector<16xf32>,
        %get3A_822 = arith.index_cast %add3A_745 : i32 to index
        %get3A_823 = arith.constant 96 : index
        %get3A_824 = tpu.vector_load %arg14[%get3A_822, %get3A_823] {strides = array<i32>} : memref<80x128xf32, #tpu.memory_space<vmem>>, vector<16xf32>,
        %mul3A_825 = arith.mulf %get3A_821, %get3A_824 : vector<16xf32>
        %get3A_826 = arith.index_cast %add3A_745 : i32 to index
        %get3A_827 = arith.constant 96 : index
        %get3A_828 = tpu.vector_load %arg15[%get3A_826, %get3A_827] {strides = array<i32>} : memref<80x128xf32, #tpu.memory_space<vmem>>, vector<16xf32>,
        %mul3A_829 = arith.mulf %mul3A_825, %get3A_828 : vector<16xf32>
        %add3A_830 = arith.addf %add3A_818, %mul3A_829 : vector<16xf32>
        %get3A_831 = arith.index_cast %add3A_745 : i32 to index
        %get3A_832 = arith.constant 112 : index
        %get3A_833 = tpu.vector_load %arg13[%get3A_831, %get3A_832] {strides = array<i32>} : memref<80x128xf32, #tpu.memory_space<vmem>>, vector<16xf32>,
        %get3A_834 = arith.index_cast %add3A_745 : i32 to index
        %get3A_835 = arith.constant 112 : index
        %get3A_836 = tpu.vector_load %arg14[%get3A_834, %get3A_835] {strides = array<i32>} : memref<80x128xf32, #tpu.memory_space<vmem>>, vector<16xf32>,
        %mul3A_837 = arith.mulf %get3A_833, %get3A_836 : vector<16xf32>
        %get3A_838 = arith.index_cast %add3A_745 : i32 to index
        %get3A_839 = arith.constant 112 : index
        %get3A_840 = tpu.vector_load %arg15[%get3A_838, %get3A_839] {strides = array<i32>} : memref<80x128xf32, #tpu.memory_space<vmem>>, vector<16xf32>,
        %mul3A_841 = arith.mulf %mul3A_837, %get3A_840 : vector<16xf32>
        %add3A_842 = arith.addf %add3A_830, %mul3A_841 : vector<16xf32>
        %eq3A_843 = vector.broadcast %scan3A_741 : i32 to vector<16xi32>
        %eq3A_844 = arith.cmpi eq, %iota3A, %eq3A_843 : vector<16xi32>
        %reduce_sum3A = arith.constant true
        %reduce_sum3A_845 = vector.broadcast %reduce_sum3A : i1 to vector<16xi1>
        %reduce_sum3A_846 = tpu.scan <sum>, %add3A_842 masked %reduce_sum3A_845 : vector<16xf32>, vector<16xi1> -> vector<16xf32>
        %reduce_sum3A_847 = vector.extract %reduce_sum3A_846[15] : f32 from vector<16xf32>
        %broadcast_in_dim3A_848 = vector.broadcast %reduce_sum3A_847 : f32 to vector<16xf32>
        %select_n3A = arith.select %eq3A_844, %broadcast_in_dim3A_848, %scan3A_742 : vector<16xi1>, vector<16xf32>
        scf.yield %select_n3A : vector<16xf32>
      }
      %scan3A_735 = arith.constant 16 : i32
      %mul3A_736 = arith.constant 16 : i32
      %mul3A_737 = arith.muli %scan3A_728, %mul3A_736 : i32
      %swap3A = arith.constant 1 : i32
      %swap3A_738 = arith.index_cast %swap3A : i32 to index
      %swap3A_739 = arith.index_cast %mul3A_737 : i32 to index
      %swap3A_740 = tpu.vector_load %arg16[%swap3A_738, %swap3A_739] {strides = array<i32>} : memref<2x80xf32, #tpu.memory_space<vmem>>, vector<16xf32>,
      tpu.vector_store %arg16[%swap3A_738, %swap3A_739], %scan3A_734 {strides = array<i32>} : memref<2x80xf32, #tpu.memory_space<vmem>>, vector<16xf32>,
    }
    %scan3A_415 = arith.constant 3 : i32
    %dma_wait3A_416 = arith.constant 0 : i32
    %dma_wait3A_417 = arith.constant 0 : i32
    %dma_wait3A_418 = tpu.memref_slice %arg13[%dma_wait3A_416, %dma_wait3A_417] : memref<80x128xf32, #tpu.memory_space<vmem>> -> memref<32x128xf32, #tpu.memory_space<vmem>>
    %dma_wait3A_419 = arith.constant 0 : i32
    %dma_wait3A_420 = arith.constant 0 : i32
    %dma_wait3A_421 = tpu.memref_slice %arg5[%dma_wait3A_419, %dma_wait3A_420] : memref<10000x128xf32, #tpu.memory_space<hbm>> -> memref<32x128xf32, #tpu.memory_space<hbm>>
    %dma_wait3A_422 = arith.constant 0 : i32
    %dma_wait3A_423 = arith.constant 0 : i32
    %dma_wait3A_424 = tpu.memref_slice %arg13[%dma_wait3A_422, %dma_wait3A_423] : memref<80x128xf32, #tpu.memory_space<vmem>> -> memref<32x128xf32, #tpu.memory_space<vmem>>
    %dma_wait3A_425 = arith.constant 0 : i32
    %dma_wait3A_426 = arith.constant 0 : i32
    %dma_wait3A_427 = tpu.memref_slice %arg5[%dma_wait3A_425, %dma_wait3A_426] : memref<10000x128xf32, #tpu.memory_space<hbm>> -> memref<32x128xf32, #tpu.memory_space<hbm>>
    tpu.wait_dma2 semaphore(%arg17 : memref<!tpu.dma_semaphore, #tpu.memory_space<semaphore_mem>>) src(%dma_wait3A_427 : memref<32x128xf32, #tpu.memory_space<hbm>>) dst(%dma_wait3A_424 : memref<32x128xf32, #tpu.memory_space<vmem>>)
    %dma_wait3A_428 = arith.constant 0 : i32
    %dma_wait3A_429 = arith.constant 0 : i32
    %dma_wait3A_430 = tpu.memref_slice %arg15[%dma_wait3A_428, %dma_wait3A_429] : memref<80x128xf32, #tpu.memory_space<vmem>> -> memref<32x128xf32, #tpu.memory_space<vmem>>
    %dma_wait3A_431 = arith.constant 0 : i32
    %dma_wait3A_432 = arith.constant 0 : i32
    %dma_wait3A_433 = tpu.memref_slice %arg5[%dma_wait3A_431, %dma_wait3A_432] : memref<10000x128xf32, #tpu.memory_space<hbm>> -> memref<32x128xf32, #tpu.memory_space<hbm>>
    %dma_wait3A_434 = arith.constant 0 : i32
    %dma_wait3A_435 = arith.constant 0 : i32
    %dma_wait3A_436 = tpu.memref_slice %arg15[%dma_wait3A_434, %dma_wait3A_435] : memref<80x128xf32, #tpu.memory_space<vmem>> -> memref<32x128xf32, #tpu.memory_space<vmem>>
    %dma_wait3A_437 = arith.constant 0 : i32
    %dma_wait3A_438 = arith.constant 0 : i32
    %dma_wait3A_439 = tpu.memref_slice %arg5[%dma_wait3A_437, %dma_wait3A_438] : memref<10000x128xf32, #tpu.memory_space<hbm>> -> memref<32x128xf32, #tpu.memory_space<hbm>>
    tpu.wait_dma2 semaphore(%arg17 : memref<!tpu.dma_semaphore, #tpu.memory_space<semaphore_mem>>) src(%dma_wait3A_439 : memref<32x128xf32, #tpu.memory_space<hbm>>) dst(%dma_wait3A_436 : memref<32x128xf32, #tpu.memory_space<vmem>>)
    %dma_wait3A_440 = arith.constant 0 : i32
    %dma_wait3A_441 = arith.constant 0 : i32
    %dma_wait3A_442 = tpu.memref_slice %arg14[%dma_wait3A_440, %dma_wait3A_441] : memref<80x128xf32, #tpu.memory_space<vmem>> -> memref<32x128xf32, #tpu.memory_space<vmem>>
    %dma_wait3A_443 = arith.constant 0 : i32
    %dma_wait3A_444 = arith.constant 0 : i32
    %dma_wait3A_445 = tpu.memref_slice %arg5[%dma_wait3A_443, %dma_wait3A_444] : memref<10000x128xf32, #tpu.memory_space<hbm>> -> memref<32x128xf32, #tpu.memory_space<hbm>>
    %dma_wait3A_446 = arith.constant 0 : i32
    %dma_wait3A_447 = arith.constant 0 : i32
    %dma_wait3A_448 = tpu.memref_slice %arg14[%dma_wait3A_446, %dma_wait3A_447] : memref<80x128xf32, #tpu.memory_space<vmem>> -> memref<32x128xf32, #tpu.memory_space<vmem>>
    %dma_wait3A_449 = arith.constant 0 : i32
    %dma_wait3A_450 = arith.constant 0 : i32
    %dma_wait3A_451 = tpu.memref_slice %arg5[%dma_wait3A_449, %dma_wait3A_450] : memref<10000x128xf32, #tpu.memory_space<hbm>> -> memref<32x128xf32, #tpu.memory_space<hbm>>
    tpu.wait_dma2 semaphore(%arg17 : memref<!tpu.dma_semaphore, #tpu.memory_space<semaphore_mem>>) src(%dma_wait3A_451 : memref<32x128xf32, #tpu.memory_space<hbm>>) dst(%dma_wait3A_448 : memref<32x128xf32, #tpu.memory_space<vmem>>)
    %dma_wait3A_452 = arith.constant 0 : i32
    %dma_wait3A_453 = arith.constant 0 : i32
    %dma_wait3A_454 = tpu.memref_slice %arg10[%dma_wait3A_452, %dma_wait3A_453] : memref<2x80xi32, #tpu.memory_space<vmem>> -> memref<1x80xi32, #tpu.memory_space<vmem>>
    %dma_wait3A_455 = tpu.memref_squeeze %dma_wait3A_454 : memref<1x80xi32, #tpu.memory_space<vmem>> -> memref<80xi32, #tpu.memory_space<vmem>>
    %dma_wait3A_456 = arith.constant 0 : i32
    %dma_wait3A_457 = tpu.memref_slice %arg2[%dma_wait3A_456] : memref<320000xi32, #tpu.memory_space<hbm>> -> memref<80xi32, #tpu.memory_space<hbm>>
    %dma_wait3A_458 = arith.constant 0 : i32
    %dma_wait3A_459 = tpu.memref_slice %arg10[%dma_wait3A_452, %dma_wait3A_458] : memref<2x80xi32, #tpu.memory_space<vmem>> -> memref<1x80xi32, #tpu.memory_space<vmem>>
    %dma_wait3A_460 = tpu.memref_squeeze %dma_wait3A_459 : memref<1x80xi32, #tpu.memory_space<vmem>> -> memref<80xi32, #tpu.memory_space<vmem>>
    %dma_wait3A_461 = arith.constant 0 : i32
    %dma_wait3A_462 = tpu.memref_slice %arg2[%dma_wait3A_461] : memref<320000xi32, #tpu.memory_space<hbm>> -> memref<80xi32, #tpu.memory_space<hbm>>
    tpu.wait_dma2 semaphore(%arg18 : memref<!tpu.dma_semaphore, #tpu.memory_space<semaphore_mem>>) src(%dma_wait3A_462 : memref<80xi32, #tpu.memory_space<hbm>>) dst(%dma_wait3A_460 : memref<80xi32, #tpu.memory_space<vmem>>)
    %dma_wait3A_463 = arith.constant 0 : i32
    %dma_wait3A_464 = arith.constant 0 : i32
    %dma_wait3A_465 = tpu.memref_slice %arg10[%dma_wait3A_463, %dma_wait3A_464] : memref<2x80xi32, #tpu.memory_space<vmem>> -> memref<1x80xi32, #tpu.memory_space<vmem>>
    %dma_wait3A_466 = tpu.memref_squeeze %dma_wait3A_465 : memref<1x80xi32, #tpu.memory_space<vmem>> -> memref<80xi32, #tpu.memory_space<vmem>>
    %dma_wait3A_467 = arith.constant 0 : i32
    %dma_wait3A_468 = tpu.memref_slice %arg2[%dma_wait3A_467] : memref<320000xi32, #tpu.memory_space<hbm>> -> memref<80xi32, #tpu.memory_space<hbm>>
    %dma_wait3A_469 = arith.constant 0 : i32
    %dma_wait3A_470 = tpu.memref_slice %arg10[%dma_wait3A_463, %dma_wait3A_469] : memref<2x80xi32, #tpu.memory_space<vmem>> -> memref<1x80xi32, #tpu.memory_space<vmem>>
    %dma_wait3A_471 = tpu.memref_squeeze %dma_wait3A_470 : memref<1x80xi32, #tpu.memory_space<vmem>> -> memref<80xi32, #tpu.memory_space<vmem>>
    %dma_wait3A_472 = arith.constant 0 : i32
    %dma_wait3A_473 = tpu.memref_slice %arg2[%dma_wait3A_472] : memref<320000xi32, #tpu.memory_space<hbm>> -> memref<80xi32, #tpu.memory_space<hbm>>
    tpu.wait_dma2 semaphore(%arg18 : memref<!tpu.dma_semaphore, #tpu.memory_space<semaphore_mem>>) src(%dma_wait3A_473 : memref<80xi32, #tpu.memory_space<hbm>>) dst(%dma_wait3A_471 : memref<80xi32, #tpu.memory_space<vmem>>)
    %dma_wait3A_474 = arith.constant 0 : i32
    %dma_wait3A_475 = arith.constant 0 : i32
    %dma_wait3A_476 = tpu.memref_slice %arg10[%dma_wait3A_474, %dma_wait3A_475] : memref<2x80xi32, #tpu.memory_space<vmem>> -> memref<1x80xi32, #tpu.memory_space<vmem>>
    %dma_wait3A_477 = tpu.memref_squeeze %dma_wait3A_476 : memref<1x80xi32, #tpu.memory_space<vmem>> -> memref<80xi32, #tpu.memory_space<vmem>>
    %dma_wait3A_478 = arith.constant 0 : i32
    %dma_wait3A_479 = tpu.memref_slice %arg2[%dma_wait3A_478] : memref<320000xi32, #tpu.memory_space<hbm>> -> memref<80xi32, #tpu.memory_space<hbm>>
    %dma_wait3A_480 = arith.constant 0 : i32
    %dma_wait3A_481 = tpu.memref_slice %arg10[%dma_wait3A_474, %dma_wait3A_480] : memref<2x80xi32, #tpu.memory_space<vmem>> -> memref<1x80xi32, #tpu.memory_space<vmem>>
    %dma_wait3A_482 = tpu.memref_squeeze %dma_wait3A_481 : memref<1x80xi32, #tpu.memory_space<vmem>> -> memref<80xi32, #tpu.memory_space<vmem>>
    %dma_wait3A_483 = arith.constant 0 : i32
    %dma_wait3A_484 = tpu.memref_slice %arg2[%dma_wait3A_483] : memref<320000xi32, #tpu.memory_space<hbm>> -> memref<80xi32, #tpu.memory_space<hbm>>
    tpu.wait_dma2 semaphore(%arg18 : memref<!tpu.dma_semaphore, #tpu.memory_space<semaphore_mem>>) src(%dma_wait3A_484 : memref<80xi32, #tpu.memory_space<hbm>>) dst(%dma_wait3A_482 : memref<80xi32, #tpu.memory_space<vmem>>)
    %dma_start3A_485 = arith.constant 0 : i32
    %dma_start3A_486 = arith.constant 0 : i32
    %dma_start3A_487 = arith.constant 0 : i32
    %dma_start3A_488 = tpu.memref_slice %arg13[%dma_start3A_486, %dma_start3A_487] : memref<80x128xf32, #tpu.memory_space<vmem>> -> memref<48x128xf32, #tpu.memory_space<vmem>>
    %dma_start3A_489 = arith.constant 0 : i32
    %dma_start3A_490 = tpu.memref_slice %arg10[%dma_start3A_485, %dma_start3A_489] : memref<2x80xi32, #tpu.memory_space<vmem>> -> memref<1x48xi32, #tpu.memory_space<vmem>>
    %dma_start3A_491 = tpu.memref_squeeze %dma_start3A_490 : memref<1x48xi32, #tpu.memory_space<vmem>> -> memref<48xi32, #tpu.memory_space<vmem>>
    %dma_start3A_492 = arith.constant 0 : i32
    %dma_start3A_493 = arith.constant 0 : i32
    %dma_start3A_494 = tpu.memref_slice %arg8[%dma_start3A_492, %dma_start3A_493] : memref<10000x128xf32, #tpu.memory_space<vmem_shared>> -> memref<10000x128xf32, #tpu.memory_space<vmem_shared>>
    tpu.enqueue_indirect_dma source(%dma_start3A_494 : memref<10000x128xf32, #tpu.memory_space<vmem_shared>>) target(%dma_start3A_488 : memref<48x128xf32, #tpu.memory_space<vmem>>) offsets(%dma_start3A_491 : memref<48xi32, #tpu.memory_space<vmem>>) semaphore(%arg17 : memref<!tpu.dma_semaphore, #tpu.memory_space<semaphore_mem>>)
    %dma_start3A_495 = arith.constant 0 : i32
    %dma_start3A_496 = arith.constant 0 : i32
    %dma_start3A_497 = arith.constant 0 : i32
    %dma_start3A_498 = tpu.memref_slice %arg15[%dma_start3A_496, %dma_start3A_497] : memref<80x128xf32, #tpu.memory_space<vmem>> -> memref<48x128xf32, #tpu.memory_space<vmem>>
    %dma_start3A_499 = arith.constant 0 : i32
    %dma_start3A_500 = tpu.memref_slice %arg11[%dma_start3A_495, %dma_start3A_499] : memref<2x80xi32, #tpu.memory_space<vmem>> -> memref<1x48xi32, #tpu.memory_space<vmem>>
    %dma_start3A_501 = tpu.memref_squeeze %dma_start3A_500 : memref<1x48xi32, #tpu.memory_space<vmem>> -> memref<48xi32, #tpu.memory_space<vmem>>
    %dma_start3A_502 = arith.constant 0 : i32
    %dma_start3A_503 = arith.constant 0 : i32
    %dma_start3A_504 = tpu.memref_slice %arg8[%dma_start3A_502, %dma_start3A_503] : memref<10000x128xf32, #tpu.memory_space<vmem_shared>> -> memref<10000x128xf32, #tpu.memory_space<vmem_shared>>
    tpu.enqueue_indirect_dma source(%dma_start3A_504 : memref<10000x128xf32, #tpu.memory_space<vmem_shared>>) target(%dma_start3A_498 : memref<48x128xf32, #tpu.memory_space<vmem>>) offsets(%dma_start3A_501 : memref<48xi32, #tpu.memory_space<vmem>>) semaphore(%arg17 : memref<!tpu.dma_semaphore, #tpu.memory_space<semaphore_mem>>)
    %dma_start3A_505 = arith.constant 0 : i32
    %dma_start3A_506 = arith.constant 0 : i32
    %dma_start3A_507 = arith.constant 0 : i32
    %dma_start3A_508 = tpu.memref_slice %arg14[%dma_start3A_506, %dma_start3A_507] : memref<80x128xf32, #tpu.memory_space<vmem>> -> memref<48x128xf32, #tpu.memory_space<vmem>>
    %dma_start3A_509 = arith.constant 0 : i32
    %dma_start3A_510 = tpu.memref_slice %arg12[%dma_start3A_505, %dma_start3A_509] : memref<2x80xi32, #tpu.memory_space<vmem>> -> memref<1x48xi32, #tpu.memory_space<vmem>>
    %dma_start3A_511 = tpu.memref_squeeze %dma_start3A_510 : memref<1x48xi32, #tpu.memory_space<vmem>> -> memref<48xi32, #tpu.memory_space<vmem>>
    %dma_start3A_512 = arith.constant 0 : i32
    %dma_start3A_513 = arith.constant 0 : i32
    %dma_start3A_514 = tpu.memref_slice %arg9[%dma_start3A_512, %dma_start3A_513] : memref<1024x128xf32, #tpu.memory_space<vmem_shared>> -> memref<1024x128xf32, #tpu.memory_space<vmem_shared>>
    tpu.enqueue_indirect_dma source(%dma_start3A_514 : memref<1024x128xf32, #tpu.memory_space<vmem_shared>>) target(%dma_start3A_508 : memref<48x128xf32, #tpu.memory_space<vmem>>) offsets(%dma_start3A_511 : memref<48xi32, #tpu.memory_space<vmem>>) semaphore(%arg17 : memref<!tpu.dma_semaphore, #tpu.memory_space<semaphore_mem>>)
    %add3A_515 = arith.constant 240 : i32
    %add3A_516 = arith.addi %multiple_of3A, %add3A_515 : i32
    %multiple_of3A_517 = tpu.assume_multiple %add3A_516, 8 : i32
    %dma_start3A_518 = arith.constant 1 : i32
    %dma_start3A_519 = arith.constant 0 : i32
    %dma_start3A_520 = tpu.memref_slice %arg10[%dma_start3A_518, %dma_start3A_519] : memref<2x80xi32, #tpu.memory_space<vmem>> -> memref<1x80xi32, #tpu.memory_space<vmem>>
    %dma_start3A_521 = tpu.memref_squeeze %dma_start3A_520 : memref<1x80xi32, #tpu.memory_space<vmem>> -> memref<80xi32, #tpu.memory_space<vmem>>
    %dma_start3A_522 = tpu.memref_slice %arg2[%multiple_of3A_517] : memref<320000xi32, #tpu.memory_space<hbm>> -> memref<80xi32, #tpu.memory_space<hbm>>
    %dma_start3A_523 = arith.constant 0 : i32
    %dma_start3A_524 = tpu.memref_slice %arg10[%dma_start3A_518, %dma_start3A_523] : memref<2x80xi32, #tpu.memory_space<vmem>> -> memref<1x80xi32, #tpu.memory_space<vmem>>
    %dma_start3A_525 = tpu.memref_squeeze %dma_start3A_524 : memref<1x80xi32, #tpu.memory_space<vmem>> -> memref<80xi32, #tpu.memory_space<vmem>>
    %dma_start3A_526 = tpu.memref_slice %arg2[%multiple_of3A_517] : memref<320000xi32, #tpu.memory_space<hbm>> -> memref<80xi32, #tpu.memory_space<hbm>>
    tpu.enqueue_dma source(%dma_start3A_526 : memref<80xi32, #tpu.memory_space<hbm>>) target(%dma_start3A_525 : memref<80xi32, #tpu.memory_space<vmem>>) target_semaphore(%arg19 : memref<!tpu.dma_semaphore, #tpu.memory_space<semaphore_mem>>)
    %dma_start3A_527 = arith.constant 1 : i32
    %dma_start3A_528 = arith.constant 0 : i32
    %dma_start3A_529 = tpu.memref_slice %arg11[%dma_start3A_527, %dma_start3A_528] : memref<2x80xi32, #tpu.memory_space<vmem>> -> memref<1x80xi32, #tpu.memory_space<vmem>>
    %dma_start3A_530 = tpu.memref_squeeze %dma_start3A_529 : memref<1x80xi32, #tpu.memory_space<vmem>> -> memref<80xi32, #tpu.memory_space<vmem>>
    %dma_start3A_531 = tpu.memref_slice %arg3[%multiple_of3A_517] : memref<320000xi32, #tpu.memory_space<hbm>> -> memref<80xi32, #tpu.memory_space<hbm>>
    %dma_start3A_532 = arith.constant 0 : i32
    %dma_start3A_533 = tpu.memref_slice %arg11[%dma_start3A_527, %dma_start3A_532] : memref<2x80xi32, #tpu.memory_space<vmem>> -> memref<1x80xi32, #tpu.memory_space<vmem>>
    %dma_start3A_534 = tpu.memref_squeeze %dma_start3A_533 : memref<1x80xi32, #tpu.memory_space<vmem>> -> memref<80xi32, #tpu.memory_space<vmem>>
    %dma_start3A_535 = tpu.memref_slice %arg3[%multiple_of3A_517] : memref<320000xi32, #tpu.memory_space<hbm>> -> memref<80xi32, #tpu.memory_space<hbm>>
    tpu.enqueue_dma source(%dma_start3A_535 : memref<80xi32, #tpu.memory_space<hbm>>) target(%dma_start3A_534 : memref<80xi32, #tpu.memory_space<vmem>>) target_semaphore(%arg19 : memref<!tpu.dma_semaphore, #tpu.memory_space<semaphore_mem>>)
    %dma_start3A_536 = arith.constant 1 : i32
    %dma_start3A_537 = arith.constant 0 : i32
    %dma_start3A_538 = tpu.memref_slice %arg12[%dma_start3A_536, %dma_start3A_537] : memref<2x80xi32, #tpu.memory_space<vmem>> -> memref<1x80xi32, #tpu.memory_space<vmem>>
    %dma_start3A_539 = tpu.memref_squeeze %dma_start3A_538 : memref<1x80xi32, #tpu.memory_space<vmem>> -> memref<80xi32, #tpu.memory_space<vmem>>
    %dma_start3A_540 = tpu.memref_slice %arg4[%multiple_of3A_517] : memref<320000xi32, #tpu.memory_space<hbm>> -> memref<80xi32, #tpu.memory_space<hbm>>
    %dma_start3A_541 = arith.constant 0 : i32
    %dma_start3A_542 = tpu.memref_slice %arg12[%dma_start3A_536, %dma_start3A_541] : memref<2x80xi32, #tpu.memory_space<vmem>> -> memref<1x80xi32, #tpu.memory_space<vmem>>
    %dma_start3A_543 = tpu.memref_squeeze %dma_start3A_542 : memref<1x80xi32, #tpu.memory_space<vmem>> -> memref<80xi32, #tpu.memory_space<vmem>>
    %dma_start3A_544 = tpu.memref_slice %arg4[%multiple_of3A_517] : memref<320000xi32, #tpu.memory_space<hbm>> -> memref<80xi32, #tpu.memory_space<hbm>>
    tpu.enqueue_dma source(%dma_start3A_544 : memref<80xi32, #tpu.memory_space<hbm>>) target(%dma_start3A_543 : memref<80xi32, #tpu.memory_space<vmem>>) target_semaphore(%arg19 : memref<!tpu.dma_semaphore, #tpu.memory_space<semaphore_mem>>)
    %scan3A_545 = arith.constant 0 : i32
    %scan3A_546 = arith.constant 3 : i32
    %scan3A_547 = arith.constant 2 : i32
    %scan3A_548 = arith.addi %scan3A_546, %scan3A_547 : i32
    %scan3A_549 = arith.constant 1 : i32
    scf.for %scan3A_728 = %scan3A_546 to %scan3A_548 step %scan3A_549  : i32 {
      %broadcast_in_dim3A = arith.constant 0.000000e+00 : f32
      %broadcast_in_dim3A_729 = vector.broadcast %broadcast_in_dim3A : f32 to vector<16xf32>
      %scan3A_730 = arith.constant 0 : i32
      %scan3A_731 = arith.constant 16 : i32
      %scan3A_732 = arith.addi %scan3A_730, %scan3A_731 : i32
      %scan3A_733 = arith.constant 1 : i32
      %scan3A_734 = scf.for %scan3A_741 = %scan3A_730 to %scan3A_732 step %scan3A_733 iter_args(%scan3A_742 = %broadcast_in_dim3A_729) -> (vector<16xf32>)  : i32 {
        %mul3A_743 = arith.constant 16 : i32
        %mul3A_744 = arith.muli %scan3A_728, %mul3A_743 : i32
        %add3A_745 = arith.addi %mul3A_744, %scan3A_741 : i32
        %broadcast_in_dim3A_746 = arith.constant 0.000000e+00 : f32
        %broadcast_in_dim3A_747 = vector.broadcast %broadcast_in_dim3A_746 : f32 to vector<16xf32>
        %get3A = arith.index_cast %add3A_745 : i32 to index
        %get3A_748 = arith.constant 0 : index
        %get3A_749 = tpu.vector_load %arg13[%get3A, %get3A_748] {strides = array<i32>} : memref<80x128xf32, #tpu.memory_space<vmem>>, vector<16xf32>,
        %get3A_750 = arith.index_cast %add3A_745 : i32 to index
        %get3A_751 = arith.constant 0 : index
        %get3A_752 = tpu.vector_load %arg14[%get3A_750, %get3A_751] {strides = array<i32>} : memref<80x128xf32, #tpu.memory_space<vmem>>, vector<16xf32>,
        %mul3A_753 = arith.mulf %get3A_749, %get3A_752 : vector<16xf32>
        %get3A_754 = arith.index_cast %add3A_745 : i32 to index
        %get3A_755 = arith.constant 0 : index
        %get3A_756 = tpu.vector_load %arg15[%get3A_754, %get3A_755] {strides = array<i32>} : memref<80x128xf32, #tpu.memory_space<vmem>>, vector<16xf32>,
        %mul3A_757 = arith.mulf %mul3A_753, %get3A_756 : vector<16xf32>
        %add3A_758 = arith.addf %broadcast_in_dim3A_747, %mul3A_757 : vector<16xf32>
        %get3A_759 = arith.index_cast %add3A_745 : i32 to index
        %get3A_760 = arith.constant 16 : index
        %get3A_761 = tpu.vector_load %arg13[%get3A_759, %get3A_760] {strides = array<i32>} : memref<80x128xf32, #tpu.memory_space<vmem>>, vector<16xf32>,
        %get3A_762 = arith.index_cast %add3A_745 : i32 to index
        %get3A_763 = arith.constant 16 : index
        %get3A_764 = tpu.vector_load %arg14[%get3A_762, %get3A_763] {strides = array<i32>} : memref<80x128xf32, #tpu.memory_space<vmem>>, vector<16xf32>,
        %mul3A_765 = arith.mulf %get3A_761, %get3A_764 : vector<16xf32>
        %get3A_766 = arith.index_cast %add3A_745 : i32 to index
        %get3A_767 = arith.constant 16 : index
        %get3A_768 = tpu.vector_load %arg15[%get3A_766, %get3A_767] {strides = array<i32>} : memref<80x128xf32, #tpu.memory_space<vmem>>, vector<16xf32>,
        %mul3A_769 = arith.mulf %mul3A_765, %get3A_768 : vector<16xf32>
        %add3A_770 = arith.addf %add3A_758, %mul3A_769 : vector<16xf32>
        %get3A_771 = arith.index_cast %add3A_745 : i32 to index
        %get3A_772 = arith.constant 32 : index
        %get3A_773 = tpu.vector_load %arg13[%get3A_771, %get3A_772] {strides = array<i32>} : memref<80x128xf32, #tpu.memory_space<vmem>>, vector<16xf32>,
        %get3A_774 = arith.index_cast %add3A_745 : i32 to index
        %get3A_775 = arith.constant 32 : index
        %get3A_776 = tpu.vector_load %arg14[%get3A_774, %get3A_775] {strides = array<i32>} : memref<80x128xf32, #tpu.memory_space<vmem>>, vector<16xf32>,
        %mul3A_777 = arith.mulf %get3A_773, %get3A_776 : vector<16xf32>
        %get3A_778 = arith.index_cast %add3A_745 : i32 to index
        %get3A_779 = arith.constant 32 : index
        %get3A_780 = tpu.vector_load %arg15[%get3A_778, %get3A_779] {strides = array<i32>} : memref<80x128xf32, #tpu.memory_space<vmem>>, vector<16xf32>,
        %mul3A_781 = arith.mulf %mul3A_777, %get3A_780 : vector<16xf32>
        %add3A_782 = arith.addf %add3A_770, %mul3A_781 : vector<16xf32>
        %get3A_783 = arith.index_cast %add3A_745 : i32 to index
        %get3A_784 = arith.constant 48 : index
        %get3A_785 = tpu.vector_load %arg13[%get3A_783, %get3A_784] {strides = array<i32>} : memref<80x128xf32, #tpu.memory_space<vmem>>, vector<16xf32>,
        %get3A_786 = arith.index_cast %add3A_745 : i32 to index
        %get3A_787 = arith.constant 48 : index
        %get3A_788 = tpu.vector_load %arg14[%get3A_786, %get3A_787] {strides = array<i32>} : memref<80x128xf32, #tpu.memory_space<vmem>>, vector<16xf32>,
        %mul3A_789 = arith.mulf %get3A_785, %get3A_788 : vector<16xf32>
        %get3A_790 = arith.index_cast %add3A_745 : i32 to index
        %get3A_791 = arith.constant 48 : index
        %get3A_792 = tpu.vector_load %arg15[%get3A_790, %get3A_791] {strides = array<i32>} : memref<80x128xf32, #tpu.memory_space<vmem>>, vector<16xf32>,
        %mul3A_793 = arith.mulf %mul3A_789, %get3A_792 : vector<16xf32>
        %add3A_794 = arith.addf %add3A_782, %mul3A_793 : vector<16xf32>
        %get3A_795 = arith.index_cast %add3A_745 : i32 to index
        %get3A_796 = arith.constant 64 : index
        %get3A_797 = tpu.vector_load %arg13[%get3A_795, %get3A_796] {strides = array<i32>} : memref<80x128xf32, #tpu.memory_space<vmem>>, vector<16xf32>,
        %get3A_798 = arith.index_cast %add3A_745 : i32 to index
        %get3A_799 = arith.constant 64 : index
        %get3A_800 = tpu.vector_load %arg14[%get3A_798, %get3A_799] {strides = array<i32>} : memref<80x128xf32, #tpu.memory_space<vmem>>, vector<16xf32>,
        %mul3A_801 = arith.mulf %get3A_797, %get3A_800 : vector<16xf32>
        %get3A_802 = arith.index_cast %add3A_745 : i32 to index
        %get3A_803 = arith.constant 64 : index
        %get3A_804 = tpu.vector_load %arg15[%get3A_802, %get3A_803] {strides = array<i32>} : memref<80x128xf32, #tpu.memory_space<vmem>>, vector<16xf32>,
        %mul3A_805 = arith.mulf %mul3A_801, %get3A_804 : vector<16xf32>
        %add3A_806 = arith.addf %add3A_794, %mul3A_805 : vector<16xf32>
        %get3A_807 = arith.index_cast %add3A_745 : i32 to index
        %get3A_808 = arith.constant 80 : index
        %get3A_809 = tpu.vector_load %arg13[%get3A_807, %get3A_808] {strides = array<i32>} : memref<80x128xf32, #tpu.memory_space<vmem>>, vector<16xf32>,
        %get3A_810 = arith.index_cast %add3A_745 : i32 to index
        %get3A_811 = arith.constant 80 : index
        %get3A_812 = tpu.vector_load %arg14[%get3A_810, %get3A_811] {strides = array<i32>} : memref<80x128xf32, #tpu.memory_space<vmem>>, vector<16xf32>,
        %mul3A_813 = arith.mulf %get3A_809, %get3A_812 : vector<16xf32>
        %get3A_814 = arith.index_cast %add3A_745 : i32 to index
        %get3A_815 = arith.constant 80 : index
        %get3A_816 = tpu.vector_load %arg15[%get3A_814, %get3A_815] {strides = array<i32>} : memref<80x128xf32, #tpu.memory_space<vmem>>, vector<16xf32>,
        %mul3A_817 = arith.mulf %mul3A_813, %get3A_816 : vector<16xf32>
        %add3A_818 = arith.addf %add3A_806, %mul3A_817 : vector<16xf32>
        %get3A_819 = arith.index_cast %add3A_745 : i32 to index
        %get3A_820 = arith.constant 96 : index
        %get3A_821 = tpu.vector_load %arg13[%get3A_819, %get3A_820] {strides = array<i32>} : memref<80x128xf32, #tpu.memory_space<vmem>>, vector<16xf32>,
        %get3A_822 = arith.index_cast %add3A_745 : i32 to index
        %get3A_823 = arith.constant 96 : index
        %get3A_824 = tpu.vector_load %arg14[%get3A_822, %get3A_823] {strides = array<i32>} : memref<80x128xf32, #tpu.memory_space<vmem>>, vector<16xf32>,
        %mul3A_825 = arith.mulf %get3A_821, %get3A_824 : vector<16xf32>
        %get3A_826 = arith.index_cast %add3A_745 : i32 to index
        %get3A_827 = arith.constant 96 : index
        %get3A_828 = tpu.vector_load %arg15[%get3A_826, %get3A_827] {strides = array<i32>} : memref<80x128xf32, #tpu.memory_space<vmem>>, vector<16xf32>,
        %mul3A_829 = arith.mulf %mul3A_825, %get3A_828 : vector<16xf32>
        %add3A_830 = arith.addf %add3A_818, %mul3A_829 : vector<16xf32>
        %get3A_831 = arith.index_cast %add3A_745 : i32 to index
        %get3A_832 = arith.constant 112 : index
        %get3A_833 = tpu.vector_load %arg13[%get3A_831, %get3A_832] {strides = array<i32>} : memref<80x128xf32, #tpu.memory_space<vmem>>, vector<16xf32>,
        %get3A_834 = arith.index_cast %add3A_745 : i32 to index
        %get3A_835 = arith.constant 112 : index
        %get3A_836 = tpu.vector_load %arg14[%get3A_834, %get3A_835] {strides = array<i32>} : memref<80x128xf32, #tpu.memory_space<vmem>>, vector<16xf32>,
        %mul3A_837 = arith.mulf %get3A_833, %get3A_836 : vector<16xf32>
        %get3A_838 = arith.index_cast %add3A_745 : i32 to index
        %get3A_839 = arith.constant 112 : index
        %get3A_840 = tpu.vector_load %arg15[%get3A_838, %get3A_839] {strides = array<i32>} : memref<80x128xf32, #tpu.memory_space<vmem>>, vector<16xf32>,
        %mul3A_841 = arith.mulf %mul3A_837, %get3A_840 : vector<16xf32>
        %add3A_842 = arith.addf %add3A_830, %mul3A_841 : vector<16xf32>
        %eq3A_843 = vector.broadcast %scan3A_741 : i32 to vector<16xi32>
        %eq3A_844 = arith.cmpi eq, %iota3A, %eq3A_843 : vector<16xi32>
        %reduce_sum3A = arith.constant true
        %reduce_sum3A_845 = vector.broadcast %reduce_sum3A : i1 to vector<16xi1>
        %reduce_sum3A_846 = tpu.scan <sum>, %add3A_842 masked %reduce_sum3A_845 : vector<16xf32>, vector<16xi1> -> vector<16xf32>
        %reduce_sum3A_847 = vector.extract %reduce_sum3A_846[15] : f32 from vector<16xf32>
        %broadcast_in_dim3A_848 = vector.broadcast %reduce_sum3A_847 : f32 to vector<16xf32>
        %select_n3A = arith.select %eq3A_844, %broadcast_in_dim3A_848, %scan3A_742 : vector<16xi1>, vector<16xf32>
        scf.yield %select_n3A : vector<16xf32>
      }
      %scan3A_735 = arith.constant 16 : i32
      %mul3A_736 = arith.constant 16 : i32
      %mul3A_737 = arith.muli %scan3A_728, %mul3A_736 : i32
      %swap3A = arith.constant 1 : i32
      %swap3A_738 = arith.index_cast %swap3A : i32 to index
      %swap3A_739 = arith.index_cast %mul3A_737 : i32 to index
      %swap3A_740 = tpu.vector_load %arg16[%swap3A_738, %swap3A_739] {strides = array<i32>} : memref<2x80xf32, #tpu.memory_space<vmem>>, vector<16xf32>,
      tpu.vector_store %arg16[%swap3A_738, %swap3A_739], %scan3A_734 {strides = array<i32>} : memref<2x80xf32, #tpu.memory_space<vmem>>, vector<16xf32>,
    }
    %scan3A_550 = arith.constant 2 : i32
    %add3A_551 = arith.constant 80 : i32
    %add3A_552 = arith.addi %multiple_of3A, %add3A_551 : i32
    %multiple_of3A_553 = tpu.assume_multiple %add3A_552, 8 : i32
    %dma_start3A_554 = arith.constant 1 : i32
    %dma_start3A_555 = arith.constant 0 : i32
    %dma_start3A_556 = tpu.memref_slice %arg16[%dma_start3A_554, %dma_start3A_555] : memref<2x80xf32, #tpu.memory_space<vmem>> -> memref<1x80xf32, #tpu.memory_space<vmem>>
    %dma_start3A_557 = tpu.memref_squeeze %dma_start3A_556 : memref<1x80xf32, #tpu.memory_space<vmem>> -> memref<80xf32, #tpu.memory_space<vmem>>
    %dma_start3A_558 = tpu.memref_slice %arg7[%multiple_of3A_553] : memref<320000xf32, #tpu.memory_space<hbm>> -> memref<80xf32, #tpu.memory_space<hbm>>
    %dma_start3A_559 = tpu.memref_slice %arg7[%multiple_of3A_553] : memref<320000xf32, #tpu.memory_space<hbm>> -> memref<80xf32, #tpu.memory_space<hbm>>
    %dma_start3A_560 = arith.constant 0 : i32
    %dma_start3A_561 = tpu.memref_slice %arg16[%dma_start3A_554, %dma_start3A_560] : memref<2x80xf32, #tpu.memory_space<vmem>> -> memref<1x80xf32, #tpu.memory_space<vmem>>
    %dma_start3A_562 = tpu.memref_squeeze %dma_start3A_561 : memref<1x80xf32, #tpu.memory_space<vmem>> -> memref<80xf32, #tpu.memory_space<vmem>>
    tpu.enqueue_dma source(%dma_start3A_562 : memref<80xf32, #tpu.memory_space<vmem>>) target(%dma_start3A_559 : memref<80xf32, #tpu.memory_space<hbm>>) target_semaphore(%arg21 : memref<!tpu.dma_semaphore, #tpu.memory_space<semaphore_mem>>)
    %scan3A_563 = arith.constant 0 : i32
    %scan3A_564 = arith.constant 1 : i32
    %scan3A_565 = arith.constant 61 : i32
    %scan3A_566 = arith.addi %scan3A_564, %scan3A_565 : i32
    %scan3A_567 = arith.constant 1 : i32
    scf.for %scan3A_728 = %scan3A_564 to %scan3A_566 step %scan3A_567  : i32 {
      %mul3A_729 = arith.constant 2 : i32
      %mul3A_730 = arith.muli %scan3A_728, %mul3A_729 : i32
      %dma_wait3A_731 = arith.constant 0 : i32
      %dma_wait3A_732 = arith.constant 0 : i32
      %dma_wait3A_733 = tpu.memref_slice %arg13[%dma_wait3A_731, %dma_wait3A_732] : memref<80x128xf32, #tpu.memory_space<vmem>> -> memref<48x128xf32, #tpu.memory_space<vmem>>
      %dma_wait3A_734 = arith.constant 0 : i32
      %dma_wait3A_735 = arith.constant 0 : i32
      %dma_wait3A_736 = tpu.memref_slice %arg5[%dma_wait3A_734, %dma_wait3A_735] : memref<10000x128xf32, #tpu.memory_space<hbm>> -> memref<48x128xf32, #tpu.memory_space<hbm>>
      %dma_wait3A_737 = arith.constant 0 : i32
      %dma_wait3A_738 = arith.constant 0 : i32
      %dma_wait3A_739 = tpu.memref_slice %arg13[%dma_wait3A_737, %dma_wait3A_738] : memref<80x128xf32, #tpu.memory_space<vmem>> -> memref<48x128xf32, #tpu.memory_space<vmem>>
      %dma_wait3A_740 = arith.constant 0 : i32
      %dma_wait3A_741 = arith.constant 0 : i32
      %dma_wait3A_742 = tpu.memref_slice %arg5[%dma_wait3A_740, %dma_wait3A_741] : memref<10000x128xf32, #tpu.memory_space<hbm>> -> memref<48x128xf32, #tpu.memory_space<hbm>>
      tpu.wait_dma2 semaphore(%arg17 : memref<!tpu.dma_semaphore, #tpu.memory_space<semaphore_mem>>) src(%dma_wait3A_742 : memref<48x128xf32, #tpu.memory_space<hbm>>) dst(%dma_wait3A_739 : memref<48x128xf32, #tpu.memory_space<vmem>>)
      %dma_wait3A_743 = arith.constant 0 : i32
      %dma_wait3A_744 = arith.constant 0 : i32
      %dma_wait3A_745 = tpu.memref_slice %arg15[%dma_wait3A_743, %dma_wait3A_744] : memref<80x128xf32, #tpu.memory_space<vmem>> -> memref<48x128xf32, #tpu.memory_space<vmem>>
      %dma_wait3A_746 = arith.constant 0 : i32
      %dma_wait3A_747 = arith.constant 0 : i32
      %dma_wait3A_748 = tpu.memref_slice %arg5[%dma_wait3A_746, %dma_wait3A_747] : memref<10000x128xf32, #tpu.memory_space<hbm>> -> memref<48x128xf32, #tpu.memory_space<hbm>>
      %dma_wait3A_749 = arith.constant 0 : i32
      %dma_wait3A_750 = arith.constant 0 : i32
      %dma_wait3A_751 = tpu.memref_slice %arg15[%dma_wait3A_749, %dma_wait3A_750] : memref<80x128xf32, #tpu.memory_space<vmem>> -> memref<48x128xf32, #tpu.memory_space<vmem>>
      %dma_wait3A_752 = arith.constant 0 : i32
      %dma_wait3A_753 = arith.constant 0 : i32
      %dma_wait3A_754 = tpu.memref_slice %arg5[%dma_wait3A_752, %dma_wait3A_753] : memref<10000x128xf32, #tpu.memory_space<hbm>> -> memref<48x128xf32, #tpu.memory_space<hbm>>
      tpu.wait_dma2 semaphore(%arg17 : memref<!tpu.dma_semaphore, #tpu.memory_space<semaphore_mem>>) src(%dma_wait3A_754 : memref<48x128xf32, #tpu.memory_space<hbm>>) dst(%dma_wait3A_751 : memref<48x128xf32, #tpu.memory_space<vmem>>)
      %dma_wait3A_755 = arith.constant 0 : i32
      %dma_wait3A_756 = arith.constant 0 : i32
      %dma_wait3A_757 = tpu.memref_slice %arg14[%dma_wait3A_755, %dma_wait3A_756] : memref<80x128xf32, #tpu.memory_space<vmem>> -> memref<48x128xf32, #tpu.memory_space<vmem>>
      %dma_wait3A_758 = arith.constant 0 : i32
      %dma_wait3A_759 = arith.constant 0 : i32
      %dma_wait3A_760 = tpu.memref_slice %arg5[%dma_wait3A_758, %dma_wait3A_759] : memref<10000x128xf32, #tpu.memory_space<hbm>> -> memref<48x128xf32, #tpu.memory_space<hbm>>
      %dma_wait3A_761 = arith.constant 0 : i32
      %dma_wait3A_762 = arith.constant 0 : i32
      %dma_wait3A_763 = tpu.memref_slice %arg14[%dma_wait3A_761, %dma_wait3A_762] : memref<80x128xf32, #tpu.memory_space<vmem>> -> memref<48x128xf32, #tpu.memory_space<vmem>>
      %dma_wait3A_764 = arith.constant 0 : i32
      %dma_wait3A_765 = arith.constant 0 : i32
      %dma_wait3A_766 = tpu.memref_slice %arg5[%dma_wait3A_764, %dma_wait3A_765] : memref<10000x128xf32, #tpu.memory_space<hbm>> -> memref<48x128xf32, #tpu.memory_space<hbm>>
      tpu.wait_dma2 semaphore(%arg17 : memref<!tpu.dma_semaphore, #tpu.memory_space<semaphore_mem>>) src(%dma_wait3A_766 : memref<48x128xf32, #tpu.memory_space<hbm>>) dst(%dma_wait3A_763 : memref<48x128xf32, #tpu.memory_space<vmem>>)
      %dma_start3A_767 = arith.constant 0 : i32
      %dma_start3A_768 = arith.constant 48 : i32
      %dma_start3A_769 = arith.constant 0 : i32
      %dma_start3A_770 = tpu.memref_slice %arg13[%dma_start3A_768, %dma_start3A_769] : memref<80x128xf32, #tpu.memory_space<vmem>> -> memref<32x128xf32, #tpu.memory_space<vmem>>
      %dma_start3A_771 = arith.constant 48 : i32
      %dma_start3A_772 = tpu.memref_slice %arg10[%dma_start3A_767, %dma_start3A_771] : memref<2x80xi32, #tpu.memory_space<vmem>> -> memref<1x32xi32, #tpu.memory_space<vmem>>
      %dma_start3A_773 = tpu.memref_squeeze %dma_start3A_772 : memref<1x32xi32, #tpu.memory_space<vmem>> -> memref<32xi32, #tpu.memory_space<vmem>>
      %dma_start3A_774 = arith.constant 0 : i32
      %dma_start3A_775 = arith.constant 0 : i32
      %dma_start3A_776 = tpu.memref_slice %arg8[%dma_start3A_774, %dma_start3A_775] : memref<10000x128xf32, #tpu.memory_space<vmem_shared>> -> memref<10000x128xf32, #tpu.memory_space<vmem_shared>>
      tpu.enqueue_indirect_dma source(%dma_start3A_776 : memref<10000x128xf32, #tpu.memory_space<vmem_shared>>) target(%dma_start3A_770 : memref<32x128xf32, #tpu.memory_space<vmem>>) offsets(%dma_start3A_773 : memref<32xi32, #tpu.memory_space<vmem>>) semaphore(%arg17 : memref<!tpu.dma_semaphore, #tpu.memory_space<semaphore_mem>>)
      %dma_start3A_777 = arith.constant 0 : i32
      %dma_start3A_778 = arith.constant 48 : i32
      %dma_start3A_779 = arith.constant 0 : i32
      %dma_start3A_780 = tpu.memref_slice %arg15[%dma_start3A_778, %dma_start3A_779] : memref<80x128xf32, #tpu.memory_space<vmem>> -> memref<32x128xf32, #tpu.memory_space<vmem>>
      %dma_start3A_781 = arith.constant 48 : i32
      %dma_start3A_782 = tpu.memref_slice %arg11[%dma_start3A_777, %dma_start3A_781] : memref<2x80xi32, #tpu.memory_space<vmem>> -> memref<1x32xi32, #tpu.memory_space<vmem>>
      %dma_start3A_783 = tpu.memref_squeeze %dma_start3A_782 : memref<1x32xi32, #tpu.memory_space<vmem>> -> memref<32xi32, #tpu.memory_space<vmem>>
      %dma_start3A_784 = arith.constant 0 : i32
      %dma_start3A_785 = arith.constant 0 : i32
      %dma_start3A_786 = tpu.memref_slice %arg8[%dma_start3A_784, %dma_start3A_785] : memref<10000x128xf32, #tpu.memory_space<vmem_shared>> -> memref<10000x128xf32, #tpu.memory_space<vmem_shared>>
      tpu.enqueue_indirect_dma source(%dma_start3A_786 : memref<10000x128xf32, #tpu.memory_space<vmem_shared>>) target(%dma_start3A_780 : memref<32x128xf32, #tpu.memory_space<vmem>>) offsets(%dma_start3A_783 : memref<32xi32, #tpu.memory_space<vmem>>) semaphore(%arg17 : memref<!tpu.dma_semaphore, #tpu.memory_space<semaphore_mem>>)
      %dma_start3A_787 = arith.constant 0 : i32
      %dma_start3A_788 = arith.constant 48 : i32
      %dma_start3A_789 = arith.constant 0 : i32
      %dma_start3A_790 = tpu.memref_slice %arg14[%dma_start3A_788, %dma_start3A_789] : memref<80x128xf32, #tpu.memory_space<vmem>> -> memref<32x128xf32, #tpu.memory_space<vmem>>
      %dma_start3A_791 = arith.constant 48 : i32
      %dma_start3A_792 = tpu.memref_slice %arg12[%dma_start3A_787, %dma_start3A_791] : memref<2x80xi32, #tpu.memory_space<vmem>> -> memref<1x32xi32, #tpu.memory_space<vmem>>
      %dma_start3A_793 = tpu.memref_squeeze %dma_start3A_792 : memref<1x32xi32, #tpu.memory_space<vmem>> -> memref<32xi32, #tpu.memory_space<vmem>>
      %dma_start3A_794 = arith.constant 0 : i32
      %dma_start3A_795 = arith.constant 0 : i32
      %dma_start3A_796 = tpu.memref_slice %arg9[%dma_start3A_794, %dma_start3A_795] : memref<1024x128xf32, #tpu.memory_space<vmem_shared>> -> memref<1024x128xf32, #tpu.memory_space<vmem_shared>>
      tpu.enqueue_indirect_dma source(%dma_start3A_796 : memref<1024x128xf32, #tpu.memory_space<vmem_shared>>) target(%dma_start3A_790 : memref<32x128xf32, #tpu.memory_space<vmem>>) offsets(%dma_start3A_793 : memref<32xi32, #tpu.memory_space<vmem>>) semaphore(%arg17 : memref<!tpu.dma_semaphore, #tpu.memory_space<semaphore_mem>>)
      %ge3A = arith.constant 2 : i32
      %ge3A_797 = arith.cmpi sge, %mul3A_730, %ge3A : i32
      %convert_element_type3A_798 = arith.extui %ge3A_797 : i1 to i32
      %cond3A_799 = arith.constant 0 : i32
      %cond3A_800 = arith.cmpi ne, %convert_element_type3A_798, %cond3A_799 : i32
      scf.if %cond3A_800 {
        %dma_wait3A_1163 = arith.constant 0 : i32
        %dma_wait3A_1164 = arith.constant 0 : i32
        %dma_wait3A_1165 = tpu.memref_slice %arg16[%dma_wait3A_1163, %dma_wait3A_1164] : memref<2x80xf32, #tpu.memory_space<vmem>> -> memref<1x80xf32, #tpu.memory_space<vmem>>
        %dma_wait3A_1166 = tpu.memref_squeeze %dma_wait3A_1165 : memref<1x80xf32, #tpu.memory_space<vmem>> -> memref<80xf32, #tpu.memory_space<vmem>>
        %dma_wait3A_1167 = arith.constant 0 : i32
        %dma_wait3A_1168 = tpu.memref_slice %arg7[%dma_wait3A_1167] : memref<320000xf32, #tpu.memory_space<hbm>> -> memref<80xf32, #tpu.memory_space<hbm>>
        %dma_wait3A_1169 = arith.constant 0 : i32
        %dma_wait3A_1170 = tpu.memref_slice %arg7[%dma_wait3A_1169] : memref<320000xf32, #tpu.memory_space<hbm>> -> memref<80xf32, #tpu.memory_space<hbm>>
        %dma_wait3A_1171 = arith.constant 0 : i32
        %dma_wait3A_1172 = tpu.memref_slice %arg16[%dma_wait3A_1163, %dma_wait3A_1171] : memref<2x80xf32, #tpu.memory_space<vmem>> -> memref<1x80xf32, #tpu.memory_space<vmem>>
        %dma_wait3A_1173 = tpu.memref_squeeze %dma_wait3A_1172 : memref<1x80xf32, #tpu.memory_space<vmem>> -> memref<80xf32, #tpu.memory_space<vmem>>
        tpu.wait_dma2 semaphore(%arg20 : memref<!tpu.dma_semaphore, #tpu.memory_space<semaphore_mem>>) src(%dma_wait3A_1173 : memref<80xf32, #tpu.memory_space<vmem>>) dst(%dma_wait3A_1170 : memref<80xf32, #tpu.memory_space<hbm>>)
      } else {
      }
      %scan3A_801 = arith.constant 0 : i32
      %scan3A_802 = arith.constant 0 : i32
      %scan3A_803 = arith.constant 3 : i32
      %scan3A_804 = arith.addi %scan3A_802, %scan3A_803 : i32
      %scan3A_805 = arith.constant 1 : i32
      scf.for %scan3A_1163 = %scan3A_802 to %scan3A_804 step %scan3A_805  : i32 {
        %broadcast_in_dim3A = arith.constant 0.000000e+00 : f32
        %broadcast_in_dim3A_1164 = vector.broadcast %broadcast_in_dim3A : f32 to vector<16xf32>
        %scan3A_1165 = arith.constant 0 : i32
        %scan3A_1166 = arith.constant 16 : i32
        %scan3A_1167 = arith.addi %scan3A_1165, %scan3A_1166 : i32
        %scan3A_1168 = arith.constant 1 : i32
        %scan3A_1169 = scf.for %scan3A_1176 = %scan3A_1165 to %scan3A_1167 step %scan3A_1168 iter_args(%scan3A_1177 = %broadcast_in_dim3A_1164) -> (vector<16xf32>)  : i32 {
          %mul3A_1178 = arith.constant 16 : i32
          %mul3A_1179 = arith.muli %scan3A_1163, %mul3A_1178 : i32
          %add3A_1180 = arith.addi %mul3A_1179, %scan3A_1176 : i32
          %broadcast_in_dim3A_1181 = arith.constant 0.000000e+00 : f32
          %broadcast_in_dim3A_1182 = vector.broadcast %broadcast_in_dim3A_1181 : f32 to vector<16xf32>
          %get3A = arith.index_cast %add3A_1180 : i32 to index
          %get3A_1183 = arith.constant 0 : index
          %get3A_1184 = tpu.vector_load %arg13[%get3A, %get3A_1183] {strides = array<i32>} : memref<80x128xf32, #tpu.memory_space<vmem>>, vector<16xf32>,
          %get3A_1185 = arith.index_cast %add3A_1180 : i32 to index
          %get3A_1186 = arith.constant 0 : index
          %get3A_1187 = tpu.vector_load %arg14[%get3A_1185, %get3A_1186] {strides = array<i32>} : memref<80x128xf32, #tpu.memory_space<vmem>>, vector<16xf32>,
          %mul3A_1188 = arith.mulf %get3A_1184, %get3A_1187 : vector<16xf32>
          %get3A_1189 = arith.index_cast %add3A_1180 : i32 to index
          %get3A_1190 = arith.constant 0 : index
          %get3A_1191 = tpu.vector_load %arg15[%get3A_1189, %get3A_1190] {strides = array<i32>} : memref<80x128xf32, #tpu.memory_space<vmem>>, vector<16xf32>,
          %mul3A_1192 = arith.mulf %mul3A_1188, %get3A_1191 : vector<16xf32>
          %add3A_1193 = arith.addf %broadcast_in_dim3A_1182, %mul3A_1192 : vector<16xf32>
          %get3A_1194 = arith.index_cast %add3A_1180 : i32 to index
          %get3A_1195 = arith.constant 16 : index
          %get3A_1196 = tpu.vector_load %arg13[%get3A_1194, %get3A_1195] {strides = array<i32>} : memref<80x128xf32, #tpu.memory_space<vmem>>, vector<16xf32>,
          %get3A_1197 = arith.index_cast %add3A_1180 : i32 to index
          %get3A_1198 = arith.constant 16 : index
          %get3A_1199 = tpu.vector_load %arg14[%get3A_1197, %get3A_1198] {strides = array<i32>} : memref<80x128xf32, #tpu.memory_space<vmem>>, vector<16xf32>,
          %mul3A_1200 = arith.mulf %get3A_1196, %get3A_1199 : vector<16xf32>
          %get3A_1201 = arith.index_cast %add3A_1180 : i32 to index
          %get3A_1202 = arith.constant 16 : index
          %get3A_1203 = tpu.vector_load %arg15[%get3A_1201, %get3A_1202] {strides = array<i32>} : memref<80x128xf32, #tpu.memory_space<vmem>>, vector<16xf32>,
          %mul3A_1204 = arith.mulf %mul3A_1200, %get3A_1203 : vector<16xf32>
          %add3A_1205 = arith.addf %add3A_1193, %mul3A_1204 : vector<16xf32>
          %get3A_1206 = arith.index_cast %add3A_1180 : i32 to index
          %get3A_1207 = arith.constant 32 : index
          %get3A_1208 = tpu.vector_load %arg13[%get3A_1206, %get3A_1207] {strides = array<i32>} : memref<80x128xf32, #tpu.memory_space<vmem>>, vector<16xf32>,
          %get3A_1209 = arith.index_cast %add3A_1180 : i32 to index
          %get3A_1210 = arith.constant 32 : index
          %get3A_1211 = tpu.vector_load %arg14[%get3A_1209, %get3A_1210] {strides = array<i32>} : memref<80x128xf32, #tpu.memory_space<vmem>>, vector<16xf32>,
          %mul3A_1212 = arith.mulf %get3A_1208, %get3A_1211 : vector<16xf32>
          %get3A_1213 = arith.index_cast %add3A_1180 : i32 to index
          %get3A_1214 = arith.constant 32 : index
          %get3A_1215 = tpu.vector_load %arg15[%get3A_1213, %get3A_1214] {strides = array<i32>} : memref<80x128xf32, #tpu.memory_space<vmem>>, vector<16xf32>,
          %mul3A_1216 = arith.mulf %mul3A_1212, %get3A_1215 : vector<16xf32>
          %add3A_1217 = arith.addf %add3A_1205, %mul3A_1216 : vector<16xf32>
          %get3A_1218 = arith.index_cast %add3A_1180 : i32 to index
          %get3A_1219 = arith.constant 48 : index
          %get3A_1220 = tpu.vector_load %arg13[%get3A_1218, %get3A_1219] {strides = array<i32>} : memref<80x128xf32, #tpu.memory_space<vmem>>, vector<16xf32>,
          %get3A_1221 = arith.index_cast %add3A_1180 : i32 to index
          %get3A_1222 = arith.constant 48 : index
          %get3A_1223 = tpu.vector_load %arg14[%get3A_1221, %get3A_1222] {strides = array<i32>} : memref<80x128xf32, #tpu.memory_space<vmem>>, vector<16xf32>,
          %mul3A_1224 = arith.mulf %get3A_1220, %get3A_1223 : vector<16xf32>
          %get3A_1225 = arith.index_cast %add3A_1180 : i32 to index
          %get3A_1226 = arith.constant 48 : index
          %get3A_1227 = tpu.vector_load %arg15[%get3A_1225, %get3A_1226] {strides = array<i32>} : memref<80x128xf32, #tpu.memory_space<vmem>>, vector<16xf32>,
          %mul3A_1228 = arith.mulf %mul3A_1224, %get3A_1227 : vector<16xf32>
          %add3A_1229 = arith.addf %add3A_1217, %mul3A_1228 : vector<16xf32>
          %get3A_1230 = arith.index_cast %add3A_1180 : i32 to index
          %get3A_1231 = arith.constant 64 : index
          %get3A_1232 = tpu.vector_load %arg13[%get3A_1230, %get3A_1231] {strides = array<i32>} : memref<80x128xf32, #tpu.memory_space<vmem>>, vector<16xf32>,
          %get3A_1233 = arith.index_cast %add3A_1180 : i32 to index
          %get3A_1234 = arith.constant 64 : index
          %get3A_1235 = tpu.vector_load %arg14[%get3A_1233, %get3A_1234] {strides = array<i32>} : memref<80x128xf32, #tpu.memory_space<vmem>>, vector<16xf32>,
          %mul3A_1236 = arith.mulf %get3A_1232, %get3A_1235 : vector<16xf32>
          %get3A_1237 = arith.index_cast %add3A_1180 : i32 to index
          %get3A_1238 = arith.constant 64 : index
          %get3A_1239 = tpu.vector_load %arg15[%get3A_1237, %get3A_1238] {strides = array<i32>} : memref<80x128xf32, #tpu.memory_space<vmem>>, vector<16xf32>,
          %mul3A_1240 = arith.mulf %mul3A_1236, %get3A_1239 : vector<16xf32>
          %add3A_1241 = arith.addf %add3A_1229, %mul3A_1240 : vector<16xf32>
          %get3A_1242 = arith.index_cast %add3A_1180 : i32 to index
          %get3A_1243 = arith.constant 80 : index
          %get3A_1244 = tpu.vector_load %arg13[%get3A_1242, %get3A_1243] {strides = array<i32>} : memref<80x128xf32, #tpu.memory_space<vmem>>, vector<16xf32>,
          %get3A_1245 = arith.index_cast %add3A_1180 : i32 to index
          %get3A_1246 = arith.constant 80 : index
          %get3A_1247 = tpu.vector_load %arg14[%get3A_1245, %get3A_1246] {strides = array<i32>} : memref<80x128xf32, #tpu.memory_space<vmem>>, vector<16xf32>,
          %mul3A_1248 = arith.mulf %get3A_1244, %get3A_1247 : vector<16xf32>
          %get3A_1249 = arith.index_cast %add3A_1180 : i32 to index
          %get3A_1250 = arith.constant 80 : index
          %get3A_1251 = tpu.vector_load %arg15[%get3A_1249, %get3A_1250] {strides = array<i32>} : memref<80x128xf32, #tpu.memory_space<vmem>>, vector<16xf32>,
          %mul3A_1252 = arith.mulf %mul3A_1248, %get3A_1251 : vector<16xf32>
          %add3A_1253 = arith.addf %add3A_1241, %mul3A_1252 : vector<16xf32>
          %get3A_1254 = arith.index_cast %add3A_1180 : i32 to index
          %get3A_1255 = arith.constant 96 : index
          %get3A_1256 = tpu.vector_load %arg13[%get3A_1254, %get3A_1255] {strides = array<i32>} : memref<80x128xf32, #tpu.memory_space<vmem>>, vector<16xf32>,
          %get3A_1257 = arith.index_cast %add3A_1180 : i32 to index
          %get3A_1258 = arith.constant 96 : index
          %get3A_1259 = tpu.vector_load %arg14[%get3A_1257, %get3A_1258] {strides = array<i32>} : memref<80x128xf32, #tpu.memory_space<vmem>>, vector<16xf32>,
          %mul3A_1260 = arith.mulf %get3A_1256, %get3A_1259 : vector<16xf32>
          %get3A_1261 = arith.index_cast %add3A_1180 : i32 to index
          %get3A_1262 = arith.constant 96 : index
          %get3A_1263 = tpu.vector_load %arg15[%get3A_1261, %get3A_1262] {strides = array<i32>} : memref<80x128xf32, #tpu.memory_space<vmem>>, vector<16xf32>,
          %mul3A_1264 = arith.mulf %mul3A_1260, %get3A_1263 : vector<16xf32>
          %add3A_1265 = arith.addf %add3A_1253, %mul3A_1264 : vector<16xf32>
          %get3A_1266 = arith.index_cast %add3A_1180 : i32 to index
          %get3A_1267 = arith.constant 112 : index
          %get3A_1268 = tpu.vector_load %arg13[%get3A_1266, %get3A_1267] {strides = array<i32>} : memref<80x128xf32, #tpu.memory_space<vmem>>, vector<16xf32>,
          %get3A_1269 = arith.index_cast %add3A_1180 : i32 to index
          %get3A_1270 = arith.constant 112 : index
          %get3A_1271 = tpu.vector_load %arg14[%get3A_1269, %get3A_1270] {strides = array<i32>} : memref<80x128xf32, #tpu.memory_space<vmem>>, vector<16xf32>,
          %mul3A_1272 = arith.mulf %get3A_1268, %get3A_1271 : vector<16xf32>
          %get3A_1273 = arith.index_cast %add3A_1180 : i32 to index
          %get3A_1274 = arith.constant 112 : index
          %get3A_1275 = tpu.vector_load %arg15[%get3A_1273, %get3A_1274] {strides = array<i32>} : memref<80x128xf32, #tpu.memory_space<vmem>>, vector<16xf32>,
          %mul3A_1276 = arith.mulf %mul3A_1272, %get3A_1275 : vector<16xf32>
          %add3A_1277 = arith.addf %add3A_1265, %mul3A_1276 : vector<16xf32>
          %eq3A_1278 = vector.broadcast %scan3A_1176 : i32 to vector<16xi32>
          %eq3A_1279 = arith.cmpi eq, %iota3A, %eq3A_1278 : vector<16xi32>
          %reduce_sum3A = arith.constant true
          %reduce_sum3A_1280 = vector.broadcast %reduce_sum3A : i1 to vector<16xi1>
          %reduce_sum3A_1281 = tpu.scan <sum>, %add3A_1277 masked %reduce_sum3A_1280 : vector<16xf32>, vector<16xi1> -> vector<16xf32>
          %reduce_sum3A_1282 = vector.extract %reduce_sum3A_1281[15] : f32 from vector<16xf32>
          %broadcast_in_dim3A_1283 = vector.broadcast %reduce_sum3A_1282 : f32 to vector<16xf32>
          %select_n3A = arith.select %eq3A_1279, %broadcast_in_dim3A_1283, %scan3A_1177 : vector<16xi1>, vector<16xf32>
          scf.yield %select_n3A : vector<16xf32>
        }
        %scan3A_1170 = arith.constant 16 : i32
        %mul3A_1171 = arith.constant 16 : i32
        %mul3A_1172 = arith.muli %scan3A_1163, %mul3A_1171 : i32
        %swap3A = arith.constant 0 : i32
        %swap3A_1173 = arith.index_cast %swap3A : i32 to index
        %swap3A_1174 = arith.index_cast %mul3A_1172 : i32 to index
        %swap3A_1175 = tpu.vector_load %arg16[%swap3A_1173, %swap3A_1174] {strides = array<i32>} : memref<2x80xf32, #tpu.memory_space<vmem>>, vector<16xf32>,
        tpu.vector_store %arg16[%swap3A_1173, %swap3A_1174], %scan3A_1169 {strides = array<i32>} : memref<2x80xf32, #tpu.memory_space<vmem>>, vector<16xf32>,
      }
      %scan3A_806 = arith.constant 3 : i32
      %dma_wait3A_807 = arith.constant 0 : i32
      %dma_wait3A_808 = arith.constant 0 : i32
      %dma_wait3A_809 = tpu.memref_slice %arg13[%dma_wait3A_807, %dma_wait3A_808] : memref<80x128xf32, #tpu.memory_space<vmem>> -> memref<32x128xf32, #tpu.memory_space<vmem>>
      %dma_wait3A_810 = arith.constant 0 : i32
      %dma_wait3A_811 = arith.constant 0 : i32
      %dma_wait3A_812 = tpu.memref_slice %arg5[%dma_wait3A_810, %dma_wait3A_811] : memref<10000x128xf32, #tpu.memory_space<hbm>> -> memref<32x128xf32, #tpu.memory_space<hbm>>
      %dma_wait3A_813 = arith.constant 0 : i32
      %dma_wait3A_814 = arith.constant 0 : i32
      %dma_wait3A_815 = tpu.memref_slice %arg13[%dma_wait3A_813, %dma_wait3A_814] : memref<80x128xf32, #tpu.memory_space<vmem>> -> memref<32x128xf32, #tpu.memory_space<vmem>>
      %dma_wait3A_816 = arith.constant 0 : i32
      %dma_wait3A_817 = arith.constant 0 : i32
      %dma_wait3A_818 = tpu.memref_slice %arg5[%dma_wait3A_816, %dma_wait3A_817] : memref<10000x128xf32, #tpu.memory_space<hbm>> -> memref<32x128xf32, #tpu.memory_space<hbm>>
      tpu.wait_dma2 semaphore(%arg17 : memref<!tpu.dma_semaphore, #tpu.memory_space<semaphore_mem>>) src(%dma_wait3A_818 : memref<32x128xf32, #tpu.memory_space<hbm>>) dst(%dma_wait3A_815 : memref<32x128xf32, #tpu.memory_space<vmem>>)
      %dma_wait3A_819 = arith.constant 0 : i32
      %dma_wait3A_820 = arith.constant 0 : i32
      %dma_wait3A_821 = tpu.memref_slice %arg15[%dma_wait3A_819, %dma_wait3A_820] : memref<80x128xf32, #tpu.memory_space<vmem>> -> memref<32x128xf32, #tpu.memory_space<vmem>>
      %dma_wait3A_822 = arith.constant 0 : i32
      %dma_wait3A_823 = arith.constant 0 : i32
      %dma_wait3A_824 = tpu.memref_slice %arg5[%dma_wait3A_822, %dma_wait3A_823] : memref<10000x128xf32, #tpu.memory_space<hbm>> -> memref<32x128xf32, #tpu.memory_space<hbm>>
      %dma_wait3A_825 = arith.constant 0 : i32
      %dma_wait3A_826 = arith.constant 0 : i32
      %dma_wait3A_827 = tpu.memref_slice %arg15[%dma_wait3A_825, %dma_wait3A_826] : memref<80x128xf32, #tpu.memory_space<vmem>> -> memref<32x128xf32, #tpu.memory_space<vmem>>
      %dma_wait3A_828 = arith.constant 0 : i32
      %dma_wait3A_829 = arith.constant 0 : i32
      %dma_wait3A_830 = tpu.memref_slice %arg5[%dma_wait3A_828, %dma_wait3A_829] : memref<10000x128xf32, #tpu.memory_space<hbm>> -> memref<32x128xf32, #tpu.memory_space<hbm>>
      tpu.wait_dma2 semaphore(%arg17 : memref<!tpu.dma_semaphore, #tpu.memory_space<semaphore_mem>>) src(%dma_wait3A_830 : memref<32x128xf32, #tpu.memory_space<hbm>>) dst(%dma_wait3A_827 : memref<32x128xf32, #tpu.memory_space<vmem>>)
      %dma_wait3A_831 = arith.constant 0 : i32
      %dma_wait3A_832 = arith.constant 0 : i32
      %dma_wait3A_833 = tpu.memref_slice %arg14[%dma_wait3A_831, %dma_wait3A_832] : memref<80x128xf32, #tpu.memory_space<vmem>> -> memref<32x128xf32, #tpu.memory_space<vmem>>
      %dma_wait3A_834 = arith.constant 0 : i32
      %dma_wait3A_835 = arith.constant 0 : i32
      %dma_wait3A_836 = tpu.memref_slice %arg5[%dma_wait3A_834, %dma_wait3A_835] : memref<10000x128xf32, #tpu.memory_space<hbm>> -> memref<32x128xf32, #tpu.memory_space<hbm>>
      %dma_wait3A_837 = arith.constant 0 : i32
      %dma_wait3A_838 = arith.constant 0 : i32
      %dma_wait3A_839 = tpu.memref_slice %arg14[%dma_wait3A_837, %dma_wait3A_838] : memref<80x128xf32, #tpu.memory_space<vmem>> -> memref<32x128xf32, #tpu.memory_space<vmem>>
      %dma_wait3A_840 = arith.constant 0 : i32
      %dma_wait3A_841 = arith.constant 0 : i32
      %dma_wait3A_842 = tpu.memref_slice %arg5[%dma_wait3A_840, %dma_wait3A_841] : memref<10000x128xf32, #tpu.memory_space<hbm>> -> memref<32x128xf32, #tpu.memory_space<hbm>>
      tpu.wait_dma2 semaphore(%arg17 : memref<!tpu.dma_semaphore, #tpu.memory_space<semaphore_mem>>) src(%dma_wait3A_842 : memref<32x128xf32, #tpu.memory_space<hbm>>) dst(%dma_wait3A_839 : memref<32x128xf32, #tpu.memory_space<vmem>>)
      %dma_wait3A_843 = arith.constant 1 : i32
      %dma_wait3A_844 = arith.constant 0 : i32
      %dma_wait3A_845 = tpu.memref_slice %arg10[%dma_wait3A_843, %dma_wait3A_844] : memref<2x80xi32, #tpu.memory_space<vmem>> -> memref<1x80xi32, #tpu.memory_space<vmem>>
      %dma_wait3A_846 = tpu.memref_squeeze %dma_wait3A_845 : memref<1x80xi32, #tpu.memory_space<vmem>> -> memref<80xi32, #tpu.memory_space<vmem>>
      %dma_wait3A_847 = arith.constant 0 : i32
      %dma_wait3A_848 = tpu.memref_slice %arg2[%dma_wait3A_847] : memref<320000xi32, #tpu.memory_space<hbm>> -> memref<80xi32, #tpu.memory_space<hbm>>
      %dma_wait3A_849 = arith.constant 0 : i32
      %dma_wait3A_850 = tpu.memref_slice %arg10[%dma_wait3A_843, %dma_wait3A_849] : memref<2x80xi32, #tpu.memory_space<vmem>> -> memref<1x80xi32, #tpu.memory_space<vmem>>
      %dma_wait3A_851 = tpu.memref_squeeze %dma_wait3A_850 : memref<1x80xi32, #tpu.memory_space<vmem>> -> memref<80xi32, #tpu.memory_space<vmem>>
      %dma_wait3A_852 = arith.constant 0 : i32
      %dma_wait3A_853 = tpu.memref_slice %arg2[%dma_wait3A_852] : memref<320000xi32, #tpu.memory_space<hbm>> -> memref<80xi32, #tpu.memory_space<hbm>>
      tpu.wait_dma2 semaphore(%arg19 : memref<!tpu.dma_semaphore, #tpu.memory_space<semaphore_mem>>) src(%dma_wait3A_853 : memref<80xi32, #tpu.memory_space<hbm>>) dst(%dma_wait3A_851 : memref<80xi32, #tpu.memory_space<vmem>>)
      %dma_wait3A_854 = arith.constant 1 : i32
      %dma_wait3A_855 = arith.constant 0 : i32
      %dma_wait3A_856 = tpu.memref_slice %arg10[%dma_wait3A_854, %dma_wait3A_855] : memref<2x80xi32, #tpu.memory_space<vmem>> -> memref<1x80xi32, #tpu.memory_space<vmem>>
      %dma_wait3A_857 = tpu.memref_squeeze %dma_wait3A_856 : memref<1x80xi32, #tpu.memory_space<vmem>> -> memref<80xi32, #tpu.memory_space<vmem>>
      %dma_wait3A_858 = arith.constant 0 : i32
      %dma_wait3A_859 = tpu.memref_slice %arg2[%dma_wait3A_858] : memref<320000xi32, #tpu.memory_space<hbm>> -> memref<80xi32, #tpu.memory_space<hbm>>
      %dma_wait3A_860 = arith.constant 0 : i32
      %dma_wait3A_861 = tpu.memref_slice %arg10[%dma_wait3A_854, %dma_wait3A_860] : memref<2x80xi32, #tpu.memory_space<vmem>> -> memref<1x80xi32, #tpu.memory_space<vmem>>
      %dma_wait3A_862 = tpu.memref_squeeze %dma_wait3A_861 : memref<1x80xi32, #tpu.memory_space<vmem>> -> memref<80xi32, #tpu.memory_space<vmem>>
      %dma_wait3A_863 = arith.constant 0 : i32
      %dma_wait3A_864 = tpu.memref_slice %arg2[%dma_wait3A_863] : memref<320000xi32, #tpu.memory_space<hbm>> -> memref<80xi32, #tpu.memory_space<hbm>>
      tpu.wait_dma2 semaphore(%arg19 : memref<!tpu.dma_semaphore, #tpu.memory_space<semaphore_mem>>) src(%dma_wait3A_864 : memref<80xi32, #tpu.memory_space<hbm>>) dst(%dma_wait3A_862 : memref<80xi32, #tpu.memory_space<vmem>>)
      %dma_wait3A_865 = arith.constant 1 : i32
      %dma_wait3A_866 = arith.constant 0 : i32
      %dma_wait3A_867 = tpu.memref_slice %arg10[%dma_wait3A_865, %dma_wait3A_866] : memref<2x80xi32, #tpu.memory_space<vmem>> -> memref<1x80xi32, #tpu.memory_space<vmem>>
      %dma_wait3A_868 = tpu.memref_squeeze %dma_wait3A_867 : memref<1x80xi32, #tpu.memory_space<vmem>> -> memref<80xi32, #tpu.memory_space<vmem>>
      %dma_wait3A_869 = arith.constant 0 : i32
      %dma_wait3A_870 = tpu.memref_slice %arg2[%dma_wait3A_869] : memref<320000xi32, #tpu.memory_space<hbm>> -> memref<80xi32, #tpu.memory_space<hbm>>
      %dma_wait3A_871 = arith.constant 0 : i32
      %dma_wait3A_872 = tpu.memref_slice %arg10[%dma_wait3A_865, %dma_wait3A_871] : memref<2x80xi32, #tpu.memory_space<vmem>> -> memref<1x80xi32, #tpu.memory_space<vmem>>
      %dma_wait3A_873 = tpu.memref_squeeze %dma_wait3A_872 : memref<1x80xi32, #tpu.memory_space<vmem>> -> memref<80xi32, #tpu.memory_space<vmem>>
      %dma_wait3A_874 = arith.constant 0 : i32
      %dma_wait3A_875 = tpu.memref_slice %arg2[%dma_wait3A_874] : memref<320000xi32, #tpu.memory_space<hbm>> -> memref<80xi32, #tpu.memory_space<hbm>>
      tpu.wait_dma2 semaphore(%arg19 : memref<!tpu.dma_semaphore, #tpu.memory_space<semaphore_mem>>) src(%dma_wait3A_875 : memref<80xi32, #tpu.memory_space<hbm>>) dst(%dma_wait3A_873 : memref<80xi32, #tpu.memory_space<vmem>>)
      %dma_start3A_876 = arith.constant 1 : i32
      %dma_start3A_877 = arith.constant 0 : i32
      %dma_start3A_878 = arith.constant 0 : i32
      %dma_start3A_879 = tpu.memref_slice %arg13[%dma_start3A_877, %dma_start3A_878] : memref<80x128xf32, #tpu.memory_space<vmem>> -> memref<48x128xf32, #tpu.memory_space<vmem>>
      %dma_start3A_880 = arith.constant 0 : i32
      %dma_start3A_881 = tpu.memref_slice %arg10[%dma_start3A_876, %dma_start3A_880] : memref<2x80xi32, #tpu.memory_space<vmem>> -> memref<1x48xi32, #tpu.memory_space<vmem>>
      %dma_start3A_882 = tpu.memref_squeeze %dma_start3A_881 : memref<1x48xi32, #tpu.memory_space<vmem>> -> memref<48xi32, #tpu.memory_space<vmem>>
      %dma_start3A_883 = arith.constant 0 : i32
      %dma_start3A_884 = arith.constant 0 : i32
      %dma_start3A_885 = tpu.memref_slice %arg8[%dma_start3A_883, %dma_start3A_884] : memref<10000x128xf32, #tpu.memory_space<vmem_shared>> -> memref<10000x128xf32, #tpu.memory_space<vmem_shared>>
      tpu.enqueue_indirect_dma source(%dma_start3A_885 : memref<10000x128xf32, #tpu.memory_space<vmem_shared>>) target(%dma_start3A_879 : memref<48x128xf32, #tpu.memory_space<vmem>>) offsets(%dma_start3A_882 : memref<48xi32, #tpu.memory_space<vmem>>) semaphore(%arg17 : memref<!tpu.dma_semaphore, #tpu.memory_space<semaphore_mem>>)
      %dma_start3A_886 = arith.constant 1 : i32
      %dma_start3A_887 = arith.constant 0 : i32
      %dma_start3A_888 = arith.constant 0 : i32
      %dma_start3A_889 = tpu.memref_slice %arg15[%dma_start3A_887, %dma_start3A_888] : memref<80x128xf32, #tpu.memory_space<vmem>> -> memref<48x128xf32, #tpu.memory_space<vmem>>
      %dma_start3A_890 = arith.constant 0 : i32
      %dma_start3A_891 = tpu.memref_slice %arg11[%dma_start3A_886, %dma_start3A_890] : memref<2x80xi32, #tpu.memory_space<vmem>> -> memref<1x48xi32, #tpu.memory_space<vmem>>
      %dma_start3A_892 = tpu.memref_squeeze %dma_start3A_891 : memref<1x48xi32, #tpu.memory_space<vmem>> -> memref<48xi32, #tpu.memory_space<vmem>>
      %dma_start3A_893 = arith.constant 0 : i32
      %dma_start3A_894 = arith.constant 0 : i32
      %dma_start3A_895 = tpu.memref_slice %arg8[%dma_start3A_893, %dma_start3A_894] : memref<10000x128xf32, #tpu.memory_space<vmem_shared>> -> memref<10000x128xf32, #tpu.memory_space<vmem_shared>>
      tpu.enqueue_indirect_dma source(%dma_start3A_895 : memref<10000x128xf32, #tpu.memory_space<vmem_shared>>) target(%dma_start3A_889 : memref<48x128xf32, #tpu.memory_space<vmem>>) offsets(%dma_start3A_892 : memref<48xi32, #tpu.memory_space<vmem>>) semaphore(%arg17 : memref<!tpu.dma_semaphore, #tpu.memory_space<semaphore_mem>>)
      %dma_start3A_896 = arith.constant 1 : i32
      %dma_start3A_897 = arith.constant 0 : i32
      %dma_start3A_898 = arith.constant 0 : i32
      %dma_start3A_899 = tpu.memref_slice %arg14[%dma_start3A_897, %dma_start3A_898] : memref<80x128xf32, #tpu.memory_space<vmem>> -> memref<48x128xf32, #tpu.memory_space<vmem>>
      %dma_start3A_900 = arith.constant 0 : i32
      %dma_start3A_901 = tpu.memref_slice %arg12[%dma_start3A_896, %dma_start3A_900] : memref<2x80xi32, #tpu.memory_space<vmem>> -> memref<1x48xi32, #tpu.memory_space<vmem>>
      %dma_start3A_902 = tpu.memref_squeeze %dma_start3A_901 : memref<1x48xi32, #tpu.memory_space<vmem>> -> memref<48xi32, #tpu.memory_space<vmem>>
      %dma_start3A_903 = arith.constant 0 : i32
      %dma_start3A_904 = arith.constant 0 : i32
      %dma_start3A_905 = tpu.memref_slice %arg9[%dma_start3A_903, %dma_start3A_904] : memref<1024x128xf32, #tpu.memory_space<vmem_shared>> -> memref<1024x128xf32, #tpu.memory_space<vmem_shared>>
      tpu.enqueue_indirect_dma source(%dma_start3A_905 : memref<1024x128xf32, #tpu.memory_space<vmem_shared>>) target(%dma_start3A_899 : memref<48x128xf32, #tpu.memory_space<vmem>>) offsets(%dma_start3A_902 : memref<48xi32, #tpu.memory_space<vmem>>) semaphore(%arg17 : memref<!tpu.dma_semaphore, #tpu.memory_space<semaphore_mem>>)
      %add3A_906 = arith.constant 2 : i32
      %add3A_907 = arith.addi %mul3A_730, %add3A_906 : i32
      %mul3A_908 = arith.constant 80 : i32
      %mul3A_909 = arith.muli %add3A_907, %mul3A_908 : i32
      %add3A_910 = arith.addi %multiple_of3A, %mul3A_909 : i32
      %multiple_of3A_911 = tpu.assume_multiple %add3A_910, 8 : i32
      %dma_start3A_912 = arith.constant 0 : i32
      %dma_start3A_913 = arith.constant 0 : i32
      %dma_start3A_914 = tpu.memref_slice %arg10[%dma_start3A_912, %dma_start3A_913] : memref<2x80xi32, #tpu.memory_space<vmem>> -> memref<1x80xi32, #tpu.memory_space<vmem>>
      %dma_start3A_915 = tpu.memref_squeeze %dma_start3A_914 : memref<1x80xi32, #tpu.memory_space<vmem>> -> memref<80xi32, #tpu.memory_space<vmem>>
      %dma_start3A_916 = tpu.memref_slice %arg2[%multiple_of3A_911] : memref<320000xi32, #tpu.memory_space<hbm>> -> memref<80xi32, #tpu.memory_space<hbm>>
      %dma_start3A_917 = arith.constant 0 : i32
      %dma_start3A_918 = tpu.memref_slice %arg10[%dma_start3A_912, %dma_start3A_917] : memref<2x80xi32, #tpu.memory_space<vmem>> -> memref<1x80xi32, #tpu.memory_space<vmem>>
      %dma_start3A_919 = tpu.memref_squeeze %dma_start3A_918 : memref<1x80xi32, #tpu.memory_space<vmem>> -> memref<80xi32, #tpu.memory_space<vmem>>
      %dma_start3A_920 = tpu.memref_slice %arg2[%multiple_of3A_911] : memref<320000xi32, #tpu.memory_space<hbm>> -> memref<80xi32, #tpu.memory_space<hbm>>
      tpu.enqueue_dma source(%dma_start3A_920 : memref<80xi32, #tpu.memory_space<hbm>>) target(%dma_start3A_919 : memref<80xi32, #tpu.memory_space<vmem>>) target_semaphore(%arg18 : memref<!tpu.dma_semaphore, #tpu.memory_space<semaphore_mem>>)
      %dma_start3A_921 = arith.constant 0 : i32
      %dma_start3A_922 = arith.constant 0 : i32
      %dma_start3A_923 = tpu.memref_slice %arg11[%dma_start3A_921, %dma_start3A_922] : memref<2x80xi32, #tpu.memory_space<vmem>> -> memref<1x80xi32, #tpu.memory_space<vmem>>
      %dma_start3A_924 = tpu.memref_squeeze %dma_start3A_923 : memref<1x80xi32, #tpu.memory_space<vmem>> -> memref<80xi32, #tpu.memory_space<vmem>>
      %dma_start3A_925 = tpu.memref_slice %arg3[%multiple_of3A_911] : memref<320000xi32, #tpu.memory_space<hbm>> -> memref<80xi32, #tpu.memory_space<hbm>>
      %dma_start3A_926 = arith.constant 0 : i32
      %dma_start3A_927 = tpu.memref_slice %arg11[%dma_start3A_921, %dma_start3A_926] : memref<2x80xi32, #tpu.memory_space<vmem>> -> memref<1x80xi32, #tpu.memory_space<vmem>>
      %dma_start3A_928 = tpu.memref_squeeze %dma_start3A_927 : memref<1x80xi32, #tpu.memory_space<vmem>> -> memref<80xi32, #tpu.memory_space<vmem>>
      %dma_start3A_929 = tpu.memref_slice %arg3[%multiple_of3A_911] : memref<320000xi32, #tpu.memory_space<hbm>> -> memref<80xi32, #tpu.memory_space<hbm>>
      tpu.enqueue_dma source(%dma_start3A_929 : memref<80xi32, #tpu.memory_space<hbm>>) target(%dma_start3A_928 : memref<80xi32, #tpu.memory_space<vmem>>) target_semaphore(%arg18 : memref<!tpu.dma_semaphore, #tpu.memory_space<semaphore_mem>>)
      %dma_start3A_930 = arith.constant 0 : i32
      %dma_start3A_931 = arith.constant 0 : i32
      %dma_start3A_932 = tpu.memref_slice %arg12[%dma_start3A_930, %dma_start3A_931] : memref<2x80xi32, #tpu.memory_space<vmem>> -> memref<1x80xi32, #tpu.memory_space<vmem>>
      %dma_start3A_933 = tpu.memref_squeeze %dma_start3A_932 : memref<1x80xi32, #tpu.memory_space<vmem>> -> memref<80xi32, #tpu.memory_space<vmem>>
      %dma_start3A_934 = tpu.memref_slice %arg4[%multiple_of3A_911] : memref<320000xi32, #tpu.memory_space<hbm>> -> memref<80xi32, #tpu.memory_space<hbm>>
      %dma_start3A_935 = arith.constant 0 : i32
      %dma_start3A_936 = tpu.memref_slice %arg12[%dma_start3A_930, %dma_start3A_935] : memref<2x80xi32, #tpu.memory_space<vmem>> -> memref<1x80xi32, #tpu.memory_space<vmem>>
      %dma_start3A_937 = tpu.memref_squeeze %dma_start3A_936 : memref<1x80xi32, #tpu.memory_space<vmem>> -> memref<80xi32, #tpu.memory_space<vmem>>
      %dma_start3A_938 = tpu.memref_slice %arg4[%multiple_of3A_911] : memref<320000xi32, #tpu.memory_space<hbm>> -> memref<80xi32, #tpu.memory_space<hbm>>
      tpu.enqueue_dma source(%dma_start3A_938 : memref<80xi32, #tpu.memory_space<hbm>>) target(%dma_start3A_937 : memref<80xi32, #tpu.memory_space<vmem>>) target_semaphore(%arg18 : memref<!tpu.dma_semaphore, #tpu.memory_space<semaphore_mem>>)
      %scan3A_939 = arith.constant 0 : i32
      %scan3A_940 = arith.constant 3 : i32
      %scan3A_941 = arith.constant 2 : i32
      %scan3A_942 = arith.addi %scan3A_940, %scan3A_941 : i32
      %scan3A_943 = arith.constant 1 : i32
      scf.for %scan3A_1163 = %scan3A_940 to %scan3A_942 step %scan3A_943  : i32 {
        %broadcast_in_dim3A = arith.constant 0.000000e+00 : f32
        %broadcast_in_dim3A_1164 = vector.broadcast %broadcast_in_dim3A : f32 to vector<16xf32>
        %scan3A_1165 = arith.constant 0 : i32
        %scan3A_1166 = arith.constant 16 : i32
        %scan3A_1167 = arith.addi %scan3A_1165, %scan3A_1166 : i32
        %scan3A_1168 = arith.constant 1 : i32
        %scan3A_1169 = scf.for %scan3A_1176 = %scan3A_1165 to %scan3A_1167 step %scan3A_1168 iter_args(%scan3A_1177 = %broadcast_in_dim3A_1164) -> (vector<16xf32>)  : i32 {
          %mul3A_1178 = arith.constant 16 : i32
          %mul3A_1179 = arith.muli %scan3A_1163, %mul3A_1178 : i32
          %add3A_1180 = arith.addi %mul3A_1179, %scan3A_1176 : i32
          %broadcast_in_dim3A_1181 = arith.constant 0.000000e+00 : f32
          %broadcast_in_dim3A_1182 = vector.broadcast %broadcast_in_dim3A_1181 : f32 to vector<16xf32>
          %get3A = arith.index_cast %add3A_1180 : i32 to index
          %get3A_1183 = arith.constant 0 : index
          %get3A_1184 = tpu.vector_load %arg13[%get3A, %get3A_1183] {strides = array<i32>} : memref<80x128xf32, #tpu.memory_space<vmem>>, vector<16xf32>,
          %get3A_1185 = arith.index_cast %add3A_1180 : i32 to index
          %get3A_1186 = arith.constant 0 : index
          %get3A_1187 = tpu.vector_load %arg14[%get3A_1185, %get3A_1186] {strides = array<i32>} : memref<80x128xf32, #tpu.memory_space<vmem>>, vector<16xf32>,
          %mul3A_1188 = arith.mulf %get3A_1184, %get3A_1187 : vector<16xf32>
          %get3A_1189 = arith.index_cast %add3A_1180 : i32 to index
          %get3A_1190 = arith.constant 0 : index
          %get3A_1191 = tpu.vector_load %arg15[%get3A_1189, %get3A_1190] {strides = array<i32>} : memref<80x128xf32, #tpu.memory_space<vmem>>, vector<16xf32>,
          %mul3A_1192 = arith.mulf %mul3A_1188, %get3A_1191 : vector<16xf32>
          %add3A_1193 = arith.addf %broadcast_in_dim3A_1182, %mul3A_1192 : vector<16xf32>
          %get3A_1194 = arith.index_cast %add3A_1180 : i32 to index
          %get3A_1195 = arith.constant 16 : index
          %get3A_1196 = tpu.vector_load %arg13[%get3A_1194, %get3A_1195] {strides = array<i32>} : memref<80x128xf32, #tpu.memory_space<vmem>>, vector<16xf32>,
          %get3A_1197 = arith.index_cast %add3A_1180 : i32 to index
          %get3A_1198 = arith.constant 16 : index
          %get3A_1199 = tpu.vector_load %arg14[%get3A_1197, %get3A_1198] {strides = array<i32>} : memref<80x128xf32, #tpu.memory_space<vmem>>, vector<16xf32>,
          %mul3A_1200 = arith.mulf %get3A_1196, %get3A_1199 : vector<16xf32>
          %get3A_1201 = arith.index_cast %add3A_1180 : i32 to index
          %get3A_1202 = arith.constant 16 : index
          %get3A_1203 = tpu.vector_load %arg15[%get3A_1201, %get3A_1202] {strides = array<i32>} : memref<80x128xf32, #tpu.memory_space<vmem>>, vector<16xf32>,
          %mul3A_1204 = arith.mulf %mul3A_1200, %get3A_1203 : vector<16xf32>
          %add3A_1205 = arith.addf %add3A_1193, %mul3A_1204 : vector<16xf32>
          %get3A_1206 = arith.index_cast %add3A_1180 : i32 to index
          %get3A_1207 = arith.constant 32 : index
          %get3A_1208 = tpu.vector_load %arg13[%get3A_1206, %get3A_1207] {strides = array<i32>} : memref<80x128xf32, #tpu.memory_space<vmem>>, vector<16xf32>,
          %get3A_1209 = arith.index_cast %add3A_1180 : i32 to index
          %get3A_1210 = arith.constant 32 : index
          %get3A_1211 = tpu.vector_load %arg14[%get3A_1209, %get3A_1210] {strides = array<i32>} : memref<80x128xf32, #tpu.memory_space<vmem>>, vector<16xf32>,
          %mul3A_1212 = arith.mulf %get3A_1208, %get3A_1211 : vector<16xf32>
          %get3A_1213 = arith.index_cast %add3A_1180 : i32 to index
          %get3A_1214 = arith.constant 32 : index
          %get3A_1215 = tpu.vector_load %arg15[%get3A_1213, %get3A_1214] {strides = array<i32>} : memref<80x128xf32, #tpu.memory_space<vmem>>, vector<16xf32>,
          %mul3A_1216 = arith.mulf %mul3A_1212, %get3A_1215 : vector<16xf32>
          %add3A_1217 = arith.addf %add3A_1205, %mul3A_1216 : vector<16xf32>
          %get3A_1218 = arith.index_cast %add3A_1180 : i32 to index
          %get3A_1219 = arith.constant 48 : index
          %get3A_1220 = tpu.vector_load %arg13[%get3A_1218, %get3A_1219] {strides = array<i32>} : memref<80x128xf32, #tpu.memory_space<vmem>>, vector<16xf32>,
          %get3A_1221 = arith.index_cast %add3A_1180 : i32 to index
          %get3A_1222 = arith.constant 48 : index
          %get3A_1223 = tpu.vector_load %arg14[%get3A_1221, %get3A_1222] {strides = array<i32>} : memref<80x128xf32, #tpu.memory_space<vmem>>, vector<16xf32>,
          %mul3A_1224 = arith.mulf %get3A_1220, %get3A_1223 : vector<16xf32>
          %get3A_1225 = arith.index_cast %add3A_1180 : i32 to index
          %get3A_1226 = arith.constant 48 : index
          %get3A_1227 = tpu.vector_load %arg15[%get3A_1225, %get3A_1226] {strides = array<i32>} : memref<80x128xf32, #tpu.memory_space<vmem>>, vector<16xf32>,
          %mul3A_1228 = arith.mulf %mul3A_1224, %get3A_1227 : vector<16xf32>
          %add3A_1229 = arith.addf %add3A_1217, %mul3A_1228 : vector<16xf32>
          %get3A_1230 = arith.index_cast %add3A_1180 : i32 to index
          %get3A_1231 = arith.constant 64 : index
          %get3A_1232 = tpu.vector_load %arg13[%get3A_1230, %get3A_1231] {strides = array<i32>} : memref<80x128xf32, #tpu.memory_space<vmem>>, vector<16xf32>,
          %get3A_1233 = arith.index_cast %add3A_1180 : i32 to index
          %get3A_1234 = arith.constant 64 : index
          %get3A_1235 = tpu.vector_load %arg14[%get3A_1233, %get3A_1234] {strides = array<i32>} : memref<80x128xf32, #tpu.memory_space<vmem>>, vector<16xf32>,
          %mul3A_1236 = arith.mulf %get3A_1232, %get3A_1235 : vector<16xf32>
          %get3A_1237 = arith.index_cast %add3A_1180 : i32 to index
          %get3A_1238 = arith.constant 64 : index
          %get3A_1239 = tpu.vector_load %arg15[%get3A_1237, %get3A_1238] {strides = array<i32>} : memref<80x128xf32, #tpu.memory_space<vmem>>, vector<16xf32>,
          %mul3A_1240 = arith.mulf %mul3A_1236, %get3A_1239 : vector<16xf32>
          %add3A_1241 = arith.addf %add3A_1229, %mul3A_1240 : vector<16xf32>
          %get3A_1242 = arith.index_cast %add3A_1180 : i32 to index
          %get3A_1243 = arith.constant 80 : index
          %get3A_1244 = tpu.vector_load %arg13[%get3A_1242, %get3A_1243] {strides = array<i32>} : memref<80x128xf32, #tpu.memory_space<vmem>>, vector<16xf32>,
          %get3A_1245 = arith.index_cast %add3A_1180 : i32 to index
          %get3A_1246 = arith.constant 80 : index
          %get3A_1247 = tpu.vector_load %arg14[%get3A_1245, %get3A_1246] {strides = array<i32>} : memref<80x128xf32, #tpu.memory_space<vmem>>, vector<16xf32>,
          %mul3A_1248 = arith.mulf %get3A_1244, %get3A_1247 : vector<16xf32>
          %get3A_1249 = arith.index_cast %add3A_1180 : i32 to index
          %get3A_1250 = arith.constant 80 : index
          %get3A_1251 = tpu.vector_load %arg15[%get3A_1249, %get3A_1250] {strides = array<i32>} : memref<80x128xf32, #tpu.memory_space<vmem>>, vector<16xf32>,
          %mul3A_1252 = arith.mulf %mul3A_1248, %get3A_1251 : vector<16xf32>
          %add3A_1253 = arith.addf %add3A_1241, %mul3A_1252 : vector<16xf32>
          %get3A_1254 = arith.index_cast %add3A_1180 : i32 to index
          %get3A_1255 = arith.constant 96 : index
          %get3A_1256 = tpu.vector_load %arg13[%get3A_1254, %get3A_1255] {strides = array<i32>} : memref<80x128xf32, #tpu.memory_space<vmem>>, vector<16xf32>,
          %get3A_1257 = arith.index_cast %add3A_1180 : i32 to index
          %get3A_1258 = arith.constant 96 : index
          %get3A_1259 = tpu.vector_load %arg14[%get3A_1257, %get3A_1258] {strides = array<i32>} : memref<80x128xf32, #tpu.memory_space<vmem>>, vector<16xf32>,
          %mul3A_1260 = arith.mulf %get3A_1256, %get3A_1259 : vector<16xf32>
          %get3A_1261 = arith.index_cast %add3A_1180 : i32 to index
          %get3A_1262 = arith.constant 96 : index
          %get3A_1263 = tpu.vector_load %arg15[%get3A_1261, %get3A_1262] {strides = array<i32>} : memref<80x128xf32, #tpu.memory_space<vmem>>, vector<16xf32>,
          %mul3A_1264 = arith.mulf %mul3A_1260, %get3A_1263 : vector<16xf32>
          %add3A_1265 = arith.addf %add3A_1253, %mul3A_1264 : vector<16xf32>
          %get3A_1266 = arith.index_cast %add3A_1180 : i32 to index
          %get3A_1267 = arith.constant 112 : index
          %get3A_1268 = tpu.vector_load %arg13[%get3A_1266, %get3A_1267] {strides = array<i32>} : memref<80x128xf32, #tpu.memory_space<vmem>>, vector<16xf32>,
          %get3A_1269 = arith.index_cast %add3A_1180 : i32 to index
          %get3A_1270 = arith.constant 112 : index
          %get3A_1271 = tpu.vector_load %arg14[%get3A_1269, %get3A_1270] {strides = array<i32>} : memref<80x128xf32, #tpu.memory_space<vmem>>, vector<16xf32>,
          %mul3A_1272 = arith.mulf %get3A_1268, %get3A_1271 : vector<16xf32>
          %get3A_1273 = arith.index_cast %add3A_1180 : i32 to index
          %get3A_1274 = arith.constant 112 : index
          %get3A_1275 = tpu.vector_load %arg15[%get3A_1273, %get3A_1274] {strides = array<i32>} : memref<80x128xf32, #tpu.memory_space<vmem>>, vector<16xf32>,
          %mul3A_1276 = arith.mulf %mul3A_1272, %get3A_1275 : vector<16xf32>
          %add3A_1277 = arith.addf %add3A_1265, %mul3A_1276 : vector<16xf32>
          %eq3A_1278 = vector.broadcast %scan3A_1176 : i32 to vector<16xi32>
          %eq3A_1279 = arith.cmpi eq, %iota3A, %eq3A_1278 : vector<16xi32>
          %reduce_sum3A = arith.constant true
          %reduce_sum3A_1280 = vector.broadcast %reduce_sum3A : i1 to vector<16xi1>
          %reduce_sum3A_1281 = tpu.scan <sum>, %add3A_1277 masked %reduce_sum3A_1280 : vector<16xf32>, vector<16xi1> -> vector<16xf32>
          %reduce_sum3A_1282 = vector.extract %reduce_sum3A_1281[15] : f32 from vector<16xf32>
          %broadcast_in_dim3A_1283 = vector.broadcast %reduce_sum3A_1282 : f32 to vector<16xf32>
          %select_n3A = arith.select %eq3A_1279, %broadcast_in_dim3A_1283, %scan3A_1177 : vector<16xi1>, vector<16xf32>
          scf.yield %select_n3A : vector<16xf32>
        }
        %scan3A_1170 = arith.constant 16 : i32
        %mul3A_1171 = arith.constant 16 : i32
        %mul3A_1172 = arith.muli %scan3A_1163, %mul3A_1171 : i32
        %swap3A = arith.constant 0 : i32
        %swap3A_1173 = arith.index_cast %swap3A : i32 to index
        %swap3A_1174 = arith.index_cast %mul3A_1172 : i32 to index
        %swap3A_1175 = tpu.vector_load %arg16[%swap3A_1173, %swap3A_1174] {strides = array<i32>} : memref<2x80xf32, #tpu.memory_space<vmem>>, vector<16xf32>,
        tpu.vector_store %arg16[%swap3A_1173, %swap3A_1174], %scan3A_1169 {strides = array<i32>} : memref<2x80xf32, #tpu.memory_space<vmem>>, vector<16xf32>,
      }
      %scan3A_944 = arith.constant 2 : i32
      %mul3A_945 = arith.constant 80 : i32
      %mul3A_946 = arith.muli %mul3A_730, %mul3A_945 : i32
      %add3A_947 = arith.addi %multiple_of3A, %mul3A_946 : i32
      %multiple_of3A_948 = tpu.assume_multiple %add3A_947, 8 : i32
      %dma_start3A_949 = arith.constant 0 : i32
      %dma_start3A_950 = arith.constant 0 : i32
      %dma_start3A_951 = tpu.memref_slice %arg16[%dma_start3A_949, %dma_start3A_950] : memref<2x80xf32, #tpu.memory_space<vmem>> -> memref<1x80xf32, #tpu.memory_space<vmem>>
      %dma_start3A_952 = tpu.memref_squeeze %dma_start3A_951 : memref<1x80xf32, #tpu.memory_space<vmem>> -> memref<80xf32, #tpu.memory_space<vmem>>
      %dma_start3A_953 = tpu.memref_slice %arg7[%multiple_of3A_948] : memref<320000xf32, #tpu.memory_space<hbm>> -> memref<80xf32, #tpu.memory_space<hbm>>
      %dma_start3A_954 = tpu.memref_slice %arg7[%multiple_of3A_948] : memref<320000xf32, #tpu.memory_space<hbm>> -> memref<80xf32, #tpu.memory_space<hbm>>
      %dma_start3A_955 = arith.constant 0 : i32
      %dma_start3A_956 = tpu.memref_slice %arg16[%dma_start3A_949, %dma_start3A_955] : memref<2x80xf32, #tpu.memory_space<vmem>> -> memref<1x80xf32, #tpu.memory_space<vmem>>
      %dma_start3A_957 = tpu.memref_squeeze %dma_start3A_956 : memref<1x80xf32, #tpu.memory_space<vmem>> -> memref<80xf32, #tpu.memory_space<vmem>>
      tpu.enqueue_dma source(%dma_start3A_957 : memref<80xf32, #tpu.memory_space<vmem>>) target(%dma_start3A_954 : memref<80xf32, #tpu.memory_space<hbm>>) target_semaphore(%arg20 : memref<!tpu.dma_semaphore, #tpu.memory_space<semaphore_mem>>)
      %mul3A_958 = arith.constant 2 : i32
      %mul3A_959 = arith.muli %scan3A_728, %mul3A_958 : i32
      %add3A_960 = arith.constant 1 : i32
      %add3A_961 = arith.addi %mul3A_959, %add3A_960 : i32
      %dma_wait3A_962 = arith.constant 0 : i32
      %dma_wait3A_963 = arith.constant 0 : i32
      %dma_wait3A_964 = tpu.memref_slice %arg13[%dma_wait3A_962, %dma_wait3A_963] : memref<80x128xf32, #tpu.memory_space<vmem>> -> memref<48x128xf32, #tpu.memory_space<vmem>>
      %dma_wait3A_965 = arith.constant 0 : i32
      %dma_wait3A_966 = arith.constant 0 : i32
      %dma_wait3A_967 = tpu.memref_slice %arg5[%dma_wait3A_965, %dma_wait3A_966] : memref<10000x128xf32, #tpu.memory_space<hbm>> -> memref<48x128xf32, #tpu.memory_space<hbm>>
      %dma_wait3A_968 = arith.constant 0 : i32
      %dma_wait3A_969 = arith.constant 0 : i32
      %dma_wait3A_970 = tpu.memref_slice %arg13[%dma_wait3A_968, %dma_wait3A_969] : memref<80x128xf32, #tpu.memory_space<vmem>> -> memref<48x128xf32, #tpu.memory_space<vmem>>
      %dma_wait3A_971 = arith.constant 0 : i32
      %dma_wait3A_972 = arith.constant 0 : i32
      %dma_wait3A_973 = tpu.memref_slice %arg5[%dma_wait3A_971, %dma_wait3A_972] : memref<10000x128xf32, #tpu.memory_space<hbm>> -> memref<48x128xf32, #tpu.memory_space<hbm>>
      tpu.wait_dma2 semaphore(%arg17 : memref<!tpu.dma_semaphore, #tpu.memory_space<semaphore_mem>>) src(%dma_wait3A_973 : memref<48x128xf32, #tpu.memory_space<hbm>>) dst(%dma_wait3A_970 : memref<48x128xf32, #tpu.memory_space<vmem>>)
      %dma_wait3A_974 = arith.constant 0 : i32
      %dma_wait3A_975 = arith.constant 0 : i32
      %dma_wait3A_976 = tpu.memref_slice %arg15[%dma_wait3A_974, %dma_wait3A_975] : memref<80x128xf32, #tpu.memory_space<vmem>> -> memref<48x128xf32, #tpu.memory_space<vmem>>
      %dma_wait3A_977 = arith.constant 0 : i32
      %dma_wait3A_978 = arith.constant 0 : i32
      %dma_wait3A_979 = tpu.memref_slice %arg5[%dma_wait3A_977, %dma_wait3A_978] : memref<10000x128xf32, #tpu.memory_space<hbm>> -> memref<48x128xf32, #tpu.memory_space<hbm>>
      %dma_wait3A_980 = arith.constant 0 : i32
      %dma_wait3A_981 = arith.constant 0 : i32
      %dma_wait3A_982 = tpu.memref_slice %arg15[%dma_wait3A_980, %dma_wait3A_981] : memref<80x128xf32, #tpu.memory_space<vmem>> -> memref<48x128xf32, #tpu.memory_space<vmem>>
      %dma_wait3A_983 = arith.constant 0 : i32
      %dma_wait3A_984 = arith.constant 0 : i32
      %dma_wait3A_985 = tpu.memref_slice %arg5[%dma_wait3A_983, %dma_wait3A_984] : memref<10000x128xf32, #tpu.memory_space<hbm>> -> memref<48x128xf32, #tpu.memory_space<hbm>>
      tpu.wait_dma2 semaphore(%arg17 : memref<!tpu.dma_semaphore, #tpu.memory_space<semaphore_mem>>) src(%dma_wait3A_985 : memref<48x128xf32, #tpu.memory_space<hbm>>) dst(%dma_wait3A_982 : memref<48x128xf32, #tpu.memory_space<vmem>>)
      %dma_wait3A_986 = arith.constant 0 : i32
      %dma_wait3A_987 = arith.constant 0 : i32
      %dma_wait3A_988 = tpu.memref_slice %arg14[%dma_wait3A_986, %dma_wait3A_987] : memref<80x128xf32, #tpu.memory_space<vmem>> -> memref<48x128xf32, #tpu.memory_space<vmem>>
      %dma_wait3A_989 = arith.constant 0 : i32
      %dma_wait3A_990 = arith.constant 0 : i32
      %dma_wait3A_991 = tpu.memref_slice %arg5[%dma_wait3A_989, %dma_wait3A_990] : memref<10000x128xf32, #tpu.memory_space<hbm>> -> memref<48x128xf32, #tpu.memory_space<hbm>>
      %dma_wait3A_992 = arith.constant 0 : i32
      %dma_wait3A_993 = arith.constant 0 : i32
      %dma_wait3A_994 = tpu.memref_slice %arg14[%dma_wait3A_992, %dma_wait3A_993] : memref<80x128xf32, #tpu.memory_space<vmem>> -> memref<48x128xf32, #tpu.memory_space<vmem>>
      %dma_wait3A_995 = arith.constant 0 : i32
      %dma_wait3A_996 = arith.constant 0 : i32
      %dma_wait3A_997 = tpu.memref_slice %arg5[%dma_wait3A_995, %dma_wait3A_996] : memref<10000x128xf32, #tpu.memory_space<hbm>> -> memref<48x128xf32, #tpu.memory_space<hbm>>
      tpu.wait_dma2 semaphore(%arg17 : memref<!tpu.dma_semaphore, #tpu.memory_space<semaphore_mem>>) src(%dma_wait3A_997 : memref<48x128xf32, #tpu.memory_space<hbm>>) dst(%dma_wait3A_994 : memref<48x128xf32, #tpu.memory_space<vmem>>)
      %dma_start3A_998 = arith.constant 1 : i32
      %dma_start3A_999 = arith.constant 48 : i32
      %dma_start3A_1000 = arith.constant 0 : i32
      %dma_start3A_1001 = tpu.memref_slice %arg13[%dma_start3A_999, %dma_start3A_1000] : memref<80x128xf32, #tpu.memory_space<vmem>> -> memref<32x128xf32, #tpu.memory_space<vmem>>
      %dma_start3A_1002 = arith.constant 48 : i32
      %dma_start3A_1003 = tpu.memref_slice %arg10[%dma_start3A_998, %dma_start3A_1002] : memref<2x80xi32, #tpu.memory_space<vmem>> -> memref<1x32xi32, #tpu.memory_space<vmem>>
      %dma_start3A_1004 = tpu.memref_squeeze %dma_start3A_1003 : memref<1x32xi32, #tpu.memory_space<vmem>> -> memref<32xi32, #tpu.memory_space<vmem>>
      %dma_start3A_1005 = arith.constant 0 : i32
      %dma_start3A_1006 = arith.constant 0 : i32
      %dma_start3A_1007 = tpu.memref_slice %arg8[%dma_start3A_1005, %dma_start3A_1006] : memref<10000x128xf32, #tpu.memory_space<vmem_shared>> -> memref<10000x128xf32, #tpu.memory_space<vmem_shared>>
      tpu.enqueue_indirect_dma source(%dma_start3A_1007 : memref<10000x128xf32, #tpu.memory_space<vmem_shared>>) target(%dma_start3A_1001 : memref<32x128xf32, #tpu.memory_space<vmem>>) offsets(%dma_start3A_1004 : memref<32xi32, #tpu.memory_space<vmem>>) semaphore(%arg17 : memref<!tpu.dma_semaphore, #tpu.memory_space<semaphore_mem>>)
      %dma_start3A_1008 = arith.constant 1 : i32
      %dma_start3A_1009 = arith.constant 48 : i32
      %dma_start3A_1010 = arith.constant 0 : i32
      %dma_start3A_1011 = tpu.memref_slice %arg15[%dma_start3A_1009, %dma_start3A_1010] : memref<80x128xf32, #tpu.memory_space<vmem>> -> memref<32x128xf32, #tpu.memory_space<vmem>>
      %dma_start3A_1012 = arith.constant 48 : i32
      %dma_start3A_1013 = tpu.memref_slice %arg11[%dma_start3A_1008, %dma_start3A_1012] : memref<2x80xi32, #tpu.memory_space<vmem>> -> memref<1x32xi32, #tpu.memory_space<vmem>>
      %dma_start3A_1014 = tpu.memref_squeeze %dma_start3A_1013 : memref<1x32xi32, #tpu.memory_space<vmem>> -> memref<32xi32, #tpu.memory_space<vmem>>
      %dma_start3A_1015 = arith.constant 0 : i32
      %dma_start3A_1016 = arith.constant 0 : i32
      %dma_start3A_1017 = tpu.memref_slice %arg8[%dma_start3A_1015, %dma_start3A_1016] : memref<10000x128xf32, #tpu.memory_space<vmem_shared>> -> memref<10000x128xf32, #tpu.memory_space<vmem_shared>>
      tpu.enqueue_indirect_dma source(%dma_start3A_1017 : memref<10000x128xf32, #tpu.memory_space<vmem_shared>>) target(%dma_start3A_1011 : memref<32x128xf32, #tpu.memory_space<vmem>>) offsets(%dma_start3A_1014 : memref<32xi32, #tpu.memory_space<vmem>>) semaphore(%arg17 : memref<!tpu.dma_semaphore, #tpu.memory_space<semaphore_mem>>)
      %dma_start3A_1018 = arith.constant 1 : i32
      %dma_start3A_1019 = arith.constant 48 : i32
      %dma_start3A_1020 = arith.constant 0 : i32
      %dma_start3A_1021 = tpu.memref_slice %arg14[%dma_start3A_1019, %dma_start3A_1020] : memref<80x128xf32, #tpu.memory_space<vmem>> -> memref<32x128xf32, #tpu.memory_space<vmem>>
      %dma_start3A_1022 = arith.constant 48 : i32
      %dma_start3A_1023 = tpu.memref_slice %arg12[%dma_start3A_1018, %dma_start3A_1022] : memref<2x80xi32, #tpu.memory_space<vmem>> -> memref<1x32xi32, #tpu.memory_space<vmem>>
      %dma_start3A_1024 = tpu.memref_squeeze %dma_start3A_1023 : memref<1x32xi32, #tpu.memory_space<vmem>> -> memref<32xi32, #tpu.memory_space<vmem>>
      %dma_start3A_1025 = arith.constant 0 : i32
      %dma_start3A_1026 = arith.constant 0 : i32
      %dma_start3A_1027 = tpu.memref_slice %arg9[%dma_start3A_1025, %dma_start3A_1026] : memref<1024x128xf32, #tpu.memory_space<vmem_shared>> -> memref<1024x128xf32, #tpu.memory_space<vmem_shared>>
      tpu.enqueue_indirect_dma source(%dma_start3A_1027 : memref<1024x128xf32, #tpu.memory_space<vmem_shared>>) target(%dma_start3A_1021 : memref<32x128xf32, #tpu.memory_space<vmem>>) offsets(%dma_start3A_1024 : memref<32xi32, #tpu.memory_space<vmem>>) semaphore(%arg17 : memref<!tpu.dma_semaphore, #tpu.memory_space<semaphore_mem>>)
      %ge3A_1028 = arith.constant 2 : i32
      %ge3A_1029 = arith.cmpi sge, %add3A_961, %ge3A_1028 : i32
      %convert_element_type3A_1030 = arith.extui %ge3A_1029 : i1 to i32
      %cond3A_1031 = arith.constant 0 : i32
      %cond3A_1032 = arith.cmpi ne, %convert_element_type3A_1030, %cond3A_1031 : i32
      scf.if %cond3A_1032 {
        %dma_wait3A_1163 = arith.constant 1 : i32
        %dma_wait3A_1164 = arith.constant 0 : i32
        %dma_wait3A_1165 = tpu.memref_slice %arg16[%dma_wait3A_1163, %dma_wait3A_1164] : memref<2x80xf32, #tpu.memory_space<vmem>> -> memref<1x80xf32, #tpu.memory_space<vmem>>
        %dma_wait3A_1166 = tpu.memref_squeeze %dma_wait3A_1165 : memref<1x80xf32, #tpu.memory_space<vmem>> -> memref<80xf32, #tpu.memory_space<vmem>>
        %dma_wait3A_1167 = arith.constant 0 : i32
        %dma_wait3A_1168 = tpu.memref_slice %arg7[%dma_wait3A_1167] : memref<320000xf32, #tpu.memory_space<hbm>> -> memref<80xf32, #tpu.memory_space<hbm>>
        %dma_wait3A_1169 = arith.constant 0 : i32
        %dma_wait3A_1170 = tpu.memref_slice %arg7[%dma_wait3A_1169] : memref<320000xf32, #tpu.memory_space<hbm>> -> memref<80xf32, #tpu.memory_space<hbm>>
        %dma_wait3A_1171 = arith.constant 0 : i32
        %dma_wait3A_1172 = tpu.memref_slice %arg16[%dma_wait3A_1163, %dma_wait3A_1171] : memref<2x80xf32, #tpu.memory_space<vmem>> -> memref<1x80xf32, #tpu.memory_space<vmem>>
        %dma_wait3A_1173 = tpu.memref_squeeze %dma_wait3A_1172 : memref<1x80xf32, #tpu.memory_space<vmem>> -> memref<80xf32, #tpu.memory_space<vmem>>
        tpu.wait_dma2 semaphore(%arg21 : memref<!tpu.dma_semaphore, #tpu.memory_space<semaphore_mem>>) src(%dma_wait3A_1173 : memref<80xf32, #tpu.memory_space<vmem>>) dst(%dma_wait3A_1170 : memref<80xf32, #tpu.memory_space<hbm>>)
      } else {
      }
      %scan3A_1033 = arith.constant 0 : i32
      %scan3A_1034 = arith.constant 0 : i32
      %scan3A_1035 = arith.constant 3 : i32
      %scan3A_1036 = arith.addi %scan3A_1034, %scan3A_1035 : i32
      %scan3A_1037 = arith.constant 1 : i32
      scf.for %scan3A_1163 = %scan3A_1034 to %scan3A_1036 step %scan3A_1037  : i32 {
        %broadcast_in_dim3A = arith.constant 0.000000e+00 : f32
        %broadcast_in_dim3A_1164 = vector.broadcast %broadcast_in_dim3A : f32 to vector<16xf32>
        %scan3A_1165 = arith.constant 0 : i32
        %scan3A_1166 = arith.constant 16 : i32
        %scan3A_1167 = arith.addi %scan3A_1165, %scan3A_1166 : i32
        %scan3A_1168 = arith.constant 1 : i32
        %scan3A_1169 = scf.for %scan3A_1176 = %scan3A_1165 to %scan3A_1167 step %scan3A_1168 iter_args(%scan3A_1177 = %broadcast_in_dim3A_1164) -> (vector<16xf32>)  : i32 {
          %mul3A_1178 = arith.constant 16 : i32
          %mul3A_1179 = arith.muli %scan3A_1163, %mul3A_1178 : i32
          %add3A_1180 = arith.addi %mul3A_1179, %scan3A_1176 : i32
          %broadcast_in_dim3A_1181 = arith.constant 0.000000e+00 : f32
          %broadcast_in_dim3A_1182 = vector.broadcast %broadcast_in_dim3A_1181 : f32 to vector<16xf32>
          %get3A = arith.index_cast %add3A_1180 : i32 to index
          %get3A_1183 = arith.constant 0 : index
          %get3A_1184 = tpu.vector_load %arg13[%get3A, %get3A_1183] {strides = array<i32>} : memref<80x128xf32, #tpu.memory_space<vmem>>, vector<16xf32>,
          %get3A_1185 = arith.index_cast %add3A_1180 : i32 to index
          %get3A_1186 = arith.constant 0 : index
          %get3A_1187 = tpu.vector_load %arg14[%get3A_1185, %get3A_1186] {strides = array<i32>} : memref<80x128xf32, #tpu.memory_space<vmem>>, vector<16xf32>,
          %mul3A_1188 = arith.mulf %get3A_1184, %get3A_1187 : vector<16xf32>
          %get3A_1189 = arith.index_cast %add3A_1180 : i32 to index
          %get3A_1190 = arith.constant 0 : index
          %get3A_1191 = tpu.vector_load %arg15[%get3A_1189, %get3A_1190] {strides = array<i32>} : memref<80x128xf32, #tpu.memory_space<vmem>>, vector<16xf32>,
          %mul3A_1192 = arith.mulf %mul3A_1188, %get3A_1191 : vector<16xf32>
          %add3A_1193 = arith.addf %broadcast_in_dim3A_1182, %mul3A_1192 : vector<16xf32>
          %get3A_1194 = arith.index_cast %add3A_1180 : i32 to index
          %get3A_1195 = arith.constant 16 : index
          %get3A_1196 = tpu.vector_load %arg13[%get3A_1194, %get3A_1195] {strides = array<i32>} : memref<80x128xf32, #tpu.memory_space<vmem>>, vector<16xf32>,
          %get3A_1197 = arith.index_cast %add3A_1180 : i32 to index
          %get3A_1198 = arith.constant 16 : index
          %get3A_1199 = tpu.vector_load %arg14[%get3A_1197, %get3A_1198] {strides = array<i32>} : memref<80x128xf32, #tpu.memory_space<vmem>>, vector<16xf32>,
          %mul3A_1200 = arith.mulf %get3A_1196, %get3A_1199 : vector<16xf32>
          %get3A_1201 = arith.index_cast %add3A_1180 : i32 to index
          %get3A_1202 = arith.constant 16 : index
          %get3A_1203 = tpu.vector_load %arg15[%get3A_1201, %get3A_1202] {strides = array<i32>} : memref<80x128xf32, #tpu.memory_space<vmem>>, vector<16xf32>,
          %mul3A_1204 = arith.mulf %mul3A_1200, %get3A_1203 : vector<16xf32>
          %add3A_1205 = arith.addf %add3A_1193, %mul3A_1204 : vector<16xf32>
          %get3A_1206 = arith.index_cast %add3A_1180 : i32 to index
          %get3A_1207 = arith.constant 32 : index
          %get3A_1208 = tpu.vector_load %arg13[%get3A_1206, %get3A_1207] {strides = array<i32>} : memref<80x128xf32, #tpu.memory_space<vmem>>, vector<16xf32>,
          %get3A_1209 = arith.index_cast %add3A_1180 : i32 to index
          %get3A_1210 = arith.constant 32 : index
          %get3A_1211 = tpu.vector_load %arg14[%get3A_1209, %get3A_1210] {strides = array<i32>} : memref<80x128xf32, #tpu.memory_space<vmem>>, vector<16xf32>,
          %mul3A_1212 = arith.mulf %get3A_1208, %get3A_1211 : vector<16xf32>
          %get3A_1213 = arith.index_cast %add3A_1180 : i32 to index
          %get3A_1214 = arith.constant 32 : index
          %get3A_1215 = tpu.vector_load %arg15[%get3A_1213, %get3A_1214] {strides = array<i32>} : memref<80x128xf32, #tpu.memory_space<vmem>>, vector<16xf32>,
          %mul3A_1216 = arith.mulf %mul3A_1212, %get3A_1215 : vector<16xf32>
          %add3A_1217 = arith.addf %add3A_1205, %mul3A_1216 : vector<16xf32>
          %get3A_1218 = arith.index_cast %add3A_1180 : i32 to index
          %get3A_1219 = arith.constant 48 : index
          %get3A_1220 = tpu.vector_load %arg13[%get3A_1218, %get3A_1219] {strides = array<i32>} : memref<80x128xf32, #tpu.memory_space<vmem>>, vector<16xf32>,
          %get3A_1221 = arith.index_cast %add3A_1180 : i32 to index
          %get3A_1222 = arith.constant 48 : index
          %get3A_1223 = tpu.vector_load %arg14[%get3A_1221, %get3A_1222] {strides = array<i32>} : memref<80x128xf32, #tpu.memory_space<vmem>>, vector<16xf32>,
          %mul3A_1224 = arith.mulf %get3A_1220, %get3A_1223 : vector<16xf32>
          %get3A_1225 = arith.index_cast %add3A_1180 : i32 to index
          %get3A_1226 = arith.constant 48 : index
          %get3A_1227 = tpu.vector_load %arg15[%get3A_1225, %get3A_1226] {strides = array<i32>} : memref<80x128xf32, #tpu.memory_space<vmem>>, vector<16xf32>,
          %mul3A_1228 = arith.mulf %mul3A_1224, %get3A_1227 : vector<16xf32>
          %add3A_1229 = arith.addf %add3A_1217, %mul3A_1228 : vector<16xf32>
          %get3A_1230 = arith.index_cast %add3A_1180 : i32 to index
          %get3A_1231 = arith.constant 64 : index
          %get3A_1232 = tpu.vector_load %arg13[%get3A_1230, %get3A_1231] {strides = array<i32>} : memref<80x128xf32, #tpu.memory_space<vmem>>, vector<16xf32>,
          %get3A_1233 = arith.index_cast %add3A_1180 : i32 to index
          %get3A_1234 = arith.constant 64 : index
          %get3A_1235 = tpu.vector_load %arg14[%get3A_1233, %get3A_1234] {strides = array<i32>} : memref<80x128xf32, #tpu.memory_space<vmem>>, vector<16xf32>,
          %mul3A_1236 = arith.mulf %get3A_1232, %get3A_1235 : vector<16xf32>
          %get3A_1237 = arith.index_cast %add3A_1180 : i32 to index
          %get3A_1238 = arith.constant 64 : index
          %get3A_1239 = tpu.vector_load %arg15[%get3A_1237, %get3A_1238] {strides = array<i32>} : memref<80x128xf32, #tpu.memory_space<vmem>>, vector<16xf32>,
          %mul3A_1240 = arith.mulf %mul3A_1236, %get3A_1239 : vector<16xf32>
          %add3A_1241 = arith.addf %add3A_1229, %mul3A_1240 : vector<16xf32>
          %get3A_1242 = arith.index_cast %add3A_1180 : i32 to index
          %get3A_1243 = arith.constant 80 : index
          %get3A_1244 = tpu.vector_load %arg13[%get3A_1242, %get3A_1243] {strides = array<i32>} : memref<80x128xf32, #tpu.memory_space<vmem>>, vector<16xf32>,
          %get3A_1245 = arith.index_cast %add3A_1180 : i32 to index
          %get3A_1246 = arith.constant 80 : index
          %get3A_1247 = tpu.vector_load %arg14[%get3A_1245, %get3A_1246] {strides = array<i32>} : memref<80x128xf32, #tpu.memory_space<vmem>>, vector<16xf32>,
          %mul3A_1248 = arith.mulf %get3A_1244, %get3A_1247 : vector<16xf32>
          %get3A_1249 = arith.index_cast %add3A_1180 : i32 to index
          %get3A_1250 = arith.constant 80 : index
          %get3A_1251 = tpu.vector_load %arg15[%get3A_1249, %get3A_1250] {strides = array<i32>} : memref<80x128xf32, #tpu.memory_space<vmem>>, vector<16xf32>,
          %mul3A_1252 = arith.mulf %mul3A_1248, %get3A_1251 : vector<16xf32>
          %add3A_1253 = arith.addf %add3A_1241, %mul3A_1252 : vector<16xf32>
          %get3A_1254 = arith.index_cast %add3A_1180 : i32 to index
          %get3A_1255 = arith.constant 96 : index
          %get3A_1256 = tpu.vector_load %arg13[%get3A_1254, %get3A_1255] {strides = array<i32>} : memref<80x128xf32, #tpu.memory_space<vmem>>, vector<16xf32>,
          %get3A_1257 = arith.index_cast %add3A_1180 : i32 to index
          %get3A_1258 = arith.constant 96 : index
          %get3A_1259 = tpu.vector_load %arg14[%get3A_1257, %get3A_1258] {strides = array<i32>} : memref<80x128xf32, #tpu.memory_space<vmem>>, vector<16xf32>,
          %mul3A_1260 = arith.mulf %get3A_1256, %get3A_1259 : vector<16xf32>
          %get3A_1261 = arith.index_cast %add3A_1180 : i32 to index
          %get3A_1262 = arith.constant 96 : index
          %get3A_1263 = tpu.vector_load %arg15[%get3A_1261, %get3A_1262] {strides = array<i32>} : memref<80x128xf32, #tpu.memory_space<vmem>>, vector<16xf32>,
          %mul3A_1264 = arith.mulf %mul3A_1260, %get3A_1263 : vector<16xf32>
          %add3A_1265 = arith.addf %add3A_1253, %mul3A_1264 : vector<16xf32>
          %get3A_1266 = arith.index_cast %add3A_1180 : i32 to index
          %get3A_1267 = arith.constant 112 : index
          %get3A_1268 = tpu.vector_load %arg13[%get3A_1266, %get3A_1267] {strides = array<i32>} : memref<80x128xf32, #tpu.memory_space<vmem>>, vector<16xf32>,
          %get3A_1269 = arith.index_cast %add3A_1180 : i32 to index
          %get3A_1270 = arith.constant 112 : index
          %get3A_1271 = tpu.vector_load %arg14[%get3A_1269, %get3A_1270] {strides = array<i32>} : memref<80x128xf32, #tpu.memory_space<vmem>>, vector<16xf32>,
          %mul3A_1272 = arith.mulf %get3A_1268, %get3A_1271 : vector<16xf32>
          %get3A_1273 = arith.index_cast %add3A_1180 : i32 to index
          %get3A_1274 = arith.constant 112 : index
          %get3A_1275 = tpu.vector_load %arg15[%get3A_1273, %get3A_1274] {strides = array<i32>} : memref<80x128xf32, #tpu.memory_space<vmem>>, vector<16xf32>,
          %mul3A_1276 = arith.mulf %mul3A_1272, %get3A_1275 : vector<16xf32>
          %add3A_1277 = arith.addf %add3A_1265, %mul3A_1276 : vector<16xf32>
          %eq3A_1278 = vector.broadcast %scan3A_1176 : i32 to vector<16xi32>
          %eq3A_1279 = arith.cmpi eq, %iota3A, %eq3A_1278 : vector<16xi32>
          %reduce_sum3A = arith.constant true
          %reduce_sum3A_1280 = vector.broadcast %reduce_sum3A : i1 to vector<16xi1>
          %reduce_sum3A_1281 = tpu.scan <sum>, %add3A_1277 masked %reduce_sum3A_1280 : vector<16xf32>, vector<16xi1> -> vector<16xf32>
          %reduce_sum3A_1282 = vector.extract %reduce_sum3A_1281[15] : f32 from vector<16xf32>
          %broadcast_in_dim3A_1283 = vector.broadcast %reduce_sum3A_1282 : f32 to vector<16xf32>
          %select_n3A = arith.select %eq3A_1279, %broadcast_in_dim3A_1283, %scan3A_1177 : vector<16xi1>, vector<16xf32>
          scf.yield %select_n3A : vector<16xf32>
        }
        %scan3A_1170 = arith.constant 16 : i32
        %mul3A_1171 = arith.constant 16 : i32
        %mul3A_1172 = arith.muli %scan3A_1163, %mul3A_1171 : i32
        %swap3A = arith.constant 1 : i32
        %swap3A_1173 = arith.index_cast %swap3A : i32 to index
        %swap3A_1174 = arith.index_cast %mul3A_1172 : i32 to index
        %swap3A_1175 = tpu.vector_load %arg16[%swap3A_1173, %swap3A_1174] {strides = array<i32>} : memref<2x80xf32, #tpu.memory_space<vmem>>, vector<16xf32>,
        tpu.vector_store %arg16[%swap3A_1173, %swap3A_1174], %scan3A_1169 {strides = array<i32>} : memref<2x80xf32, #tpu.memory_space<vmem>>, vector<16xf32>,
      }
      %scan3A_1038 = arith.constant 3 : i32
      %dma_wait3A_1039 = arith.constant 0 : i32
      %dma_wait3A_1040 = arith.constant 0 : i32
      %dma_wait3A_1041 = tpu.memref_slice %arg13[%dma_wait3A_1039, %dma_wait3A_1040] : memref<80x128xf32, #tpu.memory_space<vmem>> -> memref<32x128xf32, #tpu.memory_space<vmem>>
      %dma_wait3A_1042 = arith.constant 0 : i32
      %dma_wait3A_1043 = arith.constant 0 : i32
      %dma_wait3A_1044 = tpu.memref_slice %arg5[%dma_wait3A_1042, %dma_wait3A_1043] : memref<10000x128xf32, #tpu.memory_space<hbm>> -> memref<32x128xf32, #tpu.memory_space<hbm>>
      %dma_wait3A_1045 = arith.constant 0 : i32
      %dma_wait3A_1046 = arith.constant 0 : i32
      %dma_wait3A_1047 = tpu.memref_slice %arg13[%dma_wait3A_1045, %dma_wait3A_1046] : memref<80x128xf32, #tpu.memory_space<vmem>> -> memref<32x128xf32, #tpu.memory_space<vmem>>
      %dma_wait3A_1048 = arith.constant 0 : i32
      %dma_wait3A_1049 = arith.constant 0 : i32
      %dma_wait3A_1050 = tpu.memref_slice %arg5[%dma_wait3A_1048, %dma_wait3A_1049] : memref<10000x128xf32, #tpu.memory_space<hbm>> -> memref<32x128xf32, #tpu.memory_space<hbm>>
      tpu.wait_dma2 semaphore(%arg17 : memref<!tpu.dma_semaphore, #tpu.memory_space<semaphore_mem>>) src(%dma_wait3A_1050 : memref<32x128xf32, #tpu.memory_space<hbm>>) dst(%dma_wait3A_1047 : memref<32x128xf32, #tpu.memory_space<vmem>>)
      %dma_wait3A_1051 = arith.constant 0 : i32
      %dma_wait3A_1052 = arith.constant 0 : i32
      %dma_wait3A_1053 = tpu.memref_slice %arg15[%dma_wait3A_1051, %dma_wait3A_1052] : memref<80x128xf32, #tpu.memory_space<vmem>> -> memref<32x128xf32, #tpu.memory_space<vmem>>
      %dma_wait3A_1054 = arith.constant 0 : i32
      %dma_wait3A_1055 = arith.constant 0 : i32
      %dma_wait3A_1056 = tpu.memref_slice %arg5[%dma_wait3A_1054, %dma_wait3A_1055] : memref<10000x128xf32, #tpu.memory_space<hbm>> -> memref<32x128xf32, #tpu.memory_space<hbm>>
      %dma_wait3A_1057 = arith.constant 0 : i32
      %dma_wait3A_1058 = arith.constant 0 : i32
      %dma_wait3A_1059 = tpu.memref_slice %arg15[%dma_wait3A_1057, %dma_wait3A_1058] : memref<80x128xf32, #tpu.memory_space<vmem>> -> memref<32x128xf32, #tpu.memory_space<vmem>>
      %dma_wait3A_1060 = arith.constant 0 : i32
      %dma_wait3A_1061 = arith.constant 0 : i32
      %dma_wait3A_1062 = tpu.memref_slice %arg5[%dma_wait3A_1060, %dma_wait3A_1061] : memref<10000x128xf32, #tpu.memory_space<hbm>> -> memref<32x128xf32, #tpu.memory_space<hbm>>
      tpu.wait_dma2 semaphore(%arg17 : memref<!tpu.dma_semaphore, #tpu.memory_space<semaphore_mem>>) src(%dma_wait3A_1062 : memref<32x128xf32, #tpu.memory_space<hbm>>) dst(%dma_wait3A_1059 : memref<32x128xf32, #tpu.memory_space<vmem>>)
      %dma_wait3A_1063 = arith.constant 0 : i32
      %dma_wait3A_1064 = arith.constant 0 : i32
      %dma_wait3A_1065 = tpu.memref_slice %arg14[%dma_wait3A_1063, %dma_wait3A_1064] : memref<80x128xf32, #tpu.memory_space<vmem>> -> memref<32x128xf32, #tpu.memory_space<vmem>>
      %dma_wait3A_1066 = arith.constant 0 : i32
      %dma_wait3A_1067 = arith.constant 0 : i32
      %dma_wait3A_1068 = tpu.memref_slice %arg5[%dma_wait3A_1066, %dma_wait3A_1067] : memref<10000x128xf32, #tpu.memory_space<hbm>> -> memref<32x128xf32, #tpu.memory_space<hbm>>
      %dma_wait3A_1069 = arith.constant 0 : i32
      %dma_wait3A_1070 = arith.constant 0 : i32
      %dma_wait3A_1071 = tpu.memref_slice %arg14[%dma_wait3A_1069, %dma_wait3A_1070] : memref<80x128xf32, #tpu.memory_space<vmem>> -> memref<32x128xf32, #tpu.memory_space<vmem>>
      %dma_wait3A_1072 = arith.constant 0 : i32
      %dma_wait3A_1073 = arith.constant 0 : i32
      %dma_wait3A_1074 = tpu.memref_slice %arg5[%dma_wait3A_1072, %dma_wait3A_1073] : memref<10000x128xf32, #tpu.memory_space<hbm>> -> memref<32x128xf32, #tpu.memory_space<hbm>>
      tpu.wait_dma2 semaphore(%arg17 : memref<!tpu.dma_semaphore, #tpu.memory_space<semaphore_mem>>) src(%dma_wait3A_1074 : memref<32x128xf32, #tpu.memory_space<hbm>>) dst(%dma_wait3A_1071 : memref<32x128xf32, #tpu.memory_space<vmem>>)
      %dma_wait3A_1075 = arith.constant 0 : i32
      %dma_wait3A_1076 = arith.constant 0 : i32
      %dma_wait3A_1077 = tpu.memref_slice %arg10[%dma_wait3A_1075, %dma_wait3A_1076] : memref<2x80xi32, #tpu.memory_space<vmem>> -> memref<1x80xi32, #tpu.memory_space<vmem>>
      %dma_wait3A_1078 = tpu.memref_squeeze %dma_wait3A_1077 : memref<1x80xi32, #tpu.memory_space<vmem>> -> memref<80xi32, #tpu.memory_space<vmem>>
      %dma_wait3A_1079 = arith.constant 0 : i32
      %dma_wait3A_1080 = tpu.memref_slice %arg2[%dma_wait3A_1079] : memref<320000xi32, #tpu.memory_space<hbm>> -> memref<80xi32, #tpu.memory_space<hbm>>
      %dma_wait3A_1081 = arith.constant 0 : i32
      %dma_wait3A_1082 = tpu.memref_slice %arg10[%dma_wait3A_1075, %dma_wait3A_1081] : memref<2x80xi32, #tpu.memory_space<vmem>> -> memref<1x80xi32, #tpu.memory_space<vmem>>
      %dma_wait3A_1083 = tpu.memref_squeeze %dma_wait3A_1082 : memref<1x80xi32, #tpu.memory_space<vmem>> -> memref<80xi32, #tpu.memory_space<vmem>>
      %dma_wait3A_1084 = arith.constant 0 : i32
      %dma_wait3A_1085 = tpu.memref_slice %arg2[%dma_wait3A_1084] : memref<320000xi32, #tpu.memory_space<hbm>> -> memref<80xi32, #tpu.memory_space<hbm>>
      tpu.wait_dma2 semaphore(%arg18 : memref<!tpu.dma_semaphore, #tpu.memory_space<semaphore_mem>>) src(%dma_wait3A_1085 : memref<80xi32, #tpu.memory_space<hbm>>) dst(%dma_wait3A_1083 : memref<80xi32, #tpu.memory_space<vmem>>)
      %dma_wait3A_1086 = arith.constant 0 : i32
      %dma_wait3A_1087 = arith.constant 0 : i32
      %dma_wait3A_1088 = tpu.memref_slice %arg10[%dma_wait3A_1086, %dma_wait3A_1087] : memref<2x80xi32, #tpu.memory_space<vmem>> -> memref<1x80xi32, #tpu.memory_space<vmem>>
      %dma_wait3A_1089 = tpu.memref_squeeze %dma_wait3A_1088 : memref<1x80xi32, #tpu.memory_space<vmem>> -> memref<80xi32, #tpu.memory_space<vmem>>
      %dma_wait3A_1090 = arith.constant 0 : i32
      %dma_wait3A_1091 = tpu.memref_slice %arg2[%dma_wait3A_1090] : memref<320000xi32, #tpu.memory_space<hbm>> -> memref<80xi32, #tpu.memory_space<hbm>>
      %dma_wait3A_1092 = arith.constant 0 : i32
      %dma_wait3A_1093 = tpu.memref_slice %arg10[%dma_wait3A_1086, %dma_wait3A_1092] : memref<2x80xi32, #tpu.memory_space<vmem>> -> memref<1x80xi32, #tpu.memory_space<vmem>>
      %dma_wait3A_1094 = tpu.memref_squeeze %dma_wait3A_1093 : memref<1x80xi32, #tpu.memory_space<vmem>> -> memref<80xi32, #tpu.memory_space<vmem>>
      %dma_wait3A_1095 = arith.constant 0 : i32
      %dma_wait3A_1096 = tpu.memref_slice %arg2[%dma_wait3A_1095] : memref<320000xi32, #tpu.memory_space<hbm>> -> memref<80xi32, #tpu.memory_space<hbm>>
      tpu.wait_dma2 semaphore(%arg18 : memref<!tpu.dma_semaphore, #tpu.memory_space<semaphore_mem>>) src(%dma_wait3A_1096 : memref<80xi32, #tpu.memory_space<hbm>>) dst(%dma_wait3A_1094 : memref<80xi32, #tpu.memory_space<vmem>>)
      %dma_wait3A_1097 = arith.constant 0 : i32
      %dma_wait3A_1098 = arith.constant 0 : i32
      %dma_wait3A_1099 = tpu.memref_slice %arg10[%dma_wait3A_1097, %dma_wait3A_1098] : memref<2x80xi32, #tpu.memory_space<vmem>> -> memref<1x80xi32, #tpu.memory_space<vmem>>
      %dma_wait3A_1100 = tpu.memref_squeeze %dma_wait3A_1099 : memref<1x80xi32, #tpu.memory_space<vmem>> -> memref<80xi32, #tpu.memory_space<vmem>>
      %dma_wait3A_1101 = arith.constant 0 : i32
      %dma_wait3A_1102 = tpu.memref_slice %arg2[%dma_wait3A_1101] : memref<320000xi32, #tpu.memory_space<hbm>> -> memref<80xi32, #tpu.memory_space<hbm>>
      %dma_wait3A_1103 = arith.constant 0 : i32
      %dma_wait3A_1104 = tpu.memref_slice %arg10[%dma_wait3A_1097, %dma_wait3A_1103] : memref<2x80xi32, #tpu.memory_space<vmem>> -> memref<1x80xi32, #tpu.memory_space<vmem>>
      %dma_wait3A_1105 = tpu.memref_squeeze %dma_wait3A_1104 : memref<1x80xi32, #tpu.memory_space<vmem>> -> memref<80xi32, #tpu.memory_space<vmem>>
      %dma_wait3A_1106 = arith.constant 0 : i32
      %dma_wait3A_1107 = tpu.memref_slice %arg2[%dma_wait3A_1106] : memref<320000xi32, #tpu.memory_space<hbm>> -> memref<80xi32, #tpu.memory_space<hbm>>
      tpu.wait_dma2 semaphore(%arg18 : memref<!tpu.dma_semaphore, #tpu.memory_space<semaphore_mem>>) src(%dma_wait3A_1107 : memref<80xi32, #tpu.memory_space<hbm>>) dst(%dma_wait3A_1105 : memref<80xi32, #tpu.memory_space<vmem>>)
      %dma_start3A_1108 = arith.constant 0 : i32
      %dma_start3A_1109 = arith.constant 0 : i32
      %dma_start3A_1110 = arith.constant 0 : i32
      %dma_start3A_1111 = tpu.memref_slice %arg13[%dma_start3A_1109, %dma_start3A_1110] : memref<80x128xf32, #tpu.memory_space<vmem>> -> memref<48x128xf32, #tpu.memory_space<vmem>>
      %dma_start3A_1112 = arith.constant 0 : i32
      %dma_start3A_1113 = tpu.memref_slice %arg10[%dma_start3A_1108, %dma_start3A_1112] : memref<2x80xi32, #tpu.memory_space<vmem>> -> memref<1x48xi32, #tpu.memory_space<vmem>>
      %dma_start3A_1114 = tpu.memref_squeeze %dma_start3A_1113 : memref<1x48xi32, #tpu.memory_space<vmem>> -> memref<48xi32, #tpu.memory_space<vmem>>
      %dma_start3A_1115 = arith.constant 0 : i32
      %dma_start3A_1116 = arith.constant 0 : i32
      %dma_start3A_1117 = tpu.memref_slice %arg8[%dma_start3A_1115, %dma_start3A_1116] : memref<10000x128xf32, #tpu.memory_space<vmem_shared>> -> memref<10000x128xf32, #tpu.memory_space<vmem_shared>>
      tpu.enqueue_indirect_dma source(%dma_start3A_1117 : memref<10000x128xf32, #tpu.memory_space<vmem_shared>>) target(%dma_start3A_1111 : memref<48x128xf32, #tpu.memory_space<vmem>>) offsets(%dma_start3A_1114 : memref<48xi32, #tpu.memory_space<vmem>>) semaphore(%arg17 : memref<!tpu.dma_semaphore, #tpu.memory_space<semaphore_mem>>)
      %dma_start3A_1118 = arith.constant 0 : i32
      %dma_start3A_1119 = arith.constant 0 : i32
      %dma_start3A_1120 = arith.constant 0 : i32
      %dma_start3A_1121 = tpu.memref_slice %arg15[%dma_start3A_1119, %dma_start3A_1120] : memref<80x128xf32, #tpu.memory_space<vmem>> -> memref<48x128xf32, #tpu.memory_space<vmem>>
      %dma_start3A_1122 = arith.constant 0 : i32
      %dma_start3A_1123 = tpu.memref_slice %arg11[%dma_start3A_1118, %dma_start3A_1122] : memref<2x80xi32, #tpu.memory_space<vmem>> -> memref<1x48xi32, #tpu.memory_space<vmem>>
      %dma_start3A_1124 = tpu.memref_squeeze %dma_start3A_1123 : memref<1x48xi32, #tpu.memory_space<vmem>> -> memref<48xi32, #tpu.memory_space<vmem>>
      %dma_start3A_1125 = arith.constant 0 : i32
      %dma_start3A_1126 = arith.constant 0 : i32
      %dma_start3A_1127 = tpu.memref_slice %arg8[%dma_start3A_1125, %dma_start3A_1126] : memref<10000x128xf32, #tpu.memory_space<vmem_shared>> -> memref<10000x128xf32, #tpu.memory_space<vmem_shared>>
      tpu.enqueue_indirect_dma source(%dma_start3A_1127 : memref<10000x128xf32, #tpu.memory_space<vmem_shared>>) target(%dma_start3A_1121 : memref<48x128xf32, #tpu.memory_space<vmem>>) offsets(%dma_start3A_1124 : memref<48xi32, #tpu.memory_space<vmem>>) semaphore(%arg17 : memref<!tpu.dma_semaphore, #tpu.memory_space<semaphore_mem>>)
      %dma_start3A_1128 = arith.constant 0 : i32
      %dma_start3A_1129 = arith.constant 0 : i32
      %dma_start3A_1130 = arith.constant 0 : i32
      %dma_start3A_1131 = tpu.memref_slice %arg14[%dma_start3A_1129, %dma_start3A_1130] : memref<80x128xf32, #tpu.memory_space<vmem>> -> memref<48x128xf32, #tpu.memory_space<vmem>>
      %dma_start3A_1132 = arith.constant 0 : i32
      %dma_start3A_1133 = tpu.memref_slice %arg12[%dma_start3A_1128, %dma_start3A_1132] : memref<2x80xi32, #tpu.memory_space<vmem>> -> memref<1x48xi32, #tpu.memory_space<vmem>>
      %dma_start3A_1134 = tpu.memref_squeeze %dma_start3A_1133 : memref<1x48xi32, #tpu.memory_space<vmem>> -> memref<48xi32, #tpu.memory_space<vmem>>
      %dma_start3A_1135 = arith.constant 0 : i32
      %dma_start3A_1136 = arith.constant 0 : i32
      %dma_start3A_1137 = tpu.memref_slice %arg9[%dma_start3A_1135, %dma_start3A_1136] : memref<1024x128xf32, #tpu.memory_space<vmem_shared>> -> memref<1024x128xf32, #tpu.memory_space<vmem_shared>>
      tpu.enqueue_indirect_dma source(%dma_start3A_1137 : memref<1024x128xf32, #tpu.memory_space<vmem_shared>>) target(%dma_start3A_1131 : memref<48x128xf32, #tpu.memory_space<vmem>>) offsets(%dma_start3A_1134 : memref<48xi32, #tpu.memory_space<vmem>>) semaphore(%arg17 : memref<!tpu.dma_semaphore, #tpu.memory_space<semaphore_mem>>)
      %add3A_1138 = arith.constant 2 : i32
      %add3A_1139 = arith.addi %add3A_961, %add3A_1138 : i32
      %lt3A = arith.constant 125 : i32
      %lt3A_1140 = arith.cmpi slt, %add3A_1139, %lt3A : i32
      %convert_element_type3A_1141 = arith.extui %lt3A_1140 : i1 to i32
      %cond3A_1142 = arith.constant 0 : i32
      %cond3A_1143 = arith.cmpi ne, %convert_element_type3A_1141, %cond3A_1142 : i32
      scf.if %cond3A_1143 {
        %add3A_1163 = arith.constant 2 : i32
        %add3A_1164 = arith.addi %add3A_961, %add3A_1163 : i32
        %mul3A_1165 = arith.constant 80 : i32
        %mul3A_1166 = arith.muli %add3A_1164, %mul3A_1165 : i32
        %add3A_1167 = arith.addi %multiple_of3A, %mul3A_1166 : i32
        %multiple_of3A_1168 = tpu.assume_multiple %add3A_1167, 8 : i32
        %dma_start3A_1169 = arith.constant 1 : i32
        %dma_start3A_1170 = arith.constant 0 : i32
        %dma_start3A_1171 = tpu.memref_slice %arg10[%dma_start3A_1169, %dma_start3A_1170] : memref<2x80xi32, #tpu.memory_space<vmem>> -> memref<1x80xi32, #tpu.memory_space<vmem>>
        %dma_start3A_1172 = tpu.memref_squeeze %dma_start3A_1171 : memref<1x80xi32, #tpu.memory_space<vmem>> -> memref<80xi32, #tpu.memory_space<vmem>>
        %dma_start3A_1173 = tpu.memref_slice %arg2[%multiple_of3A_1168] : memref<320000xi32, #tpu.memory_space<hbm>> -> memref<80xi32, #tpu.memory_space<hbm>>
        %dma_start3A_1174 = arith.constant 0 : i32
        %dma_start3A_1175 = tpu.memref_slice %arg10[%dma_start3A_1169, %dma_start3A_1174] : memref<2x80xi32, #tpu.memory_space<vmem>> -> memref<1x80xi32, #tpu.memory_space<vmem>>
        %dma_start3A_1176 = tpu.memref_squeeze %dma_start3A_1175 : memref<1x80xi32, #tpu.memory_space<vmem>> -> memref<80xi32, #tpu.memory_space<vmem>>
        %dma_start3A_1177 = tpu.memref_slice %arg2[%multiple_of3A_1168] : memref<320000xi32, #tpu.memory_space<hbm>> -> memref<80xi32, #tpu.memory_space<hbm>>
        tpu.enqueue_dma source(%dma_start3A_1177 : memref<80xi32, #tpu.memory_space<hbm>>) target(%dma_start3A_1176 : memref<80xi32, #tpu.memory_space<vmem>>) target_semaphore(%arg19 : memref<!tpu.dma_semaphore, #tpu.memory_space<semaphore_mem>>)
        %dma_start3A_1178 = arith.constant 1 : i32
        %dma_start3A_1179 = arith.constant 0 : i32
        %dma_start3A_1180 = tpu.memref_slice %arg11[%dma_start3A_1178, %dma_start3A_1179] : memref<2x80xi32, #tpu.memory_space<vmem>> -> memref<1x80xi32, #tpu.memory_space<vmem>>
        %dma_start3A_1181 = tpu.memref_squeeze %dma_start3A_1180 : memref<1x80xi32, #tpu.memory_space<vmem>> -> memref<80xi32, #tpu.memory_space<vmem>>
        %dma_start3A_1182 = tpu.memref_slice %arg3[%multiple_of3A_1168] : memref<320000xi32, #tpu.memory_space<hbm>> -> memref<80xi32, #tpu.memory_space<hbm>>
        %dma_start3A_1183 = arith.constant 0 : i32
        %dma_start3A_1184 = tpu.memref_slice %arg11[%dma_start3A_1178, %dma_start3A_1183] : memref<2x80xi32, #tpu.memory_space<vmem>> -> memref<1x80xi32, #tpu.memory_space<vmem>>
        %dma_start3A_1185 = tpu.memref_squeeze %dma_start3A_1184 : memref<1x80xi32, #tpu.memory_space<vmem>> -> memref<80xi32, #tpu.memory_space<vmem>>
        %dma_start3A_1186 = tpu.memref_slice %arg3[%multiple_of3A_1168] : memref<320000xi32, #tpu.memory_space<hbm>> -> memref<80xi32, #tpu.memory_space<hbm>>
        tpu.enqueue_dma source(%dma_start3A_1186 : memref<80xi32, #tpu.memory_space<hbm>>) target(%dma_start3A_1185 : memref<80xi32, #tpu.memory_space<vmem>>) target_semaphore(%arg19 : memref<!tpu.dma_semaphore, #tpu.memory_space<semaphore_mem>>)
        %dma_start3A_1187 = arith.constant 1 : i32
        %dma_start3A_1188 = arith.constant 0 : i32
        %dma_start3A_1189 = tpu.memref_slice %arg12[%dma_start3A_1187, %dma_start3A_1188] : memref<2x80xi32, #tpu.memory_space<vmem>> -> memref<1x80xi32, #tpu.memory_space<vmem>>
        %dma_start3A_1190 = tpu.memref_squeeze %dma_start3A_1189 : memref<1x80xi32, #tpu.memory_space<vmem>> -> memref<80xi32, #tpu.memory_space<vmem>>
        %dma_start3A_1191 = tpu.memref_slice %arg4[%multiple_of3A_1168] : memref<320000xi32, #tpu.memory_space<hbm>> -> memref<80xi32, #tpu.memory_space<hbm>>
        %dma_start3A_1192 = arith.constant 0 : i32
        %dma_start3A_1193 = tpu.memref_slice %arg12[%dma_start3A_1187, %dma_start3A_1192] : memref<2x80xi32, #tpu.memory_space<vmem>> -> memref<1x80xi32, #tpu.memory_space<vmem>>
        %dma_start3A_1194 = tpu.memref_squeeze %dma_start3A_1193 : memref<1x80xi32, #tpu.memory_space<vmem>> -> memref<80xi32, #tpu.memory_space<vmem>>
        %dma_start3A_1195 = tpu.memref_slice %arg4[%multiple_of3A_1168] : memref<320000xi32, #tpu.memory_space<hbm>> -> memref<80xi32, #tpu.memory_space<hbm>>
        tpu.enqueue_dma source(%dma_start3A_1195 : memref<80xi32, #tpu.memory_space<hbm>>) target(%dma_start3A_1194 : memref<80xi32, #tpu.memory_space<vmem>>) target_semaphore(%arg19 : memref<!tpu.dma_semaphore, #tpu.memory_space<semaphore_mem>>)
      } else {
      }
      %scan3A_1144 = arith.constant 0 : i32
      %scan3A_1145 = arith.constant 3 : i32
      %scan3A_1146 = arith.constant 2 : i32
      %scan3A_1147 = arith.addi %scan3A_1145, %scan3A_1146 : i32
      %scan3A_1148 = arith.constant 1 : i32
      scf.for %scan3A_1163 = %scan3A_1145 to %scan3A_1147 step %scan3A_1148  : i32 {
        %broadcast_in_dim3A = arith.constant 0.000000e+00 : f32
        %broadcast_in_dim3A_1164 = vector.broadcast %broadcast_in_dim3A : f32 to vector<16xf32>
        %scan3A_1165 = arith.constant 0 : i32
        %scan3A_1166 = arith.constant 16 : i32
        %scan3A_1167 = arith.addi %scan3A_1165, %scan3A_1166 : i32
        %scan3A_1168 = arith.constant 1 : i32
        %scan3A_1169 = scf.for %scan3A_1176 = %scan3A_1165 to %scan3A_1167 step %scan3A_1168 iter_args(%scan3A_1177 = %broadcast_in_dim3A_1164) -> (vector<16xf32>)  : i32 {
          %mul3A_1178 = arith.constant 16 : i32
          %mul3A_1179 = arith.muli %scan3A_1163, %mul3A_1178 : i32
          %add3A_1180 = arith.addi %mul3A_1179, %scan3A_1176 : i32
          %broadcast_in_dim3A_1181 = arith.constant 0.000000e+00 : f32
          %broadcast_in_dim3A_1182 = vector.broadcast %broadcast_in_dim3A_1181 : f32 to vector<16xf32>
          %get3A = arith.index_cast %add3A_1180 : i32 to index
          %get3A_1183 = arith.constant 0 : index
          %get3A_1184 = tpu.vector_load %arg13[%get3A, %get3A_1183] {strides = array<i32>} : memref<80x128xf32, #tpu.memory_space<vmem>>, vector<16xf32>,
          %get3A_1185 = arith.index_cast %add3A_1180 : i32 to index
          %get3A_1186 = arith.constant 0 : index
          %get3A_1187 = tpu.vector_load %arg14[%get3A_1185, %get3A_1186] {strides = array<i32>} : memref<80x128xf32, #tpu.memory_space<vmem>>, vector<16xf32>,
          %mul3A_1188 = arith.mulf %get3A_1184, %get3A_1187 : vector<16xf32>
          %get3A_1189 = arith.index_cast %add3A_1180 : i32 to index
          %get3A_1190 = arith.constant 0 : index
          %get3A_1191 = tpu.vector_load %arg15[%get3A_1189, %get3A_1190] {strides = array<i32>} : memref<80x128xf32, #tpu.memory_space<vmem>>, vector<16xf32>,
          %mul3A_1192 = arith.mulf %mul3A_1188, %get3A_1191 : vector<16xf32>
          %add3A_1193 = arith.addf %broadcast_in_dim3A_1182, %mul3A_1192 : vector<16xf32>
          %get3A_1194 = arith.index_cast %add3A_1180 : i32 to index
          %get3A_1195 = arith.constant 16 : index
          %get3A_1196 = tpu.vector_load %arg13[%get3A_1194, %get3A_1195] {strides = array<i32>} : memref<80x128xf32, #tpu.memory_space<vmem>>, vector<16xf32>,
          %get3A_1197 = arith.index_cast %add3A_1180 : i32 to index
          %get3A_1198 = arith.constant 16 : index
          %get3A_1199 = tpu.vector_load %arg14[%get3A_1197, %get3A_1198] {strides = array<i32>} : memref<80x128xf32, #tpu.memory_space<vmem>>, vector<16xf32>,
          %mul3A_1200 = arith.mulf %get3A_1196, %get3A_1199 : vector<16xf32>
          %get3A_1201 = arith.index_cast %add3A_1180 : i32 to index
          %get3A_1202 = arith.constant 16 : index
          %get3A_1203 = tpu.vector_load %arg15[%get3A_1201, %get3A_1202] {strides = array<i32>} : memref<80x128xf32, #tpu.memory_space<vmem>>, vector<16xf32>,
          %mul3A_1204 = arith.mulf %mul3A_1200, %get3A_1203 : vector<16xf32>
          %add3A_1205 = arith.addf %add3A_1193, %mul3A_1204 : vector<16xf32>
          %get3A_1206 = arith.index_cast %add3A_1180 : i32 to index
          %get3A_1207 = arith.constant 32 : index
          %get3A_1208 = tpu.vector_load %arg13[%get3A_1206, %get3A_1207] {strides = array<i32>} : memref<80x128xf32, #tpu.memory_space<vmem>>, vector<16xf32>,
          %get3A_1209 = arith.index_cast %add3A_1180 : i32 to index
          %get3A_1210 = arith.constant 32 : index
          %get3A_1211 = tpu.vector_load %arg14[%get3A_1209, %get3A_1210] {strides = array<i32>} : memref<80x128xf32, #tpu.memory_space<vmem>>, vector<16xf32>,
          %mul3A_1212 = arith.mulf %get3A_1208, %get3A_1211 : vector<16xf32>
          %get3A_1213 = arith.index_cast %add3A_1180 : i32 to index
          %get3A_1214 = arith.constant 32 : index
          %get3A_1215 = tpu.vector_load %arg15[%get3A_1213, %get3A_1214] {strides = array<i32>} : memref<80x128xf32, #tpu.memory_space<vmem>>, vector<16xf32>,
          %mul3A_1216 = arith.mulf %mul3A_1212, %get3A_1215 : vector<16xf32>
          %add3A_1217 = arith.addf %add3A_1205, %mul3A_1216 : vector<16xf32>
          %get3A_1218 = arith.index_cast %add3A_1180 : i32 to index
          %get3A_1219 = arith.constant 48 : index
          %get3A_1220 = tpu.vector_load %arg13[%get3A_1218, %get3A_1219] {strides = array<i32>} : memref<80x128xf32, #tpu.memory_space<vmem>>, vector<16xf32>,
          %get3A_1221 = arith.index_cast %add3A_1180 : i32 to index
          %get3A_1222 = arith.constant 48 : index
          %get3A_1223 = tpu.vector_load %arg14[%get3A_1221, %get3A_1222] {strides = array<i32>} : memref<80x128xf32, #tpu.memory_space<vmem>>, vector<16xf32>,
          %mul3A_1224 = arith.mulf %get3A_1220, %get3A_1223 : vector<16xf32>
          %get3A_1225 = arith.index_cast %add3A_1180 : i32 to index
          %get3A_1226 = arith.constant 48 : index
          %get3A_1227 = tpu.vector_load %arg15[%get3A_1225, %get3A_1226] {strides = array<i32>} : memref<80x128xf32, #tpu.memory_space<vmem>>, vector<16xf32>,
          %mul3A_1228 = arith.mulf %mul3A_1224, %get3A_1227 : vector<16xf32>
          %add3A_1229 = arith.addf %add3A_1217, %mul3A_1228 : vector<16xf32>
          %get3A_1230 = arith.index_cast %add3A_1180 : i32 to index
          %get3A_1231 = arith.constant 64 : index
          %get3A_1232 = tpu.vector_load %arg13[%get3A_1230, %get3A_1231] {strides = array<i32>} : memref<80x128xf32, #tpu.memory_space<vmem>>, vector<16xf32>,
          %get3A_1233 = arith.index_cast %add3A_1180 : i32 to index
          %get3A_1234 = arith.constant 64 : index
          %get3A_1235 = tpu.vector_load %arg14[%get3A_1233, %get3A_1234] {strides = array<i32>} : memref<80x128xf32, #tpu.memory_space<vmem>>, vector<16xf32>,
          %mul3A_1236 = arith.mulf %get3A_1232, %get3A_1235 : vector<16xf32>
          %get3A_1237 = arith.index_cast %add3A_1180 : i32 to index
          %get3A_1238 = arith.constant 64 : index
          %get3A_1239 = tpu.vector_load %arg15[%get3A_1237, %get3A_1238] {strides = array<i32>} : memref<80x128xf32, #tpu.memory_space<vmem>>, vector<16xf32>,
          %mul3A_1240 = arith.mulf %mul3A_1236, %get3A_1239 : vector<16xf32>
          %add3A_1241 = arith.addf %add3A_1229, %mul3A_1240 : vector<16xf32>
          %get3A_1242 = arith.index_cast %add3A_1180 : i32 to index
          %get3A_1243 = arith.constant 80 : index
          %get3A_1244 = tpu.vector_load %arg13[%get3A_1242, %get3A_1243] {strides = array<i32>} : memref<80x128xf32, #tpu.memory_space<vmem>>, vector<16xf32>,
          %get3A_1245 = arith.index_cast %add3A_1180 : i32 to index
          %get3A_1246 = arith.constant 80 : index
          %get3A_1247 = tpu.vector_load %arg14[%get3A_1245, %get3A_1246] {strides = array<i32>} : memref<80x128xf32, #tpu.memory_space<vmem>>, vector<16xf32>,
          %mul3A_1248 = arith.mulf %get3A_1244, %get3A_1247 : vector<16xf32>
          %get3A_1249 = arith.index_cast %add3A_1180 : i32 to index
          %get3A_1250 = arith.constant 80 : index
          %get3A_1251 = tpu.vector_load %arg15[%get3A_1249, %get3A_1250] {strides = array<i32>} : memref<80x128xf32, #tpu.memory_space<vmem>>, vector<16xf32>,
          %mul3A_1252 = arith.mulf %mul3A_1248, %get3A_1251 : vector<16xf32>
          %add3A_1253 = arith.addf %add3A_1241, %mul3A_1252 : vector<16xf32>
          %get3A_1254 = arith.index_cast %add3A_1180 : i32 to index
          %get3A_1255 = arith.constant 96 : index
          %get3A_1256 = tpu.vector_load %arg13[%get3A_1254, %get3A_1255] {strides = array<i32>} : memref<80x128xf32, #tpu.memory_space<vmem>>, vector<16xf32>,
          %get3A_1257 = arith.index_cast %add3A_1180 : i32 to index
          %get3A_1258 = arith.constant 96 : index
          %get3A_1259 = tpu.vector_load %arg14[%get3A_1257, %get3A_1258] {strides = array<i32>} : memref<80x128xf32, #tpu.memory_space<vmem>>, vector<16xf32>,
          %mul3A_1260 = arith.mulf %get3A_1256, %get3A_1259 : vector<16xf32>
          %get3A_1261 = arith.index_cast %add3A_1180 : i32 to index
          %get3A_1262 = arith.constant 96 : index
          %get3A_1263 = tpu.vector_load %arg15[%get3A_1261, %get3A_1262] {strides = array<i32>} : memref<80x128xf32, #tpu.memory_space<vmem>>, vector<16xf32>,
          %mul3A_1264 = arith.mulf %mul3A_1260, %get3A_1263 : vector<16xf32>
          %add3A_1265 = arith.addf %add3A_1253, %mul3A_1264 : vector<16xf32>
          %get3A_1266 = arith.index_cast %add3A_1180 : i32 to index
          %get3A_1267 = arith.constant 112 : index
          %get3A_1268 = tpu.vector_load %arg13[%get3A_1266, %get3A_1267] {strides = array<i32>} : memref<80x128xf32, #tpu.memory_space<vmem>>, vector<16xf32>,
          %get3A_1269 = arith.index_cast %add3A_1180 : i32 to index
          %get3A_1270 = arith.constant 112 : index
          %get3A_1271 = tpu.vector_load %arg14[%get3A_1269, %get3A_1270] {strides = array<i32>} : memref<80x128xf32, #tpu.memory_space<vmem>>, vector<16xf32>,
          %mul3A_1272 = arith.mulf %get3A_1268, %get3A_1271 : vector<16xf32>
          %get3A_1273 = arith.index_cast %add3A_1180 : i32 to index
          %get3A_1274 = arith.constant 112 : index
          %get3A_1275 = tpu.vector_load %arg15[%get3A_1273, %get3A_1274] {strides = array<i32>} : memref<80x128xf32, #tpu.memory_space<vmem>>, vector<16xf32>,
          %mul3A_1276 = arith.mulf %mul3A_1272, %get3A_1275 : vector<16xf32>
          %add3A_1277 = arith.addf %add3A_1265, %mul3A_1276 : vector<16xf32>
          %eq3A_1278 = vector.broadcast %scan3A_1176 : i32 to vector<16xi32>
          %eq3A_1279 = arith.cmpi eq, %iota3A, %eq3A_1278 : vector<16xi32>
          %reduce_sum3A = arith.constant true
          %reduce_sum3A_1280 = vector.broadcast %reduce_sum3A : i1 to vector<16xi1>
          %reduce_sum3A_1281 = tpu.scan <sum>, %add3A_1277 masked %reduce_sum3A_1280 : vector<16xf32>, vector<16xi1> -> vector<16xf32>
          %reduce_sum3A_1282 = vector.extract %reduce_sum3A_1281[15] : f32 from vector<16xf32>
          %broadcast_in_dim3A_1283 = vector.broadcast %reduce_sum3A_1282 : f32 to vector<16xf32>
          %select_n3A = arith.select %eq3A_1279, %broadcast_in_dim3A_1283, %scan3A_1177 : vector<16xi1>, vector<16xf32>
          scf.yield %select_n3A : vector<16xf32>
        }
        %scan3A_1170 = arith.constant 16 : i32
        %mul3A_1171 = arith.constant 16 : i32
        %mul3A_1172 = arith.muli %scan3A_1163, %mul3A_1171 : i32
        %swap3A = arith.constant 1 : i32
        %swap3A_1173 = arith.index_cast %swap3A : i32 to index
        %swap3A_1174 = arith.index_cast %mul3A_1172 : i32 to index
        %swap3A_1175 = tpu.vector_load %arg16[%swap3A_1173, %swap3A_1174] {strides = array<i32>} : memref<2x80xf32, #tpu.memory_space<vmem>>, vector<16xf32>,
        tpu.vector_store %arg16[%swap3A_1173, %swap3A_1174], %scan3A_1169 {strides = array<i32>} : memref<2x80xf32, #tpu.memory_space<vmem>>, vector<16xf32>,
      }
      %scan3A_1149 = arith.constant 2 : i32
      %mul3A_1150 = arith.constant 80 : i32
      %mul3A_1151 = arith.muli %add3A_961, %mul3A_1150 : i32
      %add3A_1152 = arith.addi %multiple_of3A, %mul3A_1151 : i32
      %multiple_of3A_1153 = tpu.assume_multiple %add3A_1152, 8 : i32
      %dma_start3A_1154 = arith.constant 1 : i32
      %dma_start3A_1155 = arith.constant 0 : i32
      %dma_start3A_1156 = tpu.memref_slice %arg16[%dma_start3A_1154, %dma_start3A_1155] : memref<2x80xf32, #tpu.memory_space<vmem>> -> memref<1x80xf32, #tpu.memory_space<vmem>>
      %dma_start3A_1157 = tpu.memref_squeeze %dma_start3A_1156 : memref<1x80xf32, #tpu.memory_space<vmem>> -> memref<80xf32, #tpu.memory_space<vmem>>
      %dma_start3A_1158 = tpu.memref_slice %arg7[%multiple_of3A_1153] : memref<320000xf32, #tpu.memory_space<hbm>> -> memref<80xf32, #tpu.memory_space<hbm>>
      %dma_start3A_1159 = tpu.memref_slice %arg7[%multiple_of3A_1153] : memref<320000xf32, #tpu.memory_space<hbm>> -> memref<80xf32, #tpu.memory_space<hbm>>
      %dma_start3A_1160 = arith.constant 0 : i32
      %dma_start3A_1161 = tpu.memref_slice %arg16[%dma_start3A_1154, %dma_start3A_1160] : memref<2x80xf32, #tpu.memory_space<vmem>> -> memref<1x80xf32, #tpu.memory_space<vmem>>
      %dma_start3A_1162 = tpu.memref_squeeze %dma_start3A_1161 : memref<1x80xf32, #tpu.memory_space<vmem>> -> memref<80xf32, #tpu.memory_space<vmem>>
      tpu.enqueue_dma source(%dma_start3A_1162 : memref<80xf32, #tpu.memory_space<vmem>>) target(%dma_start3A_1159 : memref<80xf32, #tpu.memory_space<hbm>>) target_semaphore(%arg21 : memref<!tpu.dma_semaphore, #tpu.memory_space<semaphore_mem>>)
    }
    %scan3A_568 = arith.constant 61 : i32
    %dma_wait3A_569 = arith.constant 0 : i32
    %dma_wait3A_570 = arith.constant 0 : i32
    %dma_wait3A_571 = tpu.memref_slice %arg13[%dma_wait3A_569, %dma_wait3A_570] : memref<80x128xf32, #tpu.memory_space<vmem>> -> memref<48x128xf32, #tpu.memory_space<vmem>>
    %dma_wait3A_572 = arith.constant 0 : i32
    %dma_wait3A_573 = arith.constant 0 : i32
    %dma_wait3A_574 = tpu.memref_slice %arg5[%dma_wait3A_572, %dma_wait3A_573] : memref<10000x128xf32, #tpu.memory_space<hbm>> -> memref<48x128xf32, #tpu.memory_space<hbm>>
    %dma_wait3A_575 = arith.constant 0 : i32
    %dma_wait3A_576 = arith.constant 0 : i32
    %dma_wait3A_577 = tpu.memref_slice %arg13[%dma_wait3A_575, %dma_wait3A_576] : memref<80x128xf32, #tpu.memory_space<vmem>> -> memref<48x128xf32, #tpu.memory_space<vmem>>
    %dma_wait3A_578 = arith.constant 0 : i32
    %dma_wait3A_579 = arith.constant 0 : i32
    %dma_wait3A_580 = tpu.memref_slice %arg5[%dma_wait3A_578, %dma_wait3A_579] : memref<10000x128xf32, #tpu.memory_space<hbm>> -> memref<48x128xf32, #tpu.memory_space<hbm>>
    tpu.wait_dma2 semaphore(%arg17 : memref<!tpu.dma_semaphore, #tpu.memory_space<semaphore_mem>>) src(%dma_wait3A_580 : memref<48x128xf32, #tpu.memory_space<hbm>>) dst(%dma_wait3A_577 : memref<48x128xf32, #tpu.memory_space<vmem>>)
    %dma_wait3A_581 = arith.constant 0 : i32
    %dma_wait3A_582 = arith.constant 0 : i32
    %dma_wait3A_583 = tpu.memref_slice %arg15[%dma_wait3A_581, %dma_wait3A_582] : memref<80x128xf32, #tpu.memory_space<vmem>> -> memref<48x128xf32, #tpu.memory_space<vmem>>
    %dma_wait3A_584 = arith.constant 0 : i32
    %dma_wait3A_585 = arith.constant 0 : i32
    %dma_wait3A_586 = tpu.memref_slice %arg5[%dma_wait3A_584, %dma_wait3A_585] : memref<10000x128xf32, #tpu.memory_space<hbm>> -> memref<48x128xf32, #tpu.memory_space<hbm>>
    %dma_wait3A_587 = arith.constant 0 : i32
    %dma_wait3A_588 = arith.constant 0 : i32
    %dma_wait3A_589 = tpu.memref_slice %arg15[%dma_wait3A_587, %dma_wait3A_588] : memref<80x128xf32, #tpu.memory_space<vmem>> -> memref<48x128xf32, #tpu.memory_space<vmem>>
    %dma_wait3A_590 = arith.constant 0 : i32
    %dma_wait3A_591 = arith.constant 0 : i32
    %dma_wait3A_592 = tpu.memref_slice %arg5[%dma_wait3A_590, %dma_wait3A_591] : memref<10000x128xf32, #tpu.memory_space<hbm>> -> memref<48x128xf32, #tpu.memory_space<hbm>>
    tpu.wait_dma2 semaphore(%arg17 : memref<!tpu.dma_semaphore, #tpu.memory_space<semaphore_mem>>) src(%dma_wait3A_592 : memref<48x128xf32, #tpu.memory_space<hbm>>) dst(%dma_wait3A_589 : memref<48x128xf32, #tpu.memory_space<vmem>>)
    %dma_wait3A_593 = arith.constant 0 : i32
    %dma_wait3A_594 = arith.constant 0 : i32
    %dma_wait3A_595 = tpu.memref_slice %arg14[%dma_wait3A_593, %dma_wait3A_594] : memref<80x128xf32, #tpu.memory_space<vmem>> -> memref<48x128xf32, #tpu.memory_space<vmem>>
    %dma_wait3A_596 = arith.constant 0 : i32
    %dma_wait3A_597 = arith.constant 0 : i32
    %dma_wait3A_598 = tpu.memref_slice %arg5[%dma_wait3A_596, %dma_wait3A_597] : memref<10000x128xf32, #tpu.memory_space<hbm>> -> memref<48x128xf32, #tpu.memory_space<hbm>>
    %dma_wait3A_599 = arith.constant 0 : i32
    %dma_wait3A_600 = arith.constant 0 : i32
    %dma_wait3A_601 = tpu.memref_slice %arg14[%dma_wait3A_599, %dma_wait3A_600] : memref<80x128xf32, #tpu.memory_space<vmem>> -> memref<48x128xf32, #tpu.memory_space<vmem>>
    %dma_wait3A_602 = arith.constant 0 : i32
    %dma_wait3A_603 = arith.constant 0 : i32
    %dma_wait3A_604 = tpu.memref_slice %arg5[%dma_wait3A_602, %dma_wait3A_603] : memref<10000x128xf32, #tpu.memory_space<hbm>> -> memref<48x128xf32, #tpu.memory_space<hbm>>
    tpu.wait_dma2 semaphore(%arg17 : memref<!tpu.dma_semaphore, #tpu.memory_space<semaphore_mem>>) src(%dma_wait3A_604 : memref<48x128xf32, #tpu.memory_space<hbm>>) dst(%dma_wait3A_601 : memref<48x128xf32, #tpu.memory_space<vmem>>)
    %dma_start3A_605 = arith.constant 0 : i32
    %dma_start3A_606 = arith.constant 48 : i32
    %dma_start3A_607 = arith.constant 0 : i32
    %dma_start3A_608 = tpu.memref_slice %arg13[%dma_start3A_606, %dma_start3A_607] : memref<80x128xf32, #tpu.memory_space<vmem>> -> memref<32x128xf32, #tpu.memory_space<vmem>>
    %dma_start3A_609 = arith.constant 48 : i32
    %dma_start3A_610 = tpu.memref_slice %arg10[%dma_start3A_605, %dma_start3A_609] : memref<2x80xi32, #tpu.memory_space<vmem>> -> memref<1x32xi32, #tpu.memory_space<vmem>>
    %dma_start3A_611 = tpu.memref_squeeze %dma_start3A_610 : memref<1x32xi32, #tpu.memory_space<vmem>> -> memref<32xi32, #tpu.memory_space<vmem>>
    %dma_start3A_612 = arith.constant 0 : i32
    %dma_start3A_613 = arith.constant 0 : i32
    %dma_start3A_614 = tpu.memref_slice %arg8[%dma_start3A_612, %dma_start3A_613] : memref<10000x128xf32, #tpu.memory_space<vmem_shared>> -> memref<10000x128xf32, #tpu.memory_space<vmem_shared>>
    tpu.enqueue_indirect_dma source(%dma_start3A_614 : memref<10000x128xf32, #tpu.memory_space<vmem_shared>>) target(%dma_start3A_608 : memref<32x128xf32, #tpu.memory_space<vmem>>) offsets(%dma_start3A_611 : memref<32xi32, #tpu.memory_space<vmem>>) semaphore(%arg17 : memref<!tpu.dma_semaphore, #tpu.memory_space<semaphore_mem>>)
    %dma_start3A_615 = arith.constant 0 : i32
    %dma_start3A_616 = arith.constant 48 : i32
    %dma_start3A_617 = arith.constant 0 : i32
    %dma_start3A_618 = tpu.memref_slice %arg15[%dma_start3A_616, %dma_start3A_617] : memref<80x128xf32, #tpu.memory_space<vmem>> -> memref<32x128xf32, #tpu.memory_space<vmem>>
    %dma_start3A_619 = arith.constant 48 : i32
    %dma_start3A_620 = tpu.memref_slice %arg11[%dma_start3A_615, %dma_start3A_619] : memref<2x80xi32, #tpu.memory_space<vmem>> -> memref<1x32xi32, #tpu.memory_space<vmem>>
    %dma_start3A_621 = tpu.memref_squeeze %dma_start3A_620 : memref<1x32xi32, #tpu.memory_space<vmem>> -> memref<32xi32, #tpu.memory_space<vmem>>
    %dma_start3A_622 = arith.constant 0 : i32
    %dma_start3A_623 = arith.constant 0 : i32
    %dma_start3A_624 = tpu.memref_slice %arg8[%dma_start3A_622, %dma_start3A_623] : memref<10000x128xf32, #tpu.memory_space<vmem_shared>> -> memref<10000x128xf32, #tpu.memory_space<vmem_shared>>
    tpu.enqueue_indirect_dma source(%dma_start3A_624 : memref<10000x128xf32, #tpu.memory_space<vmem_shared>>) target(%dma_start3A_618 : memref<32x128xf32, #tpu.memory_space<vmem>>) offsets(%dma_start3A_621 : memref<32xi32, #tpu.memory_space<vmem>>) semaphore(%arg17 : memref<!tpu.dma_semaphore, #tpu.memory_space<semaphore_mem>>)
    %dma_start3A_625 = arith.constant 0 : i32
    %dma_start3A_626 = arith.constant 48 : i32
    %dma_start3A_627 = arith.constant 0 : i32
    %dma_start3A_628 = tpu.memref_slice %arg14[%dma_start3A_626, %dma_start3A_627] : memref<80x128xf32, #tpu.memory_space<vmem>> -> memref<32x128xf32, #tpu.memory_space<vmem>>
    %dma_start3A_629 = arith.constant 48 : i32
    %dma_start3A_630 = tpu.memref_slice %arg12[%dma_start3A_625, %dma_start3A_629] : memref<2x80xi32, #tpu.memory_space<vmem>> -> memref<1x32xi32, #tpu.memory_space<vmem>>
    %dma_start3A_631 = tpu.memref_squeeze %dma_start3A_630 : memref<1x32xi32, #tpu.memory_space<vmem>> -> memref<32xi32, #tpu.memory_space<vmem>>
    %dma_start3A_632 = arith.constant 0 : i32
    %dma_start3A_633 = arith.constant 0 : i32
    %dma_start3A_634 = tpu.memref_slice %arg9[%dma_start3A_632, %dma_start3A_633] : memref<1024x128xf32, #tpu.memory_space<vmem_shared>> -> memref<1024x128xf32, #tpu.memory_space<vmem_shared>>
    tpu.enqueue_indirect_dma source(%dma_start3A_634 : memref<1024x128xf32, #tpu.memory_space<vmem_shared>>) target(%dma_start3A_628 : memref<32x128xf32, #tpu.memory_space<vmem>>) offsets(%dma_start3A_631 : memref<32xi32, #tpu.memory_space<vmem>>) semaphore(%arg17 : memref<!tpu.dma_semaphore, #tpu.memory_space<semaphore_mem>>)
    %dma_wait3A_635 = arith.constant 0 : i32
    %dma_wait3A_636 = arith.constant 0 : i32
    %dma_wait3A_637 = tpu.memref_slice %arg16[%dma_wait3A_635, %dma_wait3A_636] : memref<2x80xf32, #tpu.memory_space<vmem>> -> memref<1x80xf32, #tpu.memory_space<vmem>>
    %dma_wait3A_638 = tpu.memref_squeeze %dma_wait3A_637 : memref<1x80xf32, #tpu.memory_space<vmem>> -> memref<80xf32, #tpu.memory_space<vmem>>
    %dma_wait3A_639 = arith.constant 0 : i32
    %dma_wait3A_640 = tpu.memref_slice %arg7[%dma_wait3A_639] : memref<320000xf32, #tpu.memory_space<hbm>> -> memref<80xf32, #tpu.memory_space<hbm>>
    %dma_wait3A_641 = arith.constant 0 : i32
    %dma_wait3A_642 = tpu.memref_slice %arg7[%dma_wait3A_641] : memref<320000xf32, #tpu.memory_space<hbm>> -> memref<80xf32, #tpu.memory_space<hbm>>
    %dma_wait3A_643 = arith.constant 0 : i32
    %dma_wait3A_644 = tpu.memref_slice %arg16[%dma_wait3A_635, %dma_wait3A_643] : memref<2x80xf32, #tpu.memory_space<vmem>> -> memref<1x80xf32, #tpu.memory_space<vmem>>
    %dma_wait3A_645 = tpu.memref_squeeze %dma_wait3A_644 : memref<1x80xf32, #tpu.memory_space<vmem>> -> memref<80xf32, #tpu.memory_space<vmem>>
    tpu.wait_dma2 semaphore(%arg20 : memref<!tpu.dma_semaphore, #tpu.memory_space<semaphore_mem>>) src(%dma_wait3A_645 : memref<80xf32, #tpu.memory_space<vmem>>) dst(%dma_wait3A_642 : memref<80xf32, #tpu.memory_space<hbm>>)
    %scan3A_646 = arith.constant 0 : i32
    %scan3A_647 = arith.constant 0 : i32
    %scan3A_648 = arith.constant 3 : i32
    %scan3A_649 = arith.addi %scan3A_647, %scan3A_648 : i32
    %scan3A_650 = arith.constant 1 : i32
    scf.for %scan3A_728 = %scan3A_647 to %scan3A_649 step %scan3A_650  : i32 {
      %broadcast_in_dim3A = arith.constant 0.000000e+00 : f32
      %broadcast_in_dim3A_729 = vector.broadcast %broadcast_in_dim3A : f32 to vector<16xf32>
      %scan3A_730 = arith.constant 0 : i32
      %scan3A_731 = arith.constant 16 : i32
      %scan3A_732 = arith.addi %scan3A_730, %scan3A_731 : i32
      %scan3A_733 = arith.constant 1 : i32
      %scan3A_734 = scf.for %scan3A_741 = %scan3A_730 to %scan3A_732 step %scan3A_733 iter_args(%scan3A_742 = %broadcast_in_dim3A_729) -> (vector<16xf32>)  : i32 {
        %mul3A_743 = arith.constant 16 : i32
        %mul3A_744 = arith.muli %scan3A_728, %mul3A_743 : i32
        %add3A_745 = arith.addi %mul3A_744, %scan3A_741 : i32
        %broadcast_in_dim3A_746 = arith.constant 0.000000e+00 : f32
        %broadcast_in_dim3A_747 = vector.broadcast %broadcast_in_dim3A_746 : f32 to vector<16xf32>
        %get3A = arith.index_cast %add3A_745 : i32 to index
        %get3A_748 = arith.constant 0 : index
        %get3A_749 = tpu.vector_load %arg13[%get3A, %get3A_748] {strides = array<i32>} : memref<80x128xf32, #tpu.memory_space<vmem>>, vector<16xf32>,
        %get3A_750 = arith.index_cast %add3A_745 : i32 to index
        %get3A_751 = arith.constant 0 : index
        %get3A_752 = tpu.vector_load %arg14[%get3A_750, %get3A_751] {strides = array<i32>} : memref<80x128xf32, #tpu.memory_space<vmem>>, vector<16xf32>,
        %mul3A_753 = arith.mulf %get3A_749, %get3A_752 : vector<16xf32>
        %get3A_754 = arith.index_cast %add3A_745 : i32 to index
        %get3A_755 = arith.constant 0 : index
        %get3A_756 = tpu.vector_load %arg15[%get3A_754, %get3A_755] {strides = array<i32>} : memref<80x128xf32, #tpu.memory_space<vmem>>, vector<16xf32>,
        %mul3A_757 = arith.mulf %mul3A_753, %get3A_756 : vector<16xf32>
        %add3A_758 = arith.addf %broadcast_in_dim3A_747, %mul3A_757 : vector<16xf32>
        %get3A_759 = arith.index_cast %add3A_745 : i32 to index
        %get3A_760 = arith.constant 16 : index
        %get3A_761 = tpu.vector_load %arg13[%get3A_759, %get3A_760] {strides = array<i32>} : memref<80x128xf32, #tpu.memory_space<vmem>>, vector<16xf32>,
        %get3A_762 = arith.index_cast %add3A_745 : i32 to index
        %get3A_763 = arith.constant 16 : index
        %get3A_764 = tpu.vector_load %arg14[%get3A_762, %get3A_763] {strides = array<i32>} : memref<80x128xf32, #tpu.memory_space<vmem>>, vector<16xf32>,
        %mul3A_765 = arith.mulf %get3A_761, %get3A_764 : vector<16xf32>
        %get3A_766 = arith.index_cast %add3A_745 : i32 to index
        %get3A_767 = arith.constant 16 : index
        %get3A_768 = tpu.vector_load %arg15[%get3A_766, %get3A_767] {strides = array<i32>} : memref<80x128xf32, #tpu.memory_space<vmem>>, vector<16xf32>,
        %mul3A_769 = arith.mulf %mul3A_765, %get3A_768 : vector<16xf32>
        %add3A_770 = arith.addf %add3A_758, %mul3A_769 : vector<16xf32>
        %get3A_771 = arith.index_cast %add3A_745 : i32 to index
        %get3A_772 = arith.constant 32 : index
        %get3A_773 = tpu.vector_load %arg13[%get3A_771, %get3A_772] {strides = array<i32>} : memref<80x128xf32, #tpu.memory_space<vmem>>, vector<16xf32>,
        %get3A_774 = arith.index_cast %add3A_745 : i32 to index
        %get3A_775 = arith.constant 32 : index
        %get3A_776 = tpu.vector_load %arg14[%get3A_774, %get3A_775] {strides = array<i32>} : memref<80x128xf32, #tpu.memory_space<vmem>>, vector<16xf32>,
        %mul3A_777 = arith.mulf %get3A_773, %get3A_776 : vector<16xf32>
        %get3A_778 = arith.index_cast %add3A_745 : i32 to index
        %get3A_779 = arith.constant 32 : index
        %get3A_780 = tpu.vector_load %arg15[%get3A_778, %get3A_779] {strides = array<i32>} : memref<80x128xf32, #tpu.memory_space<vmem>>, vector<16xf32>,
        %mul3A_781 = arith.mulf %mul3A_777, %get3A_780 : vector<16xf32>
        %add3A_782 = arith.addf %add3A_770, %mul3A_781 : vector<16xf32>
        %get3A_783 = arith.index_cast %add3A_745 : i32 to index
        %get3A_784 = arith.constant 48 : index
        %get3A_785 = tpu.vector_load %arg13[%get3A_783, %get3A_784] {strides = array<i32>} : memref<80x128xf32, #tpu.memory_space<vmem>>, vector<16xf32>,
        %get3A_786 = arith.index_cast %add3A_745 : i32 to index
        %get3A_787 = arith.constant 48 : index
        %get3A_788 = tpu.vector_load %arg14[%get3A_786, %get3A_787] {strides = array<i32>} : memref<80x128xf32, #tpu.memory_space<vmem>>, vector<16xf32>,
        %mul3A_789 = arith.mulf %get3A_785, %get3A_788 : vector<16xf32>
        %get3A_790 = arith.index_cast %add3A_745 : i32 to index
        %get3A_791 = arith.constant 48 : index
        %get3A_792 = tpu.vector_load %arg15[%get3A_790, %get3A_791] {strides = array<i32>} : memref<80x128xf32, #tpu.memory_space<vmem>>, vector<16xf32>,
        %mul3A_793 = arith.mulf %mul3A_789, %get3A_792 : vector<16xf32>
        %add3A_794 = arith.addf %add3A_782, %mul3A_793 : vector<16xf32>
        %get3A_795 = arith.index_cast %add3A_745 : i32 to index
        %get3A_796 = arith.constant 64 : index
        %get3A_797 = tpu.vector_load %arg13[%get3A_795, %get3A_796] {strides = array<i32>} : memref<80x128xf32, #tpu.memory_space<vmem>>, vector<16xf32>,
        %get3A_798 = arith.index_cast %add3A_745 : i32 to index
        %get3A_799 = arith.constant 64 : index
        %get3A_800 = tpu.vector_load %arg14[%get3A_798, %get3A_799] {strides = array<i32>} : memref<80x128xf32, #tpu.memory_space<vmem>>, vector<16xf32>,
        %mul3A_801 = arith.mulf %get3A_797, %get3A_800 : vector<16xf32>
        %get3A_802 = arith.index_cast %add3A_745 : i32 to index
        %get3A_803 = arith.constant 64 : index
        %get3A_804 = tpu.vector_load %arg15[%get3A_802, %get3A_803] {strides = array<i32>} : memref<80x128xf32, #tpu.memory_space<vmem>>, vector<16xf32>,
        %mul3A_805 = arith.mulf %mul3A_801, %get3A_804 : vector<16xf32>
        %add3A_806 = arith.addf %add3A_794, %mul3A_805 : vector<16xf32>
        %get3A_807 = arith.index_cast %add3A_745 : i32 to index
        %get3A_808 = arith.constant 80 : index
        %get3A_809 = tpu.vector_load %arg13[%get3A_807, %get3A_808] {strides = array<i32>} : memref<80x128xf32, #tpu.memory_space<vmem>>, vector<16xf32>,
        %get3A_810 = arith.index_cast %add3A_745 : i32 to index
        %get3A_811 = arith.constant 80 : index
        %get3A_812 = tpu.vector_load %arg14[%get3A_810, %get3A_811] {strides = array<i32>} : memref<80x128xf32, #tpu.memory_space<vmem>>, vector<16xf32>,
        %mul3A_813 = arith.mulf %get3A_809, %get3A_812 : vector<16xf32>
        %get3A_814 = arith.index_cast %add3A_745 : i32 to index
        %get3A_815 = arith.constant 80 : index
        %get3A_816 = tpu.vector_load %arg15[%get3A_814, %get3A_815] {strides = array<i32>} : memref<80x128xf32, #tpu.memory_space<vmem>>, vector<16xf32>,
        %mul3A_817 = arith.mulf %mul3A_813, %get3A_816 : vector<16xf32>
        %add3A_818 = arith.addf %add3A_806, %mul3A_817 : vector<16xf32>
        %get3A_819 = arith.index_cast %add3A_745 : i32 to index
        %get3A_820 = arith.constant 96 : index
        %get3A_821 = tpu.vector_load %arg13[%get3A_819, %get3A_820] {strides = array<i32>} : memref<80x128xf32, #tpu.memory_space<vmem>>, vector<16xf32>,
        %get3A_822 = arith.index_cast %add3A_745 : i32 to index
        %get3A_823 = arith.constant 96 : index
        %get3A_824 = tpu.vector_load %arg14[%get3A_822, %get3A_823] {strides = array<i32>} : memref<80x128xf32, #tpu.memory_space<vmem>>, vector<16xf32>,
        %mul3A_825 = arith.mulf %get3A_821, %get3A_824 : vector<16xf32>
        %get3A_826 = arith.index_cast %add3A_745 : i32 to index
        %get3A_827 = arith.constant 96 : index
        %get3A_828 = tpu.vector_load %arg15[%get3A_826, %get3A_827] {strides = array<i32>} : memref<80x128xf32, #tpu.memory_space<vmem>>, vector<16xf32>,
        %mul3A_829 = arith.mulf %mul3A_825, %get3A_828 : vector<16xf32>
        %add3A_830 = arith.addf %add3A_818, %mul3A_829 : vector<16xf32>
        %get3A_831 = arith.index_cast %add3A_745 : i32 to index
        %get3A_832 = arith.constant 112 : index
        %get3A_833 = tpu.vector_load %arg13[%get3A_831, %get3A_832] {strides = array<i32>} : memref<80x128xf32, #tpu.memory_space<vmem>>, vector<16xf32>,
        %get3A_834 = arith.index_cast %add3A_745 : i32 to index
        %get3A_835 = arith.constant 112 : index
        %get3A_836 = tpu.vector_load %arg14[%get3A_834, %get3A_835] {strides = array<i32>} : memref<80x128xf32, #tpu.memory_space<vmem>>, vector<16xf32>,
        %mul3A_837 = arith.mulf %get3A_833, %get3A_836 : vector<16xf32>
        %get3A_838 = arith.index_cast %add3A_745 : i32 to index
        %get3A_839 = arith.constant 112 : index
        %get3A_840 = tpu.vector_load %arg15[%get3A_838, %get3A_839] {strides = array<i32>} : memref<80x128xf32, #tpu.memory_space<vmem>>, vector<16xf32>,
        %mul3A_841 = arith.mulf %mul3A_837, %get3A_840 : vector<16xf32>
        %add3A_842 = arith.addf %add3A_830, %mul3A_841 : vector<16xf32>
        %eq3A_843 = vector.broadcast %scan3A_741 : i32 to vector<16xi32>
        %eq3A_844 = arith.cmpi eq, %iota3A, %eq3A_843 : vector<16xi32>
        %reduce_sum3A = arith.constant true
        %reduce_sum3A_845 = vector.broadcast %reduce_sum3A : i1 to vector<16xi1>
        %reduce_sum3A_846 = tpu.scan <sum>, %add3A_842 masked %reduce_sum3A_845 : vector<16xf32>, vector<16xi1> -> vector<16xf32>
        %reduce_sum3A_847 = vector.extract %reduce_sum3A_846[15] : f32 from vector<16xf32>
        %broadcast_in_dim3A_848 = vector.broadcast %reduce_sum3A_847 : f32 to vector<16xf32>
        %select_n3A = arith.select %eq3A_844, %broadcast_in_dim3A_848, %scan3A_742 : vector<16xi1>, vector<16xf32>
        scf.yield %select_n3A : vector<16xf32>
      }
      %scan3A_735 = arith.constant 16 : i32
      %mul3A_736 = arith.constant 16 : i32
      %mul3A_737 = arith.muli %scan3A_728, %mul3A_736 : i32
      %swap3A = arith.constant 0 : i32
      %swap3A_738 = arith.index_cast %swap3A : i32 to index
      %swap3A_739 = arith.index_cast %mul3A_737 : i32 to index
      %swap3A_740 = tpu.vector_load %arg16[%swap3A_738, %swap3A_739] {strides = array<i32>} : memref<2x80xf32, #tpu.memory_space<vmem>>, vector<16xf32>,
      tpu.vector_store %arg16[%swap3A_738, %swap3A_739], %scan3A_734 {strides = array<i32>} : memref<2x80xf32, #tpu.memory_space<vmem>>, vector<16xf32>,
    }
    %scan3A_651 = arith.constant 3 : i32
    %dma_wait3A_652 = arith.constant 0 : i32
    %dma_wait3A_653 = arith.constant 0 : i32
    %dma_wait3A_654 = tpu.memref_slice %arg13[%dma_wait3A_652, %dma_wait3A_653] : memref<80x128xf32, #tpu.memory_space<vmem>> -> memref<32x128xf32, #tpu.memory_space<vmem>>
    %dma_wait3A_655 = arith.constant 0 : i32
    %dma_wait3A_656 = arith.constant 0 : i32
    %dma_wait3A_657 = tpu.memref_slice %arg5[%dma_wait3A_655, %dma_wait3A_656] : memref<10000x128xf32, #tpu.memory_space<hbm>> -> memref<32x128xf32, #tpu.memory_space<hbm>>
    %dma_wait3A_658 = arith.constant 0 : i32
    %dma_wait3A_659 = arith.constant 0 : i32
    %dma_wait3A_660 = tpu.memref_slice %arg13[%dma_wait3A_658, %dma_wait3A_659] : memref<80x128xf32, #tpu.memory_space<vmem>> -> memref<32x128xf32, #tpu.memory_space<vmem>>
    %dma_wait3A_661 = arith.constant 0 : i32
    %dma_wait3A_662 = arith.constant 0 : i32
    %dma_wait3A_663 = tpu.memref_slice %arg5[%dma_wait3A_661, %dma_wait3A_662] : memref<10000x128xf32, #tpu.memory_space<hbm>> -> memref<32x128xf32, #tpu.memory_space<hbm>>
    tpu.wait_dma2 semaphore(%arg17 : memref<!tpu.dma_semaphore, #tpu.memory_space<semaphore_mem>>) src(%dma_wait3A_663 : memref<32x128xf32, #tpu.memory_space<hbm>>) dst(%dma_wait3A_660 : memref<32x128xf32, #tpu.memory_space<vmem>>)
    %dma_wait3A_664 = arith.constant 0 : i32
    %dma_wait3A_665 = arith.constant 0 : i32
    %dma_wait3A_666 = tpu.memref_slice %arg15[%dma_wait3A_664, %dma_wait3A_665] : memref<80x128xf32, #tpu.memory_space<vmem>> -> memref<32x128xf32, #tpu.memory_space<vmem>>
    %dma_wait3A_667 = arith.constant 0 : i32
    %dma_wait3A_668 = arith.constant 0 : i32
    %dma_wait3A_669 = tpu.memref_slice %arg5[%dma_wait3A_667, %dma_wait3A_668] : memref<10000x128xf32, #tpu.memory_space<hbm>> -> memref<32x128xf32, #tpu.memory_space<hbm>>
    %dma_wait3A_670 = arith.constant 0 : i32
    %dma_wait3A_671 = arith.constant 0 : i32
    %dma_wait3A_672 = tpu.memref_slice %arg15[%dma_wait3A_670, %dma_wait3A_671] : memref<80x128xf32, #tpu.memory_space<vmem>> -> memref<32x128xf32, #tpu.memory_space<vmem>>
    %dma_wait3A_673 = arith.constant 0 : i32
    %dma_wait3A_674 = arith.constant 0 : i32
    %dma_wait3A_675 = tpu.memref_slice %arg5[%dma_wait3A_673, %dma_wait3A_674] : memref<10000x128xf32, #tpu.memory_space<hbm>> -> memref<32x128xf32, #tpu.memory_space<hbm>>
    tpu.wait_dma2 semaphore(%arg17 : memref<!tpu.dma_semaphore, #tpu.memory_space<semaphore_mem>>) src(%dma_wait3A_675 : memref<32x128xf32, #tpu.memory_space<hbm>>) dst(%dma_wait3A_672 : memref<32x128xf32, #tpu.memory_space<vmem>>)
    %dma_wait3A_676 = arith.constant 0 : i32
    %dma_wait3A_677 = arith.constant 0 : i32
    %dma_wait3A_678 = tpu.memref_slice %arg14[%dma_wait3A_676, %dma_wait3A_677] : memref<80x128xf32, #tpu.memory_space<vmem>> -> memref<32x128xf32, #tpu.memory_space<vmem>>
    %dma_wait3A_679 = arith.constant 0 : i32
    %dma_wait3A_680 = arith.constant 0 : i32
    %dma_wait3A_681 = tpu.memref_slice %arg5[%dma_wait3A_679, %dma_wait3A_680] : memref<10000x128xf32, #tpu.memory_space<hbm>> -> memref<32x128xf32, #tpu.memory_space<hbm>>
    %dma_wait3A_682 = arith.constant 0 : i32
    %dma_wait3A_683 = arith.constant 0 : i32
    %dma_wait3A_684 = tpu.memref_slice %arg14[%dma_wait3A_682, %dma_wait3A_683] : memref<80x128xf32, #tpu.memory_space<vmem>> -> memref<32x128xf32, #tpu.memory_space<vmem>>
    %dma_wait3A_685 = arith.constant 0 : i32
    %dma_wait3A_686 = arith.constant 0 : i32
    %dma_wait3A_687 = tpu.memref_slice %arg5[%dma_wait3A_685, %dma_wait3A_686] : memref<10000x128xf32, #tpu.memory_space<hbm>> -> memref<32x128xf32, #tpu.memory_space<hbm>>
    tpu.wait_dma2 semaphore(%arg17 : memref<!tpu.dma_semaphore, #tpu.memory_space<semaphore_mem>>) src(%dma_wait3A_687 : memref<32x128xf32, #tpu.memory_space<hbm>>) dst(%dma_wait3A_684 : memref<32x128xf32, #tpu.memory_space<vmem>>)
    %scan3A_688 = arith.constant 0 : i32
    %scan3A_689 = arith.constant 3 : i32
    %scan3A_690 = arith.constant 2 : i32
    %scan3A_691 = arith.addi %scan3A_689, %scan3A_690 : i32
    %scan3A_692 = arith.constant 1 : i32
    scf.for %scan3A_728 = %scan3A_689 to %scan3A_691 step %scan3A_692  : i32 {
      %broadcast_in_dim3A = arith.constant 0.000000e+00 : f32
      %broadcast_in_dim3A_729 = vector.broadcast %broadcast_in_dim3A : f32 to vector<16xf32>
      %scan3A_730 = arith.constant 0 : i32
      %scan3A_731 = arith.constant 16 : i32
      %scan3A_732 = arith.addi %scan3A_730, %scan3A_731 : i32
      %scan3A_733 = arith.constant 1 : i32
      %scan3A_734 = scf.for %scan3A_741 = %scan3A_730 to %scan3A_732 step %scan3A_733 iter_args(%scan3A_742 = %broadcast_in_dim3A_729) -> (vector<16xf32>)  : i32 {
        %mul3A_743 = arith.constant 16 : i32
        %mul3A_744 = arith.muli %scan3A_728, %mul3A_743 : i32
        %add3A_745 = arith.addi %mul3A_744, %scan3A_741 : i32
        %broadcast_in_dim3A_746 = arith.constant 0.000000e+00 : f32
        %broadcast_in_dim3A_747 = vector.broadcast %broadcast_in_dim3A_746 : f32 to vector<16xf32>
        %get3A = arith.index_cast %add3A_745 : i32 to index
        %get3A_748 = arith.constant 0 : index
        %get3A_749 = tpu.vector_load %arg13[%get3A, %get3A_748] {strides = array<i32>} : memref<80x128xf32, #tpu.memory_space<vmem>>, vector<16xf32>,
        %get3A_750 = arith.index_cast %add3A_745 : i32 to index
        %get3A_751 = arith.constant 0 : index
        %get3A_752 = tpu.vector_load %arg14[%get3A_750, %get3A_751] {strides = array<i32>} : memref<80x128xf32, #tpu.memory_space<vmem>>, vector<16xf32>,
        %mul3A_753 = arith.mulf %get3A_749, %get3A_752 : vector<16xf32>
        %get3A_754 = arith.index_cast %add3A_745 : i32 to index
        %get3A_755 = arith.constant 0 : index
        %get3A_756 = tpu.vector_load %arg15[%get3A_754, %get3A_755] {strides = array<i32>} : memref<80x128xf32, #tpu.memory_space<vmem>>, vector<16xf32>,
        %mul3A_757 = arith.mulf %mul3A_753, %get3A_756 : vector<16xf32>
        %add3A_758 = arith.addf %broadcast_in_dim3A_747, %mul3A_757 : vector<16xf32>
        %get3A_759 = arith.index_cast %add3A_745 : i32 to index
        %get3A_760 = arith.constant 16 : index
        %get3A_761 = tpu.vector_load %arg13[%get3A_759, %get3A_760] {strides = array<i32>} : memref<80x128xf32, #tpu.memory_space<vmem>>, vector<16xf32>,
        %get3A_762 = arith.index_cast %add3A_745 : i32 to index
        %get3A_763 = arith.constant 16 : index
        %get3A_764 = tpu.vector_load %arg14[%get3A_762, %get3A_763] {strides = array<i32>} : memref<80x128xf32, #tpu.memory_space<vmem>>, vector<16xf32>,
        %mul3A_765 = arith.mulf %get3A_761, %get3A_764 : vector<16xf32>
        %get3A_766 = arith.index_cast %add3A_745 : i32 to index
        %get3A_767 = arith.constant 16 : index
        %get3A_768 = tpu.vector_load %arg15[%get3A_766, %get3A_767] {strides = array<i32>} : memref<80x128xf32, #tpu.memory_space<vmem>>, vector<16xf32>,
        %mul3A_769 = arith.mulf %mul3A_765, %get3A_768 : vector<16xf32>
        %add3A_770 = arith.addf %add3A_758, %mul3A_769 : vector<16xf32>
        %get3A_771 = arith.index_cast %add3A_745 : i32 to index
        %get3A_772 = arith.constant 32 : index
        %get3A_773 = tpu.vector_load %arg13[%get3A_771, %get3A_772] {strides = array<i32>} : memref<80x128xf32, #tpu.memory_space<vmem>>, vector<16xf32>,
        %get3A_774 = arith.index_cast %add3A_745 : i32 to index
        %get3A_775 = arith.constant 32 : index
        %get3A_776 = tpu.vector_load %arg14[%get3A_774, %get3A_775] {strides = array<i32>} : memref<80x128xf32, #tpu.memory_space<vmem>>, vector<16xf32>,
        %mul3A_777 = arith.mulf %get3A_773, %get3A_776 : vector<16xf32>
        %get3A_778 = arith.index_cast %add3A_745 : i32 to index
        %get3A_779 = arith.constant 32 : index
        %get3A_780 = tpu.vector_load %arg15[%get3A_778, %get3A_779] {strides = array<i32>} : memref<80x128xf32, #tpu.memory_space<vmem>>, vector<16xf32>,
        %mul3A_781 = arith.mulf %mul3A_777, %get3A_780 : vector<16xf32>
        %add3A_782 = arith.addf %add3A_770, %mul3A_781 : vector<16xf32>
        %get3A_783 = arith.index_cast %add3A_745 : i32 to index
        %get3A_784 = arith.constant 48 : index
        %get3A_785 = tpu.vector_load %arg13[%get3A_783, %get3A_784] {strides = array<i32>} : memref<80x128xf32, #tpu.memory_space<vmem>>, vector<16xf32>,
        %get3A_786 = arith.index_cast %add3A_745 : i32 to index
        %get3A_787 = arith.constant 48 : index
        %get3A_788 = tpu.vector_load %arg14[%get3A_786, %get3A_787] {strides = array<i32>} : memref<80x128xf32, #tpu.memory_space<vmem>>, vector<16xf32>,
        %mul3A_789 = arith.mulf %get3A_785, %get3A_788 : vector<16xf32>
        %get3A_790 = arith.index_cast %add3A_745 : i32 to index
        %get3A_791 = arith.constant 48 : index
        %get3A_792 = tpu.vector_load %arg15[%get3A_790, %get3A_791] {strides = array<i32>} : memref<80x128xf32, #tpu.memory_space<vmem>>, vector<16xf32>,
        %mul3A_793 = arith.mulf %mul3A_789, %get3A_792 : vector<16xf32>
        %add3A_794 = arith.addf %add3A_782, %mul3A_793 : vector<16xf32>
        %get3A_795 = arith.index_cast %add3A_745 : i32 to index
        %get3A_796 = arith.constant 64 : index
        %get3A_797 = tpu.vector_load %arg13[%get3A_795, %get3A_796] {strides = array<i32>} : memref<80x128xf32, #tpu.memory_space<vmem>>, vector<16xf32>,
        %get3A_798 = arith.index_cast %add3A_745 : i32 to index
        %get3A_799 = arith.constant 64 : index
        %get3A_800 = tpu.vector_load %arg14[%get3A_798, %get3A_799] {strides = array<i32>} : memref<80x128xf32, #tpu.memory_space<vmem>>, vector<16xf32>,
        %mul3A_801 = arith.mulf %get3A_797, %get3A_800 : vector<16xf32>
        %get3A_802 = arith.index_cast %add3A_745 : i32 to index
        %get3A_803 = arith.constant 64 : index
        %get3A_804 = tpu.vector_load %arg15[%get3A_802, %get3A_803] {strides = array<i32>} : memref<80x128xf32, #tpu.memory_space<vmem>>, vector<16xf32>,
        %mul3A_805 = arith.mulf %mul3A_801, %get3A_804 : vector<16xf32>
        %add3A_806 = arith.addf %add3A_794, %mul3A_805 : vector<16xf32>
        %get3A_807 = arith.index_cast %add3A_745 : i32 to index
        %get3A_808 = arith.constant 80 : index
        %get3A_809 = tpu.vector_load %arg13[%get3A_807, %get3A_808] {strides = array<i32>} : memref<80x128xf32, #tpu.memory_space<vmem>>, vector<16xf32>,
        %get3A_810 = arith.index_cast %add3A_745 : i32 to index
        %get3A_811 = arith.constant 80 : index
        %get3A_812 = tpu.vector_load %arg14[%get3A_810, %get3A_811] {strides = array<i32>} : memref<80x128xf32, #tpu.memory_space<vmem>>, vector<16xf32>,
        %mul3A_813 = arith.mulf %get3A_809, %get3A_812 : vector<16xf32>
        %get3A_814 = arith.index_cast %add3A_745 : i32 to index
        %get3A_815 = arith.constant 80 : index
        %get3A_816 = tpu.vector_load %arg15[%get3A_814, %get3A_815] {strides = array<i32>} : memref<80x128xf32, #tpu.memory_space<vmem>>, vector<16xf32>,
        %mul3A_817 = arith.mulf %mul3A_813, %get3A_816 : vector<16xf32>
        %add3A_818 = arith.addf %add3A_806, %mul3A_817 : vector<16xf32>
        %get3A_819 = arith.index_cast %add3A_745 : i32 to index
        %get3A_820 = arith.constant 96 : index
        %get3A_821 = tpu.vector_load %arg13[%get3A_819, %get3A_820] {strides = array<i32>} : memref<80x128xf32, #tpu.memory_space<vmem>>, vector<16xf32>,
        %get3A_822 = arith.index_cast %add3A_745 : i32 to index
        %get3A_823 = arith.constant 96 : index
        %get3A_824 = tpu.vector_load %arg14[%get3A_822, %get3A_823] {strides = array<i32>} : memref<80x128xf32, #tpu.memory_space<vmem>>, vector<16xf32>,
        %mul3A_825 = arith.mulf %get3A_821, %get3A_824 : vector<16xf32>
        %get3A_826 = arith.index_cast %add3A_745 : i32 to index
        %get3A_827 = arith.constant 96 : index
        %get3A_828 = tpu.vector_load %arg15[%get3A_826, %get3A_827] {strides = array<i32>} : memref<80x128xf32, #tpu.memory_space<vmem>>, vector<16xf32>,
        %mul3A_829 = arith.mulf %mul3A_825, %get3A_828 : vector<16xf32>
        %add3A_830 = arith.addf %add3A_818, %mul3A_829 : vector<16xf32>
        %get3A_831 = arith.index_cast %add3A_745 : i32 to index
        %get3A_832 = arith.constant 112 : index
        %get3A_833 = tpu.vector_load %arg13[%get3A_831, %get3A_832] {strides = array<i32>} : memref<80x128xf32, #tpu.memory_space<vmem>>, vector<16xf32>,
        %get3A_834 = arith.index_cast %add3A_745 : i32 to index
        %get3A_835 = arith.constant 112 : index
        %get3A_836 = tpu.vector_load %arg14[%get3A_834, %get3A_835] {strides = array<i32>} : memref<80x128xf32, #tpu.memory_space<vmem>>, vector<16xf32>,
        %mul3A_837 = arith.mulf %get3A_833, %get3A_836 : vector<16xf32>
        %get3A_838 = arith.index_cast %add3A_745 : i32 to index
        %get3A_839 = arith.constant 112 : index
        %get3A_840 = tpu.vector_load %arg15[%get3A_838, %get3A_839] {strides = array<i32>} : memref<80x128xf32, #tpu.memory_space<vmem>>, vector<16xf32>,
        %mul3A_841 = arith.mulf %mul3A_837, %get3A_840 : vector<16xf32>
        %add3A_842 = arith.addf %add3A_830, %mul3A_841 : vector<16xf32>
        %eq3A_843 = vector.broadcast %scan3A_741 : i32 to vector<16xi32>
        %eq3A_844 = arith.cmpi eq, %iota3A, %eq3A_843 : vector<16xi32>
        %reduce_sum3A = arith.constant true
        %reduce_sum3A_845 = vector.broadcast %reduce_sum3A : i1 to vector<16xi1>
        %reduce_sum3A_846 = tpu.scan <sum>, %add3A_842 masked %reduce_sum3A_845 : vector<16xf32>, vector<16xi1> -> vector<16xf32>
        %reduce_sum3A_847 = vector.extract %reduce_sum3A_846[15] : f32 from vector<16xf32>
        %broadcast_in_dim3A_848 = vector.broadcast %reduce_sum3A_847 : f32 to vector<16xf32>
        %select_n3A = arith.select %eq3A_844, %broadcast_in_dim3A_848, %scan3A_742 : vector<16xi1>, vector<16xf32>
        scf.yield %select_n3A : vector<16xf32>
      }
      %scan3A_735 = arith.constant 16 : i32
      %mul3A_736 = arith.constant 16 : i32
      %mul3A_737 = arith.muli %scan3A_728, %mul3A_736 : i32
      %swap3A = arith.constant 0 : i32
      %swap3A_738 = arith.index_cast %swap3A : i32 to index
      %swap3A_739 = arith.index_cast %mul3A_737 : i32 to index
      %swap3A_740 = tpu.vector_load %arg16[%swap3A_738, %swap3A_739] {strides = array<i32>} : memref<2x80xf32, #tpu.memory_space<vmem>>, vector<16xf32>,
      tpu.vector_store %arg16[%swap3A_738, %swap3A_739], %scan3A_734 {strides = array<i32>} : memref<2x80xf32, #tpu.memory_space<vmem>>, vector<16xf32>,
    }
    %scan3A_693 = arith.constant 2 : i32
    %add3A_694 = arith.constant 9920 : i32
    %add3A_695 = arith.addi %multiple_of3A, %add3A_694 : i32
    %multiple_of3A_696 = tpu.assume_multiple %add3A_695, 8 : i32
    %dma_start3A_697 = arith.constant 0 : i32
    %dma_start3A_698 = arith.constant 0 : i32
    %dma_start3A_699 = tpu.memref_slice %arg16[%dma_start3A_697, %dma_start3A_698] : memref<2x80xf32, #tpu.memory_space<vmem>> -> memref<1x80xf32, #tpu.memory_space<vmem>>
    %dma_start3A_700 = tpu.memref_squeeze %dma_start3A_699 : memref<1x80xf32, #tpu.memory_space<vmem>> -> memref<80xf32, #tpu.memory_space<vmem>>
    %dma_start3A_701 = tpu.memref_slice %arg7[%multiple_of3A_696] : memref<320000xf32, #tpu.memory_space<hbm>> -> memref<80xf32, #tpu.memory_space<hbm>>
    %dma_start3A_702 = tpu.memref_slice %arg7[%multiple_of3A_696] : memref<320000xf32, #tpu.memory_space<hbm>> -> memref<80xf32, #tpu.memory_space<hbm>>
    %dma_start3A_703 = arith.constant 0 : i32
    %dma_start3A_704 = tpu.memref_slice %arg16[%dma_start3A_697, %dma_start3A_703] : memref<2x80xf32, #tpu.memory_space<vmem>> -> memref<1x80xf32, #tpu.memory_space<vmem>>
    %dma_start3A_705 = tpu.memref_squeeze %dma_start3A_704 : memref<1x80xf32, #tpu.memory_space<vmem>> -> memref<80xf32, #tpu.memory_space<vmem>>
    tpu.enqueue_dma source(%dma_start3A_705 : memref<80xf32, #tpu.memory_space<vmem>>) target(%dma_start3A_702 : memref<80xf32, #tpu.memory_space<hbm>>) target_semaphore(%arg20 : memref<!tpu.dma_semaphore, #tpu.memory_space<semaphore_mem>>)
    %dma_wait3A_706 = arith.constant 1 : i32
    %dma_wait3A_707 = arith.constant 0 : i32
    %dma_wait3A_708 = tpu.memref_slice %arg16[%dma_wait3A_706, %dma_wait3A_707] : memref<2x80xf32, #tpu.memory_space<vmem>> -> memref<1x80xf32, #tpu.memory_space<vmem>>
    %dma_wait3A_709 = tpu.memref_squeeze %dma_wait3A_708 : memref<1x80xf32, #tpu.memory_space<vmem>> -> memref<80xf32, #tpu.memory_space<vmem>>
    %dma_wait3A_710 = arith.constant 0 : i32
    %dma_wait3A_711 = tpu.memref_slice %arg7[%dma_wait3A_710] : memref<320000xf32, #tpu.memory_space<hbm>> -> memref<80xf32, #tpu.memory_space<hbm>>
    %dma_wait3A_712 = arith.constant 0 : i32
    %dma_wait3A_713 = tpu.memref_slice %arg7[%dma_wait3A_712] : memref<320000xf32, #tpu.memory_space<hbm>> -> memref<80xf32, #tpu.memory_space<hbm>>
    %dma_wait3A_714 = arith.constant 0 : i32
    %dma_wait3A_715 = tpu.memref_slice %arg16[%dma_wait3A_706, %dma_wait3A_714] : memref<2x80xf32, #tpu.memory_space<vmem>> -> memref<1x80xf32, #tpu.memory_space<vmem>>
    %dma_wait3A_716 = tpu.memref_squeeze %dma_wait3A_715 : memref<1x80xf32, #tpu.memory_space<vmem>> -> memref<80xf32, #tpu.memory_space<vmem>>
    tpu.wait_dma2 semaphore(%arg21 : memref<!tpu.dma_semaphore, #tpu.memory_space<semaphore_mem>>) src(%dma_wait3A_716 : memref<80xf32, #tpu.memory_space<vmem>>) dst(%dma_wait3A_713 : memref<80xf32, #tpu.memory_space<hbm>>)
    %dma_wait3A_717 = arith.constant 0 : i32
    %dma_wait3A_718 = arith.constant 0 : i32
    %dma_wait3A_719 = tpu.memref_slice %arg16[%dma_wait3A_717, %dma_wait3A_718] : memref<2x80xf32, #tpu.memory_space<vmem>> -> memref<1x80xf32, #tpu.memory_space<vmem>>
    %dma_wait3A_720 = tpu.memref_squeeze %dma_wait3A_719 : memref<1x80xf32, #tpu.memory_space<vmem>> -> memref<80xf32, #tpu.memory_space<vmem>>
    %dma_wait3A_721 = arith.constant 0 : i32
    %dma_wait3A_722 = tpu.memref_slice %arg7[%dma_wait3A_721] : memref<320000xf32, #tpu.memory_space<hbm>> -> memref<80xf32, #tpu.memory_space<hbm>>
    %dma_wait3A_723 = arith.constant 0 : i32
    %dma_wait3A_724 = tpu.memref_slice %arg7[%dma_wait3A_723] : memref<320000xf32, #tpu.memory_space<hbm>> -> memref<80xf32, #tpu.memory_space<hbm>>
    %dma_wait3A_725 = arith.constant 0 : i32
    %dma_wait3A_726 = tpu.memref_slice %arg16[%dma_wait3A_717, %dma_wait3A_725] : memref<2x80xf32, #tpu.memory_space<vmem>> -> memref<1x80xf32, #tpu.memory_space<vmem>>
    %dma_wait3A_727 = tpu.memref_squeeze %dma_wait3A_726 : memref<1x80xf32, #tpu.memory_space<vmem>> -> memref<80xf32, #tpu.memory_space<vmem>>
    tpu.wait_dma2 semaphore(%arg20 : memref<!tpu.dma_semaphore, #tpu.memory_space<semaphore_mem>>) src(%dma_wait3A_727 : memref<80xf32, #tpu.memory_space<vmem>>) dst(%dma_wait3A_724 : memref<80xf32, #tpu.memory_space<hbm>>)
    return
  }
}

</mosaic_0001>

<sc_bundles>
// kernel: _score.3.cloned.1.call-start
scs
__scs_entry_jumppad:
0x0: {  	(pc) =	sbr.rel $0x88, $3  }
0x1: {  	(tag) =	ssettag $0x0;
	lr =	simm.s32 $0x1  }
0x2: {  	[smem:$0x3F9C] =	sst lr;
	_ =	strace $0xD0000000  }
0x3: {  	_ = 	snop  }
0x4: {  	_ = 	snop  }
0x5: {  	_ = 	snop  }
0x6: {  	_ = 	snop  }
0x7: {  	_ = 	snop  }
__scs_overlays_trampoline_lowered:
0x8: {  	[smem:$0x3FAB] =	sst s0  }
0x9: {  	[smem:$0x3FAC] =	sst s1  }
0xa: {  	[smem:$0x3FAD] =	sst s2  }
0xb: {  	[smem:$0x3FAE] =	sst s3  }
0xc: {  	[smem:$0x3FAF] =	sst s4  }
0xd: {  	[smem:$0x3FB0] =	sst s5  }
0xe: {  	[smem:$0x3FB1] =	sst s6  }
0xf: {  	[smem:$0x3FB2] =	sst s7  }
0x10: {  	[smem:$0x3FB3] =	sst s8  }
0x11: {  	[smem:$0x3FB4] =	sst s9;
	s0 =	simm.s32 @!p0 $0x0  }
0x12: {  	s1 =	sld [smem:$0x3F9A];
	s0 =	simm.s32 @p0 $0x1  }
0x13: {  	[smem:$0x3FB5] =	sst s0;
	s0 =	simm.s32 @!p1 $0x0  }
0x14: {  	s2 =	sld [smem:$0x3F99];
	s0 =	simm.s32 @p1 $0x1  }
0x15: {  	[smem:$0x3FB6] =	sst s0;
	s0 =	simm.s32 @!p2 $0x0  }
0x16: {  	s3 =	sld [smem:$0x3FDB];
	s0 =	simm.s32 @p2 $0x1  }
0x17: {  	s4 =	simm.s32 $0x1BF5;
	[smem:$0x3FB8] =	sst s0  }
0x18: {  	s0 =	sld [smem:$0x3F9B];
	_ =	swait.ge [sflag:s4], $0x0  }
0x19: {  	s7 =	sld [smem:$0x3F9C]  }
0x1a: {  	s8 =	sadd.s32 $0xFFFFE003, lr  }
0x1b: {  	s9 =	sadd.s32 $0xFFFFFEF7, lr;
	s5 =	simm.s32 $0xFFFFFFFF;
	p2 =	slt.u32 s8, $0xFFFFF086  }
0x1c: {  	p1 =	slt.u32 s9, $0xF7A;
	s5 =	simm.s32 @!p2 $0x0  }
0x1d: {  	s5 =	simm.s32 @p1 $0x1;
	p0 =	seq.s32 s7, s2  }
0x1e: {  	s7 =	smul.u32 @!p0 $0xF7A, s2;
	p2 =	seq.s32 @!p0 s5, $0x0  }
0x1f: {  	s9 =	smul.u32 $0xF7A, s1;
	s8 =	simm.s32 @!p0 $0x1BF5;
	p2 =	por !p2, p0  }
0x20: {  	[sflag:s8] =	ssyncset.s32 @!p0 $0xFFFFF086;
	s6 =	sadd.s32 @!p0 s3, s7;
	s7 =	simm.s32 @!p0 $0x108  }
0x21: {  	s3 =	sadd.s32 s3, s9;
	s6 =	sadd.s32 @!p0 $0x88, s6;
	s7 =	simm.s32 @p2 $0x1082  }
0x22: {  	[simem:s7], [sflag:s8] =	dma.local @!p0 [hbm:s6], $0xF7A  }
0x23: {  	s9 =	sor.u32 $0xD0000000, s2;
	s6 =	simm.s32 $0x108;
	_ =	swait.ge @!p0 [sflag:s8], $0x0  }
0x24: {  	s3 =	sadd.s32 $0x88, s3;
	s6 =	simm.s32 @!p1 $0x1082;
	[sflag:s4] =	ssyncset.s32 $0xFFFFF086  }
0x25: {  	[simem:s6], [sflag:s4] =	dma.local [hbm:s3], $0xF7A  }
0x26: {  	[smem:$0x3F9C] =	sst s1;
	(tag) =	ssettag s2;
	_ =	strace s9  }
0x27: {  	s1 =	sld [smem:$0x3FAC]  }
0x28: {  	s2 =	sld [smem:$0x3FAD]  }
0x29: {  	s4 =	sld [smem:$0x3FAF]  }
0x2a: {  	p0 =	seq.s32 s5, $0x0;
	s5 =	sld [smem:$0x3FB0]  }
0x2b: {  	s6 =	sld [smem:$0x3FB1]  }
0x2c: {  	s7 =	sld [smem:$0x3FB2]  }
0x2d: {  	s3 =	simm.s32 $0x108;
	s8 =	sld [smem:$0x3FB3]  }
0x2e: {  	s3 =	simm.s32 @!p0 $0x1082;
	s9 =	sld [smem:$0x3FB4]  }
0x2f: {  	lr =	sadd.s32 s0, s3;
	s0 =	sld [smem:$0x3FAB]  }
0x30: {  	s3 =	sld [smem:$0x3FAE]  }
0x31: {  	[smem:$0x3FB7] =	sst s10  }
0x32: {  	s10 =	sld [smem:$0x3FB5];
	_ =	sdelay $0x3  }
0x33: {  	p0 =	seq.s32 s10, $0x1;
	s10 =	sld [smem:$0x3FB7];
	_ =	sdelay $0x3  }
0x34: {  	[smem:$0x3FB7] =	sst s10  }
0x35: {  	s10 =	sld [smem:$0x3FB6];
	_ =	sdelay $0x3  }
0x36: {  	p1 =	seq.s32 s10, $0x1;
	s10 =	sld [smem:$0x3FB7];
	_ =	sdelay $0x3  }
0x37: {  	[smem:$0x3FB7] =	sst s10  }
0x38: {  	s10 =	sld [smem:$0x3FB8]  }
0x39: {  	_ = 	snop;
	(pc) =	sbr.ind lr, $3  }
0x3a: {  	_ = 	snop  }
0x3b: {  	_ = 	snop  }
0x3c: {  	p2 =	seq.s32 s10, $0x1;
	s10 =	sld [smem:$0x3FB7]  }
0x3d: {  	_ =	shalt  }
0x3e: {  	_ =	shalt  }
0x3f: {  	_ =	shalt  }
0x40: {  	_ =	shalt  }
0x41: {  	_ =	shalt  }
0x42: {  	_ =	shalt  }
0x43: {  	_ =	shalt  }
0x44: {  	_ =	shalt  }
0x45: {  	_ =	shalt  }
0x46: {  	_ =	shalt  }
0x47: {  	_ =	shalt  }
0x48: {  	_ =	shalt  }
0x49: {  	_ =	shalt  }
0x4a: {  	_ =	shalt  }
0x4b: {  	_ =	shalt  }
0x4c: {  	_ =	shalt  }
0x4d: {  	_ =	shalt  }
0x4e: {  	_ =	shalt  }
0x4f: {  	_ =	shalt  }
0x50: {  	_ =	shalt  }
0x51: {  	_ =	shalt  }
0x52: {  	_ =	shalt  }
0x53: {  	_ =	shalt  }
0x54: {  	_ =	shalt  }
0x55: {  	_ =	shalt  }
0x56: {  	_ =	shalt  }
0x57: {  	_ =	shalt  }
0x58: {  	_ =	shalt  }
0x59: {  	_ =	shalt  }
0x5a: {  	_ =	shalt  }
0x5b: {  	_ =	shalt  }
0x5c: {  	_ =	shalt  }
0x5d: {  	_ =	shalt  }
0x5e: {  	_ =	shalt  }
0x5f: {  	_ =	shalt  }
0x60: {  	_ =	shalt  }
0x61: {  	_ =	shalt  }
0x62: {  	_ =	shalt  }
0x63: {  	_ =	shalt  }
0x64: {  	_ =	shalt  }
0x65: {  	_ =	shalt  }
0x66: {  	_ =	shalt  }
0x67: {  	_ =	shalt  }
0x68: {  	_ =	shalt  }
0x69: {  	_ =	shalt  }
0x6a: {  	_ =	shalt  }
0x6b: {  	_ =	shalt  }
0x6c: {  	_ =	shalt  }
0x6d: {  	_ =	shalt  }
0x6e: {  	_ =	shalt  }
0x6f: {  	_ =	shalt  }
0x70: {  	_ =	shalt  }
0x71: {  	_ =	shalt  }
0x72: {  	_ =	shalt  }
0x73: {  	_ =	shalt  }
0x74: {  	_ =	shalt  }
0x75: {  	_ =	shalt  }
0x76: {  	_ =	shalt  }
0x77: {  	_ =	shalt  }
0x78: {  	_ =	shalt  }
0x79: {  	_ =	shalt  }
0x7a: {  	_ =	shalt  }
0x7b: {  	_ =	shalt  }
0x7c: {  	_ =	shalt  }
0x7d: {  	_ =	shalt  }
0x7e: {  	_ =	shalt  }
0x7f: {  	_ =	shalt  }
0x80: {  	_ =	shalt  }
0x81: {  	_ =	shalt  }
0x82: {  	_ =	shalt  }
0x83: {  	_ =	shalt  }
0x84: {  	_ =	shalt  }
0x85: {  	_ =	shalt  }
0x86: {  	_ =	shalt  }
0x87: {  	_ =	shalt  }
.Lfunc_end0:
.L_simem_size_0:
called_computation_lowered:
.L_overlay_start_0:
0x88: {  	s2 =	sld [smem:$0x3FD9]  }
0x89: {  	s3 =	sld [smem:$0x3FFE];
	_ =	sdelay $0x1  }
0x8a: {  	s1 =	srdreg.scid  }
0x8b: {  	s0 =	sand.u32 $0x1, s1  }
0x8c: {  	s18 =	sshll.u32 s0, $0xA;
	s2 =	sadd.s32 s3, s2  }
0x8d: {  	s2 =	sadd.s32 s2, s18  }
0x8e: {  	[smem:$0x3FC3] =	sst s2  }
0x8f: {  	_ = 	snop  }
0x90: {  	s2 =	sld [smem:$0x3FC9]  }
0x91: {  	s19 =	sld [smem:$0x3FC8]  }
0x92: {  	s4 =	sld [smem:$0x3FC7]  }
0x93: {  	s5 =	sld [smem:$0x3FC6]  }
0x94: {  	s6 =	sld [smem:$0x3FC5]  }
0x95: {  	s7 =	sld [smem:$0x3FD0];
	(tm) =	ssettm $0x1  }
0x96: {  	s8 =	sld [smem:$0x3FFB];
	_ =	sdelay $0x3  }
0x97: {  	_ =	strace s8  }
0x98: {  	s8 =	sld [smem:$0x3FFC];
	_ =	sdelay $0x3  }
0x99: {  	_ =	strace s8  }
0x9a: {  	s8 =	sld [smem:$0x3FFD];
	_ =	sdelay $0x3  }
0x9b: {  	_ =	strace s8  }
0x9c: {  	_ =	strace $0x8FFFFFFF  }
0x9d: {  	s20 =	sld [smem:$0x3FDB];
	_ =	sdelay $0x1  }
0x9e: {  	s9 =	simm.s32 $_scs_section_size  }
0x9f: {  	s10 =	simm.s32 $_size__tile_overlayer_lowered;
	s11 =	simm.s32 $_tile_overlayer_lowered  }
0xa0: {  	s23 =	simm.s32 $0x1BFF;
	s22 =	sshll.u32 s11, $0x1;
	s8 =	sadd.s32 s9, s20  }
0xa1: {  	s12 =	simm.s32 $0x0;
	s21 =	sshll.u32 s10, $0x1;
	s10 =	sadd.s32 s22, s8  }
0xa2: {  	[timem:s12], [sflag:s23] =	dma.local [hbm:s10], s21  }
0xa3: {  	_ =	swait.ge [sflag:s23], s21  }
0xa4: {  	s9 =	ssub.s32 $0x0, s21;
	[sflag:s23] =	ssyncset.done $0x0  }
0xa5: {  	[sflag:s23] =	ssyncadd.s32 s9;
	_ =	sdelay $0x1  }
0xa6: {  	s24 =	simm.s32 $0x1B8B  }
0xa7: {  	_ =	swait.ge [sflag:s24], $0x1  }
0xa8: {  	[sflag:s24] =	ssyncset.done $0x0  }
0xa9: {  	s25 =	simm.s32 $0x1B8E;
	[sflag:s24] =	ssyncadd.s32 $0xFFFFFFFF  }
0xaa: {  	s26 =	simm.s32 $execute0_lowered;
	[smem:$0x3FD2] =	sst s25  }
0xab: {  	s9 =	sshll.u32 s26, $0x1;
	_ =	strace $0x80000046;
	[dreg:$0x1] =	wrdreg $0xFFFFFFFF  }
0xac: {  	s28 =	simm.s32 $_size_execute0_lowered;
	s8 =	sadd.s32 s8, s9;
	[dreg:$0x0] =	wrdreg $0x0  }
0xad: {  	s9 =	sshll.u32 s28, $0x1;
	[dreg:$0x2] =	wrdreg s8  }
0xae: {  	[dreg:$0x3] =	wrdreg s9  }
0xaf: {  	[dreg:$0x4] =	wrdreg $0xC0  }
0xb0: {  	_ =	task [dreg:s12], $0x5FFFF  }
0xb1: {  	[dreg:$0x1] =	wrdreg $0xFFFFFFFF  }
0xb2: {  	[dreg:$0x0] =	wrdreg $0x60  }
0xb3: {  	[dreg:$0x2] =	wrdreg s2  }
0xb4: {  	[dreg:$0x3] =	wrdreg s19  }
0xb5: {  	[dreg:$0x4] =	wrdreg s4  }
0xb6: {  	[dreg:$0x5] =	wrdreg s5  }
0xb7: {  	[dreg:$0x6] =	wrdreg s6  }
0xb8: {  	[dreg:$0x7] =	wrdreg s7  }
0xb9: {  	[dreg:$0x8] =	wrdreg $0x0  }
0xba: {  	[dreg:$0x9] =	wrdreg $0x138800  }
0xbb: {  	[dreg:$0xa] =	wrdreg $0x9  }
0xbc: {  	_ =	task.clear_ibuf [dreg:s12], $0xBFFFF;
	_ =	strace $0x90000046  }
0xbd: {  	s29 =	simm.s32 $0x9;
	_ =	strace $0x80000048  }
0xbe: {  	_ =	swait.ge [sflag:s29], $0x1  }
0xbf: {  	[sflag:s29] =	ssyncadd.s32 $0xFFFFFFFF  }
0xc0: {  	_ =	strace $0x90000048  }
0xc1: {  	_ =	sfence  }
0xc2: {  	s30 =	sld [smem:$0x0];
	_ =	sdelay $0x2  }
0xc3: {  	s31 =	sshll.u32 s1, $0xD;
	s1 =	sshrl.u32 s1, $0x2  }
0xc4: {  	s3 =	sand.u32 $0x4000, s31;
	s1 =	sadd.s32 s1, s30  }
0xc5: {  	s0 =	sor.u32 s3, s0;
	s1 =	sshll.u32 s1, $0x11  }
0xc6: {  	s0 =	sor.u32 s1, s0  }
0xc7: {  	s0 =	sadd.s32 $0x8F2B, s0  }
0xc8: {  	[sflag:s0] =	ssyncadd.remote.s32 $0x1  }
0xc9: {  	_ =	sfence.sel $0xFFFF  }
0xca: {  	[dreg:$0x0] =	wrdreg $0xFFFFFFFF;
	(pc) =	sbr.abs _section_cstart, $3  }
0xcb: {  	[dreg:$0x1] =	wrdreg $0xFFFFFFFF  }
0xcc: {  	_ =	task.clear_ibuf [dreg:s12], $0x2FFFF;
	_ =	strace $0x9FFFFFFF  }
0xcd: {  	(tm) =	ssettm $0x7FFFFFFF  }
tec
execute0_lowered:
.L_overlay_start_1:
0x0: {  	(tag) =	ssettag $0x1  }
0x1: {  	s6 =	rddreg [dreg:$0x0]  }
0x2: {  	s10 =	rddreg [dreg:$0x1]  }
0x3: {  	s11 =	rddreg [dreg:$0x2]  }
0x4: {  	s0 =	srdreg.scid;
	s1 =	stileid.u32  }
0x5: {  	s12 =	rddreg [dreg:$0x5];
	s0 =	sand.u32 $0x1, s0;
	s2 =	sshll.u32 s1, $0x1  }
0x6: {  	s7 =	rddreg [dreg:$0x6];
	s9 =	simm.s32 $0x0;
	s2 =	sor.u32 s0, s2  }
0x7: {  	[smem:$0x7FF] =	sst s9;
	s5 =	smul.u32 $0x2710, s2  }
0x8: {  	s8 =	rddreg [dreg:$0x7];
	s0 =	ssub.s32 $0x2, s0;
	_ =	strace $0x80000047  }
0x9: {  	s14 =	sshrl.u32 s0, $0x1;
	s18 =	sadd.s32 $0x50, s5;
	[dreg:$0x9] =	wrdreg s5  }
0xa: {  	s0 =	ssub.s32 s0, s14;
	s4 =	sadd.s32 $0xA0, s5;
	[dreg:$0xd] =	wrdreg s18  }
0xb: {  	s3 =	sshrl.u32 s5, $0x3;
	s5 =	sadd.s32 $0xF0, s5;
	[dreg:$0xe] =	wrdreg s4  }
0xc: {  	s0 =	smax.u32 s0, $0x1;
	[dreg:$0xf] =	wrdreg s5  }
0xd: {  	s15 =	sadd.s32 s6, s3;
	[dreg:$0x1b] =	wrdreg s0  }
0xe: {  	s16 =	sadd.s32 s10, s3;
	[dreg:$0xa] =	wrdreg s15  }
0xf: {  	s31 =	simm.s32 $0x15880;
	s17 =	sadd.s32 s11, s3;
	[dreg:$0xb] =	wrdreg s16  }
0x10: {  	s4 =	sshrl.u32 s4, $0x3;
	s3 =	sadd.s32 s12, s3;
	[dreg:$0xc] =	wrdreg s17  }
0x11: {  	s28 =	simm.s32 $0x1C380;
	s13 =	sadd.s32 s6, s4;
	[dreg:$0x13] =	wrdreg s3  }
0x12: {  	s30 =	simm.s32 $0x19B80;
	s19 =	sadd.s32 s10, s4;
	[dreg:$0x10] =	wrdreg s13  }
0x13: {  	s5 =	sshrl.u32 s5, $0x3;
	s4 =	sadd.s32 s11, s4;
	[dreg:$0x11] =	wrdreg s19  }
0x14: {  	p0 =	sne.s32 s1, $0x0;
	s20 =	sadd.s32 s6, s5;
	[dreg:$0x12] =	wrdreg s4  }
0x15: {  	s1 =	simm.s32 $0x0;
	s21 =	sadd.s32 s10, s5;
	[dreg:$0x14] =	wrdreg s20  }
0x16: {  	s2 =	sshrl.u32 s18, $0x3;
	s22 =	sadd.s32 s11, s5;
	[dreg:$0x15] =	wrdreg s21  }
0x17: {  	s18 =	simm.s32 $0x15B80;
	s23 =	sadd.s32 s6, s2;
	[dreg:$0x16] =	wrdreg s22  }
0x18: {  	s24 =	sadd.s32 s10, s2;
	s25 =	sadd.s32 s11, s2;
	[dreg:$0x17] =	wrdreg s23  }
0x19: {  	s16 =	smov.u32 s12;
	s26 =	sadd.s32 s12, s2;
	[dreg:$0x18] =	wrdreg s24  }
0x1a: {  	s29 =	sadd.s32 $0x4D8, s3;
	s6 =	simm.s32 $0x15980;
	[dreg:$0x19] =	wrdreg s25  }
0x1b: {  	s3 =	simm.s32 $0x15A80;
	s17 =	simm.s32 $0x30;
	[dreg:$0x1a] =	wrdreg s26  }
0x1c: {  	[dreg:$0x1c] =	wrdreg s29;
	s13 =	simm.s32 $0x2;
	s19 =	simm.s32 $0x1AB80  }
0x1d: {  	s21 =	simm.s32 $0x18380;
	s22 =	simm.s32 $0x1;
	s23 =	simm.s32 $0x20  }
0x1e: {  	v0 =	vlaneseq.u32;
	s25 =	simm.s32 $0x17380;
	s24 =	simm.s32 $0x4;
	s26 =	simm.s32 $0x5  }
.LBB2_1:
0x1f: {  	[dreg:$0x1d] =	wrdreg s1  }
0x20: {  	s0 =	sshrl.u32 @!p0 s7, $0x3;
	s1 =	simm.s32 @!p0 $0x1C06;
	s2 =	rddreg [dreg:$0x3]  }
0x21: {  	[spmem:s0], [sflag:s1] =	dma.local @!p0 [hbm:s2], $0x27100  }
0x22: {  	s0 =	simm.s32 @!p0 $0x6  }
0x23: {  	_ =	swait.ge @!p0 [sflag:s0], $0x27100  }
0x24: {  	[sflag:s0] =	ssyncset.done @!p0 $0x0  }
0x25: {  	[sflag:s0] =	ssyncadd.s32 @!p0 $0xFFFD8F00  }
0x26: {  	s2 =	sshrl.u32 @!p0 s8, $0x3;
	s4 =	rddreg [dreg:$0x4]  }
0x27: {  	[spmem:s2], [sflag:s1] =	dma.local @!p0 [hbm:s4], $0x4000  }
0x28: {  	_ =	swait.ge @!p0 [sflag:s0], $0x4000  }
0x29: {  	[sflag:s0] =	ssyncset.done @!p0 $0x0  }
0x2a: {  	[sflag:s0] =	ssyncadd.s32 @!p0 $0xFFFFC000  }
0x2b: {  	[bflag:$0x0] =	sbarrier.arrive $0xFFFF  }
0x2c: {  	s29 =	rddreg [dreg:$0xa]  }
0x2d: {  	[tilespmem:s31], [sflag:$0x2] =	stream.linear.gather [hbm4b:s29+s9], $0x50, $0x38;
	[tilespmem:$0x1D480] =	vst v63  }
0x2e: {  	s1 =	rddreg [dreg:$0xb]  }
0x2f: {  	[tilespmem:s6], [sflag:$0x2] =	stream.linear.gather [hbm4b:s1+s9], $0x50, $0x38;
	[tilespmem:$0x1D480] =	vst v63  }
0x30: {  	s2 =	rddreg [dreg:$0xc]  }
0x31: {  	[tilespmem:s3], [sflag:$0x2] =	stream.linear.gather [hbm4b:s2+s9], $0x50, $0x38;
	[tilespmem:$0x1D480] =	vst v63  }
0x32: {  	s5 =	simm.s32 $0x15900;
	s4 =	rddreg [dreg:$0x17]  }
0x33: {  	[tilespmem:s5], [sflag:$0x3] =	stream.linear.gather [hbm4b:s4+s9], $0x50, $0x38;
	[tilespmem:$0x1D480] =	vst v63  }
0x34: {  	s11 =	simm.s32 $0x15A00;
	s10 =	rddreg [dreg:$0x18]  }
0x35: {  	[tilespmem:s11], [sflag:$0x3] =	stream.linear.gather [hbm4b:s10+s9], $0x50, $0x38;
	[tilespmem:$0x1D480] =	vst v63  }
0x36: {  	s14 =	simm.s32 $0x15B00;
	s12 =	rddreg [dreg:$0x19]  }
0x37: {  	[tilespmem:s14], [sflag:$0x3] =	stream.linear.gather [hbm4b:s12+s9], $0x50, $0x38;
	[tilespmem:$0x1D480] =	vst v63  }
0x38: {  	_ =	swait.ge [sflag:s13], $0x50  }
0x39: {  	[sflag:s13] =	ssyncset.done $0x0  }
0x3a: {  	[sflag:s13] =	ssyncadd.s32 $0xFFFFFFB0  }
0x3b: {  	_ =	swait.ge [sflag:s13], $0x50  }
0x3c: {  	[sflag:s13] =	ssyncset.done $0x0  }
0x3d: {  	[sflag:s13] =	ssyncadd.s32 $0xFFFFFFB0  }
0x3e: {  	_ =	swait.ge [sflag:s13], $0x50  }
0x3f: {  	[sflag:s13] =	ssyncset.done $0x0  }
0x40: {  	[sflag:s13] =	ssyncadd.s32 $0xFFFFFFB0  }
0x41: {  	[tilespmem:s18], [sflag:$0x1] =	stream.indirect.gather [spmem:s7], $0x80, s31, s17, $0xb8;
	[tilespmem:$0x1D480] =	vst v63  }
0x42: {  	_ = 	snop  }
0x43: {  	[tilespmem:s19], [sflag:$0x1] =	stream.indirect.gather [spmem:s7], $0x80, s6, s17, $0xb8;
	[tilespmem:$0x1D480] =	vst v63  }
0x44: {  	_ = 	snop  }
0x45: {  	[tilespmem:s21], [sflag:$0x1] =	stream.indirect.gather [spmem:s8], $0x80, s3, s17, $0xb8;
	[tilespmem:$0x1D480] =	vst v63  }
0x46: {  	_ =	swait.ge [sflag:s22], $0x1800  }
0x47: {  	[sflag:s22] =	ssyncset.done $0x0  }
0x48: {  	[sflag:s22] =	ssyncadd.s32 $0xFFFFE800  }
0x49: {  	_ =	swait.ge [sflag:s22], $0x1800  }
0x4a: {  	[sflag:s22] =	ssyncset.done $0x0  }
0x4b: {  	[sflag:s22] =	ssyncadd.s32 $0xFFFFE800  }
0x4c: {  	_ =	swait.ge [sflag:s22], $0x1800  }
0x4d: {  	[sflag:s22] =	ssyncset.done $0x0  }
0x4e: {  	s15 =	simm.s32 $0x158B0;
	[sflag:s22] =	ssyncadd.s32 $0xFFFFE800  }
0x4f: {  	[tilespmem:s25], [sflag:$0x1] =	stream.indirect.gather [spmem:s7], $0x80, s15, s23, $0xb8;
	[tilespmem:$0x1D480] =	vst v63  }
0x50: {  	s20 =	simm.s32 $0x159B0;
	s29 =	simm.s32 $0x15AB0;
	s4 =	simm.s32 $0x15BC0  }
0x51: {  	[tilespmem:s28], [sflag:$0x1] =	stream.indirect.gather [spmem:s7], $0x80, s20, s23, $0xb8;
	[tilespmem:$0x1D480] =	vst v63  }
0x52: {  	s11 =	simm.s32 $0x1ABC0;
	s12 =	simm.s32 $0x0;
	s20 =	simm.s32 $0x183C0  }
0x53: {  	[tilespmem:s30], [sflag:$0x1] =	stream.indirect.gather [spmem:s8], $0x80, s29, s23, $0xb8;
	[tilespmem:$0x1D480] =	vst v63  }
.LBB2_2:
0x54: {  	v1 =	vld [tilespmem:s11+$0x20]  }
0x55: {  	v4 =	vld [tilespmem:s11+$0x10]  }
0x56: {  	v3 =	vld [tilespmem:s11+$0xFFFFFFF0]  }
0x57: {  	v5 =	vld [tilespmem:s11+$0xFFFFFFE0]  }
0x58: {  	v6 =	vld [tilespmem:s11+$0xFFFFFFD0]  }
0x59: {  	v7 =	vld [tilespmem:s11+$0xFFFFFFC0]  }
0x5a: {  	v8 =	vld [tilespmem:s4+$0xFFFFFFC0]  }
0x5b: {  	v9 =	vld [tilespmem:s20+$0xFFFFFFC0]  }
0x5c: {  	v10 =	vld [tilespmem:s4+$0xFFFFFFD0]  }
0x5d: {  	v11 =	vld [tilespmem:s20+$0xFFFFFFD0]  }
0x5e: {  	v12 =	vld [tilespmem:s4+$0xFFFFFFE0]  }
0x5f: {  	v13 =	vld [tilespmem:s20+$0xFFFFFFE0]  }
0x60: {  	v14 =	vld [tilespmem:s4+$0xFFFFFFF0]  }
0x61: {  	v15 =	vld [tilespmem:s4+$0x0];
	v8 =	vmul.f32 v9, v8  }
0x62: {  	v9 =	vld [tilespmem:s20+$0xFFFFFFF0]  }
0x63: {  	v62 =	vld [tilespmem:s20+$0x10];
	v7 =	vmul.f32 v7, v8;
	v8 =	vmul.f32 v11, v10  }
0x64: {  	v10 =	vld [tilespmem:s20+$0x0]  }
0x65: {  	v11 =	vld [tilespmem:s4+$0x10];
	v7 =	vadd.f32 $0.0e+00, v7;
	v6 =	vmul.f32 v6, v8;
	v8 =	vmul.f32 v13, v12  }
0x66: {  	v2 =	vld [tilespmem:s11+$0x0]  }
0x67: {  	v63 =	vld [tilespmem:s4+$0x20];
	v6 =	vadd.f32 v6, v7;
	v5 =	vmul.f32 v5, v8;
	v7 =	vmul.f32 v9, v14  }
0x68: {  	v8 =	vld [tilespmem:s20+$0x20]  }
0x69: {  	v9 =	vld [tilespmem:s4+$0x30];
	v5 =	vadd.f32 v5, v6;
	v3 =	vmul.f32 v3, v7;
	v6 =	vmul.f32 v10, v15  }
0x6a: {  	v11 =	vmul.f32 v62, v11;
	v7 =	vld [tilespmem:s20+$0x30]  }
0x6b: {  	s0 =	sadd.s32 $0x80, s11;
	v10 =	vld [tilespmem:s11+$0x30];
	v5 =	vadd.f32 v3, v5;
	v6 =	vmul.f32 v2, v6  }
0x6c: {  	v11 =	vmul.f32 v4, v11;
	v4 =	vld [tilespmem:s0+$0x0]  }
0x6d: {  	v3 =	vld [tilespmem:s0+$0x20];
	v8 =	vmul.f32 v8, v63;
	v6 =	vadd.f32 v6, v5  }
0x6e: {  	v2 =	vld [tilespmem:s0+$0x10]  }
0x6f: {  	v5 =	vld [tilespmem:s0+$0xFFFFFFF0];
	v1 =	vmul.f32 v1, v8;
	v8 =	vmul.f32 v7, v9;
	v11 =	vadd.f32 v11, v6  }
0x70: {  	v7 =	vld [tilespmem:s0+$0xFFFFFFD0]  }
0x71: {  	v9 =	vld [tilespmem:s0+$0xFFFFFFC0];
	v8 =	vmul.f32 v10, v8;
	v11 =	vadd.f32 v1, v11  }
0x72: {  	s5 =	sadd.s32 $0x80, s4;
	v6 =	vld [tilespmem:s0+$0xFFFFFFE0]  }
0x73: {  	s10 =	sadd.s32 $0x80, s20;
	v10 =	vld [tilespmem:s5+$0xFFFFFFC0];
	v8 =	vadd.f32 v8, v11  }
0x74: {  	s2 =	simm.s32 $0x0;
	s1 =	simm.s32 $0x1;
	s14 =	simm.s32 $0x2;
	v1 =	vimm.f32 $0.0e+00;
	v11 =	vld [tilespmem:s10+$0xFFFFFFC0]  }
.LBB2_3:
0x75: {  	p1 =	sne.s32 s14, $0xF;
	v12 =	vld [tilespmem:s5+$0xFFFFFFD0];
	(xrf2) =	vadd.scan.msk.f32 $0xffff, v8  }
0x76: {  	v8 =	vld [tilespmem:s10+$0xFFFFFFD0]  }
0x77: {  	v13 =	vld [tilespmem:s5+$0xFFFFFFE0]  }
0x78: {  	v14 =	vld [tilespmem:s10+$0xFFFFFFE0]  }
0x79: {  	v10 =	vmul.f32 v11, v10;
	v11 =	vld [tilespmem:s5+$0xFFFFFFF0]  }
0x7a: {  	v15 =	vld [tilespmem:s10+$0xFFFFFFF0]  }
0x7b: {  	v9 =	vmul.f32 v9, v10;
	v8 =	vmul.f32 v8, v12;
	v10 =	vld [tilespmem:s5+$0x0]  }
0x7c: {  	v12 =	vld [tilespmem:s10+$0x0]  }
0x7d: {  	v9 =	vadd.f32 $0.0e+00, v9;
	v7 =	vmul.f32 v7, v8;
	v8 =	vmul.f32 v14, v13;
	v13 =	vld [tilespmem:s5+$0x10]  }
0x7e: {  	v16 =	vmov s2;
	s2 =	smov.u32 s1;
	s1 =	smov.u32 s14;
	v14 =	vld [tilespmem:s10+$0x10]  }
0x7f: {  	v7 =	vadd.f32 v7, v9;
	v6 =	vmul.f32 v6, v8;
	v8 =	vmul.f32 v15, v11;
	v9 =	vld [tilespmem:s5+$0x20];
	v11, _, _ =	vpop (xrf2)  }
0x80: {  	vm0 =	veq.s32 v16, v0;
	v15 =	vld [tilespmem:s10+$0x20];
	v11 =	vbroadcast v11, $0xF  }
0x81: {  	v6 =	vadd.f32 v6, v7;
	v5 =	vmul.f32 v5, v8;
	v7 =	vmul.f32 v12, v10;
	v8 =	vld [tilespmem:s5+$0x30]  }
0x82: {  	v10 =	vld [tilespmem:s10+$0x30];
	v1 =	vsel vm0, v11, v1  }
0x83: {  	v5 =	vadd.f32 v5, v6;
	v4 =	vmul.f32 v4, v7;
	v6 =	vmul.f32 v14, v13;
	v11 =	vld [tilespmem:s0+$0x30];
	s0 =	sadd.s32 $0x80, s0  }
0x84: {  	v12 =	vld [tilespmem:s0+$0x20]  }
0x85: {  	v7 =	vadd.f32 v4, v5;
	v6 =	vmul.f32 v2, v6;
	v2 =	vld [tilespmem:s0+$0x10];
	v9 =	vmul.f32 v15, v9  }
0x86: {  	v4 =	vld [tilespmem:s0+$0x0]  }
0x87: {  	v5 =	vld [tilespmem:s0+$0xFFFFFFF0];
	v13 =	vadd.f32 v6, v7;
	v9 =	vmul.f32 v3, v9;
	v8 =	vmul.f32 v10, v8  }
.Ltmp0:
0x88: {  	v6 =	vld [tilespmem:s0+$0xFFFFFFE0];
	(pc) =	sbr.rel @p1 .LBB2_3-.Ltmp0, $4  }
0x89: {  	v7 =	vld [tilespmem:s0+$0xFFFFFFD0];
	v13 =	vadd.f32 v9, v13;
	v8 =	vmul.f32 v11, v8;
	v3 =	vmov v12  }
0x8a: {  	s5 =	sadd.s32 $0x80, s5;
	v9 =	vld [tilespmem:s0+$0xFFFFFFC0]  }
0x8b: {  	s10 =	sadd.s32 $0x80, s10;
	v10 =	vld [tilespmem:s5+$0xFFFFFFC0];
	v8 =	vadd.f32 v8, v13  }
0x8c: {  	s14 =	sadd.s32 $0x1, s14;
	v11 =	vld [tilespmem:s10+$0xFFFFFFC0]  }
0x8d: {  	v12 =	vld [tilespmem:s5+$0xFFFFFFD0]  }
0x8e: {  	v13 =	vld [tilespmem:s10+$0xFFFFFFD0]  }
0x8f: {  	v14 =	vld [tilespmem:s5+$0xFFFFFFE0]  }
0x90: {  	v15 =	vld [tilespmem:s10+$0xFFFFFFE0]  }
0x91: {  	v46 =	vld [tilespmem:s5+$0xFFFFFFF0];
	v10 =	vmul.f32 v11, v10  }
0x92: {  	v16 =	vld [tilespmem:s10+$0xFFFFFFF0]  }
0x93: {  	v48 =	vld [tilespmem:s5+$0x0];
	v47 =	vmul.f32 v13, v12;
	v9 =	vmul.f32 v9, v10  }
0x94: {  	v49 =	vld [tilespmem:s10+$0x0]  }
0x95: {  	v51 =	vld [tilespmem:s5+$0x10];
	v50 =	vmul.f32 v15, v14;
	v7 =	vmul.f32 v7, v47;
	v9 =	vadd.f32 $0.0e+00, v9  }
0x96: {  	v52 =	vld [tilespmem:s10+$0x10]  }
0x97: {  	v54 =	vld [tilespmem:s5+$0x20];
	v53 =	vmul.f32 v16, v46;
	v6 =	vmul.f32 v6, v50;
	v7 =	vadd.f32 v7, v9  }
0x98: {  	v55 =	vld [tilespmem:s10+$0x20]  }
0x99: {  	v57 =	vld [tilespmem:s5+$0x30];
	v56 =	vmul.f32 v49, v48;
	v5 =	vmul.f32 v5, v53;
	v6 =	vadd.f32 v6, v7  }
0x9a: {  	v58 =	vld [tilespmem:s10+$0x30]  }
0x9b: {  	v59 =	vmul.f32 v52, v51;
	v4 =	vmul.f32 v4, v56;
	v5 =	vadd.f32 v5, v6  }
0x9c: {  	v60 =	vld [tilespmem:s0+$0x30]  }
0x9d: {  	v61 =	vmul.f32 v55, v54;
	v2 =	vmul.f32 v2, v59;
	v4 =	vadd.f32 v4, v5;
	_ =	sdelay $0x1  }
0x9e: {  	v62 =	vmul.f32 v58, v57;
	v3 =	vmul.f32 v3, v61;
	v2 =	vadd.f32 v2, v4;
	_ =	sdelay $0x1  }
0x9f: {  	v2 =	vadd.f32 v3, v2;
	v3 =	vmul.f32 v60, v62;
	_ =	sdelay $0x1  }
0xa0: {  	v2 =	vadd.f32 v3, v2  }
0xa1: {  	(xrf2) =	vadd.scan.msk.f32 $0xffff, v8  }
0xa2: {  	(xrf2) =	vadd.scan.msk.f32 $0xffff, v2;
	_ =	sdelay $0x7  }
0xa3: {  	s29 =	sshll.u32 s12, $0x4;
	s12 =	sadd.s32 $0x1, s12  }
0xa4: {  	p1 =	sne.s32 s12, $0x3;
	v2, _, _ =	vpop (xrf2)  }
.Ltmp1:
0xa5: {  	v3 =	vmov s2;
	v2 =	vbroadcast v2, $0xF;
	v63, _, _ =	vpop (xrf2);
	(pc) =	sbr.rel @p1 .LBB2_2-.Ltmp1, $4  }
0xa6: {  	vm0 =	veq.s32 v3, v0;
	v3 =	vmov s1;
	v4 =	vbroadcast v63, $0xF  }
0xa7: {  	vm15 =	veq.s32 v3, v0;
	v1 =	vsel vm0, v2, v1  }
0xa8: {  	s0 =	sand.u32 $0x3FFFFFF0, s29;
	v1 =	vsel vm15, v4, v1  }
0xa9: {  	s4 =	sadd.s32 $0x800, s4;
	s20 =	sadd.s32 $0x800, s20;
	s11 =	sadd.s32 $0x800, s11;
	[tilespmem:s0+$0x1D380] =	vst v1  }
0xaa: {  	_ =	swait.ge [sflag:s22], $0x1000  }
0xab: {  	[sflag:s22] =	ssyncset.done $0x0  }
0xac: {  	[sflag:s22] =	ssyncadd.s32 $0xFFFFF000  }
0xad: {  	_ =	swait.ge [sflag:s22], $0x1000  }
0xae: {  	[sflag:s22] =	ssyncset.done $0x0  }
0xaf: {  	[sflag:s22] =	ssyncadd.s32 $0xFFFFF000  }
0xb0: {  	_ =	swait.ge [sflag:s22], $0x1000  }
0xb1: {  	[sflag:s22] =	ssyncset.done $0x0  }
0xb2: {  	s4 =	simm.s32 $0x3;
	[sflag:s22] =	ssyncadd.s32 $0xFFFFF000  }
0xb3: {  	_ =	swait.ge [sflag:s4], $0x50  }
0xb4: {  	[sflag:s4] =	ssyncset.done $0x0  }
0xb5: {  	[sflag:s4] =	ssyncadd.s32 $0xFFFFFFB0  }
0xb6: {  	_ =	swait.ge [sflag:s4], $0x50  }
0xb7: {  	[sflag:s4] =	ssyncset.done $0x0  }
0xb8: {  	[sflag:s4] =	ssyncadd.s32 $0xFFFFFFB0  }
0xb9: {  	_ =	swait.ge [sflag:s4], $0x50  }
0xba: {  	[sflag:s4] =	ssyncset.done $0x0  }
0xbb: {  	s0 =	simm.s32 $0x15900;
	[sflag:s4] =	ssyncadd.s32 $0xFFFFFFB0  }
0xbc: {  	[tilespmem:s18], [sflag:$0x1] =	stream.indirect.gather [spmem:s7], $0x80, s0, s17, $0xb8;
	[tilespmem:$0x1D480] =	vst v63  }
0xbd: {  	s12 =	simm.s32 $0x15A00  }
0xbe: {  	[tilespmem:s19], [sflag:$0x1] =	stream.indirect.gather [spmem:s7], $0x80, s12, s17, $0xb8;
	[tilespmem:$0x1D480] =	vst v63  }
0xbf: {  	s14 =	simm.s32 $0x15B00  }
0xc0: {  	[tilespmem:s21], [sflag:$0x1] =	stream.indirect.gather [spmem:s8], $0x80, s14, s17, $0xb8;
	[tilespmem:$0x1D480] =	vst v63  }
0xc1: {  	s15 =	rddreg [dreg:$0x10]  }
0xc2: {  	[tilespmem:s31], [sflag:$0x2] =	stream.linear.gather [hbm4b:s15+s9], $0x50, $0x38;
	[tilespmem:$0x1D480] =	vst v63  }
0xc3: {  	s20 =	rddreg [dreg:$0x11]  }
0xc4: {  	[tilespmem:s6], [sflag:$0x2] =	stream.linear.gather [hbm4b:s20+s9], $0x50, $0x38;
	[tilespmem:$0x1D480] =	vst v63  }
0xc5: {  	p2 =	por $0x0, $0x0;
	s29 =	rddreg [dreg:$0x12]  }
0xc6: {  	[tilespmem:s3], [sflag:$0x2] =	stream.linear.gather [hbm4b:s29+s9], $0x50, $0x38;
	[tilespmem:$0x1D480] =	vst v63  }
.LBB2_6:
0xc7: {  	s0 =	sshll.u32 s4, $0xB  }
0xc8: {  	s0 =	sand.u32 $0x3FFFF800, s0  }
0xc9: {  	s1 =	sadd.s32 $0x1ABC0, s0  }
0xca: {  	v2 =	vld [tilespmem:s1+$0x20]  }
0xcb: {  	v4 =	vld [tilespmem:s1+$0x10]  }
0xcc: {  	v3 =	vld [tilespmem:s1+$0xFFFFFFF0]  }
0xcd: {  	v5 =	vld [tilespmem:s1+$0xFFFFFFE0]  }
0xce: {  	v6 =	vld [tilespmem:s1+$0xFFFFFFD0]  }
0xcf: {  	s2 =	sadd.s32 $0x15BC0, s0;
	v7 =	vld [tilespmem:s1+$0xFFFFFFC0]  }
0xd0: {  	s10 =	sadd.s32 $0x183C0, s0;
	v8 =	vld [tilespmem:s2+$0xFFFFFFC0]  }
0xd1: {  	v9 =	vld [tilespmem:s10+$0xFFFFFFC0]  }
0xd2: {  	v10 =	vld [tilespmem:s2+$0xFFFFFFD0]  }
0xd3: {  	v11 =	vld [tilespmem:s10+$0xFFFFFFD0]  }
0xd4: {  	v12 =	vld [tilespmem:s2+$0xFFFFFFE0]  }
0xd5: {  	v13 =	vld [tilespmem:s10+$0xFFFFFFE0]  }
0xd6: {  	v14 =	vld [tilespmem:s2+$0xFFFFFFF0]  }
0xd7: {  	v15 =	vld [tilespmem:s2+$0x0];
	v8 =	vmul.f32 v9, v8  }
0xd8: {  	v9 =	vld [tilespmem:s10+$0xFFFFFFF0]  }
0xd9: {  	v62 =	vld [tilespmem:s10+$0x10];
	v7 =	vmul.f32 v7, v8;
	v8 =	vmul.f32 v11, v10  }
0xda: {  	v10 =	vld [tilespmem:s10+$0x0]  }
0xdb: {  	v11 =	vld [tilespmem:s2+$0x10];
	v7 =	vadd.f32 $0.0e+00, v7;
	v6 =	vmul.f32 v6, v8;
	v8 =	vmul.f32 v13, v12  }
0xdc: {  	v1 =	vld [tilespmem:s1+$0x0]  }
0xdd: {  	v63 =	vld [tilespmem:s2+$0x20];
	v6 =	vadd.f32 v6, v7;
	v5 =	vmul.f32 v5, v8;
	v7 =	vmul.f32 v9, v14  }
0xde: {  	v8 =	vld [tilespmem:s10+$0x20]  }
0xdf: {  	v9 =	vld [tilespmem:s2+$0x30];
	v5 =	vadd.f32 v5, v6;
	v3 =	vmul.f32 v3, v7;
	v6 =	vmul.f32 v10, v15  }
0xe0: {  	v11 =	vmul.f32 v62, v11;
	v7 =	vld [tilespmem:s10+$0x30]  }
0xe1: {  	s0 =	sadd.s32 $0x80, s1;
	v10 =	vld [tilespmem:s1+$0x30];
	v5 =	vadd.f32 v3, v5;
	v6 =	vmul.f32 v1, v6  }
0xe2: {  	v11 =	vmul.f32 v4, v11;
	v4 =	vld [tilespmem:s0+$0x0]  }
0xe3: {  	v3 =	vld [tilespmem:s0+$0x20];
	v8 =	vmul.f32 v8, v63;
	v6 =	vadd.f32 v6, v5  }
0xe4: {  	v1 =	vld [tilespmem:s0+$0x10]  }
0xe5: {  	v5 =	vld [tilespmem:s0+$0xFFFFFFF0];
	v2 =	vmul.f32 v2, v8;
	v8 =	vmul.f32 v7, v9;
	v11 =	vadd.f32 v11, v6  }
0xe6: {  	v7 =	vld [tilespmem:s0+$0xFFFFFFD0]  }
0xe7: {  	v9 =	vld [tilespmem:s0+$0xFFFFFFC0];
	v8 =	vmul.f32 v10, v8;
	v11 =	vadd.f32 v2, v11  }
0xe8: {  	s5 =	sadd.s32 $0x80, s2;
	v6 =	vld [tilespmem:s0+$0xFFFFFFE0]  }
0xe9: {  	p1 =	por p2, p2;
	s11 =	sadd.s32 $0x80, s10;
	v10 =	vld [tilespmem:s5+$0xFFFFFFC0];
	v8 =	vadd.f32 v8, v11  }
0xea: {  	s2 =	simm.s32 $0x0;
	s1 =	simm.s32 $0x1;
	s10 =	simm.s32 $0x2;
	v2 =	vimm.f32 $0.0e+00;
	v11 =	vld [tilespmem:s11+$0xFFFFFFC0]  }
.LBB2_7:
0xeb: {  	p2 =	sne.s32 s10, $0xF;
	v12 =	vld [tilespmem:s5+$0xFFFFFFD0];
	(xrf2) =	vadd.scan.msk.f32 $0xffff, v8  }
0xec: {  	v8 =	vld [tilespmem:s11+$0xFFFFFFD0]  }
0xed: {  	v13 =	vld [tilespmem:s5+$0xFFFFFFE0]  }
0xee: {  	v14 =	vld [tilespmem:s11+$0xFFFFFFE0]  }
0xef: {  	v10 =	vmul.f32 v11, v10;
	v11 =	vld [tilespmem:s5+$0xFFFFFFF0]  }
0xf0: {  	v15 =	vld [tilespmem:s11+$0xFFFFFFF0]  }
0xf1: {  	v9 =	vmul.f32 v9, v10;
	v8 =	vmul.f32 v8, v12;
	v10 =	vld [tilespmem:s5+$0x0]  }
0xf2: {  	v12 =	vld [tilespmem:s11+$0x0]  }
0xf3: {  	v9 =	vadd.f32 $0.0e+00, v9;
	v7 =	vmul.f32 v7, v8;
	v8 =	vmul.f32 v14, v13;
	v13 =	vld [tilespmem:s5+$0x10]  }
0xf4: {  	v16 =	vmov s2;
	s2 =	smov.u32 s1;
	s1 =	smov.u32 s10;
	v14 =	vld [tilespmem:s11+$0x10]  }
0xf5: {  	v7 =	vadd.f32 v7, v9;
	v6 =	vmul.f32 v6, v8;
	v8 =	vmul.f32 v15, v11;
	v9 =	vld [tilespmem:s5+$0x20];
	v11, _, _ =	vpop (xrf2)  }
0xf6: {  	vm0 =	veq.s32 v16, v0;
	v15 =	vld [tilespmem:s11+$0x20];
	v11 =	vbroadcast v11, $0xF  }
0xf7: {  	v6 =	vadd.f32 v6, v7;
	v5 =	vmul.f32 v5, v8;
	v7 =	vmul.f32 v12, v10;
	v8 =	vld [tilespmem:s5+$0x30]  }
0xf8: {  	v10 =	vld [tilespmem:s11+$0x30];
	v2 =	vsel vm0, v11, v2  }
0xf9: {  	v5 =	vadd.f32 v5, v6;
	v4 =	vmul.f32 v4, v7;
	v6 =	vmul.f32 v14, v13;
	v11 =	vld [tilespmem:s0+$0x30];
	s0 =	sadd.s32 $0x80, s0  }
0xfa: {  	v12 =	vld [tilespmem:s0+$0x20]  }
0xfb: {  	v7 =	vadd.f32 v4, v5;
	v6 =	vmul.f32 v1, v6;
	v1 =	vld [tilespmem:s0+$0x10];
	v9 =	vmul.f32 v15, v9  }
0xfc: {  	v4 =	vld [tilespmem:s0+$0x0]  }
0xfd: {  	v5 =	vld [tilespmem:s0+$0xFFFFFFF0];
	v13 =	vadd.f32 v6, v7;
	v9 =	vmul.f32 v3, v9;
	v8 =	vmul.f32 v10, v8  }
.Ltmp2:
0xfe: {  	v6 =	vld [tilespmem:s0+$0xFFFFFFE0];
	(pc) =	sbr.rel @p2 .LBB2_7-.Ltmp2, $4  }
0xff: {  	v7 =	vld [tilespmem:s0+$0xFFFFFFD0];
	v13 =	vadd.f32 v9, v13;
	v8 =	vmul.f32 v11, v8;
	v3 =	vmov v12  }
0x100: {  	s5 =	sadd.s32 $0x80, s5;
	v9 =	vld [tilespmem:s0+$0xFFFFFFC0]  }
0x101: {  	s11 =	sadd.s32 $0x80, s11;
	v10 =	vld [tilespmem:s5+$0xFFFFFFC0];
	v8 =	vadd.f32 v8, v13  }
0x102: {  	s10 =	sadd.s32 $0x1, s10;
	v11 =	vld [tilespmem:s11+$0xFFFFFFC0]  }
0x103: {  	v12 =	vld [tilespmem:s5+$0xFFFFFFD0]  }
0x104: {  	v13 =	vld [tilespmem:s11+$0xFFFFFFD0]  }
0x105: {  	v14 =	vld [tilespmem:s5+$0xFFFFFFE0]  }
0x106: {  	v15 =	vld [tilespmem:s11+$0xFFFFFFE0]  }
0x107: {  	v46 =	vld [tilespmem:s5+$0xFFFFFFF0];
	v10 =	vmul.f32 v11, v10  }
0x108: {  	v16 =	vld [tilespmem:s11+$0xFFFFFFF0]  }
0x109: {  	v48 =	vld [tilespmem:s5+$0x0];
	v47 =	vmul.f32 v13, v12;
	v9 =	vmul.f32 v9, v10  }
0x10a: {  	v49 =	vld [tilespmem:s11+$0x0]  }
0x10b: {  	v51 =	vld [tilespmem:s5+$0x10];
	v50 =	vmul.f32 v15, v14;
	v7 =	vmul.f32 v7, v47;
	v9 =	vadd.f32 $0.0e+00, v9  }
0x10c: {  	v52 =	vld [tilespmem:s11+$0x10]  }
0x10d: {  	v54 =	vld [tilespmem:s5+$0x20];
	v53 =	vmul.f32 v16, v46;
	v6 =	vmul.f32 v6, v50;
	v7 =	vadd.f32 v7, v9  }
0x10e: {  	v55 =	vld [tilespmem:s11+$0x20]  }
0x10f: {  	v57 =	vld [tilespmem:s5+$0x30];
	v56 =	vmul.f32 v49, v48;
	v5 =	vmul.f32 v5, v53;
	v6 =	vadd.f32 v6, v7  }
0x110: {  	v58 =	vld [tilespmem:s11+$0x30]  }
0x111: {  	v59 =	vmul.f32 v52, v51;
	v4 =	vmul.f32 v4, v56;
	v5 =	vadd.f32 v5, v6  }
0x112: {  	v60 =	vld [tilespmem:s0+$0x30]  }
0x113: {  	v61 =	vmul.f32 v55, v54;
	v1 =	vmul.f32 v1, v59;
	v4 =	vadd.f32 v4, v5;
	_ =	sdelay $0x1  }
0x114: {  	v62 =	vmul.f32 v58, v57;
	v3 =	vmul.f32 v3, v61;
	v1 =	vadd.f32 v1, v4;
	_ =	sdelay $0x1  }
0x115: {  	v1 =	vadd.f32 v3, v1;
	v3 =	vmul.f32 v60, v62;
	_ =	sdelay $0x1  }
0x116: {  	v1 =	vadd.f32 v3, v1  }
0x117: {  	(xrf2) =	vadd.scan.msk.f32 $0xffff, v8  }
0x118: {  	(xrf2) =	vadd.scan.msk.f32 $0xffff, v1;
	_ =	sdelay $0x8  }
0x119: {  	v1, _, _ =	vpop (xrf2)  }
.Ltmp3:
0x11a: {  	v3 =	vmov s2;
	v1 =	vbroadcast v1, $0xF;
	v63, _, _ =	vpop (xrf2);
	(pc) =	sbr.rel @!p1 .LBB2_6-.Ltmp3, $4  }
0x11b: {  	vm0 =	veq.s32 v3, v0;
	v3 =	vmov s1;
	v4 =	vbroadcast v63, $0xF  }
0x11c: {  	s29 =	sshll.u32 s4, $0x4;
	vm15 =	veq.s32 v3, v0;
	v1 =	vsel vm0, v1, v2  }
0x11d: {  	s0 =	sand.u32 $0x3FFFFFF0, s29;
	v1 =	vsel vm15, v4, v1  }
0x11e: {  	s4 =	simm.s32 $0x4;
	p2 =	por $0x1, $0x1;
	[tilespmem:s0+$0x1D380] =	vst v1  }
0x11f: {  	s4 =	simm.s32 $0x0;
	s0 =	rddreg [dreg:$0x13];
	s1 =	simm.s32 $0x1D380  }
0x120: {  	[hbm4b:s0+s4] =	stream.linear.scatter [tilespmem:s1], [sflag:$0x4], $0x50, $0x38;
	[tilespmem:$0x1D480] =	vst v63  }
0x121: {  	_ =	swait.ge [sflag:s22], $0x1800  }
0x122: {  	[sflag:s22] =	ssyncset.done $0x0  }
0x123: {  	[sflag:s22] =	ssyncadd.s32 $0xFFFFE800  }
0x124: {  	_ =	swait.ge [sflag:s22], $0x1800  }
0x125: {  	[sflag:s22] =	ssyncset.done $0x0  }
0x126: {  	[sflag:s22] =	ssyncadd.s32 $0xFFFFE800  }
0x127: {  	_ =	swait.ge [sflag:s22], $0x1800  }
0x128: {  	[sflag:s22] =	ssyncset.done $0x0  }
0x129: {  	s15 =	simm.s32 $0x15930;
	[sflag:s22] =	ssyncadd.s32 $0xFFFFE800  }
0x12a: {  	[tilespmem:s25], [sflag:$0x1] =	stream.indirect.gather [spmem:s7], $0x80, s15, s23, $0xb8;
	[tilespmem:$0x1D480] =	vst v63  }
0x12b: {  	s20 =	simm.s32 $0x15A30;
	s29 =	simm.s32 $0x15B30  }
0x12c: {  	[tilespmem:s28], [sflag:$0x1] =	stream.indirect.gather [spmem:s7], $0x80, s20, s23, $0xb8;
	[tilespmem:$0x1D480] =	vst v63  }
0x12d: {  	s11 =	simm.s32 $0x183C0;
	s12 =	simm.s32 $0x1ABC0;
	s20 =	simm.s32 $0x15BC0  }
0x12e: {  	[tilespmem:s30], [sflag:$0x1] =	stream.indirect.gather [spmem:s8], $0x80, s29, s23, $0xb8;
	[tilespmem:$0x1D480] =	vst v63  }
.LBB2_10:
0x12f: {  	v1 =	vld [tilespmem:s12+$0x20]  }
0x130: {  	v4 =	vld [tilespmem:s12+$0x10]  }
0x131: {  	v3 =	vld [tilespmem:s12+$0xFFFFFFF0]  }
0x132: {  	v5 =	vld [tilespmem:s12+$0xFFFFFFE0]  }
0x133: {  	v6 =	vld [tilespmem:s12+$0xFFFFFFD0]  }
0x134: {  	v7 =	vld [tilespmem:s12+$0xFFFFFFC0]  }
0x135: {  	v8 =	vld [tilespmem:s20+$0xFFFFFFC0]  }
0x136: {  	v9 =	vld [tilespmem:s11+$0xFFFFFFC0]  }
0x137: {  	v10 =	vld [tilespmem:s20+$0xFFFFFFD0]  }
0x138: {  	v11 =	vld [tilespmem:s11+$0xFFFFFFD0]  }
0x139: {  	v12 =	vld [tilespmem:s20+$0xFFFFFFE0]  }
0x13a: {  	v13 =	vld [tilespmem:s11+$0xFFFFFFE0]  }
0x13b: {  	v14 =	vld [tilespmem:s20+$0xFFFFFFF0]  }
0x13c: {  	v15 =	vld [tilespmem:s20+$0x0];
	v8 =	vmul.f32 v9, v8  }
0x13d: {  	v9 =	vld [tilespmem:s11+$0xFFFFFFF0]  }
0x13e: {  	v62 =	vld [tilespmem:s11+$0x10];
	v7 =	vmul.f32 v7, v8;
	v8 =	vmul.f32 v11, v10  }
0x13f: {  	v10 =	vld [tilespmem:s11+$0x0]  }
0x140: {  	v11 =	vld [tilespmem:s20+$0x10];
	v7 =	vadd.f32 $0.0e+00, v7;
	v6 =	vmul.f32 v6, v8;
	v8 =	vmul.f32 v13, v12  }
0x141: {  	v2 =	vld [tilespmem:s12+$0x0]  }
0x142: {  	v63 =	vld [tilespmem:s20+$0x20];
	v6 =	vadd.f32 v6, v7;
	v5 =	vmul.f32 v5, v8;
	v7 =	vmul.f32 v9, v14  }
0x143: {  	v8 =	vld [tilespmem:s11+$0x20]  }
0x144: {  	v9 =	vld [tilespmem:s20+$0x30];
	v5 =	vadd.f32 v5, v6;
	v3 =	vmul.f32 v3, v7;
	v6 =	vmul.f32 v10, v15  }
0x145: {  	v11 =	vmul.f32 v62, v11;
	v7 =	vld [tilespmem:s11+$0x30]  }
0x146: {  	s0 =	sadd.s32 $0x80, s12;
	v10 =	vld [tilespmem:s12+$0x30];
	v5 =	vadd.f32 v3, v5;
	v6 =	vmul.f32 v2, v6  }
0x147: {  	v11 =	vmul.f32 v4, v11;
	v4 =	vld [tilespmem:s0+$0x0]  }
0x148: {  	v3 =	vld [tilespmem:s0+$0x20];
	v8 =	vmul.f32 v8, v63;
	v6 =	vadd.f32 v6, v5  }
0x149: {  	v2 =	vld [tilespmem:s0+$0x10]  }
0x14a: {  	v5 =	vld [tilespmem:s0+$0xFFFFFFF0];
	v1 =	vmul.f32 v1, v8;
	v8 =	vmul.f32 v7, v9;
	v11 =	vadd.f32 v11, v6  }
0x14b: {  	v7 =	vld [tilespmem:s0+$0xFFFFFFD0]  }
0x14c: {  	v9 =	vld [tilespmem:s0+$0xFFFFFFC0];
	v8 =	vmul.f32 v10, v8;
	v11 =	vadd.f32 v1, v11  }
0x14d: {  	s5 =	sadd.s32 $0x80, s20;
	v6 =	vld [tilespmem:s0+$0xFFFFFFE0]  }
0x14e: {  	s10 =	sadd.s32 $0x80, s11;
	v10 =	vld [tilespmem:s5+$0xFFFFFFC0];
	v8 =	vadd.f32 v8, v11  }
0x14f: {  	s1 =	simm.s32 $0x1;
	s14 =	simm.s32 $0x2;
	s2 =	simm.s32 $0x0;
	v1 =	vimm.f32 $0.0e+00;
	v11 =	vld [tilespmem:s10+$0xFFFFFFC0]  }
.LBB2_11:
0x150: {  	p1 =	sne.s32 s14, $0xF;
	v12 =	vld [tilespmem:s5+$0xFFFFFFD0];
	(xrf2) =	vadd.scan.msk.f32 $0xffff, v8  }
0x151: {  	v8 =	vld [tilespmem:s10+$0xFFFFFFD0]  }
0x152: {  	v13 =	vld [tilespmem:s5+$0xFFFFFFE0]  }
0x153: {  	v14 =	vld [tilespmem:s10+$0xFFFFFFE0]  }
0x154: {  	v10 =	vmul.f32 v11, v10;
	v11 =	vld [tilespmem:s5+$0xFFFFFFF0]  }
0x155: {  	v15 =	vld [tilespmem:s10+$0xFFFFFFF0]  }
0x156: {  	v9 =	vmul.f32 v9, v10;
	v8 =	vmul.f32 v8, v12;
	v10 =	vld [tilespmem:s5+$0x0]  }
0x157: {  	v12 =	vld [tilespmem:s10+$0x0]  }
0x158: {  	v9 =	vadd.f32 $0.0e+00, v9;
	v7 =	vmul.f32 v7, v8;
	v8 =	vmul.f32 v14, v13;
	v13 =	vld [tilespmem:s5+$0x10]  }
0x159: {  	v16 =	vmov s2;
	s2 =	smov.u32 s1;
	s1 =	smov.u32 s14;
	v14 =	vld [tilespmem:s10+$0x10]  }
0x15a: {  	v7 =	vadd.f32 v7, v9;
	v6 =	vmul.f32 v6, v8;
	v8 =	vmul.f32 v15, v11;
	v9 =	vld [tilespmem:s5+$0x20];
	v11, _, _ =	vpop (xrf2)  }
0x15b: {  	vm0 =	veq.s32 v16, v0;
	v15 =	vld [tilespmem:s10+$0x20];
	v11 =	vbroadcast v11, $0xF  }
0x15c: {  	v6 =	vadd.f32 v6, v7;
	v5 =	vmul.f32 v5, v8;
	v7 =	vmul.f32 v12, v10;
	v8 =	vld [tilespmem:s5+$0x30]  }
0x15d: {  	v10 =	vld [tilespmem:s10+$0x30];
	v1 =	vsel vm0, v11, v1  }
0x15e: {  	v5 =	vadd.f32 v5, v6;
	v4 =	vmul.f32 v4, v7;
	v6 =	vmul.f32 v14, v13;
	v11 =	vld [tilespmem:s0+$0x30];
	s0 =	sadd.s32 $0x80, s0  }
0x15f: {  	v12 =	vld [tilespmem:s0+$0x20]  }
0x160: {  	v7 =	vadd.f32 v4, v5;
	v6 =	vmul.f32 v2, v6;
	v2 =	vld [tilespmem:s0+$0x10];
	v9 =	vmul.f32 v15, v9  }
0x161: {  	v4 =	vld [tilespmem:s0+$0x0]  }
0x162: {  	v5 =	vld [tilespmem:s0+$0xFFFFFFF0];
	v13 =	vadd.f32 v6, v7;
	v9 =	vmul.f32 v3, v9;
	v8 =	vmul.f32 v10, v8  }
.Ltmp4:
0x163: {  	v6 =	vld [tilespmem:s0+$0xFFFFFFE0];
	(pc) =	sbr.rel @p1 .LBB2_11-.Ltmp4, $4  }
0x164: {  	v7 =	vld [tilespmem:s0+$0xFFFFFFD0];
	v13 =	vadd.f32 v9, v13;
	v8 =	vmul.f32 v11, v8;
	v3 =	vmov v12  }
0x165: {  	s5 =	sadd.s32 $0x80, s5;
	v9 =	vld [tilespmem:s0+$0xFFFFFFC0]  }
0x166: {  	s10 =	sadd.s32 $0x80, s10;
	v10 =	vld [tilespmem:s5+$0xFFFFFFC0];
	v8 =	vadd.f32 v8, v13  }
0x167: {  	s14 =	sadd.s32 $0x1, s14;
	v11 =	vld [tilespmem:s10+$0xFFFFFFC0]  }
0x168: {  	v12 =	vld [tilespmem:s5+$0xFFFFFFD0]  }
0x169: {  	v13 =	vld [tilespmem:s10+$0xFFFFFFD0]  }
0x16a: {  	v14 =	vld [tilespmem:s5+$0xFFFFFFE0]  }
0x16b: {  	v15 =	vld [tilespmem:s10+$0xFFFFFFE0]  }
0x16c: {  	v46 =	vld [tilespmem:s5+$0xFFFFFFF0];
	v10 =	vmul.f32 v11, v10  }
0x16d: {  	v16 =	vld [tilespmem:s10+$0xFFFFFFF0]  }
0x16e: {  	v48 =	vld [tilespmem:s5+$0x0];
	v47 =	vmul.f32 v13, v12;
	v9 =	vmul.f32 v9, v10  }
0x16f: {  	v49 =	vld [tilespmem:s10+$0x0]  }
0x170: {  	v51 =	vld [tilespmem:s5+$0x10];
	v50 =	vmul.f32 v15, v14;
	v7 =	vmul.f32 v7, v47;
	v9 =	vadd.f32 $0.0e+00, v9  }
0x171: {  	v52 =	vld [tilespmem:s10+$0x10]  }
0x172: {  	v54 =	vld [tilespmem:s5+$0x20];
	v53 =	vmul.f32 v16, v46;
	v6 =	vmul.f32 v6, v50;
	v7 =	vadd.f32 v7, v9  }
0x173: {  	v55 =	vld [tilespmem:s10+$0x20]  }
0x174: {  	v57 =	vld [tilespmem:s5+$0x30];
	v56 =	vmul.f32 v49, v48;
	v5 =	vmul.f32 v5, v53;
	v6 =	vadd.f32 v6, v7  }
0x175: {  	v58 =	vld [tilespmem:s10+$0x30]  }
0x176: {  	v59 =	vmul.f32 v52, v51;
	v4 =	vmul.f32 v4, v56;
	v5 =	vadd.f32 v5, v6  }
0x177: {  	v60 =	vld [tilespmem:s0+$0x30]  }
0x178: {  	v61 =	vmul.f32 v55, v54;
	v2 =	vmul.f32 v2, v59;
	v4 =	vadd.f32 v4, v5;
	_ =	sdelay $0x1  }
0x179: {  	v62 =	vmul.f32 v58, v57;
	v3 =	vmul.f32 v3, v61;
	v2 =	vadd.f32 v2, v4;
	_ =	sdelay $0x1  }
0x17a: {  	v2 =	vadd.f32 v3, v2;
	v3 =	vmul.f32 v60, v62;
	_ =	sdelay $0x1  }
0x17b: {  	v2 =	vadd.f32 v3, v2  }
0x17c: {  	(xrf2) =	vadd.scan.msk.f32 $0xffff, v8  }
0x17d: {  	(xrf2) =	vadd.scan.msk.f32 $0xffff, v2;
	_ =	sdelay $0x7  }
0x17e: {  	s29 =	sshll.u32 s4, $0x4;
	s4 =	sadd.s32 $0x1, s4  }
0x17f: {  	p1 =	sne.s32 s4, $0x3;
	v2, _, _ =	vpop (xrf2)  }
.Ltmp5:
0x180: {  	v3 =	vmov s2;
	v2 =	vbroadcast v2, $0xF;
	v63, _, _ =	vpop (xrf2);
	(pc) =	sbr.rel @p1 .LBB2_10-.Ltmp5, $4  }
0x181: {  	vm0 =	veq.s32 v3, v0;
	v3 =	vmov s1;
	v4 =	vbroadcast v63, $0xF  }
0x182: {  	vm15 =	veq.s32 v3, v0;
	v1 =	vsel vm0, v2, v1  }
0x183: {  	s0 =	sand.u32 $0x3FFFFFF0, s29;
	v1 =	vsel vm15, v4, v1  }
0x184: {  	s20 =	sadd.s32 $0x800, s20;
	s11 =	sadd.s32 $0x800, s11;
	s12 =	sadd.s32 $0x800, s12;
	[tilespmem:s0+$0x1D400] =	vst v1  }
0x185: {  	_ =	swait.ge [sflag:s22], $0x1000  }
0x186: {  	[sflag:s22] =	ssyncset.done $0x0  }
0x187: {  	[sflag:s22] =	ssyncadd.s32 $0xFFFFF000  }
0x188: {  	_ =	swait.ge [sflag:s22], $0x1000  }
0x189: {  	[sflag:s22] =	ssyncset.done $0x0  }
0x18a: {  	[sflag:s22] =	ssyncadd.s32 $0xFFFFF000  }
0x18b: {  	_ =	swait.ge [sflag:s22], $0x1000  }
0x18c: {  	[sflag:s22] =	ssyncset.done $0x0  }
0x18d: {  	[sflag:s22] =	ssyncadd.s32 $0xFFFFF000  }
0x18e: {  	_ =	swait.ge [sflag:s13], $0x50  }
0x18f: {  	[sflag:s13] =	ssyncset.done $0x0  }
0x190: {  	[sflag:s13] =	ssyncadd.s32 $0xFFFFFFB0  }
0x191: {  	_ =	swait.ge [sflag:s13], $0x50  }
0x192: {  	[sflag:s13] =	ssyncset.done $0x0  }
0x193: {  	[sflag:s13] =	ssyncadd.s32 $0xFFFFFFB0  }
0x194: {  	_ =	swait.ge [sflag:s13], $0x50  }
0x195: {  	[sflag:s13] =	ssyncset.done $0x0  }
0x196: {  	[sflag:s13] =	ssyncadd.s32 $0xFFFFFFB0  }
0x197: {  	[tilespmem:s18], [sflag:$0x1] =	stream.indirect.gather [spmem:s7], $0x80, s31, s17, $0xb8;
	[tilespmem:$0x1D480] =	vst v63  }
0x198: {  	_ = 	snop  }
0x199: {  	[tilespmem:s19], [sflag:$0x1] =	stream.indirect.gather [spmem:s7], $0x80, s6, s17, $0xb8;
	[tilespmem:$0x1D480] =	vst v63  }
0x19a: {  	_ = 	snop  }
0x19b: {  	[tilespmem:s21], [sflag:$0x1] =	stream.indirect.gather [spmem:s8], $0x80, s3, s17, $0xb8;
	[tilespmem:$0x1D480] =	vst v63  }
0x19c: {  	s1 =	simm.s32 $0x15900;
	s0 =	rddreg [dreg:$0x14]  }
0x19d: {  	[tilespmem:s1], [sflag:$0x3] =	stream.linear.gather [hbm4b:s0+s9], $0x50, $0x38;
	[tilespmem:$0x1D480] =	vst v63  }
0x19e: {  	s15 =	simm.s32 $0x15A00;
	s29 =	simm.s32 $0x15B00;
	s14 =	rddreg [dreg:$0x15]  }
0x19f: {  	[tilespmem:s15], [sflag:$0x3] =	stream.linear.gather [hbm4b:s14+s9], $0x50, $0x38;
	[tilespmem:$0x1D480] =	vst v63  }
0x1a0: {  	s4 =	simm.s32 $0x3;
	p2 =	por $0x0, $0x0;
	s20 =	rddreg [dreg:$0x16]  }
0x1a1: {  	[tilespmem:s29], [sflag:$0x3] =	stream.linear.gather [hbm4b:s20+s9], $0x50, $0x38;
	[tilespmem:$0x1D480] =	vst v63  }
.LBB2_14:
0x1a2: {  	s0 =	sshll.u32 s4, $0xB  }
0x1a3: {  	s0 =	sand.u32 $0x3FFFF800, s0  }
0x1a4: {  	s1 =	sadd.s32 $0x1ABC0, s0  }
0x1a5: {  	v2 =	vld [tilespmem:s1+$0x20]  }
0x1a6: {  	v4 =	vld [tilespmem:s1+$0x10]  }
0x1a7: {  	v3 =	vld [tilespmem:s1+$0xFFFFFFF0]  }
0x1a8: {  	v5 =	vld [tilespmem:s1+$0xFFFFFFE0]  }
0x1a9: {  	v6 =	vld [tilespmem:s1+$0xFFFFFFD0]  }
0x1aa: {  	s2 =	sadd.s32 $0x15BC0, s0;
	v7 =	vld [tilespmem:s1+$0xFFFFFFC0]  }
0x1ab: {  	s10 =	sadd.s32 $0x183C0, s0;
	v8 =	vld [tilespmem:s2+$0xFFFFFFC0]  }
0x1ac: {  	v9 =	vld [tilespmem:s10+$0xFFFFFFC0]  }
0x1ad: {  	v10 =	vld [tilespmem:s2+$0xFFFFFFD0]  }
0x1ae: {  	v11 =	vld [tilespmem:s10+$0xFFFFFFD0]  }
0x1af: {  	v12 =	vld [tilespmem:s2+$0xFFFFFFE0]  }
0x1b0: {  	v13 =	vld [tilespmem:s10+$0xFFFFFFE0]  }
0x1b1: {  	v14 =	vld [tilespmem:s2+$0xFFFFFFF0]  }
0x1b2: {  	v15 =	vld [tilespmem:s2+$0x0];
	v8 =	vmul.f32 v9, v8  }
0x1b3: {  	v9 =	vld [tilespmem:s10+$0xFFFFFFF0]  }
0x1b4: {  	v62 =	vld [tilespmem:s10+$0x10];
	v7 =	vmul.f32 v7, v8;
	v8 =	vmul.f32 v11, v10  }
0x1b5: {  	v10 =	vld [tilespmem:s10+$0x0]  }
0x1b6: {  	v11 =	vld [tilespmem:s2+$0x10];
	v7 =	vadd.f32 $0.0e+00, v7;
	v6 =	vmul.f32 v6, v8;
	v8 =	vmul.f32 v13, v12  }
0x1b7: {  	v1 =	vld [tilespmem:s1+$0x0]  }
0x1b8: {  	v63 =	vld [tilespmem:s2+$0x20];
	v6 =	vadd.f32 v6, v7;
	v5 =	vmul.f32 v5, v8;
	v7 =	vmul.f32 v9, v14  }
0x1b9: {  	v8 =	vld [tilespmem:s10+$0x20]  }
0x1ba: {  	v9 =	vld [tilespmem:s2+$0x30];
	v5 =	vadd.f32 v5, v6;
	v3 =	vmul.f32 v3, v7;
	v6 =	vmul.f32 v10, v15  }
0x1bb: {  	v11 =	vmul.f32 v62, v11;
	v7 =	vld [tilespmem:s10+$0x30]  }
0x1bc: {  	s0 =	sadd.s32 $0x80, s1;
	v10 =	vld [tilespmem:s1+$0x30];
	v5 =	vadd.f32 v3, v5;
	v6 =	vmul.f32 v1, v6  }
0x1bd: {  	v11 =	vmul.f32 v4, v11;
	v4 =	vld [tilespmem:s0+$0x0]  }
0x1be: {  	v3 =	vld [tilespmem:s0+$0x20];
	v8 =	vmul.f32 v8, v63;
	v6 =	vadd.f32 v6, v5  }
0x1bf: {  	v1 =	vld [tilespmem:s0+$0x10]  }
0x1c0: {  	v5 =	vld [tilespmem:s0+$0xFFFFFFF0];
	v2 =	vmul.f32 v2, v8;
	v8 =	vmul.f32 v7, v9;
	v11 =	vadd.f32 v11, v6  }
0x1c1: {  	v7 =	vld [tilespmem:s0+$0xFFFFFFD0]  }
0x1c2: {  	v9 =	vld [tilespmem:s0+$0xFFFFFFC0];
	v8 =	vmul.f32 v10, v8;
	v11 =	vadd.f32 v2, v11  }
0x1c3: {  	s5 =	sadd.s32 $0x80, s2;
	v6 =	vld [tilespmem:s0+$0xFFFFFFE0]  }
0x1c4: {  	p1 =	por p2, p2;
	s11 =	sadd.s32 $0x80, s10;
	v10 =	vld [tilespmem:s5+$0xFFFFFFC0];
	v8 =	vadd.f32 v8, v11  }
0x1c5: {  	s2 =	simm.s32 $0x0;
	s1 =	simm.s32 $0x1;
	s10 =	simm.s32 $0x2;
	v2 =	vimm.f32 $0.0e+00;
	v11 =	vld [tilespmem:s11+$0xFFFFFFC0]  }
.LBB2_15:
0x1c6: {  	p2 =	sne.s32 s10, $0xF;
	v12 =	vld [tilespmem:s5+$0xFFFFFFD0];
	(xrf2) =	vadd.scan.msk.f32 $0xffff, v8  }
0x1c7: {  	v8 =	vld [tilespmem:s11+$0xFFFFFFD0]  }
0x1c8: {  	v13 =	vld [tilespmem:s5+$0xFFFFFFE0]  }
0x1c9: {  	v14 =	vld [tilespmem:s11+$0xFFFFFFE0]  }
0x1ca: {  	v10 =	vmul.f32 v11, v10;
	v11 =	vld [tilespmem:s5+$0xFFFFFFF0]  }
0x1cb: {  	v15 =	vld [tilespmem:s11+$0xFFFFFFF0]  }
0x1cc: {  	v9 =	vmul.f32 v9, v10;
	v8 =	vmul.f32 v8, v12;
	v10 =	vld [tilespmem:s5+$0x0]  }
0x1cd: {  	v12 =	vld [tilespmem:s11+$0x0]  }
0x1ce: {  	v9 =	vadd.f32 $0.0e+00, v9;
	v7 =	vmul.f32 v7, v8;
	v8 =	vmul.f32 v14, v13;
	v13 =	vld [tilespmem:s5+$0x10]  }
0x1cf: {  	v16 =	vmov s2;
	s2 =	smov.u32 s1;
	s1 =	smov.u32 s10;
	v14 =	vld [tilespmem:s11+$0x10]  }
0x1d0: {  	v7 =	vadd.f32 v7, v9;
	v6 =	vmul.f32 v6, v8;
	v8 =	vmul.f32 v15, v11;
	v9 =	vld [tilespmem:s5+$0x20];
	v11, _, _ =	vpop (xrf2)  }
0x1d1: {  	vm0 =	veq.s32 v16, v0;
	v15 =	vld [tilespmem:s11+$0x20];
	v11 =	vbroadcast v11, $0xF  }
0x1d2: {  	v6 =	vadd.f32 v6, v7;
	v5 =	vmul.f32 v5, v8;
	v7 =	vmul.f32 v12, v10;
	v8 =	vld [tilespmem:s5+$0x30]  }
0x1d3: {  	v10 =	vld [tilespmem:s11+$0x30];
	v2 =	vsel vm0, v11, v2  }
0x1d4: {  	v5 =	vadd.f32 v5, v6;
	v4 =	vmul.f32 v4, v7;
	v6 =	vmul.f32 v14, v13;
	v11 =	vld [tilespmem:s0+$0x30];
	s0 =	sadd.s32 $0x80, s0  }
0x1d5: {  	v12 =	vld [tilespmem:s0+$0x20]  }
0x1d6: {  	v7 =	vadd.f32 v4, v5;
	v6 =	vmul.f32 v1, v6;
	v1 =	vld [tilespmem:s0+$0x10];
	v9 =	vmul.f32 v15, v9  }
0x1d7: {  	v4 =	vld [tilespmem:s0+$0x0]  }
0x1d8: {  	v5 =	vld [tilespmem:s0+$0xFFFFFFF0];
	v13 =	vadd.f32 v6, v7;
	v9 =	vmul.f32 v3, v9;
	v8 =	vmul.f32 v10, v8  }
.Ltmp6:
0x1d9: {  	v6 =	vld [tilespmem:s0+$0xFFFFFFE0];
	(pc) =	sbr.rel @p2 .LBB2_15-.Ltmp6, $4  }
0x1da: {  	v7 =	vld [tilespmem:s0+$0xFFFFFFD0];
	v13 =	vadd.f32 v9, v13;
	v8 =	vmul.f32 v11, v8;
	v3 =	vmov v12  }
0x1db: {  	s5 =	sadd.s32 $0x80, s5;
	v9 =	vld [tilespmem:s0+$0xFFFFFFC0]  }
0x1dc: {  	s11 =	sadd.s32 $0x80, s11;
	v10 =	vld [tilespmem:s5+$0xFFFFFFC0];
	v8 =	vadd.f32 v8, v13  }
0x1dd: {  	s10 =	sadd.s32 $0x1, s10;
	v11 =	vld [tilespmem:s11+$0xFFFFFFC0]  }
0x1de: {  	v12 =	vld [tilespmem:s5+$0xFFFFFFD0]  }
0x1df: {  	v13 =	vld [tilespmem:s11+$0xFFFFFFD0]  }
0x1e0: {  	v14 =	vld [tilespmem:s5+$0xFFFFFFE0]  }
0x1e1: {  	v15 =	vld [tilespmem:s11+$0xFFFFFFE0]  }
0x1e2: {  	v46 =	vld [tilespmem:s5+$0xFFFFFFF0];
	v10 =	vmul.f32 v11, v10  }
0x1e3: {  	v16 =	vld [tilespmem:s11+$0xFFFFFFF0]  }
0x1e4: {  	v48 =	vld [tilespmem:s5+$0x0];
	v47 =	vmul.f32 v13, v12;
	v9 =	vmul.f32 v9, v10  }
0x1e5: {  	v49 =	vld [tilespmem:s11+$0x0]  }
0x1e6: {  	v51 =	vld [tilespmem:s5+$0x10];
	v50 =	vmul.f32 v15, v14;
	v7 =	vmul.f32 v7, v47;
	v9 =	vadd.f32 $0.0e+00, v9  }
0x1e7: {  	v52 =	vld [tilespmem:s11+$0x10]  }
0x1e8: {  	v54 =	vld [tilespmem:s5+$0x20];
	v53 =	vmul.f32 v16, v46;
	v6 =	vmul.f32 v6, v50;
	v7 =	vadd.f32 v7, v9  }
0x1e9: {  	v55 =	vld [tilespmem:s11+$0x20]  }
0x1ea: {  	v57 =	vld [tilespmem:s5+$0x30];
	v56 =	vmul.f32 v49, v48;
	v5 =	vmul.f32 v5, v53;
	v6 =	vadd.f32 v6, v7  }
0x1eb: {  	v58 =	vld [tilespmem:s11+$0x30]  }
0x1ec: {  	v59 =	vmul.f32 v52, v51;
	v4 =	vmul.f32 v4, v56;
	v5 =	vadd.f32 v5, v6  }
0x1ed: {  	v60 =	vld [tilespmem:s0+$0x30]  }
0x1ee: {  	v61 =	vmul.f32 v55, v54;
	v1 =	vmul.f32 v1, v59;
	v4 =	vadd.f32 v4, v5;
	_ =	sdelay $0x1  }
0x1ef: {  	v62 =	vmul.f32 v58, v57;
	v3 =	vmul.f32 v3, v61;
	v1 =	vadd.f32 v1, v4;
	_ =	sdelay $0x1  }
0x1f0: {  	v1 =	vadd.f32 v3, v1;
	v3 =	vmul.f32 v60, v62;
	_ =	sdelay $0x1  }
0x1f1: {  	v1 =	vadd.f32 v3, v1  }
0x1f2: {  	(xrf2) =	vadd.scan.msk.f32 $0xffff, v8  }
0x1f3: {  	(xrf2) =	vadd.scan.msk.f32 $0xffff, v1;
	_ =	sdelay $0x8  }
0x1f4: {  	v1, _, _ =	vpop (xrf2)  }
.Ltmp7:
0x1f5: {  	v3 =	vmov s2;
	v1 =	vbroadcast v1, $0xF;
	v63, _, _ =	vpop (xrf2);
	(pc) =	sbr.rel @!p1 .LBB2_14-.Ltmp7, $4  }
0x1f6: {  	vm0 =	veq.s32 v3, v0;
	v3 =	vmov s1;
	v4 =	vbroadcast v63, $0xF  }
0x1f7: {  	s29 =	sshll.u32 s4, $0x4;
	vm15 =	veq.s32 v3, v0;
	v1 =	vsel vm0, v1, v2  }
0x1f8: {  	s0 =	sand.u32 $0x3FFFFFF0, s29;
	v1 =	vsel vm15, v4, v1  }
0x1f9: {  	s4 =	simm.s32 $0x4;
	p2 =	por $0x1, $0x1;
	[tilespmem:s0+$0x1D400] =	vst v1  }
0x1fa: {  	s0 =	rddreg [dreg:$0x1a];
	s1 =	simm.s32 $0x1D400;
	s29 =	simm.s32 $0x1  }
0x1fb: {  	[hbm4b:s0+s9] =	stream.linear.scatter [tilespmem:s1], [sflag:$0x5], $0x50, $0x38;
	[tilespmem:$0x1D480] =	vst v63  }
.LBB2_18:
0x1fc: {  	_ =	swait.ge [sflag:s22], $0x1800  }
0x1fd: {  	[sflag:s22] =	ssyncset.done $0x0  }
0x1fe: {  	[sflag:s22] =	ssyncadd.s32 $0xFFFFE800  }
0x1ff: {  	_ =	swait.ge [sflag:s22], $0x1800  }
0x200: {  	[sflag:s22] =	ssyncset.done $0x0  }
0x201: {  	[sflag:s22] =	ssyncadd.s32 $0xFFFFE800  }
0x202: {  	_ =	swait.ge [sflag:s22], $0x1800  }
0x203: {  	[sflag:s22] =	ssyncset.done $0x0  }
0x204: {  	s0 =	simm.s32 $0x158B0;
	[sflag:s22] =	ssyncadd.s32 $0xFFFFE800  }
0x205: {  	[tilespmem:s25], [sflag:$0x1] =	stream.indirect.gather [spmem:s7], $0x80, s0, s23, $0xb8;
	[tilespmem:$0x1D480] =	vst v63  }
0x206: {  	s15 =	simm.s32 $0x159B0  }
0x207: {  	[tilespmem:s28], [sflag:$0x1] =	stream.indirect.gather [spmem:s7], $0x80, s15, s23, $0xb8;
	[tilespmem:$0x1D480] =	vst v63  }
0x208: {  	s20 =	simm.s32 $0x15AB0  }
0x209: {  	[tilespmem:s30], [sflag:$0x1] =	stream.indirect.gather [spmem:s8], $0x80, s20, s23, $0xb8;
	[tilespmem:$0x1D480] =	vst v63  }
0x20a: {  	_ =	swait.ge [sflag:s24], $0x50  }
0x20b: {  	s4 =	simm.s32 $0x0;
	s11 =	simm.s32 $0x183C0;
	[sflag:s24] =	ssyncset.done $0x0  }
0x20c: {  	s12 =	simm.s32 $0x1ABC0;
	s20 =	simm.s32 $0x15BC0;
	[sflag:s24] =	ssyncadd.s32 $0xFFFFFFB0  }
.LBB2_19:
0x20d: {  	v1 =	vld [tilespmem:s12+$0x20]  }
0x20e: {  	v4 =	vld [tilespmem:s12+$0x10]  }
0x20f: {  	v3 =	vld [tilespmem:s12+$0xFFFFFFF0]  }
0x210: {  	v5 =	vld [tilespmem:s12+$0xFFFFFFE0]  }
0x211: {  	v6 =	vld [tilespmem:s12+$0xFFFFFFD0]  }
0x212: {  	v7 =	vld [tilespmem:s12+$0xFFFFFFC0]  }
0x213: {  	v8 =	vld [tilespmem:s20+$0xFFFFFFC0]  }
0x214: {  	v9 =	vld [tilespmem:s11+$0xFFFFFFC0]  }
0x215: {  	v10 =	vld [tilespmem:s20+$0xFFFFFFD0]  }
0x216: {  	v11 =	vld [tilespmem:s11+$0xFFFFFFD0]  }
0x217: {  	v12 =	vld [tilespmem:s20+$0xFFFFFFE0]  }
0x218: {  	v13 =	vld [tilespmem:s11+$0xFFFFFFE0]  }
0x219: {  	v14 =	vld [tilespmem:s20+$0xFFFFFFF0]  }
0x21a: {  	v15 =	vld [tilespmem:s20+$0x0];
	v8 =	vmul.f32 v9, v8  }
0x21b: {  	v9 =	vld [tilespmem:s11+$0xFFFFFFF0]  }
0x21c: {  	v62 =	vld [tilespmem:s11+$0x10];
	v7 =	vmul.f32 v7, v8;
	v8 =	vmul.f32 v11, v10  }
0x21d: {  	v10 =	vld [tilespmem:s11+$0x0]  }
0x21e: {  	v11 =	vld [tilespmem:s20+$0x10];
	v7 =	vadd.f32 $0.0e+00, v7;
	v6 =	vmul.f32 v6, v8;
	v8 =	vmul.f32 v13, v12  }
0x21f: {  	v2 =	vld [tilespmem:s12+$0x0]  }
0x220: {  	v63 =	vld [tilespmem:s20+$0x20];
	v6 =	vadd.f32 v6, v7;
	v5 =	vmul.f32 v5, v8;
	v7 =	vmul.f32 v9, v14  }
0x221: {  	v8 =	vld [tilespmem:s11+$0x20]  }
0x222: {  	v9 =	vld [tilespmem:s20+$0x30];
	v5 =	vadd.f32 v5, v6;
	v3 =	vmul.f32 v3, v7;
	v6 =	vmul.f32 v10, v15  }
0x223: {  	v11 =	vmul.f32 v62, v11;
	v7 =	vld [tilespmem:s11+$0x30]  }
0x224: {  	s0 =	sadd.s32 $0x80, s12;
	v10 =	vld [tilespmem:s12+$0x30];
	v5 =	vadd.f32 v3, v5;
	v6 =	vmul.f32 v2, v6  }
0x225: {  	v11 =	vmul.f32 v4, v11;
	v4 =	vld [tilespmem:s0+$0x0]  }
0x226: {  	v3 =	vld [tilespmem:s0+$0x20];
	v8 =	vmul.f32 v8, v63;
	v6 =	vadd.f32 v6, v5  }
0x227: {  	v2 =	vld [tilespmem:s0+$0x10]  }
0x228: {  	v5 =	vld [tilespmem:s0+$0xFFFFFFF0];
	v1 =	vmul.f32 v1, v8;
	v8 =	vmul.f32 v7, v9;
	v11 =	vadd.f32 v11, v6  }
0x229: {  	v7 =	vld [tilespmem:s0+$0xFFFFFFD0]  }
0x22a: {  	v9 =	vld [tilespmem:s0+$0xFFFFFFC0];
	v8 =	vmul.f32 v10, v8;
	v11 =	vadd.f32 v1, v11  }
0x22b: {  	s5 =	sadd.s32 $0x80, s20;
	v6 =	vld [tilespmem:s0+$0xFFFFFFE0]  }
0x22c: {  	s10 =	sadd.s32 $0x80, s11;
	v10 =	vld [tilespmem:s5+$0xFFFFFFC0];
	v8 =	vadd.f32 v8, v11  }
0x22d: {  	s1 =	simm.s32 $0x1;
	s14 =	simm.s32 $0x2;
	s2 =	simm.s32 $0x0;
	v1 =	vimm.f32 $0.0e+00;
	v11 =	vld [tilespmem:s10+$0xFFFFFFC0]  }
.LBB2_20:
0x22e: {  	p1 =	sne.s32 s14, $0xF;
	v12 =	vld [tilespmem:s5+$0xFFFFFFD0];
	(xrf2) =	vadd.scan.msk.f32 $0xffff, v8  }
0x22f: {  	v8 =	vld [tilespmem:s10+$0xFFFFFFD0]  }
0x230: {  	v13 =	vld [tilespmem:s5+$0xFFFFFFE0]  }
0x231: {  	v14 =	vld [tilespmem:s10+$0xFFFFFFE0]  }
0x232: {  	v10 =	vmul.f32 v11, v10;
	v11 =	vld [tilespmem:s5+$0xFFFFFFF0]  }
0x233: {  	v15 =	vld [tilespmem:s10+$0xFFFFFFF0]  }
0x234: {  	v9 =	vmul.f32 v9, v10;
	v8 =	vmul.f32 v8, v12;
	v10 =	vld [tilespmem:s5+$0x0]  }
0x235: {  	v12 =	vld [tilespmem:s10+$0x0]  }
0x236: {  	v9 =	vadd.f32 $0.0e+00, v9;
	v7 =	vmul.f32 v7, v8;
	v8 =	vmul.f32 v14, v13;
	v13 =	vld [tilespmem:s5+$0x10]  }
0x237: {  	v16 =	vmov s2;
	s2 =	smov.u32 s1;
	s1 =	smov.u32 s14;
	v14 =	vld [tilespmem:s10+$0x10]  }
0x238: {  	v7 =	vadd.f32 v7, v9;
	v6 =	vmul.f32 v6, v8;
	v8 =	vmul.f32 v15, v11;
	v9 =	vld [tilespmem:s5+$0x20];
	v11, _, _ =	vpop (xrf2)  }
0x239: {  	vm0 =	veq.s32 v16, v0;
	v15 =	vld [tilespmem:s10+$0x20];
	v11 =	vbroadcast v11, $0xF  }
0x23a: {  	v6 =	vadd.f32 v6, v7;
	v5 =	vmul.f32 v5, v8;
	v7 =	vmul.f32 v12, v10;
	v8 =	vld [tilespmem:s5+$0x30]  }
0x23b: {  	v10 =	vld [tilespmem:s10+$0x30];
	v1 =	vsel vm0, v11, v1  }
0x23c: {  	v5 =	vadd.f32 v5, v6;
	v4 =	vmul.f32 v4, v7;
	v6 =	vmul.f32 v14, v13;
	v11 =	vld [tilespmem:s0+$0x30];
	s0 =	sadd.s32 $0x80, s0  }
0x23d: {  	v12 =	vld [tilespmem:s0+$0x20]  }
0x23e: {  	v7 =	vadd.f32 v4, v5;
	v6 =	vmul.f32 v2, v6;
	v2 =	vld [tilespmem:s0+$0x10];
	v9 =	vmul.f32 v15, v9  }
0x23f: {  	v4 =	vld [tilespmem:s0+$0x0]  }
0x240: {  	v5 =	vld [tilespmem:s0+$0xFFFFFFF0];
	v13 =	vadd.f32 v6, v7;
	v9 =	vmul.f32 v3, v9;
	v8 =	vmul.f32 v10, v8  }
.Ltmp8:
0x241: {  	v6 =	vld [tilespmem:s0+$0xFFFFFFE0];
	(pc) =	sbr.rel @p1 .LBB2_20-.Ltmp8, $4  }
0x242: {  	v7 =	vld [tilespmem:s0+$0xFFFFFFD0];
	v13 =	vadd.f32 v9, v13;
	v8 =	vmul.f32 v11, v8;
	v3 =	vmov v12  }
0x243: {  	s5 =	sadd.s32 $0x80, s5;
	v9 =	vld [tilespmem:s0+$0xFFFFFFC0]  }
0x244: {  	s10 =	sadd.s32 $0x80, s10;
	v10 =	vld [tilespmem:s5+$0xFFFFFFC0];
	v8 =	vadd.f32 v8, v13  }
0x245: {  	s14 =	sadd.s32 $0x1, s14;
	v11 =	vld [tilespmem:s10+$0xFFFFFFC0]  }
0x246: {  	v12 =	vld [tilespmem:s5+$0xFFFFFFD0]  }
0x247: {  	v13 =	vld [tilespmem:s10+$0xFFFFFFD0]  }
0x248: {  	v14 =	vld [tilespmem:s5+$0xFFFFFFE0]  }
0x249: {  	v15 =	vld [tilespmem:s10+$0xFFFFFFE0]  }
0x24a: {  	v46 =	vld [tilespmem:s5+$0xFFFFFFF0];
	v10 =	vmul.f32 v11, v10  }
0x24b: {  	v16 =	vld [tilespmem:s10+$0xFFFFFFF0]  }
0x24c: {  	v48 =	vld [tilespmem:s5+$0x0];
	v47 =	vmul.f32 v13, v12;
	v9 =	vmul.f32 v9, v10  }
0x24d: {  	v49 =	vld [tilespmem:s10+$0x0]  }
0x24e: {  	v51 =	vld [tilespmem:s5+$0x10];
	v50 =	vmul.f32 v15, v14;
	v7 =	vmul.f32 v7, v47;
	v9 =	vadd.f32 $0.0e+00, v9  }
0x24f: {  	v52 =	vld [tilespmem:s10+$0x10]  }
0x250: {  	v54 =	vld [tilespmem:s5+$0x20];
	v53 =	vmul.f32 v16, v46;
	v6 =	vmul.f32 v6, v50;
	v7 =	vadd.f32 v7, v9  }
0x251: {  	v55 =	vld [tilespmem:s10+$0x20]  }
0x252: {  	v57 =	vld [tilespmem:s5+$0x30];
	v56 =	vmul.f32 v49, v48;
	v5 =	vmul.f32 v5, v53;
	v6 =	vadd.f32 v6, v7  }
0x253: {  	v58 =	vld [tilespmem:s10+$0x30]  }
0x254: {  	v59 =	vmul.f32 v52, v51;
	v4 =	vmul.f32 v4, v56;
	v5 =	vadd.f32 v5, v6  }
0x255: {  	v60 =	vld [tilespmem:s0+$0x30]  }
0x256: {  	v61 =	vmul.f32 v55, v54;
	v2 =	vmul.f32 v2, v59;
	v4 =	vadd.f32 v4, v5;
	_ =	sdelay $0x1  }
0x257: {  	v62 =	vmul.f32 v58, v57;
	v3 =	vmul.f32 v3, v61;
	v2 =	vadd.f32 v2, v4;
	_ =	sdelay $0x1  }
0x258: {  	v2 =	vadd.f32 v3, v2;
	v3 =	vmul.f32 v60, v62;
	_ =	sdelay $0x1  }
0x259: {  	v2 =	vadd.f32 v3, v2  }
0x25a: {  	(xrf2) =	vadd.scan.msk.f32 $0xffff, v8  }
0x25b: {  	(xrf2) =	vadd.scan.msk.f32 $0xffff, v2;
	_ =	sdelay $0x7  }
0x25c: {  	s15 =	sshll.u32 s4, $0x4;
	s4 =	sadd.s32 $0x1, s4  }
0x25d: {  	p1 =	sne.s32 s4, $0x3;
	v2, _, _ =	vpop (xrf2)  }
.Ltmp9:
0x25e: {  	v3 =	vmov s2;
	v2 =	vbroadcast v2, $0xF;
	v63, _, _ =	vpop (xrf2);
	(pc) =	sbr.rel @p1 .LBB2_19-.Ltmp9, $4  }
0x25f: {  	vm0 =	veq.s32 v3, v0;
	v3 =	vmov s1;
	v4 =	vbroadcast v63, $0xF  }
0x260: {  	vm15 =	veq.s32 v3, v0;
	v1 =	vsel vm0, v2, v1  }
0x261: {  	s0 =	sand.u32 $0x3FFFFFF0, s15;
	v1 =	vsel vm15, v4, v1  }
0x262: {  	s20 =	sadd.s32 $0x800, s20;
	s11 =	sadd.s32 $0x800, s11;
	s12 =	sadd.s32 $0x800, s12;
	[tilespmem:s0+$0x1D380] =	vst v1  }
0x263: {  	_ =	swait.ge [sflag:s22], $0x1000  }
0x264: {  	[sflag:s22] =	ssyncset.done $0x0  }
0x265: {  	[sflag:s22] =	ssyncadd.s32 $0xFFFFF000  }
0x266: {  	_ =	swait.ge [sflag:s22], $0x1000  }
0x267: {  	[sflag:s22] =	ssyncset.done $0x0  }
0x268: {  	[sflag:s22] =	ssyncadd.s32 $0xFFFFF000  }
0x269: {  	_ =	swait.ge [sflag:s22], $0x1000  }
0x26a: {  	[sflag:s22] =	ssyncset.done $0x0  }
0x26b: {  	s4 =	simm.s32 $0x3;
	[sflag:s22] =	ssyncadd.s32 $0xFFFFF000  }
0x26c: {  	_ =	swait.ge [sflag:s4], $0x50  }
0x26d: {  	[sflag:s4] =	ssyncset.done $0x0  }
0x26e: {  	[sflag:s4] =	ssyncadd.s32 $0xFFFFFFB0  }
0x26f: {  	_ =	swait.ge [sflag:s4], $0x50  }
0x270: {  	[sflag:s4] =	ssyncset.done $0x0  }
0x271: {  	[sflag:s4] =	ssyncadd.s32 $0xFFFFFFB0  }
0x272: {  	_ =	swait.ge [sflag:s4], $0x50  }
0x273: {  	s0 =	simm.s32 $0x15900;
	[sflag:s4] =	ssyncset.done $0x0  }
0x274: {  	s20 =	smul.u32 $0xA0, s29;
	s12 =	rddreg [dreg:$0xe];
	[sflag:s4] =	ssyncadd.s32 $0xFFFFFFB0  }
0x275: {  	[tilespmem:s18], [sflag:$0x1] =	stream.indirect.gather [spmem:s7], $0x80, s0, s17, $0xb8;
	[tilespmem:$0x1D480] =	vst v63  }
0x276: {  	s10 =	simm.s32 $0x15A00;
	s0 =	sadd.s32 s20, s12  }
0x277: {  	[tilespmem:s19], [sflag:$0x1] =	stream.indirect.gather [spmem:s7], $0x80, s10, s17, $0xb8;
	[tilespmem:$0x1D480] =	vst v63  }
0x278: {  	s11 =	simm.s32 $0x15B00;
	s1 =	rddreg [dreg:$0x0];
	s0 =	sshrl.u32 s0, $0x3  }
0x279: {  	[tilespmem:s21], [sflag:$0x1] =	stream.indirect.gather [spmem:s8], $0x80, s11, s17, $0xb8;
	[tilespmem:$0x1D480] =	vst v63  }
0x27a: {  	s14 =	rddreg [dreg:$0x1];
	s1 =	sadd.s32 s1, s0  }
0x27b: {  	[tilespmem:s31], [sflag:$0x2] =	stream.linear.gather [hbm4b:s1+s9], $0x50, $0x38;
	[tilespmem:$0x1D480] =	vst v63  }
0x27c: {  	s15 =	rddreg [dreg:$0x2];
	s1 =	sadd.s32 s14, s0  }
0x27d: {  	[tilespmem:s6], [sflag:$0x2] =	stream.linear.gather [hbm4b:s1+s9], $0x50, $0x38;
	[tilespmem:$0x1D480] =	vst v63  }
0x27e: {  	p2 =	por $0x0, $0x0;
	s0 =	sadd.s32 s15, s0  }
0x27f: {  	[tilespmem:s3], [sflag:$0x2] =	stream.linear.gather [hbm4b:s0+s9], $0x50, $0x38;
	[tilespmem:$0x1D480] =	vst v63  }
.LBB2_23:
0x280: {  	s0 =	sshll.u32 s4, $0xB  }
0x281: {  	s0 =	sand.u32 $0x3FFFF800, s0  }
0x282: {  	s1 =	sadd.s32 $0x1ABC0, s0  }
0x283: {  	v2 =	vld [tilespmem:s1+$0x20]  }
0x284: {  	v4 =	vld [tilespmem:s1+$0x10]  }
0x285: {  	v3 =	vld [tilespmem:s1+$0xFFFFFFF0]  }
0x286: {  	v5 =	vld [tilespmem:s1+$0xFFFFFFE0]  }
0x287: {  	v6 =	vld [tilespmem:s1+$0xFFFFFFD0]  }
0x288: {  	s2 =	sadd.s32 $0x15BC0, s0;
	v7 =	vld [tilespmem:s1+$0xFFFFFFC0]  }
0x289: {  	s10 =	sadd.s32 $0x183C0, s0;
	v8 =	vld [tilespmem:s2+$0xFFFFFFC0]  }
0x28a: {  	v9 =	vld [tilespmem:s10+$0xFFFFFFC0]  }
0x28b: {  	v10 =	vld [tilespmem:s2+$0xFFFFFFD0]  }
0x28c: {  	v11 =	vld [tilespmem:s10+$0xFFFFFFD0]  }
0x28d: {  	v12 =	vld [tilespmem:s2+$0xFFFFFFE0]  }
0x28e: {  	v13 =	vld [tilespmem:s10+$0xFFFFFFE0]  }
0x28f: {  	v14 =	vld [tilespmem:s2+$0xFFFFFFF0]  }
0x290: {  	v15 =	vld [tilespmem:s2+$0x0];
	v8 =	vmul.f32 v9, v8  }
0x291: {  	v9 =	vld [tilespmem:s10+$0xFFFFFFF0]  }
0x292: {  	v62 =	vld [tilespmem:s10+$0x10];
	v7 =	vmul.f32 v7, v8;
	v8 =	vmul.f32 v11, v10  }
0x293: {  	v10 =	vld [tilespmem:s10+$0x0]  }
0x294: {  	v11 =	vld [tilespmem:s2+$0x10];
	v7 =	vadd.f32 $0.0e+00, v7;
	v6 =	vmul.f32 v6, v8;
	v8 =	vmul.f32 v13, v12  }
0x295: {  	v1 =	vld [tilespmem:s1+$0x0]  }
0x296: {  	v63 =	vld [tilespmem:s2+$0x20];
	v6 =	vadd.f32 v6, v7;
	v5 =	vmul.f32 v5, v8;
	v7 =	vmul.f32 v9, v14  }
0x297: {  	v8 =	vld [tilespmem:s10+$0x20]  }
0x298: {  	v9 =	vld [tilespmem:s2+$0x30];
	v5 =	vadd.f32 v5, v6;
	v3 =	vmul.f32 v3, v7;
	v6 =	vmul.f32 v10, v15  }
0x299: {  	v11 =	vmul.f32 v62, v11;
	v7 =	vld [tilespmem:s10+$0x30]  }
0x29a: {  	s0 =	sadd.s32 $0x80, s1;
	v10 =	vld [tilespmem:s1+$0x30];
	v5 =	vadd.f32 v3, v5;
	v6 =	vmul.f32 v1, v6  }
0x29b: {  	v11 =	vmul.f32 v4, v11;
	v4 =	vld [tilespmem:s0+$0x0]  }
0x29c: {  	v3 =	vld [tilespmem:s0+$0x20];
	v8 =	vmul.f32 v8, v63;
	v6 =	vadd.f32 v6, v5  }
0x29d: {  	v1 =	vld [tilespmem:s0+$0x10]  }
0x29e: {  	v5 =	vld [tilespmem:s0+$0xFFFFFFF0];
	v2 =	vmul.f32 v2, v8;
	v8 =	vmul.f32 v7, v9;
	v11 =	vadd.f32 v11, v6  }
0x29f: {  	v7 =	vld [tilespmem:s0+$0xFFFFFFD0]  }
0x2a0: {  	v9 =	vld [tilespmem:s0+$0xFFFFFFC0];
	v8 =	vmul.f32 v10, v8;
	v11 =	vadd.f32 v2, v11  }
0x2a1: {  	s5 =	sadd.s32 $0x80, s2;
	v6 =	vld [tilespmem:s0+$0xFFFFFFE0]  }
0x2a2: {  	p1 =	por p2, p2;
	s11 =	sadd.s32 $0x80, s10;
	v10 =	vld [tilespmem:s5+$0xFFFFFFC0];
	v8 =	vadd.f32 v8, v11  }
0x2a3: {  	s2 =	simm.s32 $0x0;
	s1 =	simm.s32 $0x1;
	s10 =	simm.s32 $0x2;
	v2 =	vimm.f32 $0.0e+00;
	v11 =	vld [tilespmem:s11+$0xFFFFFFC0]  }
.LBB2_24:
0x2a4: {  	p2 =	sne.s32 s10, $0xF;
	v12 =	vld [tilespmem:s5+$0xFFFFFFD0];
	(xrf2) =	vadd.scan.msk.f32 $0xffff, v8  }
0x2a5: {  	v8 =	vld [tilespmem:s11+$0xFFFFFFD0]  }
0x2a6: {  	v13 =	vld [tilespmem:s5+$0xFFFFFFE0]  }
0x2a7: {  	v14 =	vld [tilespmem:s11+$0xFFFFFFE0]  }
0x2a8: {  	v10 =	vmul.f32 v11, v10;
	v11 =	vld [tilespmem:s5+$0xFFFFFFF0]  }
0x2a9: {  	v15 =	vld [tilespmem:s11+$0xFFFFFFF0]  }
0x2aa: {  	v9 =	vmul.f32 v9, v10;
	v8 =	vmul.f32 v8, v12;
	v10 =	vld [tilespmem:s5+$0x0]  }
0x2ab: {  	v12 =	vld [tilespmem:s11+$0x0]  }
0x2ac: {  	v9 =	vadd.f32 $0.0e+00, v9;
	v7 =	vmul.f32 v7, v8;
	v8 =	vmul.f32 v14, v13;
	v13 =	vld [tilespmem:s5+$0x10]  }
0x2ad: {  	v16 =	vmov s2;
	s2 =	smov.u32 s1;
	s1 =	smov.u32 s10;
	v14 =	vld [tilespmem:s11+$0x10]  }
0x2ae: {  	v7 =	vadd.f32 v7, v9;
	v6 =	vmul.f32 v6, v8;
	v8 =	vmul.f32 v15, v11;
	v9 =	vld [tilespmem:s5+$0x20];
	v11, _, _ =	vpop (xrf2)  }
0x2af: {  	vm0 =	veq.s32 v16, v0;
	v15 =	vld [tilespmem:s11+$0x20];
	v11 =	vbroadcast v11, $0xF  }
0x2b0: {  	v6 =	vadd.f32 v6, v7;
	v5 =	vmul.f32 v5, v8;
	v7 =	vmul.f32 v12, v10;
	v8 =	vld [tilespmem:s5+$0x30]  }
0x2b1: {  	v10 =	vld [tilespmem:s11+$0x30];
	v2 =	vsel vm0, v11, v2  }
0x2b2: {  	v5 =	vadd.f32 v5, v6;
	v4 =	vmul.f32 v4, v7;
	v6 =	vmul.f32 v14, v13;
	v11 =	vld [tilespmem:s0+$0x30];
	s0 =	sadd.s32 $0x80, s0  }
0x2b3: {  	v12 =	vld [tilespmem:s0+$0x20]  }
0x2b4: {  	v7 =	vadd.f32 v4, v5;
	v6 =	vmul.f32 v1, v6;
	v1 =	vld [tilespmem:s0+$0x10];
	v9 =	vmul.f32 v15, v9  }
0x2b5: {  	v4 =	vld [tilespmem:s0+$0x0]  }
0x2b6: {  	v5 =	vld [tilespmem:s0+$0xFFFFFFF0];
	v13 =	vadd.f32 v6, v7;
	v9 =	vmul.f32 v3, v9;
	v8 =	vmul.f32 v10, v8  }
.Ltmp10:
0x2b7: {  	v6 =	vld [tilespmem:s0+$0xFFFFFFE0];
	(pc) =	sbr.rel @p2 .LBB2_24-.Ltmp10, $4  }
0x2b8: {  	v7 =	vld [tilespmem:s0+$0xFFFFFFD0];
	v13 =	vadd.f32 v9, v13;
	v8 =	vmul.f32 v11, v8;
	v3 =	vmov v12  }
0x2b9: {  	s5 =	sadd.s32 $0x80, s5;
	v9 =	vld [tilespmem:s0+$0xFFFFFFC0]  }
0x2ba: {  	s11 =	sadd.s32 $0x80, s11;
	v10 =	vld [tilespmem:s5+$0xFFFFFFC0];
	v8 =	vadd.f32 v8, v13  }
0x2bb: {  	s10 =	sadd.s32 $0x1, s10;
	v11 =	vld [tilespmem:s11+$0xFFFFFFC0]  }
0x2bc: {  	v12 =	vld [tilespmem:s5+$0xFFFFFFD0]  }
0x2bd: {  	v13 =	vld [tilespmem:s11+$0xFFFFFFD0]  }
0x2be: {  	v14 =	vld [tilespmem:s5+$0xFFFFFFE0]  }
0x2bf: {  	v15 =	vld [tilespmem:s11+$0xFFFFFFE0]  }
0x2c0: {  	v46 =	vld [tilespmem:s5+$0xFFFFFFF0];
	v10 =	vmul.f32 v11, v10  }
0x2c1: {  	v16 =	vld [tilespmem:s11+$0xFFFFFFF0]  }
0x2c2: {  	v48 =	vld [tilespmem:s5+$0x0];
	v47 =	vmul.f32 v13, v12;
	v9 =	vmul.f32 v9, v10  }
0x2c3: {  	v49 =	vld [tilespmem:s11+$0x0]  }
0x2c4: {  	v51 =	vld [tilespmem:s5+$0x10];
	v50 =	vmul.f32 v15, v14;
	v7 =	vmul.f32 v7, v47;
	v9 =	vadd.f32 $0.0e+00, v9  }
0x2c5: {  	v52 =	vld [tilespmem:s11+$0x10]  }
0x2c6: {  	v54 =	vld [tilespmem:s5+$0x20];
	v53 =	vmul.f32 v16, v46;
	v6 =	vmul.f32 v6, v50;
	v7 =	vadd.f32 v7, v9  }
0x2c7: {  	v55 =	vld [tilespmem:s11+$0x20]  }
0x2c8: {  	v57 =	vld [tilespmem:s5+$0x30];
	v56 =	vmul.f32 v49, v48;
	v5 =	vmul.f32 v5, v53;
	v6 =	vadd.f32 v6, v7  }
0x2c9: {  	v58 =	vld [tilespmem:s11+$0x30]  }
0x2ca: {  	v59 =	vmul.f32 v52, v51;
	v4 =	vmul.f32 v4, v56;
	v5 =	vadd.f32 v5, v6  }
0x2cb: {  	v60 =	vld [tilespmem:s0+$0x30]  }
0x2cc: {  	v61 =	vmul.f32 v55, v54;
	v1 =	vmul.f32 v1, v59;
	v4 =	vadd.f32 v4, v5;
	_ =	sdelay $0x1  }
0x2cd: {  	v62 =	vmul.f32 v58, v57;
	v3 =	vmul.f32 v3, v61;
	v1 =	vadd.f32 v1, v4;
	_ =	sdelay $0x1  }
0x2ce: {  	v1 =	vadd.f32 v3, v1;
	v3 =	vmul.f32 v60, v62;
	_ =	sdelay $0x1  }
0x2cf: {  	v1 =	vadd.f32 v3, v1  }
0x2d0: {  	(xrf2) =	vadd.scan.msk.f32 $0xffff, v8  }
0x2d1: {  	(xrf2) =	vadd.scan.msk.f32 $0xffff, v1;
	_ =	sdelay $0x8  }
0x2d2: {  	v1, _, _ =	vpop (xrf2)  }
.Ltmp11:
0x2d3: {  	v3 =	vmov s2;
	v1 =	vbroadcast v1, $0xF;
	v63, _, _ =	vpop (xrf2);
	(pc) =	sbr.rel @!p1 .LBB2_23-.Ltmp11, $4  }
0x2d4: {  	vm0 =	veq.s32 v3, v0;
	v3 =	vmov s1;
	v4 =	vbroadcast v63, $0xF  }
0x2d5: {  	s15 =	sshll.u32 s4, $0x4;
	vm15 =	veq.s32 v3, v0;
	v1 =	vsel vm0, v1, v2  }
0x2d6: {  	s0 =	sand.u32 $0x3FFFFFF0, s15;
	v1 =	vsel vm15, v4, v1  }
0x2d7: {  	s4 =	simm.s32 $0x4;
	p2 =	por $0x1, $0x1;
	[tilespmem:s0+$0x1D380] =	vst v1  }
0x2d8: {  	s0 =	rddreg [dreg:$0x9]  }
0x2d9: {  	s0 =	sadd.s32 s0, s20  }
0x2da: {  	s0 =	sshrl.u32 s0, $0x3  }
0x2db: {  	s4 =	simm.s32 $0x0;
	s1 =	simm.s32 $0x1D380;
	s0 =	sadd.s32 s16, s0  }
0x2dc: {  	[hbm4b:s0+s4] =	stream.linear.scatter [tilespmem:s1], [sflag:$0x4], $0x50, $0x38;
	[tilespmem:$0x1D480] =	vst v63  }
0x2dd: {  	_ =	swait.ge [sflag:s22], $0x1800  }
0x2de: {  	[sflag:s22] =	ssyncset.done $0x0  }
0x2df: {  	[sflag:s22] =	ssyncadd.s32 $0xFFFFE800  }
0x2e0: {  	_ =	swait.ge [sflag:s22], $0x1800  }
0x2e1: {  	[sflag:s22] =	ssyncset.done $0x0  }
0x2e2: {  	[sflag:s22] =	ssyncadd.s32 $0xFFFFE800  }
0x2e3: {  	_ =	swait.ge [sflag:s22], $0x1800  }
0x2e4: {  	[sflag:s22] =	ssyncset.done $0x0  }
0x2e5: {  	s12 =	simm.s32 $0x15930;
	[sflag:s22] =	ssyncadd.s32 $0xFFFFE800  }
0x2e6: {  	[tilespmem:s25], [sflag:$0x1] =	stream.indirect.gather [spmem:s7], $0x80, s12, s23, $0xb8;
	[tilespmem:$0x1D480] =	vst v63  }
0x2e7: {  	s14 =	simm.s32 $0x15A30  }
0x2e8: {  	[tilespmem:s28], [sflag:$0x1] =	stream.indirect.gather [spmem:s7], $0x80, s14, s23, $0xb8;
	[tilespmem:$0x1D480] =	vst v63  }
0x2e9: {  	s15 =	simm.s32 $0x15B30  }
0x2ea: {  	[tilespmem:s30], [sflag:$0x1] =	stream.indirect.gather [spmem:s8], $0x80, s15, s23, $0xb8;
	[tilespmem:$0x1D480] =	vst v63  }
0x2eb: {  	_ =	swait.ge [sflag:s26], $0x50  }
0x2ec: {  	s11 =	simm.s32 $0x15BC0;
	[sflag:s26] =	ssyncset.done $0x0  }
0x2ed: {  	s0 =	simm.s32 $0x1ABC0;
	s12 =	simm.s32 $0x183C0;
	[sflag:s26] =	ssyncadd.s32 $0xFFFFFFB0  }
.LBB2_27:
0x2ee: {  	v1 =	vld [tilespmem:s0+$0x20]  }
0x2ef: {  	v4 =	vld [tilespmem:s0+$0x10]  }
0x2f0: {  	v3 =	vld [tilespmem:s0+$0xFFFFFFF0]  }
0x2f1: {  	v5 =	vld [tilespmem:s0+$0xFFFFFFE0]  }
0x2f2: {  	v6 =	vld [tilespmem:s0+$0xFFFFFFD0]  }
0x2f3: {  	v7 =	vld [tilespmem:s0+$0xFFFFFFC0]  }
0x2f4: {  	v8 =	vld [tilespmem:s11+$0xFFFFFFC0]  }
0x2f5: {  	v9 =	vld [tilespmem:s12+$0xFFFFFFC0]  }
0x2f6: {  	v10 =	vld [tilespmem:s11+$0xFFFFFFD0]  }
0x2f7: {  	v11 =	vld [tilespmem:s12+$0xFFFFFFD0]  }
0x2f8: {  	v12 =	vld [tilespmem:s11+$0xFFFFFFE0]  }
0x2f9: {  	v13 =	vld [tilespmem:s12+$0xFFFFFFE0]  }
0x2fa: {  	v14 =	vld [tilespmem:s11+$0xFFFFFFF0]  }
0x2fb: {  	v15 =	vld [tilespmem:s11+$0x0];
	v8 =	vmul.f32 v9, v8  }
0x2fc: {  	v9 =	vld [tilespmem:s12+$0xFFFFFFF0]  }
0x2fd: {  	v62 =	vld [tilespmem:s12+$0x10];
	v7 =	vmul.f32 v7, v8;
	v8 =	vmul.f32 v11, v10  }
0x2fe: {  	v10 =	vld [tilespmem:s12+$0x0]  }
0x2ff: {  	v11 =	vld [tilespmem:s11+$0x10];
	v7 =	vadd.f32 $0.0e+00, v7;
	v6 =	vmul.f32 v6, v8;
	v8 =	vmul.f32 v13, v12  }
0x300: {  	v2 =	vld [tilespmem:s0+$0x0]  }
0x301: {  	v63 =	vld [tilespmem:s11+$0x20];
	v6 =	vadd.f32 v6, v7;
	v5 =	vmul.f32 v5, v8;
	v7 =	vmul.f32 v9, v14  }
0x302: {  	v8 =	vld [tilespmem:s12+$0x20]  }
0x303: {  	v9 =	vld [tilespmem:s11+$0x30];
	v5 =	vadd.f32 v5, v6;
	v3 =	vmul.f32 v3, v7;
	v6 =	vmul.f32 v10, v15  }
0x304: {  	v11 =	vmul.f32 v62, v11;
	v7 =	vld [tilespmem:s12+$0x30]  }
0x305: {  	s1 =	sadd.s32 $0x80, s0;
	v10 =	vld [tilespmem:s0+$0x30];
	v5 =	vadd.f32 v3, v5;
	v6 =	vmul.f32 v2, v6  }
0x306: {  	v11 =	vmul.f32 v4, v11;
	v4 =	vld [tilespmem:s1+$0x0]  }
0x307: {  	v3 =	vld [tilespmem:s1+$0x20];
	v8 =	vmul.f32 v8, v63;
	v6 =	vadd.f32 v6, v5  }
0x308: {  	v2 =	vld [tilespmem:s1+$0x10]  }
0x309: {  	v5 =	vld [tilespmem:s1+$0xFFFFFFF0];
	v1 =	vmul.f32 v1, v8;
	v8 =	vmul.f32 v7, v9;
	v11 =	vadd.f32 v11, v6  }
0x30a: {  	v7 =	vld [tilespmem:s1+$0xFFFFFFD0]  }
0x30b: {  	v9 =	vld [tilespmem:s1+$0xFFFFFFC0];
	v8 =	vmul.f32 v10, v8;
	v11 =	vadd.f32 v1, v11  }
0x30c: {  	s10 =	sadd.s32 $0x80, s11;
	v6 =	vld [tilespmem:s1+$0xFFFFFFE0]  }
0x30d: {  	s14 =	sadd.s32 $0x80, s12;
	v10 =	vld [tilespmem:s10+$0xFFFFFFC0];
	v8 =	vadd.f32 v8, v11  }
0x30e: {  	s2 =	simm.s32 $0x1;
	s15 =	simm.s32 $0x2;
	s5 =	simm.s32 $0x0;
	v1 =	vimm.f32 $0.0e+00;
	v11 =	vld [tilespmem:s14+$0xFFFFFFC0]  }
.LBB2_28:
0x30f: {  	p1 =	sne.s32 s15, $0xF;
	v12 =	vld [tilespmem:s10+$0xFFFFFFD0];
	(xrf2) =	vadd.scan.msk.f32 $0xffff, v8  }
0x310: {  	v8 =	vld [tilespmem:s14+$0xFFFFFFD0]  }
0x311: {  	v13 =	vld [tilespmem:s10+$0xFFFFFFE0]  }
0x312: {  	v14 =	vld [tilespmem:s14+$0xFFFFFFE0]  }
0x313: {  	v10 =	vmul.f32 v11, v10;
	v11 =	vld [tilespmem:s10+$0xFFFFFFF0]  }
0x314: {  	v15 =	vld [tilespmem:s14+$0xFFFFFFF0]  }
0x315: {  	v9 =	vmul.f32 v9, v10;
	v8 =	vmul.f32 v8, v12;
	v10 =	vld [tilespmem:s10+$0x0]  }
0x316: {  	v12 =	vld [tilespmem:s14+$0x0]  }
0x317: {  	v9 =	vadd.f32 $0.0e+00, v9;
	v7 =	vmul.f32 v7, v8;
	v8 =	vmul.f32 v14, v13;
	v13 =	vld [tilespmem:s10+$0x10]  }
0x318: {  	v16 =	vmov s5;
	s5 =	smov.u32 s2;
	s2 =	smov.u32 s15;
	v14 =	vld [tilespmem:s14+$0x10]  }
0x319: {  	v7 =	vadd.f32 v7, v9;
	v6 =	vmul.f32 v6, v8;
	v8 =	vmul.f32 v15, v11;
	v9 =	vld [tilespmem:s10+$0x20];
	v11, _, _ =	vpop (xrf2)  }
0x31a: {  	vm0 =	veq.s32 v16, v0;
	v15 =	vld [tilespmem:s14+$0x20];
	v11 =	vbroadcast v11, $0xF  }
0x31b: {  	v6 =	vadd.f32 v6, v7;
	v5 =	vmul.f32 v5, v8;
	v7 =	vmul.f32 v12, v10;
	v8 =	vld [tilespmem:s10+$0x30]  }
0x31c: {  	v10 =	vld [tilespmem:s14+$0x30];
	v1 =	vsel vm0, v11, v1  }
0x31d: {  	v5 =	vadd.f32 v5, v6;
	v4 =	vmul.f32 v4, v7;
	v6 =	vmul.f32 v14, v13;
	v11 =	vld [tilespmem:s1+$0x30];
	s1 =	sadd.s32 $0x80, s1  }
0x31e: {  	v12 =	vld [tilespmem:s1+$0x20]  }
0x31f: {  	v7 =	vadd.f32 v4, v5;
	v6 =	vmul.f32 v2, v6;
	v2 =	vld [tilespmem:s1+$0x10];
	v9 =	vmul.f32 v15, v9  }
0x320: {  	v4 =	vld [tilespmem:s1+$0x0]  }
0x321: {  	v5 =	vld [tilespmem:s1+$0xFFFFFFF0];
	v13 =	vadd.f32 v6, v7;
	v9 =	vmul.f32 v3, v9;
	v8 =	vmul.f32 v10, v8  }
.Ltmp12:
0x322: {  	v6 =	vld [tilespmem:s1+$0xFFFFFFE0];
	(pc) =	sbr.rel @p1 .LBB2_28-.Ltmp12, $4  }
0x323: {  	v7 =	vld [tilespmem:s1+$0xFFFFFFD0];
	v13 =	vadd.f32 v9, v13;
	v8 =	vmul.f32 v11, v8;
	v3 =	vmov v12  }
0x324: {  	s10 =	sadd.s32 $0x80, s10;
	v9 =	vld [tilespmem:s1+$0xFFFFFFC0]  }
0x325: {  	s14 =	sadd.s32 $0x80, s14;
	v10 =	vld [tilespmem:s10+$0xFFFFFFC0];
	v8 =	vadd.f32 v8, v13  }
0x326: {  	s15 =	sadd.s32 $0x1, s15;
	v11 =	vld [tilespmem:s14+$0xFFFFFFC0]  }
0x327: {  	v12 =	vld [tilespmem:s10+$0xFFFFFFD0]  }
0x328: {  	v13 =	vld [tilespmem:s14+$0xFFFFFFD0]  }
0x329: {  	v14 =	vld [tilespmem:s10+$0xFFFFFFE0]  }
0x32a: {  	v15 =	vld [tilespmem:s14+$0xFFFFFFE0]  }
0x32b: {  	v46 =	vld [tilespmem:s10+$0xFFFFFFF0];
	v10 =	vmul.f32 v11, v10  }
0x32c: {  	v16 =	vld [tilespmem:s14+$0xFFFFFFF0]  }
0x32d: {  	v48 =	vld [tilespmem:s10+$0x0];
	v47 =	vmul.f32 v13, v12;
	v9 =	vmul.f32 v9, v10  }
0x32e: {  	v49 =	vld [tilespmem:s14+$0x0]  }
0x32f: {  	v51 =	vld [tilespmem:s10+$0x10];
	v50 =	vmul.f32 v15, v14;
	v7 =	vmul.f32 v7, v47;
	v9 =	vadd.f32 $0.0e+00, v9  }
0x330: {  	v52 =	vld [tilespmem:s14+$0x10]  }
0x331: {  	v54 =	vld [tilespmem:s10+$0x20];
	v53 =	vmul.f32 v16, v46;
	v6 =	vmul.f32 v6, v50;
	v7 =	vadd.f32 v7, v9  }
0x332: {  	v55 =	vld [tilespmem:s14+$0x20]  }
0x333: {  	v57 =	vld [tilespmem:s10+$0x30];
	v56 =	vmul.f32 v49, v48;
	v5 =	vmul.f32 v5, v53;
	v6 =	vadd.f32 v6, v7  }
0x334: {  	v58 =	vld [tilespmem:s14+$0x30]  }
0x335: {  	v59 =	vmul.f32 v52, v51;
	v4 =	vmul.f32 v4, v56;
	v5 =	vadd.f32 v5, v6  }
0x336: {  	v60 =	vld [tilespmem:s1+$0x30]  }
0x337: {  	v61 =	vmul.f32 v55, v54;
	v2 =	vmul.f32 v2, v59;
	v4 =	vadd.f32 v4, v5;
	_ =	sdelay $0x1  }
0x338: {  	v62 =	vmul.f32 v58, v57;
	v3 =	vmul.f32 v3, v61;
	v2 =	vadd.f32 v2, v4;
	_ =	sdelay $0x1  }
0x339: {  	v2 =	vadd.f32 v3, v2;
	v3 =	vmul.f32 v60, v62;
	_ =	sdelay $0x1  }
0x33a: {  	v2 =	vadd.f32 v3, v2  }
0x33b: {  	(xrf2) =	vadd.scan.msk.f32 $0xffff, v8  }
0x33c: {  	(xrf2) =	vadd.scan.msk.f32 $0xffff, v2;
	_ =	sdelay $0x7  }
0x33d: {  	s15 =	sshll.u32 s4, $0x4;
	s4 =	sadd.s32 $0x1, s4  }
0x33e: {  	p1 =	sne.s32 s4, $0x3;
	v2, _, _ =	vpop (xrf2)  }
.Ltmp13:
0x33f: {  	v3 =	vmov s5;
	v2 =	vbroadcast v2, $0xF;
	v63, _, _ =	vpop (xrf2);
	(pc) =	sbr.rel @p1 .LBB2_27-.Ltmp13, $4  }
0x340: {  	vm0 =	veq.s32 v3, v0;
	v3 =	vmov s2;
	v4 =	vbroadcast v63, $0xF  }
0x341: {  	vm15 =	veq.s32 v3, v0;
	v1 =	vsel vm0, v2, v1  }
0x342: {  	s1 =	sand.u32 $0x3FFFFFF0, s15;
	v1 =	vsel vm15, v4, v1  }
0x343: {  	s11 =	sadd.s32 $0x800, s11;
	s12 =	sadd.s32 $0x800, s12;
	s0 =	sadd.s32 $0x800, s0;
	[tilespmem:s1+$0x1D400] =	vst v1  }
0x344: {  	_ =	swait.ge [sflag:s22], $0x1000  }
0x345: {  	[sflag:s22] =	ssyncset.done $0x0  }
0x346: {  	[sflag:s22] =	ssyncadd.s32 $0xFFFFF000  }
0x347: {  	_ =	swait.ge [sflag:s22], $0x1000  }
0x348: {  	[sflag:s22] =	ssyncset.done $0x0  }
0x349: {  	[sflag:s22] =	ssyncadd.s32 $0xFFFFF000  }
0x34a: {  	_ =	swait.ge [sflag:s22], $0x1000  }
0x34b: {  	[sflag:s22] =	ssyncset.done $0x0  }
0x34c: {  	[sflag:s22] =	ssyncadd.s32 $0xFFFFF000  }
0x34d: {  	_ =	swait.ge [sflag:s13], $0x50  }
0x34e: {  	[sflag:s13] =	ssyncset.done $0x0  }
0x34f: {  	[sflag:s13] =	ssyncadd.s32 $0xFFFFFFB0  }
0x350: {  	_ =	swait.ge [sflag:s13], $0x50  }
0x351: {  	[sflag:s13] =	ssyncset.done $0x0  }
0x352: {  	[sflag:s13] =	ssyncadd.s32 $0xFFFFFFB0  }
0x353: {  	_ =	swait.ge [sflag:s13], $0x50  }
0x354: {  	[sflag:s13] =	ssyncset.done $0x0  }
0x355: {  	p1 =	seq.s32 s29, $0x3D;
	s0 =	rddreg [dreg:$0xf];
	[sflag:s13] =	ssyncadd.s32 $0xFFFFFFB0  }
0x356: {  	[tilespmem:s18], [sflag:$0x1] =	stream.indirect.gather [spmem:s7], $0x80, s31, s17, $0xb8;
	[tilespmem:$0x1D480] =	vst v63  }
0x357: {  	s0 =	sadd.s32 @!p1 s20, s0  }
0x358: {  	[tilespmem:s19], [sflag:$0x1] =	stream.indirect.gather [spmem:s7], $0x80, s6, s17, $0xb8;
	[tilespmem:$0x1D480] =	vst v63  }
0x359: {  	s0 =	sshrl.u32 @!p1 s0, $0x3;
	s1 =	rddreg [dreg:$0x0]  }
0x35a: {  	[tilespmem:s21], [sflag:$0x1] =	stream.indirect.gather [spmem:s8], $0x80, s3, s17, $0xb8;
	[tilespmem:$0x1D480] =	vst v63  }
0x35b: {  	s2 =	simm.s32 @!p1 $0x0;
	s4 =	simm.s32 @!p1 $0x15900;
	s1 =	sadd.s32 @!p1 s1, s0  }
0x35c: {  	[tilespmem:s4], [sflag:$0x3] =	stream.linear.gather @!p1 [hbm4b:s1+s2], $0x50, $0x38;
	[tilespmem:$0x1D480] =	vst v63  }
0x35d: {  	s1 =	rddreg [dreg:$0x1]  }
0x35e: {  	s4 =	simm.s32 @!p1 $0x15A00;
	s1 =	sadd.s32 @!p1 s1, s0  }
0x35f: {  	[tilespmem:s4], [sflag:$0x3] =	stream.linear.gather @!p1 [hbm4b:s1+s2], $0x50, $0x38;
	[tilespmem:$0x1D480] =	vst v63  }
0x360: {  	s1 =	rddreg [dreg:$0x2]  }
0x361: {  	s0 =	sadd.s32 @!p1 s1, s0;
	s1 =	simm.s32 @!p1 $0x15B00  }
0x362: {  	[tilespmem:s1], [sflag:$0x3] =	stream.linear.gather @!p1 [hbm4b:s0+s2], $0x50, $0x38;
	[tilespmem:$0x1D480] =	vst v63  }
0x363: {  	p2 =	por $0x0, $0x0;
	s0 =	simm.s32 $0x3  }
.LBB2_31:
0x364: {  	s1 =	sshll.u32 s0, $0xB  }
0x365: {  	s1 =	sand.u32 $0x3FFFF800, s1  }
0x366: {  	s2 =	sadd.s32 $0x1ABC0, s1  }
0x367: {  	v2 =	vld [tilespmem:s2+$0x20]  }
0x368: {  	v4 =	vld [tilespmem:s2+$0x10]  }
0x369: {  	v3 =	vld [tilespmem:s2+$0xFFFFFFF0]  }
0x36a: {  	v5 =	vld [tilespmem:s2+$0xFFFFFFE0]  }
0x36b: {  	v6 =	vld [tilespmem:s2+$0xFFFFFFD0]  }
0x36c: {  	s5 =	sadd.s32 $0x15BC0, s1;
	v7 =	vld [tilespmem:s2+$0xFFFFFFC0]  }
0x36d: {  	s1 =	sadd.s32 $0x183C0, s1;
	v8 =	vld [tilespmem:s5+$0xFFFFFFC0]  }
0x36e: {  	v9 =	vld [tilespmem:s1+$0xFFFFFFC0]  }
0x36f: {  	v10 =	vld [tilespmem:s5+$0xFFFFFFD0]  }
0x370: {  	v11 =	vld [tilespmem:s1+$0xFFFFFFD0]  }
0x371: {  	v12 =	vld [tilespmem:s5+$0xFFFFFFE0]  }
0x372: {  	v13 =	vld [tilespmem:s1+$0xFFFFFFE0]  }
0x373: {  	v14 =	vld [tilespmem:s5+$0xFFFFFFF0]  }
0x374: {  	v15 =	vld [tilespmem:s5+$0x0];
	v8 =	vmul.f32 v9, v8  }
0x375: {  	v9 =	vld [tilespmem:s1+$0xFFFFFFF0]  }
0x376: {  	v62 =	vld [tilespmem:s1+$0x10];
	v7 =	vmul.f32 v7, v8;
	v8 =	vmul.f32 v11, v10  }
0x377: {  	v10 =	vld [tilespmem:s1+$0x0]  }
0x378: {  	v11 =	vld [tilespmem:s5+$0x10];
	v7 =	vadd.f32 $0.0e+00, v7;
	v6 =	vmul.f32 v6, v8;
	v8 =	vmul.f32 v13, v12  }
0x379: {  	v1 =	vld [tilespmem:s2+$0x0]  }
0x37a: {  	v63 =	vld [tilespmem:s5+$0x20];
	v6 =	vadd.f32 v6, v7;
	v5 =	vmul.f32 v5, v8;
	v7 =	vmul.f32 v9, v14  }
0x37b: {  	v8 =	vld [tilespmem:s1+$0x20]  }
0x37c: {  	v9 =	vld [tilespmem:s5+$0x30];
	v5 =	vadd.f32 v5, v6;
	v3 =	vmul.f32 v3, v7;
	v6 =	vmul.f32 v10, v15  }
0x37d: {  	v11 =	vmul.f32 v62, v11;
	v7 =	vld [tilespmem:s1+$0x30]  }
0x37e: {  	s4 =	sadd.s32 $0x80, s2;
	v10 =	vld [tilespmem:s2+$0x30];
	v5 =	vadd.f32 v3, v5;
	v6 =	vmul.f32 v1, v6  }
0x37f: {  	v11 =	vmul.f32 v4, v11;
	v4 =	vld [tilespmem:s4+$0x0]  }
0x380: {  	v3 =	vld [tilespmem:s4+$0x20];
	v8 =	vmul.f32 v8, v63;
	v6 =	vadd.f32 v6, v5  }
0x381: {  	v1 =	vld [tilespmem:s4+$0x10]  }
0x382: {  	v5 =	vld [tilespmem:s4+$0xFFFFFFF0];
	v2 =	vmul.f32 v2, v8;
	v8 =	vmul.f32 v7, v9;
	v11 =	vadd.f32 v11, v6  }
0x383: {  	v7 =	vld [tilespmem:s4+$0xFFFFFFD0]  }
0x384: {  	v9 =	vld [tilespmem:s4+$0xFFFFFFC0];
	v8 =	vmul.f32 v10, v8;
	v11 =	vadd.f32 v2, v11  }
0x385: {  	s5 =	sadd.s32 $0x80, s5;
	v6 =	vld [tilespmem:s4+$0xFFFFFFE0]  }
0x386: {  	p1 =	por p2, p2;
	s10 =	sadd.s32 $0x80, s1;
	v10 =	vld [tilespmem:s5+$0xFFFFFFC0];
	v8 =	vadd.f32 v8, v11  }
0x387: {  	s11 =	simm.s32 $0x2;
	s2 =	simm.s32 $0x0;
	s1 =	simm.s32 $0x1;
	v2 =	vimm.f32 $0.0e+00;
	v11 =	vld [tilespmem:s10+$0xFFFFFFC0]  }
.LBB2_32:
0x388: {  	p2 =	sne.s32 s11, $0xF;
	v12 =	vld [tilespmem:s5+$0xFFFFFFD0];
	(xrf2) =	vadd.scan.msk.f32 $0xffff, v8  }
0x389: {  	v8 =	vld [tilespmem:s10+$0xFFFFFFD0]  }
0x38a: {  	v13 =	vld [tilespmem:s5+$0xFFFFFFE0]  }
0x38b: {  	v14 =	vld [tilespmem:s10+$0xFFFFFFE0]  }
0x38c: {  	v10 =	vmul.f32 v11, v10;
	v11 =	vld [tilespmem:s5+$0xFFFFFFF0]  }
0x38d: {  	v15 =	vld [tilespmem:s10+$0xFFFFFFF0]  }
0x38e: {  	v9 =	vmul.f32 v9, v10;
	v8 =	vmul.f32 v8, v12;
	v10 =	vld [tilespmem:s5+$0x0]  }
0x38f: {  	v12 =	vld [tilespmem:s10+$0x0]  }
0x390: {  	v9 =	vadd.f32 $0.0e+00, v9;
	v7 =	vmul.f32 v7, v8;
	v8 =	vmul.f32 v14, v13;
	v13 =	vld [tilespmem:s5+$0x10]  }
0x391: {  	v16 =	vmov s2;
	s2 =	smov.u32 s1;
	s1 =	smov.u32 s11;
	v14 =	vld [tilespmem:s10+$0x10]  }
0x392: {  	v7 =	vadd.f32 v7, v9;
	v6 =	vmul.f32 v6, v8;
	v8 =	vmul.f32 v15, v11;
	v9 =	vld [tilespmem:s5+$0x20];
	v11, _, _ =	vpop (xrf2)  }
0x393: {  	vm0 =	veq.s32 v16, v0;
	v15 =	vld [tilespmem:s10+$0x20];
	v11 =	vbroadcast v11, $0xF  }
0x394: {  	v6 =	vadd.f32 v6, v7;
	v5 =	vmul.f32 v5, v8;
	v7 =	vmul.f32 v12, v10;
	v8 =	vld [tilespmem:s5+$0x30]  }
0x395: {  	v10 =	vld [tilespmem:s10+$0x30];
	v2 =	vsel vm0, v11, v2  }
0x396: {  	v5 =	vadd.f32 v5, v6;
	v4 =	vmul.f32 v4, v7;
	v6 =	vmul.f32 v14, v13;
	v11 =	vld [tilespmem:s4+$0x30];
	s4 =	sadd.s32 $0x80, s4  }
0x397: {  	v12 =	vld [tilespmem:s4+$0x20]  }
0x398: {  	v7 =	vadd.f32 v4, v5;
	v6 =	vmul.f32 v1, v6;
	v1 =	vld [tilespmem:s4+$0x10];
	v9 =	vmul.f32 v15, v9  }
0x399: {  	v4 =	vld [tilespmem:s4+$0x0]  }
0x39a: {  	v5 =	vld [tilespmem:s4+$0xFFFFFFF0];
	v13 =	vadd.f32 v6, v7;
	v9 =	vmul.f32 v3, v9;
	v8 =	vmul.f32 v10, v8  }
.Ltmp14:
0x39b: {  	v6 =	vld [tilespmem:s4+$0xFFFFFFE0];
	(pc) =	sbr.rel @p2 .LBB2_32-.Ltmp14, $4  }
0x39c: {  	v7 =	vld [tilespmem:s4+$0xFFFFFFD0];
	v13 =	vadd.f32 v9, v13;
	v8 =	vmul.f32 v11, v8;
	v3 =	vmov v12  }
0x39d: {  	s5 =	sadd.s32 $0x80, s5;
	v9 =	vld [tilespmem:s4+$0xFFFFFFC0]  }
0x39e: {  	s10 =	sadd.s32 $0x80, s10;
	v10 =	vld [tilespmem:s5+$0xFFFFFFC0];
	v8 =	vadd.f32 v8, v13  }
0x39f: {  	s11 =	sadd.s32 $0x1, s11;
	v11 =	vld [tilespmem:s10+$0xFFFFFFC0]  }
0x3a0: {  	v12 =	vld [tilespmem:s5+$0xFFFFFFD0]  }
0x3a1: {  	v13 =	vld [tilespmem:s10+$0xFFFFFFD0]  }
0x3a2: {  	v14 =	vld [tilespmem:s5+$0xFFFFFFE0]  }
0x3a3: {  	v15 =	vld [tilespmem:s10+$0xFFFFFFE0]  }
0x3a4: {  	v46 =	vld [tilespmem:s5+$0xFFFFFFF0];
	v10 =	vmul.f32 v11, v10  }
0x3a5: {  	v16 =	vld [tilespmem:s10+$0xFFFFFFF0]  }
0x3a6: {  	v48 =	vld [tilespmem:s5+$0x0];
	v47 =	vmul.f32 v13, v12;
	v9 =	vmul.f32 v9, v10  }
0x3a7: {  	v49 =	vld [tilespmem:s10+$0x0]  }
0x3a8: {  	v51 =	vld [tilespmem:s5+$0x10];
	v50 =	vmul.f32 v15, v14;
	v7 =	vmul.f32 v7, v47;
	v9 =	vadd.f32 $0.0e+00, v9  }
0x3a9: {  	v52 =	vld [tilespmem:s10+$0x10]  }
0x3aa: {  	v54 =	vld [tilespmem:s5+$0x20];
	v53 =	vmul.f32 v16, v46;
	v6 =	vmul.f32 v6, v50;
	v7 =	vadd.f32 v7, v9  }
0x3ab: {  	v55 =	vld [tilespmem:s10+$0x20]  }
0x3ac: {  	v57 =	vld [tilespmem:s5+$0x30];
	v56 =	vmul.f32 v49, v48;
	v5 =	vmul.f32 v5, v53;
	v6 =	vadd.f32 v6, v7  }
0x3ad: {  	v58 =	vld [tilespmem:s10+$0x30]  }
0x3ae: {  	v59 =	vmul.f32 v52, v51;
	v4 =	vmul.f32 v4, v56;
	v5 =	vadd.f32 v5, v6  }
0x3af: {  	v60 =	vld [tilespmem:s4+$0x30]  }
0x3b0: {  	v61 =	vmul.f32 v55, v54;
	v1 =	vmul.f32 v1, v59;
	v4 =	vadd.f32 v4, v5;
	_ =	sdelay $0x1  }
0x3b1: {  	v62 =	vmul.f32 v58, v57;
	v3 =	vmul.f32 v3, v61;
	v1 =	vadd.f32 v1, v4;
	_ =	sdelay $0x1  }
0x3b2: {  	v1 =	vadd.f32 v3, v1;
	v3 =	vmul.f32 v60, v62;
	_ =	sdelay $0x1  }
0x3b3: {  	v1 =	vadd.f32 v3, v1  }
0x3b4: {  	(xrf2) =	vadd.scan.msk.f32 $0xffff, v8  }
0x3b5: {  	(xrf2) =	vadd.scan.msk.f32 $0xffff, v1;
	_ =	sdelay $0x8  }
0x3b6: {  	v1, _, _ =	vpop (xrf2)  }
.Ltmp15:
0x3b7: {  	v3 =	vmov s2;
	v1 =	vbroadcast v1, $0xF;
	v63, _, _ =	vpop (xrf2);
	(pc) =	sbr.rel @!p1 .LBB2_31-.Ltmp15, $4  }
0x3b8: {  	vm0 =	veq.s32 v3, v0;
	v3 =	vmov s1;
	v4 =	vbroadcast v63, $0xF  }
0x3b9: {  	s0 =	sshll.u32 s0, $0x4;
	vm15 =	veq.s32 v3, v0;
	v1 =	vsel vm0, v1, v2  }
0x3ba: {  	s0 =	sand.u32 $0x3FFFFFF0, s0;
	v1 =	vsel vm15, v4, v1  }
0x3bb: {  	p2 =	por $0x1, $0x1;
	[tilespmem:s0+$0x1D400] =	vst v1;
	s0 =	simm.s32 $0x4  }
0x3bc: {  	s29 =	sadd.s32 $0x1, s29  }
0x3bd: {  	p1 =	sne.s32 s29, $0x3E  }
.Ltmp16:
0x3be: {  	s0 =	rddreg [dreg:$0xd];
	(pc) =	sbr.rel @p1 .LBB2_18-.Ltmp16, $4  }
0x3bf: {  	s0 =	sadd.s32 s20, s0  }
0x3c0: {  	s0 =	sshrl.u32 s0, $0x3  }
0x3c1: {  	s1 =	simm.s32 $0x1D400;
	s0 =	sadd.s32 s16, s0  }
0x3c2: {  	[hbm4b:s0+s9] =	stream.linear.scatter [tilespmem:s1], [sflag:$0x5], $0x50, $0x38;
	[tilespmem:$0x1D480] =	vst v63  }
0x3c3: {  	_ =	swait.ge [sflag:s22], $0x1800  }
0x3c4: {  	[sflag:s22] =	ssyncset.done $0x0  }
0x3c5: {  	[sflag:s22] =	ssyncadd.s32 $0xFFFFE800  }
0x3c6: {  	_ =	swait.ge [sflag:s22], $0x1800  }
0x3c7: {  	[sflag:s22] =	ssyncset.done $0x0  }
0x3c8: {  	[sflag:s22] =	ssyncadd.s32 $0xFFFFE800  }
0x3c9: {  	_ =	swait.ge [sflag:s22], $0x1800  }
0x3ca: {  	[sflag:s22] =	ssyncset.done $0x0  }
0x3cb: {  	s0 =	simm.s32 $0x158B0;
	[sflag:s22] =	ssyncadd.s32 $0xFFFFE800  }
0x3cc: {  	[tilespmem:s25], [sflag:$0x1] =	stream.indirect.gather [spmem:s7], $0x80, s0, s23, $0xb8;
	[tilespmem:$0x1D480] =	vst v63  }
0x3cd: {  	s20 =	simm.s32 $0x159B0  }
0x3ce: {  	[tilespmem:s28], [sflag:$0x1] =	stream.indirect.gather [spmem:s7], $0x80, s20, s23, $0xb8;
	[tilespmem:$0x1D480] =	vst v63  }
0x3cf: {  	s29 =	simm.s32 $0x15AB0  }
0x3d0: {  	[tilespmem:s30], [sflag:$0x1] =	stream.indirect.gather [spmem:s8], $0x80, s29, s23, $0xb8;
	[tilespmem:$0x1D480] =	vst v63  }
0x3d1: {  	_ =	swait.ge [sflag:s24], $0x50  }
0x3d2: {  	s4 =	simm.s32 $0x0;
	s11 =	simm.s32 $0x15BC0;
	[sflag:s24] =	ssyncset.done $0x0  }
0x3d3: {  	s12 =	simm.s32 $0x183C0;
	s0 =	simm.s32 $0x1ABC0;
	[sflag:s24] =	ssyncadd.s32 $0xFFFFFFB0  }
.LBB2_36:
0x3d4: {  	v1 =	vld [tilespmem:s0+$0x20]  }
0x3d5: {  	v4 =	vld [tilespmem:s0+$0x10]  }
0x3d6: {  	v3 =	vld [tilespmem:s0+$0xFFFFFFF0]  }
0x3d7: {  	v5 =	vld [tilespmem:s0+$0xFFFFFFE0]  }
0x3d8: {  	v6 =	vld [tilespmem:s0+$0xFFFFFFD0]  }
0x3d9: {  	v7 =	vld [tilespmem:s0+$0xFFFFFFC0]  }
0x3da: {  	v8 =	vld [tilespmem:s11+$0xFFFFFFC0]  }
0x3db: {  	v9 =	vld [tilespmem:s12+$0xFFFFFFC0]  }
0x3dc: {  	v10 =	vld [tilespmem:s11+$0xFFFFFFD0]  }
0x3dd: {  	v11 =	vld [tilespmem:s12+$0xFFFFFFD0]  }
0x3de: {  	v12 =	vld [tilespmem:s11+$0xFFFFFFE0]  }
0x3df: {  	v13 =	vld [tilespmem:s12+$0xFFFFFFE0]  }
0x3e0: {  	v14 =	vld [tilespmem:s11+$0xFFFFFFF0]  }
0x3e1: {  	v15 =	vld [tilespmem:s11+$0x0];
	v8 =	vmul.f32 v9, v8  }
0x3e2: {  	v9 =	vld [tilespmem:s12+$0xFFFFFFF0]  }
0x3e3: {  	v62 =	vld [tilespmem:s12+$0x10];
	v7 =	vmul.f32 v7, v8;
	v8 =	vmul.f32 v11, v10  }
0x3e4: {  	v10 =	vld [tilespmem:s12+$0x0]  }
0x3e5: {  	v11 =	vld [tilespmem:s11+$0x10];
	v7 =	vadd.f32 $0.0e+00, v7;
	v6 =	vmul.f32 v6, v8;
	v8 =	vmul.f32 v13, v12  }
0x3e6: {  	v2 =	vld [tilespmem:s0+$0x0]  }
0x3e7: {  	v63 =	vld [tilespmem:s11+$0x20];
	v6 =	vadd.f32 v6, v7;
	v5 =	vmul.f32 v5, v8;
	v7 =	vmul.f32 v9, v14  }
0x3e8: {  	v8 =	vld [tilespmem:s12+$0x20]  }
0x3e9: {  	v9 =	vld [tilespmem:s11+$0x30];
	v5 =	vadd.f32 v5, v6;
	v3 =	vmul.f32 v3, v7;
	v6 =	vmul.f32 v10, v15  }
0x3ea: {  	v11 =	vmul.f32 v62, v11;
	v7 =	vld [tilespmem:s12+$0x30]  }
0x3eb: {  	s1 =	sadd.s32 $0x80, s0;
	v10 =	vld [tilespmem:s0+$0x30];
	v5 =	vadd.f32 v3, v5;
	v6 =	vmul.f32 v2, v6  }
0x3ec: {  	v11 =	vmul.f32 v4, v11;
	v4 =	vld [tilespmem:s1+$0x0]  }
0x3ed: {  	v3 =	vld [tilespmem:s1+$0x20];
	v8 =	vmul.f32 v8, v63;
	v6 =	vadd.f32 v6, v5  }
0x3ee: {  	v2 =	vld [tilespmem:s1+$0x10]  }
0x3ef: {  	v5 =	vld [tilespmem:s1+$0xFFFFFFF0];
	v1 =	vmul.f32 v1, v8;
	v8 =	vmul.f32 v7, v9;
	v11 =	vadd.f32 v11, v6  }
0x3f0: {  	v7 =	vld [tilespmem:s1+$0xFFFFFFD0]  }
0x3f1: {  	v9 =	vld [tilespmem:s1+$0xFFFFFFC0];
	v8 =	vmul.f32 v10, v8;
	v11 =	vadd.f32 v1, v11  }
0x3f2: {  	s10 =	sadd.s32 $0x80, s11;
	v6 =	vld [tilespmem:s1+$0xFFFFFFE0]  }
0x3f3: {  	s14 =	sadd.s32 $0x80, s12;
	v10 =	vld [tilespmem:s10+$0xFFFFFFC0];
	v8 =	vadd.f32 v8, v11  }
0x3f4: {  	s2 =	simm.s32 $0x1;
	s15 =	simm.s32 $0x2;
	s5 =	simm.s32 $0x0;
	v1 =	vimm.f32 $0.0e+00;
	v11 =	vld [tilespmem:s14+$0xFFFFFFC0]  }
.LBB2_37:
0x3f5: {  	p1 =	sne.s32 s15, $0xF;
	v12 =	vld [tilespmem:s10+$0xFFFFFFD0];
	(xrf2) =	vadd.scan.msk.f32 $0xffff, v8  }
0x3f6: {  	v8 =	vld [tilespmem:s14+$0xFFFFFFD0]  }
0x3f7: {  	v13 =	vld [tilespmem:s10+$0xFFFFFFE0]  }
0x3f8: {  	v14 =	vld [tilespmem:s14+$0xFFFFFFE0]  }
0x3f9: {  	v10 =	vmul.f32 v11, v10;
	v11 =	vld [tilespmem:s10+$0xFFFFFFF0]  }
0x3fa: {  	v15 =	vld [tilespmem:s14+$0xFFFFFFF0]  }
0x3fb: {  	v9 =	vmul.f32 v9, v10;
	v8 =	vmul.f32 v8, v12;
	v10 =	vld [tilespmem:s10+$0x0]  }
0x3fc: {  	v12 =	vld [tilespmem:s14+$0x0]  }
0x3fd: {  	v9 =	vadd.f32 $0.0e+00, v9;
	v7 =	vmul.f32 v7, v8;
	v8 =	vmul.f32 v14, v13;
	v13 =	vld [tilespmem:s10+$0x10]  }
0x3fe: {  	v16 =	vmov s5;
	s5 =	smov.u32 s2;
	s2 =	smov.u32 s15;
	v14 =	vld [tilespmem:s14+$0x10]  }
0x3ff: {  	v7 =	vadd.f32 v7, v9;
	v6 =	vmul.f32 v6, v8;
	v8 =	vmul.f32 v15, v11;
	v9 =	vld [tilespmem:s10+$0x20];
	v11, _, _ =	vpop (xrf2)  }
0x400: {  	vm0 =	veq.s32 v16, v0;
	v15 =	vld [tilespmem:s14+$0x20];
	v11 =	vbroadcast v11, $0xF  }
0x401: {  	v6 =	vadd.f32 v6, v7;
	v5 =	vmul.f32 v5, v8;
	v7 =	vmul.f32 v12, v10;
	v8 =	vld [tilespmem:s10+$0x30]  }
0x402: {  	v10 =	vld [tilespmem:s14+$0x30];
	v1 =	vsel vm0, v11, v1  }
0x403: {  	v5 =	vadd.f32 v5, v6;
	v4 =	vmul.f32 v4, v7;
	v6 =	vmul.f32 v14, v13;
	v11 =	vld [tilespmem:s1+$0x30];
	s1 =	sadd.s32 $0x80, s1  }
0x404: {  	v12 =	vld [tilespmem:s1+$0x20]  }
0x405: {  	v7 =	vadd.f32 v4, v5;
	v6 =	vmul.f32 v2, v6;
	v2 =	vld [tilespmem:s1+$0x10];
	v9 =	vmul.f32 v15, v9  }
0x406: {  	v4 =	vld [tilespmem:s1+$0x0]  }
0x407: {  	v5 =	vld [tilespmem:s1+$0xFFFFFFF0];
	v13 =	vadd.f32 v6, v7;
	v9 =	vmul.f32 v3, v9;
	v8 =	vmul.f32 v10, v8  }
.Ltmp17:
0x408: {  	v6 =	vld [tilespmem:s1+$0xFFFFFFE0];
	(pc) =	sbr.rel @p1 .LBB2_37-.Ltmp17, $4  }
0x409: {  	v7 =	vld [tilespmem:s1+$0xFFFFFFD0];
	v13 =	vadd.f32 v9, v13;
	v8 =	vmul.f32 v11, v8;
	v3 =	vmov v12  }
0x40a: {  	s10 =	sadd.s32 $0x80, s10;
	v9 =	vld [tilespmem:s1+$0xFFFFFFC0]  }
0x40b: {  	s14 =	sadd.s32 $0x80, s14;
	v10 =	vld [tilespmem:s10+$0xFFFFFFC0];
	v8 =	vadd.f32 v8, v13  }
0x40c: {  	s15 =	sadd.s32 $0x1, s15;
	v11 =	vld [tilespmem:s14+$0xFFFFFFC0]  }
0x40d: {  	v12 =	vld [tilespmem:s10+$0xFFFFFFD0]  }
0x40e: {  	v13 =	vld [tilespmem:s14+$0xFFFFFFD0]  }
0x40f: {  	v14 =	vld [tilespmem:s10+$0xFFFFFFE0]  }
0x410: {  	v15 =	vld [tilespmem:s14+$0xFFFFFFE0]  }
0x411: {  	v46 =	vld [tilespmem:s10+$0xFFFFFFF0];
	v10 =	vmul.f32 v11, v10  }
0x412: {  	v16 =	vld [tilespmem:s14+$0xFFFFFFF0]  }
0x413: {  	v48 =	vld [tilespmem:s10+$0x0];
	v47 =	vmul.f32 v13, v12;
	v9 =	vmul.f32 v9, v10  }
0x414: {  	v49 =	vld [tilespmem:s14+$0x0]  }
0x415: {  	v51 =	vld [tilespmem:s10+$0x10];
	v50 =	vmul.f32 v15, v14;
	v7 =	vmul.f32 v7, v47;
	v9 =	vadd.f32 $0.0e+00, v9  }
0x416: {  	v52 =	vld [tilespmem:s14+$0x10]  }
0x417: {  	v54 =	vld [tilespmem:s10+$0x20];
	v53 =	vmul.f32 v16, v46;
	v6 =	vmul.f32 v6, v50;
	v7 =	vadd.f32 v7, v9  }
0x418: {  	v55 =	vld [tilespmem:s14+$0x20]  }
0x419: {  	v57 =	vld [tilespmem:s10+$0x30];
	v56 =	vmul.f32 v49, v48;
	v5 =	vmul.f32 v5, v53;
	v6 =	vadd.f32 v6, v7  }
0x41a: {  	v58 =	vld [tilespmem:s14+$0x30]  }
0x41b: {  	v59 =	vmul.f32 v52, v51;
	v4 =	vmul.f32 v4, v56;
	v5 =	vadd.f32 v5, v6  }
0x41c: {  	v60 =	vld [tilespmem:s1+$0x30]  }
0x41d: {  	v61 =	vmul.f32 v55, v54;
	v2 =	vmul.f32 v2, v59;
	v4 =	vadd.f32 v4, v5;
	_ =	sdelay $0x1  }
0x41e: {  	v62 =	vmul.f32 v58, v57;
	v3 =	vmul.f32 v3, v61;
	v2 =	vadd.f32 v2, v4;
	_ =	sdelay $0x1  }
0x41f: {  	v2 =	vadd.f32 v3, v2;
	v3 =	vmul.f32 v60, v62;
	_ =	sdelay $0x1  }
0x420: {  	v2 =	vadd.f32 v3, v2  }
0x421: {  	(xrf2) =	vadd.scan.msk.f32 $0xffff, v8  }
0x422: {  	(xrf2) =	vadd.scan.msk.f32 $0xffff, v2;
	_ =	sdelay $0x7  }
0x423: {  	s29 =	sshll.u32 s4, $0x4;
	s4 =	sadd.s32 $0x1, s4  }
0x424: {  	p1 =	sne.s32 s4, $0x3;
	v2, _, _ =	vpop (xrf2)  }
.Ltmp18:
0x425: {  	v3 =	vmov s5;
	v2 =	vbroadcast v2, $0xF;
	v63, _, _ =	vpop (xrf2);
	(pc) =	sbr.rel @p1 .LBB2_36-.Ltmp18, $4  }
0x426: {  	vm0 =	veq.s32 v3, v0;
	v3 =	vmov s2;
	v4 =	vbroadcast v63, $0xF  }
0x427: {  	vm15 =	veq.s32 v3, v0;
	v1 =	vsel vm0, v2, v1  }
0x428: {  	s1 =	sand.u32 $0x3FFFFFF0, s29;
	v1 =	vsel vm15, v4, v1  }
0x429: {  	s11 =	sadd.s32 $0x800, s11;
	s12 =	sadd.s32 $0x800, s12;
	s0 =	sadd.s32 $0x800, s0;
	[tilespmem:s1+$0x1D380] =	vst v1  }
0x42a: {  	_ =	swait.ge [sflag:s22], $0x1000  }
0x42b: {  	[sflag:s22] =	ssyncset.done $0x0  }
0x42c: {  	[sflag:s22] =	ssyncadd.s32 $0xFFFFF000  }
0x42d: {  	_ =	swait.ge [sflag:s22], $0x1000  }
0x42e: {  	[sflag:s22] =	ssyncset.done $0x0  }
0x42f: {  	[sflag:s22] =	ssyncadd.s32 $0xFFFFF000  }
0x430: {  	_ =	swait.ge [sflag:s22], $0x1000  }
0x431: {  	[sflag:s22] =	ssyncset.done $0x0  }
0x432: {  	s0 =	simm.s32 $0x3;
	p2 =	por $0x0, $0x0;
	[sflag:s22] =	ssyncadd.s32 $0xFFFFF000  }
.LBB2_40:
0x433: {  	s1 =	sshll.u32 s0, $0xB  }
0x434: {  	s1 =	sand.u32 $0x3FFFF800, s1  }
0x435: {  	s2 =	sadd.s32 $0x1ABC0, s1  }
0x436: {  	v2 =	vld [tilespmem:s2+$0x20]  }
0x437: {  	v4 =	vld [tilespmem:s2+$0x10]  }
0x438: {  	v3 =	vld [tilespmem:s2+$0xFFFFFFF0]  }
0x439: {  	v5 =	vld [tilespmem:s2+$0xFFFFFFE0]  }
0x43a: {  	v6 =	vld [tilespmem:s2+$0xFFFFFFD0]  }
0x43b: {  	s5 =	sadd.s32 $0x15BC0, s1;
	v7 =	vld [tilespmem:s2+$0xFFFFFFC0]  }
0x43c: {  	s1 =	sadd.s32 $0x183C0, s1;
	v8 =	vld [tilespmem:s5+$0xFFFFFFC0]  }
0x43d: {  	v9 =	vld [tilespmem:s1+$0xFFFFFFC0]  }
0x43e: {  	v10 =	vld [tilespmem:s5+$0xFFFFFFD0]  }
0x43f: {  	v11 =	vld [tilespmem:s1+$0xFFFFFFD0]  }
0x440: {  	v12 =	vld [tilespmem:s5+$0xFFFFFFE0]  }
0x441: {  	v13 =	vld [tilespmem:s1+$0xFFFFFFE0]  }
0x442: {  	v14 =	vld [tilespmem:s5+$0xFFFFFFF0]  }
0x443: {  	v15 =	vld [tilespmem:s5+$0x0];
	v8 =	vmul.f32 v9, v8  }
0x444: {  	v9 =	vld [tilespmem:s1+$0xFFFFFFF0]  }
0x445: {  	v62 =	vld [tilespmem:s1+$0x10];
	v7 =	vmul.f32 v7, v8;
	v8 =	vmul.f32 v11, v10  }
0x446: {  	v10 =	vld [tilespmem:s1+$0x0]  }
0x447: {  	v11 =	vld [tilespmem:s5+$0x10];
	v7 =	vadd.f32 $0.0e+00, v7;
	v6 =	vmul.f32 v6, v8;
	v8 =	vmul.f32 v13, v12  }
0x448: {  	v1 =	vld [tilespmem:s2+$0x0]  }
0x449: {  	v63 =	vld [tilespmem:s5+$0x20];
	v6 =	vadd.f32 v6, v7;
	v5 =	vmul.f32 v5, v8;
	v7 =	vmul.f32 v9, v14  }
0x44a: {  	v8 =	vld [tilespmem:s1+$0x20]  }
0x44b: {  	v9 =	vld [tilespmem:s5+$0x30];
	v5 =	vadd.f32 v5, v6;
	v3 =	vmul.f32 v3, v7;
	v6 =	vmul.f32 v10, v15  }
0x44c: {  	v11 =	vmul.f32 v62, v11;
	v7 =	vld [tilespmem:s1+$0x30]  }
0x44d: {  	s4 =	sadd.s32 $0x80, s2;
	v10 =	vld [tilespmem:s2+$0x30];
	v5 =	vadd.f32 v3, v5;
	v6 =	vmul.f32 v1, v6  }
0x44e: {  	v11 =	vmul.f32 v4, v11;
	v4 =	vld [tilespmem:s4+$0x0]  }
0x44f: {  	v3 =	vld [tilespmem:s4+$0x20];
	v8 =	vmul.f32 v8, v63;
	v6 =	vadd.f32 v6, v5  }
0x450: {  	v1 =	vld [tilespmem:s4+$0x10]  }
0x451: {  	v5 =	vld [tilespmem:s4+$0xFFFFFFF0];
	v2 =	vmul.f32 v2, v8;
	v8 =	vmul.f32 v7, v9;
	v11 =	vadd.f32 v11, v6  }
0x452: {  	v7 =	vld [tilespmem:s4+$0xFFFFFFD0]  }
0x453: {  	v9 =	vld [tilespmem:s4+$0xFFFFFFC0];
	v8 =	vmul.f32 v10, v8;
	v11 =	vadd.f32 v2, v11  }
0x454: {  	s5 =	sadd.s32 $0x80, s5;
	v6 =	vld [tilespmem:s4+$0xFFFFFFE0]  }
0x455: {  	p1 =	por p2, p2;
	s10 =	sadd.s32 $0x80, s1;
	v10 =	vld [tilespmem:s5+$0xFFFFFFC0];
	v8 =	vadd.f32 v8, v11  }
0x456: {  	s11 =	simm.s32 $0x2;
	s2 =	simm.s32 $0x0;
	s1 =	simm.s32 $0x1;
	v2 =	vimm.f32 $0.0e+00;
	v11 =	vld [tilespmem:s10+$0xFFFFFFC0]  }
.LBB2_41:
0x457: {  	p2 =	sne.s32 s11, $0xF;
	v12 =	vld [tilespmem:s5+$0xFFFFFFD0];
	(xrf2) =	vadd.scan.msk.f32 $0xffff, v8  }
0x458: {  	v8 =	vld [tilespmem:s10+$0xFFFFFFD0]  }
0x459: {  	v13 =	vld [tilespmem:s5+$0xFFFFFFE0]  }
0x45a: {  	v14 =	vld [tilespmem:s10+$0xFFFFFFE0]  }
0x45b: {  	v10 =	vmul.f32 v11, v10;
	v11 =	vld [tilespmem:s5+$0xFFFFFFF0]  }
0x45c: {  	v15 =	vld [tilespmem:s10+$0xFFFFFFF0]  }
0x45d: {  	v9 =	vmul.f32 v9, v10;
	v8 =	vmul.f32 v8, v12;
	v10 =	vld [tilespmem:s5+$0x0]  }
0x45e: {  	v12 =	vld [tilespmem:s10+$0x0]  }
0x45f: {  	v9 =	vadd.f32 $0.0e+00, v9;
	v7 =	vmul.f32 v7, v8;
	v8 =	vmul.f32 v14, v13;
	v13 =	vld [tilespmem:s5+$0x10]  }
0x460: {  	v16 =	vmov s2;
	s2 =	smov.u32 s1;
	s1 =	smov.u32 s11;
	v14 =	vld [tilespmem:s10+$0x10]  }
0x461: {  	v7 =	vadd.f32 v7, v9;
	v6 =	vmul.f32 v6, v8;
	v8 =	vmul.f32 v15, v11;
	v9 =	vld [tilespmem:s5+$0x20];
	v11, _, _ =	vpop (xrf2)  }
0x462: {  	vm0 =	veq.s32 v16, v0;
	v15 =	vld [tilespmem:s10+$0x20];
	v11 =	vbroadcast v11, $0xF  }
0x463: {  	v6 =	vadd.f32 v6, v7;
	v5 =	vmul.f32 v5, v8;
	v7 =	vmul.f32 v12, v10;
	v8 =	vld [tilespmem:s5+$0x30]  }
0x464: {  	v10 =	vld [tilespmem:s10+$0x30];
	v2 =	vsel vm0, v11, v2  }
0x465: {  	v5 =	vadd.f32 v5, v6;
	v4 =	vmul.f32 v4, v7;
	v6 =	vmul.f32 v14, v13;
	v11 =	vld [tilespmem:s4+$0x30];
	s4 =	sadd.s32 $0x80, s4  }
0x466: {  	v12 =	vld [tilespmem:s4+$0x20]  }
0x467: {  	v7 =	vadd.f32 v4, v5;
	v6 =	vmul.f32 v1, v6;
	v1 =	vld [tilespmem:s4+$0x10];
	v9 =	vmul.f32 v15, v9  }
0x468: {  	v4 =	vld [tilespmem:s4+$0x0]  }
0x469: {  	v5 =	vld [tilespmem:s4+$0xFFFFFFF0];
	v13 =	vadd.f32 v6, v7;
	v9 =	vmul.f32 v3, v9;
	v8 =	vmul.f32 v10, v8  }
.Ltmp19:
0x46a: {  	v6 =	vld [tilespmem:s4+$0xFFFFFFE0];
	(pc) =	sbr.rel @p2 .LBB2_41-.Ltmp19, $4  }
0x46b: {  	v7 =	vld [tilespmem:s4+$0xFFFFFFD0];
	v13 =	vadd.f32 v9, v13;
	v8 =	vmul.f32 v11, v8;
	v3 =	vmov v12  }
0x46c: {  	s5 =	sadd.s32 $0x80, s5;
	v9 =	vld [tilespmem:s4+$0xFFFFFFC0]  }
0x46d: {  	s10 =	sadd.s32 $0x80, s10;
	v10 =	vld [tilespmem:s5+$0xFFFFFFC0];
	v8 =	vadd.f32 v8, v13  }
0x46e: {  	s11 =	sadd.s32 $0x1, s11;
	v11 =	vld [tilespmem:s10+$0xFFFFFFC0]  }
0x46f: {  	v12 =	vld [tilespmem:s5+$0xFFFFFFD0]  }
0x470: {  	v13 =	vld [tilespmem:s10+$0xFFFFFFD0]  }
0x471: {  	v14 =	vld [tilespmem:s5+$0xFFFFFFE0]  }
0x472: {  	v15 =	vld [tilespmem:s10+$0xFFFFFFE0]  }
0x473: {  	v46 =	vld [tilespmem:s5+$0xFFFFFFF0];
	v10 =	vmul.f32 v11, v10  }
0x474: {  	v16 =	vld [tilespmem:s10+$0xFFFFFFF0]  }
0x475: {  	v48 =	vld [tilespmem:s5+$0x0];
	v47 =	vmul.f32 v13, v12;
	v9 =	vmul.f32 v9, v10  }
0x476: {  	v49 =	vld [tilespmem:s10+$0x0]  }
0x477: {  	v51 =	vld [tilespmem:s5+$0x10];
	v50 =	vmul.f32 v15, v14;
	v7 =	vmul.f32 v7, v47;
	v9 =	vadd.f32 $0.0e+00, v9  }
0x478: {  	v52 =	vld [tilespmem:s10+$0x10]  }
0x479: {  	v54 =	vld [tilespmem:s5+$0x20];
	v53 =	vmul.f32 v16, v46;
	v6 =	vmul.f32 v6, v50;
	v7 =	vadd.f32 v7, v9  }
0x47a: {  	v55 =	vld [tilespmem:s10+$0x20]  }
0x47b: {  	v57 =	vld [tilespmem:s5+$0x30];
	v56 =	vmul.f32 v49, v48;
	v5 =	vmul.f32 v5, v53;
	v6 =	vadd.f32 v6, v7  }
0x47c: {  	v58 =	vld [tilespmem:s10+$0x30]  }
0x47d: {  	v59 =	vmul.f32 v52, v51;
	v4 =	vmul.f32 v4, v56;
	v5 =	vadd.f32 v5, v6  }
0x47e: {  	v60 =	vld [tilespmem:s4+$0x30]  }
0x47f: {  	v61 =	vmul.f32 v55, v54;
	v1 =	vmul.f32 v1, v59;
	v4 =	vadd.f32 v4, v5;
	_ =	sdelay $0x1  }
0x480: {  	v62 =	vmul.f32 v58, v57;
	v3 =	vmul.f32 v3, v61;
	v1 =	vadd.f32 v1, v4;
	_ =	sdelay $0x1  }
0x481: {  	v1 =	vadd.f32 v3, v1;
	v3 =	vmul.f32 v60, v62;
	_ =	sdelay $0x1  }
0x482: {  	v1 =	vadd.f32 v3, v1  }
0x483: {  	(xrf2) =	vadd.scan.msk.f32 $0xffff, v8  }
0x484: {  	(xrf2) =	vadd.scan.msk.f32 $0xffff, v1;
	_ =	sdelay $0x8  }
0x485: {  	v1, _, _ =	vpop (xrf2)  }
.Ltmp20:
0x486: {  	v3 =	vmov s2;
	v1 =	vbroadcast v1, $0xF;
	v63, _, _ =	vpop (xrf2);
	(pc) =	sbr.rel @!p1 .LBB2_40-.Ltmp20, $4  }
0x487: {  	vm0 =	veq.s32 v3, v0;
	v3 =	vmov s1;
	v4 =	vbroadcast v63, $0xF  }
0x488: {  	s0 =	sshll.u32 s0, $0x4;
	vm15 =	veq.s32 v3, v0;
	v1 =	vsel vm0, v1, v2  }
0x489: {  	s0 =	sand.u32 $0x3FFFFFF0, s0;
	v1 =	vsel vm15, v4, v1  }
0x48a: {  	p2 =	por $0x1, $0x1;
	[tilespmem:s0+$0x1D380] =	vst v1;
	s0 =	simm.s32 $0x4  }
0x48b: {  	s0 =	rddreg [dreg:$0x1c];
	s1 =	simm.s32 $0x1D380  }
0x48c: {  	[hbm4b:s0+s9] =	stream.linear.scatter [tilespmem:s1], [sflag:$0x4], $0x50, $0x38;
	[tilespmem:$0x1D480] =	vst v63  }
0x48d: {  	_ =	swait.ge [sflag:s26], $0x50  }
0x48e: {  	[sflag:s26] =	ssyncset.done $0x0  }
0x48f: {  	[sflag:s26] =	ssyncadd.s32 $0xFFFFFFB0  }
0x490: {  	_ =	swait.ge [sflag:s24], $0x50  }
0x491: {  	s20 =	rddreg [dreg:$0x1d]  }
0x492: {  	s29 =	rddreg [dreg:$0x1b];
	s1 =	sadd.s32 $0x1, s20  }
0x493: {  	p1 =	sne.s32 s1, s29  }
.Ltmp21:
0x494: {  	_ = 	snop;
	(pc) =	sbr.rel @p1 .LBB2_1-.Ltmp21, $3  }
0x495: {  	_ =	sdelay $0x1  }
0x496: {  	[sflag:s24] =	ssyncset.done $0x0  }
0x497: {  	[sflag:s24] =	ssyncadd.s32 $0xFFFFFFB0  }
0x498: {  	_ =	sfence.sel $0x180000  }
0x499: {  	[bflag:$0x0] =	sbarrier.arrive $0xFFFF  }
0x49a: {  	_ =	strace $0x90000047  }
0x49b: {  	[bflag:$0x2] =	sbarrier.arrive $0xFFFF  }
0x49c: {  	s0 =	rddreg [dreg:$0x8]  }
0x49d: {  	s0 =	sadd.s32 @!p0 $0x100000, s0  }
0x49e: {  	[sflag:s0] =	ssyncadd.tile.s32 @!p0 $0x1;
	_ =	shalt  }
.Lfunc_end2:
_tile_overlayer_lowered:
.L_overlay_start_2:
0x49f: {  	(tag) =	ssettag $0x2  }
0x4a0: {  	s0 =	rddreg [dreg:$0x0];
	s2 =	stileid.u32  }
0x4a1: {  	s1 =	rddreg [dreg:$0x1];
	p0 =	sne.s32 s2, $0x0  }
0x4a2: {  	s3 =	rddreg [dreg:$0x2];
	[bflag:$0x3] =	sbarrier.arrive $0xFFFF;
	s2 =	simm.s32 @!p0 $0x1C06  }
0x4a3: {  	[timem:s3], [sflag:s2] =	dma.local @!p0 [hbm:s0], s1  }
0x4a4: {  	s0 =	simm.s32 @!p0 $0x6  }
0x4a5: {  	_ =	swait.ge @!p0 [sflag:s0], s1  }
0x4a6: {  	s1 =	ssub.s32 @!p0 $0x0, s1;
	[sflag:s0] =	ssyncset.done @!p0 $0x0  }
0x4a7: {  	[sflag:s0] =	ssyncadd.s32 @!p0 s1  }
0x4a8: {  	[bflag:$0x3] =	sbarrier.arrive $0xFFFF  }
0x4a9: {  	_ =	shalt  }

</sc_bundles>
